<compile_context>
chip_gen: v7x
topology: tpu7x:2x2x1
jax: 0.10.2.dev20260603
libtpu: 0.0.44.dev20260713+nightly
codegen_flags: <defaults>
</compile_context>

<pallas_src>
import functools

import jax
import jax.numpy as jnp
from jax import lax
from jax.experimental import pallas as pl
from jax.experimental.pallas import tpu as pltpu
from jax.experimental.pallas import tpu_sc as plsc

_NC = 2
_NS = 16
_NW = _NC * _NS
_K = 64
_CHUNK = 128


def _sc_call(B):
    b_per_w = B // _NW
    n_chunks = b_per_w // _CHUNK
    mesh = plsc.VectorSubcoreMesh(core_axis_name="c", subcore_axis_name="s")

    @functools.partial(
        pl.kernel,
        mesh=mesh,
        compiler_params=pltpu.CompilerParams(needs_layout_passes=False,
                                              use_tc_tiling_on_sc=False),
        out_type=jax.ShapeDtypeStruct((B,), jnp.float32),
        scratch_types=[
            pltpu.VMEM((b_per_w, 4), jnp.int32),
            pltpu.VMEM((b_per_w,), jnp.int32),
            pltpu.VMEM((b_per_w,), jnp.int32),
            pltpu.VMEM((b_per_w,), jnp.int32),
            pltpu.VMEM((b_per_w,), jnp.int32),
            pltpu.VMEM((_CHUNK, _K), jnp.float32),
            pltpu.VMEM((_CHUNK, _K), jnp.float32),
            pltpu.VMEM((_CHUNK, _K), jnp.float32),
            pltpu.VMEM((_CHUNK, _K), jnp.float32),
            pltpu.VMEM((_CHUNK, _K), jnp.float32),
            pltpu.VMEM((_CHUNK, _K), jnp.float32),
            pltpu.VMEM((b_per_w,), jnp.float32),
            pltpu.SemaphoreType.DMA,
        ],
    )
    def run(x_hbm, uv_hbm, iv_hbm, tu_hbm, ti_hbm,
            out_hbm, x_v, u_v, i_v, p_v, n_v, ur, ir, tup, tip, tun, tin,
            out_v, sem):
        wid = lax.axis_index("s") * _NC + lax.axis_index("c")
        base = wid * b_per_w
        pltpu.sync_copy(x_hbm.at[pl.ds(base, b_per_w), :], x_v)

        def col_body(g, _):
            rows16 = g * 16 + lax.iota(jnp.int32, 16)
            sl = pl.ds(g * 16, 16)
            u_v[sl] = plsc.load_gather(x_v, [rows16, jnp.full((16,), 0, jnp.int32)])
            i_v[sl] = plsc.load_gather(x_v, [rows16, jnp.full((16,), 1, jnp.int32)])
            p_v[sl] = plsc.load_gather(x_v, [rows16, jnp.full((16,), 2, jnp.int32)])
            n_v[sl] = plsc.load_gather(x_v, [rows16, jnp.full((16,), 3, jnp.int32)])
            return 0

        lax.fori_loop(0, b_per_w // 16, col_body, 0)

        def chunk_body(c, _):
            off = c * _CHUNK
            cps = [
                pltpu.async_copy(uv_hbm.at[u_v.at[pl.ds(off, _CHUNK)]], ur, sem),
                pltpu.async_copy(iv_hbm.at[i_v.at[pl.ds(off, _CHUNK)]], ir, sem),
                pltpu.async_copy(tu_hbm.at[p_v.at[pl.ds(off, _CHUNK)]], tup, sem),
                pltpu.async_copy(ti_hbm.at[p_v.at[pl.ds(off, _CHUNK)]], tip, sem),
                pltpu.async_copy(tu_hbm.at[n_v.at[pl.ds(off, _CHUNK)]], tun, sem),
                pltpu.async_copy(ti_hbm.at[n_v.at[pl.ds(off, _CHUNK)]], tin, sem),
            ]
            for cp in cps:
                cp.wait()

            def group_body(g, _):
                rows16 = g * 16 + lax.iota(jnp.int32, 16)
                acc = jnp.zeros((16,), jnp.float32)
                for k in range(_K):
                    kv = jnp.full((16,), k, jnp.int32)
                    acc = acc + plsc.load_gather(ur, [rows16, kv]) * (
                        plsc.load_gather(tup, [rows16, kv])
                        - plsc.load_gather(tun, [rows16, kv]))
                    acc = acc + plsc.load_gather(ir, [rows16, kv]) * (
                        plsc.load_gather(tip, [rows16, kv])
                        - plsc.load_gather(tin, [rows16, kv]))
                out_v[pl.ds(off + g * 16, 16)] = acc
                return 0

            lax.fori_loop(0, _CHUNK // 16, group_body, 0)
            return 0

        lax.fori_loop(0, n_chunks, chunk_body, 0)
        pltpu.sync_copy(out_v, out_hbm.at[pl.ds(base, b_per_w)])

    return run


def kernel(x, userVecs, itemVecs, tagUserVecs, tagItemVecs):
    if x.ndim == 1:
        x = x.reshape(1, x.shape[0])
    B = x.shape[0]
    return _sc_call(B)(x, userVecs, itemVecs, tagUserVecs, tagItemVecs)

# --- scband reference (transcript-rebuilt; emitter-appended) ---
"""Pipeline reference for scband-single-pitf-1211180777749 (READ-ONLY COPY).

The authoritative reference and input builder live on the scoring server;
editing this copy changes nothing except your own understanding.
"""

import jax, jax.numpy as jnp
import numpy as np

NUM_USER = 100000
NUM_ITEM = 100000
NUM_TAG = 100000
K = 64
INIT_ST = 0.01
BATCH = 16384


def setup_inputs(seed: int = 0) -> dict:
    key = jax.random.key(seed)
    k_x, k_u, k_i, k_tu, k_ti = jax.random.split(key, 5)
    x = jax.random.randint(k_x, (BATCH, 4), 0, 100000, dtype=jnp.int64 if jax.config.jax_enable_x64 else jnp.int32).astype(jnp.int32)
    userVecs = jax.random.normal(k_u, (NUM_USER, K), dtype=jnp.float32) * INIT_ST
    itemVecs = jax.random.normal(k_i, (NUM_ITEM, K), dtype=jnp.float32) * INIT_ST
    tagUserVecs = jax.random.normal(k_tu, (NUM_TAG, K), dtype=jnp.float32) * INIT_ST
    tagItemVecs = jax.random.normal(k_ti, (NUM_TAG, K), dtype=jnp.float32) * INIT_ST
    return {"x": x, "userVecs": userVecs, "itemVecs": itemVecs, "tagUserVecs": tagUserVecs, "tagItemVecs": tagItemVecs}


def reference(x, userVecs, itemVecs, tagUserVecs, tagItemVecs):
    if x.ndim == 1:
        x = x.reshape(1, x.shape[0])
    user_id = x[:, 0]
    item_id = x[:, 1]
    pos_id = x[:, 2]
    neg_id = x[:, 3]
    user_vec = jnp.take(userVecs, user_id, axis=0)
    item_vec = jnp.take(itemVecs, item_id, axis=0)
    tag_user_vec = jnp.take(tagUserVecs, pos_id, axis=0)
    tag_item_vec = jnp.take(tagItemVecs, pos_id, axis=0)
    neg_tag_user_vec = jnp.take(tagUserVecs, neg_id, axis=0)
    neg_tag_item_vec = jnp.take(tagItemVecs, neg_id, axis=0)
    r = (jnp.sum(user_vec * tag_user_vec, axis=1)
         + jnp.sum(item_vec * tag_item_vec, axis=1)
         - (jnp.sum(user_vec * neg_tag_user_vec, axis=1)
            + jnp.sum(item_vec * neg_tag_item_vec, axis=1)))
    return r

if __name__ == "__main__":
    import jax
    _d = setup_inputs()
    print(jax.jit(kernel)(*tuple(_d.values())))

</pallas_src>

<mosaic_0001>
#map = affine_map<(d0, d1) -> (0, 0)>
#map1 = affine_map<(d0, d1) -> (0)>
module attributes {stable_mosaic.version = 14 : i64} {
  func.func @run(%arg0: i32, %arg1: i32, %arg2: memref<16384x4xi32, #tpu.memory_space<hbm>>, %arg3: memref<100000x64xf32, #tpu.memory_space<hbm>>, %arg4: memref<100000x64xf32, #tpu.memory_space<hbm>>, %arg5: memref<100000x64xf32, #tpu.memory_space<hbm>>, %arg6: memref<100000x64xf32, #tpu.memory_space<hbm>>, %arg7: memref<16384xf32, #tpu.memory_space<hbm>>, %arg8: memref<512x4xi32, #tpu.memory_space<vmem>>, %arg9: memref<512xi32, #tpu.memory_space<vmem>>, %arg10: memref<512xi32, #tpu.memory_space<vmem>>, %arg11: memref<512xi32, #tpu.memory_space<vmem>>, %arg12: memref<512xi32, #tpu.memory_space<vmem>>, %arg13: memref<128x64xf32, #tpu.memory_space<vmem>>, %arg14: memref<128x64xf32, #tpu.memory_space<vmem>>, %arg15: memref<128x64xf32, #tpu.memory_space<vmem>>, %arg16: memref<128x64xf32, #tpu.memory_space<vmem>>, %arg17: memref<128x64xf32, #tpu.memory_space<vmem>>, %arg18: memref<128x64xf32, #tpu.memory_space<vmem>>, %arg19: memref<512xf32, #tpu.memory_space<vmem>>, %arg20: memref<!tpu.dma_semaphore, #tpu.memory_space<semaphore_mem>>) attributes {dimension_semantics = [#tpu.dimension_semantics<core_parallel>, #tpu.dimension_semantics<subcore_parallel>], iteration_bounds = array<i64: 2, 16>, scalar_prefetch = 0 : i64, scratch_operands = 13 : i64, tpu.core_type = #tpu.core_type<sc_vector_subcore>, window_params = [{transform_indices = #map}, {transform_indices = #map}, {transform_indices = #map}, {transform_indices = #map}, {transform_indices = #map}, {transform_indices = #map1}]} {
    %mul3A = arith.constant 2 : i32
    %mul3A_0 = arith.muli %arg1, %mul3A : i32
    %add3A = arith.addi %mul3A_0, %arg0 : i32
    %mul3A_1 = arith.constant 512 : i32
    %mul3A_2 = arith.muli %add3A, %mul3A_1 : i32
    "tpu.region"() ({
      %run_scoped3A = tpu.sem_alloc : memref<!tpu.dma_semaphore, #tpu.memory_space<semaphore_mem>>
      %dma_start3A = arith.constant 0 : i32
      %dma_start3A_16 = tpu.memref_slice %arg2[%mul3A_2, %dma_start3A] : memref<16384x4xi32, #tpu.memory_space<hbm>> -> memref<512x4xi32, #tpu.memory_space<hbm>>
      %dma_start3A_17 = arith.constant 0 : i32
      %dma_start3A_18 = tpu.memref_slice %arg2[%mul3A_2, %dma_start3A_17] : memref<16384x4xi32, #tpu.memory_space<hbm>> -> memref<512x4xi32, #tpu.memory_space<hbm>>
      tpu.enqueue_dma source(%dma_start3A_18 : memref<512x4xi32, #tpu.memory_space<hbm>>) target(%arg8 : memref<512x4xi32, #tpu.memory_space<vmem>>) target_semaphore(%run_scoped3A : memref<!tpu.dma_semaphore, #tpu.memory_space<semaphore_mem>>)
      %dma_wait3A = arith.constant 0 : i32
      %dma_wait3A_19 = tpu.memref_slice %arg2[%mul3A_2, %dma_wait3A] : memref<16384x4xi32, #tpu.memory_space<hbm>> -> memref<512x4xi32, #tpu.memory_space<hbm>>
      %dma_wait3A_20 = arith.constant 0 : i32
      %dma_wait3A_21 = tpu.memref_slice %arg2[%mul3A_2, %dma_wait3A_20] : memref<16384x4xi32, #tpu.memory_space<hbm>> -> memref<512x4xi32, #tpu.memory_space<hbm>>
      tpu.wait_dma2 semaphore(%run_scoped3A : memref<!tpu.dma_semaphore, #tpu.memory_space<semaphore_mem>>) src(%dma_wait3A_21 : memref<512x4xi32, #tpu.memory_space<hbm>>) dst(%arg8 : memref<512x4xi32, #tpu.memory_space<vmem>>)
      tpu.yield
    }) : () -> ()
    %scan3A = arith.constant 0 : i32
    %scan3A_3 = arith.constant 0 : i32
    %scan3A_4 = arith.constant 32 : i32
    %scan3A_5 = arith.addi %scan3A_3, %scan3A_4 : i32
    %scan3A_6 = arith.constant 1 : i32
    %scan3A_7 = scf.for %scan3A_16 = %scan3A_3 to %scan3A_5 step %scan3A_6 iter_args(%scan3A_17 = %scan3A) -> (i32)  : i32 {
      %mul3A_18 = arith.constant 16 : i32
      %mul3A_19 = arith.muli %scan3A_16, %mul3A_18 : i32
      %iota3A = tpu.iota {dimensions = array<i32: 0>} : vector<16xi32>
      %add3A_20 = vector.broadcast %mul3A_19 : i32 to vector<16xi32>
      %add3A_21 = arith.addi %add3A_20, %iota3A : vector<16xi32>
      %mul3A_22 = arith.constant 16 : i32
      %mul3A_23 = arith.muli %scan3A_16, %mul3A_22 : i32
      %broadcast_in_dim3A = arith.constant 0 : i32
      %broadcast_in_dim3A_24 = vector.broadcast %broadcast_in_dim3A : i32 to vector<16xi32>
      %gather3A = tpu.vector_load_idx %arg8[%add3A_21, %broadcast_in_dim3A_24] : memref<512x4xi32, #tpu.memory_space<vmem>>[vector<16xi32>, vector<16xi32>], vector<16xi32>,
      %swap3A = arith.index_cast %mul3A_23 : i32 to index
      %swap3A_25 = tpu.vector_load %arg9[%swap3A] {strides = array<i32>} : memref<512xi32, #tpu.memory_space<vmem>>, vector<16xi32>,
      tpu.vector_store %arg9[%swap3A], %gather3A {strides = array<i32>} : memref<512xi32, #tpu.memory_space<vmem>>, vector<16xi32>,
      %broadcast_in_dim3A_26 = arith.constant 1 : i32
      %broadcast_in_dim3A_27 = vector.broadcast %broadcast_in_dim3A_26 : i32 to vector<16xi32>
      %gather3A_28 = tpu.vector_load_idx %arg8[%add3A_21, %broadcast_in_dim3A_27] : memref<512x4xi32, #tpu.memory_space<vmem>>[vector<16xi32>, vector<16xi32>], vector<16xi32>,
      %swap3A_29 = arith.index_cast %mul3A_23 : i32 to index
      %swap3A_30 = tpu.vector_load %arg10[%swap3A_29] {strides = array<i32>} : memref<512xi32, #tpu.memory_space<vmem>>, vector<16xi32>,
      tpu.vector_store %arg10[%swap3A_29], %gather3A_28 {strides = array<i32>} : memref<512xi32, #tpu.memory_space<vmem>>, vector<16xi32>,
      %broadcast_in_dim3A_31 = arith.constant 2 : i32
      %broadcast_in_dim3A_32 = vector.broadcast %broadcast_in_dim3A_31 : i32 to vector<16xi32>
      %gather3A_33 = tpu.vector_load_idx %arg8[%add3A_21, %broadcast_in_dim3A_32] : memref<512x4xi32, #tpu.memory_space<vmem>>[vector<16xi32>, vector<16xi32>], vector<16xi32>,
      %swap3A_34 = arith.index_cast %mul3A_23 : i32 to index
      %swap3A_35 = tpu.vector_load %arg11[%swap3A_34] {strides = array<i32>} : memref<512xi32, #tpu.memory_space<vmem>>, vector<16xi32>,
      tpu.vector_store %arg11[%swap3A_34], %gather3A_33 {strides = array<i32>} : memref<512xi32, #tpu.memory_space<vmem>>, vector<16xi32>,
      %broadcast_in_dim3A_36 = arith.constant 3 : i32
      %broadcast_in_dim3A_37 = vector.broadcast %broadcast_in_dim3A_36 : i32 to vector<16xi32>
      %gather3A_38 = tpu.vector_load_idx %arg8[%add3A_21, %broadcast_in_dim3A_37] : memref<512x4xi32, #tpu.memory_space<vmem>>[vector<16xi32>, vector<16xi32>], vector<16xi32>,
      %swap3A_39 = arith.index_cast %mul3A_23 : i32 to index
      %swap3A_40 = tpu.vector_load %arg12[%swap3A_39] {strides = array<i32>} : memref<512xi32, #tpu.memory_space<vmem>>, vector<16xi32>,
      tpu.vector_store %arg12[%swap3A_39], %gather3A_38 {strides = array<i32>} : memref<512xi32, #tpu.memory_space<vmem>>, vector<16xi32>,
      %scan3A_41 = arith.constant 0 : i32
      scf.yield %scan3A_41 : i32
    }
    %scan3A_8 = arith.constant 32 : i32
    %scan3A_9 = arith.constant 0 : i32
    %scan3A_10 = arith.constant 0 : i32
    %scan3A_11 = arith.constant 4 : i32
    %scan3A_12 = arith.addi %scan3A_10, %scan3A_11 : i32
    %scan3A_13 = arith.constant 1 : i32
    %scan3A_14 = scf.for %scan3A_16 = %scan3A_10 to %scan3A_12 step %scan3A_13 iter_args(%scan3A_17 = %scan3A_9) -> (i32)  : i32 {
      %mul3A_18 = arith.constant 128 : i32
      %mul3A_19 = arith.muli %scan3A_16, %mul3A_18 : i32
      %dma_start3A = tpu.memref_slice %arg9[%mul3A_19] : memref<512xi32, #tpu.memory_space<vmem>> -> memref<128xi32, #tpu.memory_space<vmem>>
      %dma_start3A_20 = arith.constant 0 : i32
      %dma_start3A_21 = arith.constant 0 : i32
      %dma_start3A_22 = tpu.memref_slice %arg3[%dma_start3A_20, %dma_start3A_21] : memref<100000x64xf32, #tpu.memory_space<hbm>> -> memref<100000x64xf32, #tpu.memory_space<hbm>>
      tpu.enqueue_indirect_dma source(%dma_start3A_22 : memref<100000x64xf32, #tpu.memory_space<hbm>>) target(%arg13 : memref<128x64xf32, #tpu.memory_space<vmem>>) offsets(%dma_start3A : memref<128xi32, #tpu.memory_space<vmem>>) semaphore(%arg20 : memref<!tpu.dma_semaphore, #tpu.memory_space<semaphore_mem>>)
      %dma_start3A_23 = tpu.memref_slice %arg10[%mul3A_19] : memref<512xi32, #tpu.memory_space<vmem>> -> memref<128xi32, #tpu.memory_space<vmem>>
      %dma_start3A_24 = arith.constant 0 : i32
      %dma_start3A_25 = arith.constant 0 : i32
      %dma_start3A_26 = tpu.memref_slice %arg4[%dma_start3A_24, %dma_start3A_25] : memref<100000x64xf32, #tpu.memory_space<hbm>> -> memref<100000x64xf32, #tpu.memory_space<hbm>>
      tpu.enqueue_indirect_dma source(%dma_start3A_26 : memref<100000x64xf32, #tpu.memory_space<hbm>>) target(%arg14 : memref<128x64xf32, #tpu.memory_space<vmem>>) offsets(%dma_start3A_23 : memref<128xi32, #tpu.memory_space<vmem>>) semaphore(%arg20 : memref<!tpu.dma_semaphore, #tpu.memory_space<semaphore_mem>>)
      %dma_start3A_27 = tpu.memref_slice %arg11[%mul3A_19] : memref<512xi32, #tpu.memory_space<vmem>> -> memref<128xi32, #tpu.memory_space<vmem>>
      %dma_start3A_28 = arith.constant 0 : i32
      %dma_start3A_29 = arith.constant 0 : i32
      %dma_start3A_30 = tpu.memref_slice %arg5[%dma_start3A_28, %dma_start3A_29] : memref<100000x64xf32, #tpu.memory_space<hbm>> -> memref<100000x64xf32, #tpu.memory_space<hbm>>
      tpu.enqueue_indirect_dma source(%dma_start3A_30 : memref<100000x64xf32, #tpu.memory_space<hbm>>) target(%arg15 : memref<128x64xf32, #tpu.memory_space<vmem>>) offsets(%dma_start3A_27 : memref<128xi32, #tpu.memory_space<vmem>>) semaphore(%arg20 : memref<!tpu.dma_semaphore, #tpu.memory_space<semaphore_mem>>)
      %dma_start3A_31 = tpu.memref_slice %arg11[%mul3A_19] : memref<512xi32, #tpu.memory_space<vmem>> -> memref<128xi32, #tpu.memory_space<vmem>>
      %dma_start3A_32 = arith.constant 0 : i32
      %dma_start3A_33 = arith.constant 0 : i32
      %dma_start3A_34 = tpu.memref_slice %arg6[%dma_start3A_32, %dma_start3A_33] : memref<100000x64xf32, #tpu.memory_space<hbm>> -> memref<100000x64xf32, #tpu.memory_space<hbm>>
      tpu.enqueue_indirect_dma source(%dma_start3A_34 : memref<100000x64xf32, #tpu.memory_space<hbm>>) target(%arg16 : memref<128x64xf32, #tpu.memory_space<vmem>>) offsets(%dma_start3A_31 : memref<128xi32, #tpu.memory_space<vmem>>) semaphore(%arg20 : memref<!tpu.dma_semaphore, #tpu.memory_space<semaphore_mem>>)
      %dma_start3A_35 = tpu.memref_slice %arg12[%mul3A_19] : memref<512xi32, #tpu.memory_space<vmem>> -> memref<128xi32, #tpu.memory_space<vmem>>
      %dma_start3A_36 = arith.constant 0 : i32
      %dma_start3A_37 = arith.constant 0 : i32
      %dma_start3A_38 = tpu.memref_slice %arg5[%dma_start3A_36, %dma_start3A_37] : memref<100000x64xf32, #tpu.memory_space<hbm>> -> memref<100000x64xf32, #tpu.memory_space<hbm>>
      tpu.enqueue_indirect_dma source(%dma_start3A_38 : memref<100000x64xf32, #tpu.memory_space<hbm>>) target(%arg17 : memref<128x64xf32, #tpu.memory_space<vmem>>) offsets(%dma_start3A_35 : memref<128xi32, #tpu.memory_space<vmem>>) semaphore(%arg20 : memref<!tpu.dma_semaphore, #tpu.memory_space<semaphore_mem>>)
      %dma_start3A_39 = tpu.memref_slice %arg12[%mul3A_19] : memref<512xi32, #tpu.memory_space<vmem>> -> memref<128xi32, #tpu.memory_space<vmem>>
      %dma_start3A_40 = arith.constant 0 : i32
      %dma_start3A_41 = arith.constant 0 : i32
      %dma_start3A_42 = tpu.memref_slice %arg6[%dma_start3A_40, %dma_start3A_41] : memref<100000x64xf32, #tpu.memory_space<hbm>> -> memref<100000x64xf32, #tpu.memory_space<hbm>>
      tpu.enqueue_indirect_dma source(%dma_start3A_42 : memref<100000x64xf32, #tpu.memory_space<hbm>>) target(%arg18 : memref<128x64xf32, #tpu.memory_space<vmem>>) offsets(%dma_start3A_39 : memref<128xi32, #tpu.memory_space<vmem>>) semaphore(%arg20 : memref<!tpu.dma_semaphore, #tpu.memory_space<semaphore_mem>>)
      %dma_wait3A = tpu.memref_slice %arg9[%mul3A_19] : memref<512xi32, #tpu.memory_space<vmem>> -> memref<128xi32, #tpu.memory_space<vmem>>
      %dma_wait3A_43 = arith.constant 0 : i32
      %dma_wait3A_44 = arith.constant 0 : i32
      %dma_wait3A_45 = tpu.memref_slice %arg3[%dma_wait3A_43, %dma_wait3A_44] : memref<100000x64xf32, #tpu.memory_space<hbm>> -> memref<100000x64xf32, #tpu.memory_space<hbm>>
      tpu.wait_indirect_dma semaphore(%arg20 : memref<!tpu.dma_semaphore, #tpu.memory_space<semaphore_mem>>) src(%dma_wait3A_45 : memref<100000x64xf32, #tpu.memory_space<hbm>>) dst(%arg13 : memref<128x64xf32, #tpu.memory_space<vmem>>)
      %dma_wait3A_46 = tpu.memref_slice %arg10[%mul3A_19] : memref<512xi32, #tpu.memory_space<vmem>> -> memref<128xi32, #tpu.memory_space<vmem>>
      %dma_wait3A_47 = arith.constant 0 : i32
      %dma_wait3A_48 = arith.constant 0 : i32
      %dma_wait3A_49 = tpu.memref_slice %arg4[%dma_wait3A_47, %dma_wait3A_48] : memref<100000x64xf32, #tpu.memory_space<hbm>> -> memref<100000x64xf32, #tpu.memory_space<hbm>>
      tpu.wait_indirect_dma semaphore(%arg20 : memref<!tpu.dma_semaphore, #tpu.memory_space<semaphore_mem>>) src(%dma_wait3A_49 : memref<100000x64xf32, #tpu.memory_space<hbm>>) dst(%arg14 : memref<128x64xf32, #tpu.memory_space<vmem>>)
      %dma_wait3A_50 = tpu.memref_slice %arg11[%mul3A_19] : memref<512xi32, #tpu.memory_space<vmem>> -> memref<128xi32, #tpu.memory_space<vmem>>
      %dma_wait3A_51 = arith.constant 0 : i32
      %dma_wait3A_52 = arith.constant 0 : i32
      %dma_wait3A_53 = tpu.memref_slice %arg5[%dma_wait3A_51, %dma_wait3A_52] : memref<100000x64xf32, #tpu.memory_space<hbm>> -> memref<100000x64xf32, #tpu.memory_space<hbm>>
      tpu.wait_indirect_dma semaphore(%arg20 : memref<!tpu.dma_semaphore, #tpu.memory_space<semaphore_mem>>) src(%dma_wait3A_53 : memref<100000x64xf32, #tpu.memory_space<hbm>>) dst(%arg15 : memref<128x64xf32, #tpu.memory_space<vmem>>)
      %dma_wait3A_54 = tpu.memref_slice %arg11[%mul3A_19] : memref<512xi32, #tpu.memory_space<vmem>> -> memref<128xi32, #tpu.memory_space<vmem>>
      %dma_wait3A_55 = arith.constant 0 : i32
      %dma_wait3A_56 = arith.constant 0 : i32
      %dma_wait3A_57 = tpu.memref_slice %arg6[%dma_wait3A_55, %dma_wait3A_56] : memref<100000x64xf32, #tpu.memory_space<hbm>> -> memref<100000x64xf32, #tpu.memory_space<hbm>>
      tpu.wait_indirect_dma semaphore(%arg20 : memref<!tpu.dma_semaphore, #tpu.memory_space<semaphore_mem>>) src(%dma_wait3A_57 : memref<100000x64xf32, #tpu.memory_space<hbm>>) dst(%arg16 : memref<128x64xf32, #tpu.memory_space<vmem>>)
      %dma_wait3A_58 = tpu.memref_slice %arg12[%mul3A_19] : memref<512xi32, #tpu.memory_space<vmem>> -> memref<128xi32, #tpu.memory_space<vmem>>
      %dma_wait3A_59 = arith.constant 0 : i32
      %dma_wait3A_60 = arith.constant 0 : i32
      %dma_wait3A_61 = tpu.memref_slice %arg5[%dma_wait3A_59, %dma_wait3A_60] : memref<100000x64xf32, #tpu.memory_space<hbm>> -> memref<100000x64xf32, #tpu.memory_space<hbm>>
      tpu.wait_indirect_dma semaphore(%arg20 : memref<!tpu.dma_semaphore, #tpu.memory_space<semaphore_mem>>) src(%dma_wait3A_61 : memref<100000x64xf32, #tpu.memory_space<hbm>>) dst(%arg17 : memref<128x64xf32, #tpu.memory_space<vmem>>)
      %dma_wait3A_62 = tpu.memref_slice %arg12[%mul3A_19] : memref<512xi32, #tpu.memory_space<vmem>> -> memref<128xi32, #tpu.memory_space<vmem>>
      %dma_wait3A_63 = arith.constant 0 : i32
      %dma_wait3A_64 = arith.constant 0 : i32
      %dma_wait3A_65 = tpu.memref_slice %arg6[%dma_wait3A_63, %dma_wait3A_64] : memref<100000x64xf32, #tpu.memory_space<hbm>> -> memref<100000x64xf32, #tpu.memory_space<hbm>>
      tpu.wait_indirect_dma semaphore(%arg20 : memref<!tpu.dma_semaphore, #tpu.memory_space<semaphore_mem>>) src(%dma_wait3A_65 : memref<100000x64xf32, #tpu.memory_space<hbm>>) dst(%arg18 : memref<128x64xf32, #tpu.memory_space<vmem>>)
      %scan3A_66 = arith.constant 0 : i32
      %scan3A_67 = arith.constant 0 : i32
      %scan3A_68 = arith.constant 8 : i32
      %scan3A_69 = arith.addi %scan3A_67, %scan3A_68 : i32
      %scan3A_70 = arith.constant 1 : i32
      %scan3A_71 = scf.for %scan3A_74 = %scan3A_67 to %scan3A_69 step %scan3A_70 iter_args(%scan3A_75 = %scan3A_66) -> (i32)  : i32 {
        %mul3A_76 = arith.constant 16 : i32
        %mul3A_77 = arith.muli %scan3A_74, %mul3A_76 : i32
        %iota3A = tpu.iota {dimensions = array<i32: 0>} : vector<16xi32>
        %add3A_78 = vector.broadcast %mul3A_77 : i32 to vector<16xi32>
        %add3A_79 = arith.addi %add3A_78, %iota3A : vector<16xi32>
        %broadcast_in_dim3A = arith.constant 0.000000e+00 : f32
        %broadcast_in_dim3A_80 = vector.broadcast %broadcast_in_dim3A : f32 to vector<16xf32>
        %broadcast_in_dim3A_81 = arith.constant 0 : i32
        %broadcast_in_dim3A_82 = vector.broadcast %broadcast_in_dim3A_81 : i32 to vector<16xi32>
        %gather3A = tpu.vector_load_idx %arg13[%add3A_79, %broadcast_in_dim3A_82] : memref<128x64xf32, #tpu.memory_space<vmem>>[vector<16xi32>, vector<16xi32>], vector<16xf32>,
        %gather3A_83 = tpu.vector_load_idx %arg15[%add3A_79, %broadcast_in_dim3A_82] : memref<128x64xf32, #tpu.memory_space<vmem>>[vector<16xi32>, vector<16xi32>], vector<16xf32>,
        %gather3A_84 = tpu.vector_load_idx %arg17[%add3A_79, %broadcast_in_dim3A_82] : memref<128x64xf32, #tpu.memory_space<vmem>>[vector<16xi32>, vector<16xi32>], vector<16xf32>,
        %sub3A = arith.subf %gather3A_83, %gather3A_84 : vector<16xf32>
        %mul3A_85 = arith.mulf %gather3A, %sub3A : vector<16xf32>
        %add3A_86 = arith.addf %broadcast_in_dim3A_80, %mul3A_85 : vector<16xf32>
        %gather3A_87 = tpu.vector_load_idx %arg14[%add3A_79, %broadcast_in_dim3A_82] : memref<128x64xf32, #tpu.memory_space<vmem>>[vector<16xi32>, vector<16xi32>], vector<16xf32>,
        %gather3A_88 = tpu.vector_load_idx %arg16[%add3A_79, %broadcast_in_dim3A_82] : memref<128x64xf32, #tpu.memory_space<vmem>>[vector<16xi32>, vector<16xi32>], vector<16xf32>,
        %gather3A_89 = tpu.vector_load_idx %arg18[%add3A_79, %broadcast_in_dim3A_82] : memref<128x64xf32, #tpu.memory_space<vmem>>[vector<16xi32>, vector<16xi32>], vector<16xf32>,
        %sub3A_90 = arith.subf %gather3A_88, %gather3A_89 : vector<16xf32>
        %mul3A_91 = arith.mulf %gather3A_87, %sub3A_90 : vector<16xf32>
        %add3A_92 = arith.addf %add3A_86, %mul3A_91 : vector<16xf32>
        %broadcast_in_dim3A_93 = arith.constant 1 : i32
        %broadcast_in_dim3A_94 = vector.broadcast %broadcast_in_dim3A_93 : i32 to vector<16xi32>
        %gather3A_95 = tpu.vector_load_idx %arg13[%add3A_79, %broadcast_in_dim3A_94] : memref<128x64xf32, #tpu.memory_space<vmem>>[vector<16xi32>, vector<16xi32>], vector<16xf32>,
        %gather3A_96 = tpu.vector_load_idx %arg15[%add3A_79, %broadcast_in_dim3A_94] : memref<128x64xf32, #tpu.memory_space<vmem>>[vector<16xi32>, vector<16xi32>], vector<16xf32>,
        %gather3A_97 = tpu.vector_load_idx %arg17[%add3A_79, %broadcast_in_dim3A_94] : memref<128x64xf32, #tpu.memory_space<vmem>>[vector<16xi32>, vector<16xi32>], vector<16xf32>,
        %sub3A_98 = arith.subf %gather3A_96, %gather3A_97 : vector<16xf32>
        %mul3A_99 = arith.mulf %gather3A_95, %sub3A_98 : vector<16xf32>
        %add3A_100 = arith.addf %add3A_92, %mul3A_99 : vector<16xf32>
        %gather3A_101 = tpu.vector_load_idx %arg14[%add3A_79, %broadcast_in_dim3A_94] : memref<128x64xf32, #tpu.memory_space<vmem>>[vector<16xi32>, vector<16xi32>], vector<16xf32>,
        %gather3A_102 = tpu.vector_load_idx %arg16[%add3A_79, %broadcast_in_dim3A_94] : memref<128x64xf32, #tpu.memory_space<vmem>>[vector<16xi32>, vector<16xi32>], vector<16xf32>,
        %gather3A_103 = tpu.vector_load_idx %arg18[%add3A_79, %broadcast_in_dim3A_94] : memref<128x64xf32, #tpu.memory_space<vmem>>[vector<16xi32>, vector<16xi32>], vector<16xf32>,
        %sub3A_104 = arith.subf %gather3A_102, %gather3A_103 : vector<16xf32>
        %mul3A_105 = arith.mulf %gather3A_101, %sub3A_104 : vector<16xf32>
        %add3A_106 = arith.addf %add3A_100, %mul3A_105 : vector<16xf32>
        %broadcast_in_dim3A_107 = arith.constant 2 : i32
        %broadcast_in_dim3A_108 = vector.broadcast %broadcast_in_dim3A_107 : i32 to vector<16xi32>
        %gather3A_109 = tpu.vector_load_idx %arg13[%add3A_79, %broadcast_in_dim3A_108] : memref<128x64xf32, #tpu.memory_space<vmem>>[vector<16xi32>, vector<16xi32>], vector<16xf32>,
        %gather3A_110 = tpu.vector_load_idx %arg15[%add3A_79, %broadcast_in_dim3A_108] : memref<128x64xf32, #tpu.memory_space<vmem>>[vector<16xi32>, vector<16xi32>], vector<16xf32>,
        %gather3A_111 = tpu.vector_load_idx %arg17[%add3A_79, %broadcast_in_dim3A_108] : memref<128x64xf32, #tpu.memory_space<vmem>>[vector<16xi32>, vector<16xi32>], vector<16xf32>,
        %sub3A_112 = arith.subf %gather3A_110, %gather3A_111 : vector<16xf32>
        %mul3A_113 = arith.mulf %gather3A_109, %sub3A_112 : vector<16xf32>
        %add3A_114 = arith.addf %add3A_106, %mul3A_113 : vector<16xf32>
        %gather3A_115 = tpu.vector_load_idx %arg14[%add3A_79, %broadcast_in_dim3A_108] : memref<128x64xf32, #tpu.memory_space<vmem>>[vector<16xi32>, vector<16xi32>], vector<16xf32>,
        %gather3A_116 = tpu.vector_load_idx %arg16[%add3A_79, %broadcast_in_dim3A_108] : memref<128x64xf32, #tpu.memory_space<vmem>>[vector<16xi32>, vector<16xi32>], vector<16xf32>,
        %gather3A_117 = tpu.vector_load_idx %arg18[%add3A_79, %broadcast_in_dim3A_108] : memref<128x64xf32, #tpu.memory_space<vmem>>[vector<16xi32>, vector<16xi32>], vector<16xf32>,
        %sub3A_118 = arith.subf %gather3A_116, %gather3A_117 : vector<16xf32>
        %mul3A_119 = arith.mulf %gather3A_115, %sub3A_118 : vector<16xf32>
        %add3A_120 = arith.addf %add3A_114, %mul3A_119 : vector<16xf32>
        %broadcast_in_dim3A_121 = arith.constant 3 : i32
        %broadcast_in_dim3A_122 = vector.broadcast %broadcast_in_dim3A_121 : i32 to vector<16xi32>
        %gather3A_123 = tpu.vector_load_idx %arg13[%add3A_79, %broadcast_in_dim3A_122] : memref<128x64xf32, #tpu.memory_space<vmem>>[vector<16xi32>, vector<16xi32>], vector<16xf32>,
        %gather3A_124 = tpu.vector_load_idx %arg15[%add3A_79, %broadcast_in_dim3A_122] : memref<128x64xf32, #tpu.memory_space<vmem>>[vector<16xi32>, vector<16xi32>], vector<16xf32>,
        %gather3A_125 = tpu.vector_load_idx %arg17[%add3A_79, %broadcast_in_dim3A_122] : memref<128x64xf32, #tpu.memory_space<vmem>>[vector<16xi32>, vector<16xi32>], vector<16xf32>,
        %sub3A_126 = arith.subf %gather3A_124, %gather3A_125 : vector<16xf32>
        %mul3A_127 = arith.mulf %gather3A_123, %sub3A_126 : vector<16xf32>
        %add3A_128 = arith.addf %add3A_120, %mul3A_127 : vector<16xf32>
        %gather3A_129 = tpu.vector_load_idx %arg14[%add3A_79, %broadcast_in_dim3A_122] : memref<128x64xf32, #tpu.memory_space<vmem>>[vector<16xi32>, vector<16xi32>], vector<16xf32>,
        %gather3A_130 = tpu.vector_load_idx %arg16[%add3A_79, %broadcast_in_dim3A_122] : memref<128x64xf32, #tpu.memory_space<vmem>>[vector<16xi32>, vector<16xi32>], vector<16xf32>,
        %gather3A_131 = tpu.vector_load_idx %arg18[%add3A_79, %broadcast_in_dim3A_122] : memref<128x64xf32, #tpu.memory_space<vmem>>[vector<16xi32>, vector<16xi32>], vector<16xf32>,
        %sub3A_132 = arith.subf %gather3A_130, %gather3A_131 : vector<16xf32>
        %mul3A_133 = arith.mulf %gather3A_129, %sub3A_132 : vector<16xf32>
        %add3A_134 = arith.addf %add3A_128, %mul3A_133 : vector<16xf32>
        %broadcast_in_dim3A_135 = arith.constant 4 : i32
        %broadcast_in_dim3A_136 = vector.broadcast %broadcast_in_dim3A_135 : i32 to vector<16xi32>
        %gather3A_137 = tpu.vector_load_idx %arg13[%add3A_79, %broadcast_in_dim3A_136] : memref<128x64xf32, #tpu.memory_space<vmem>>[vector<16xi32>, vector<16xi32>], vector<16xf32>,
        %gather3A_138 = tpu.vector_load_idx %arg15[%add3A_79, %broadcast_in_dim3A_136] : memref<128x64xf32, #tpu.memory_space<vmem>>[vector<16xi32>, vector<16xi32>], vector<16xf32>,
        %gather3A_139 = tpu.vector_load_idx %arg17[%add3A_79, %broadcast_in_dim3A_136] : memref<128x64xf32, #tpu.memory_space<vmem>>[vector<16xi32>, vector<16xi32>], vector<16xf32>,
        %sub3A_140 = arith.subf %gather3A_138, %gather3A_139 : vector<16xf32>
        %mul3A_141 = arith.mulf %gather3A_137, %sub3A_140 : vector<16xf32>
        %add3A_142 = arith.addf %add3A_134, %mul3A_141 : vector<16xf32>
        %gather3A_143 = tpu.vector_load_idx %arg14[%add3A_79, %broadcast_in_dim3A_136] : memref<128x64xf32, #tpu.memory_space<vmem>>[vector<16xi32>, vector<16xi32>], vector<16xf32>,
        %gather3A_144 = tpu.vector_load_idx %arg16[%add3A_79, %broadcast_in_dim3A_136] : memref<128x64xf32, #tpu.memory_space<vmem>>[vector<16xi32>, vector<16xi32>], vector<16xf32>,
        %gather3A_145 = tpu.vector_load_idx %arg18[%add3A_79, %broadcast_in_dim3A_136] : memref<128x64xf32, #tpu.memory_space<vmem>>[vector<16xi32>, vector<16xi32>], vector<16xf32>,
        %sub3A_146 = arith.subf %gather3A_144, %gather3A_145 : vector<16xf32>
        %mul3A_147 = arith.mulf %gather3A_143, %sub3A_146 : vector<16xf32>
        %add3A_148 = arith.addf %add3A_142, %mul3A_147 : vector<16xf32>
        %broadcast_in_dim3A_149 = arith.constant 5 : i32
        %broadcast_in_dim3A_150 = vector.broadcast %broadcast_in_dim3A_149 : i32 to vector<16xi32>
        %gather3A_151 = tpu.vector_load_idx %arg13[%add3A_79, %broadcast_in_dim3A_150] : memref<128x64xf32, #tpu.memory_space<vmem>>[vector<16xi32>, vector<16xi32>], vector<16xf32>,
        %gather3A_152 = tpu.vector_load_idx %arg15[%add3A_79, %broadcast_in_dim3A_150] : memref<128x64xf32, #tpu.memory_space<vmem>>[vector<16xi32>, vector<16xi32>], vector<16xf32>,
        %gather3A_153 = tpu.vector_load_idx %arg17[%add3A_79, %broadcast_in_dim3A_150] : memref<128x64xf32, #tpu.memory_space<vmem>>[vector<16xi32>, vector<16xi32>], vector<16xf32>,
        %sub3A_154 = arith.subf %gather3A_152, %gather3A_153 : vector<16xf32>
        %mul3A_155 = arith.mulf %gather3A_151, %sub3A_154 : vector<16xf32>
        %add3A_156 = arith.addf %add3A_148, %mul3A_155 : vector<16xf32>
        %gather3A_157 = tpu.vector_load_idx %arg14[%add3A_79, %broadcast_in_dim3A_150] : memref<128x64xf32, #tpu.memory_space<vmem>>[vector<16xi32>, vector<16xi32>], vector<16xf32>,
        %gather3A_158 = tpu.vector_load_idx %arg16[%add3A_79, %broadcast_in_dim3A_150] : memref<128x64xf32, #tpu.memory_space<vmem>>[vector<16xi32>, vector<16xi32>], vector<16xf32>,
        %gather3A_159 = tpu.vector_load_idx %arg18[%add3A_79, %broadcast_in_dim3A_150] : memref<128x64xf32, #tpu.memory_space<vmem>>[vector<16xi32>, vector<16xi32>], vector<16xf32>,
        %sub3A_160 = arith.subf %gather3A_158, %gather3A_159 : vector<16xf32>
        %mul3A_161 = arith.mulf %gather3A_157, %sub3A_160 : vector<16xf32>
        %add3A_162 = arith.addf %add3A_156, %mul3A_161 : vector<16xf32>
        %broadcast_in_dim3A_163 = arith.constant 6 : i32
        %broadcast_in_dim3A_164 = vector.broadcast %broadcast_in_dim3A_163 : i32 to vector<16xi32>
        %gather3A_165 = tpu.vector_load_idx %arg13[%add3A_79, %broadcast_in_dim3A_164] : memref<128x64xf32, #tpu.memory_space<vmem>>[vector<16xi32>, vector<16xi32>], vector<16xf32>,
        %gather3A_166 = tpu.vector_load_idx %arg15[%add3A_79, %broadcast_in_dim3A_164] : memref<128x64xf32, #tpu.memory_space<vmem>>[vector<16xi32>, vector<16xi32>], vector<16xf32>,
        %gather3A_167 = tpu.vector_load_idx %arg17[%add3A_79, %broadcast_in_dim3A_164] : memref<128x64xf32, #tpu.memory_space<vmem>>[vector<16xi32>, vector<16xi32>], vector<16xf32>,
        %sub3A_168 = arith.subf %gather3A_166, %gather3A_167 : vector<16xf32>
        %mul3A_169 = arith.mulf %gather3A_165, %sub3A_168 : vector<16xf32>
        %add3A_170 = arith.addf %add3A_162, %mul3A_169 : vector<16xf32>
        %gather3A_171 = tpu.vector_load_idx %arg14[%add3A_79, %broadcast_in_dim3A_164] : memref<128x64xf32, #tpu.memory_space<vmem>>[vector<16xi32>, vector<16xi32>], vector<16xf32>,
        %gather3A_172 = tpu.vector_load_idx %arg16[%add3A_79, %broadcast_in_dim3A_164] : memref<128x64xf32, #tpu.memory_space<vmem>>[vector<16xi32>, vector<16xi32>], vector<16xf32>,
        %gather3A_173 = tpu.vector_load_idx %arg18[%add3A_79, %broadcast_in_dim3A_164] : memref<128x64xf32, #tpu.memory_space<vmem>>[vector<16xi32>, vector<16xi32>], vector<16xf32>,
        %sub3A_174 = arith.subf %gather3A_172, %gather3A_173 : vector<16xf32>
        %mul3A_175 = arith.mulf %gather3A_171, %sub3A_174 : vector<16xf32>
        %add3A_176 = arith.addf %add3A_170, %mul3A_175 : vector<16xf32>
        %broadcast_in_dim3A_177 = arith.constant 7 : i32
        %broadcast_in_dim3A_178 = vector.broadcast %broadcast_in_dim3A_177 : i32 to vector<16xi32>
        %gather3A_179 = tpu.vector_load_idx %arg13[%add3A_79, %broadcast_in_dim3A_178] : memref<128x64xf32, #tpu.memory_space<vmem>>[vector<16xi32>, vector<16xi32>], vector<16xf32>,
        %gather3A_180 = tpu.vector_load_idx %arg15[%add3A_79, %broadcast_in_dim3A_178] : memref<128x64xf32, #tpu.memory_space<vmem>>[vector<16xi32>, vector<16xi32>], vector<16xf32>,
        %gather3A_181 = tpu.vector_load_idx %arg17[%add3A_79, %broadcast_in_dim3A_178] : memref<128x64xf32, #tpu.memory_space<vmem>>[vector<16xi32>, vector<16xi32>], vector<16xf32>,
        %sub3A_182 = arith.subf %gather3A_180, %gather3A_181 : vector<16xf32>
        %mul3A_183 = arith.mulf %gather3A_179, %sub3A_182 : vector<16xf32>
        %add3A_184 = arith.addf %add3A_176, %mul3A_183 : vector<16xf32>
        %gather3A_185 = tpu.vector_load_idx %arg14[%add3A_79, %broadcast_in_dim3A_178] : memref<128x64xf32, #tpu.memory_space<vmem>>[vector<16xi32>, vector<16xi32>], vector<16xf32>,
        %gather3A_186 = tpu.vector_load_idx %arg16[%add3A_79, %broadcast_in_dim3A_178] : memref<128x64xf32, #tpu.memory_space<vmem>>[vector<16xi32>, vector<16xi32>], vector<16xf32>,
        %gather3A_187 = tpu.vector_load_idx %arg18[%add3A_79, %broadcast_in_dim3A_178] : memref<128x64xf32, #tpu.memory_space<vmem>>[vector<16xi32>, vector<16xi32>], vector<16xf32>,
        %sub3A_188 = arith.subf %gather3A_186, %gather3A_187 : vector<16xf32>
        %mul3A_189 = arith.mulf %gather3A_185, %sub3A_188 : vector<16xf32>
        %add3A_190 = arith.addf %add3A_184, %mul3A_189 : vector<16xf32>
        %broadcast_in_dim3A_191 = arith.constant 8 : i32
        %broadcast_in_dim3A_192 = vector.broadcast %broadcast_in_dim3A_191 : i32 to vector<16xi32>
        %gather3A_193 = tpu.vector_load_idx %arg13[%add3A_79, %broadcast_in_dim3A_192] : memref<128x64xf32, #tpu.memory_space<vmem>>[vector<16xi32>, vector<16xi32>], vector<16xf32>,
        %gather3A_194 = tpu.vector_load_idx %arg15[%add3A_79, %broadcast_in_dim3A_192] : memref<128x64xf32, #tpu.memory_space<vmem>>[vector<16xi32>, vector<16xi32>], vector<16xf32>,
        %gather3A_195 = tpu.vector_load_idx %arg17[%add3A_79, %broadcast_in_dim3A_192] : memref<128x64xf32, #tpu.memory_space<vmem>>[vector<16xi32>, vector<16xi32>], vector<16xf32>,
        %sub3A_196 = arith.subf %gather3A_194, %gather3A_195 : vector<16xf32>
        %mul3A_197 = arith.mulf %gather3A_193, %sub3A_196 : vector<16xf32>
        %add3A_198 = arith.addf %add3A_190, %mul3A_197 : vector<16xf32>
        %gather3A_199 = tpu.vector_load_idx %arg14[%add3A_79, %broadcast_in_dim3A_192] : memref<128x64xf32, #tpu.memory_space<vmem>>[vector<16xi32>, vector<16xi32>], vector<16xf32>,
        %gather3A_200 = tpu.vector_load_idx %arg16[%add3A_79, %broadcast_in_dim3A_192] : memref<128x64xf32, #tpu.memory_space<vmem>>[vector<16xi32>, vector<16xi32>], vector<16xf32>,
        %gather3A_201 = tpu.vector_load_idx %arg18[%add3A_79, %broadcast_in_dim3A_192] : memref<128x64xf32, #tpu.memory_space<vmem>>[vector<16xi32>, vector<16xi32>], vector<16xf32>,
        %sub3A_202 = arith.subf %gather3A_200, %gather3A_201 : vector<16xf32>
        %mul3A_203 = arith.mulf %gather3A_199, %sub3A_202 : vector<16xf32>
        %add3A_204 = arith.addf %add3A_198, %mul3A_203 : vector<16xf32>
        %broadcast_in_dim3A_205 = arith.constant 9 : i32
        %broadcast_in_dim3A_206 = vector.broadcast %broadcast_in_dim3A_205 : i32 to vector<16xi32>
        %gather3A_207 = tpu.vector_load_idx %arg13[%add3A_79, %broadcast_in_dim3A_206] : memref<128x64xf32, #tpu.memory_space<vmem>>[vector<16xi32>, vector<16xi32>], vector<16xf32>,
        %gather3A_208 = tpu.vector_load_idx %arg15[%add3A_79, %broadcast_in_dim3A_206] : memref<128x64xf32, #tpu.memory_space<vmem>>[vector<16xi32>, vector<16xi32>], vector<16xf32>,
        %gather3A_209 = tpu.vector_load_idx %arg17[%add3A_79, %broadcast_in_dim3A_206] : memref<128x64xf32, #tpu.memory_space<vmem>>[vector<16xi32>, vector<16xi32>], vector<16xf32>,
        %sub3A_210 = arith.subf %gather3A_208, %gather3A_209 : vector<16xf32>
        %mul3A_211 = arith.mulf %gather3A_207, %sub3A_210 : vector<16xf32>
        %add3A_212 = arith.addf %add3A_204, %mul3A_211 : vector<16xf32>
        %gather3A_213 = tpu.vector_load_idx %arg14[%add3A_79, %broadcast_in_dim3A_206] : memref<128x64xf32, #tpu.memory_space<vmem>>[vector<16xi32>, vector<16xi32>], vector<16xf32>,
        %gather3A_214 = tpu.vector_load_idx %arg16[%add3A_79, %broadcast_in_dim3A_206] : memref<128x64xf32, #tpu.memory_space<vmem>>[vector<16xi32>, vector<16xi32>], vector<16xf32>,
        %gather3A_215 = tpu.vector_load_idx %arg18[%add3A_79, %broadcast_in_dim3A_206] : memref<128x64xf32, #tpu.memory_space<vmem>>[vector<16xi32>, vector<16xi32>], vector<16xf32>,
        %sub3A_216 = arith.subf %gather3A_214, %gather3A_215 : vector<16xf32>
        %mul3A_217 = arith.mulf %gather3A_213, %sub3A_216 : vector<16xf32>
        %add3A_218 = arith.addf %add3A_212, %mul3A_217 : vector<16xf32>
        %broadcast_in_dim3A_219 = arith.constant 10 : i32
        %broadcast_in_dim3A_220 = vector.broadcast %broadcast_in_dim3A_219 : i32 to vector<16xi32>
        %gather3A_221 = tpu.vector_load_idx %arg13[%add3A_79, %broadcast_in_dim3A_220] : memref<128x64xf32, #tpu.memory_space<vmem>>[vector<16xi32>, vector<16xi32>], vector<16xf32>,
        %gather3A_222 = tpu.vector_load_idx %arg15[%add3A_79, %broadcast_in_dim3A_220] : memref<128x64xf32, #tpu.memory_space<vmem>>[vector<16xi32>, vector<16xi32>], vector<16xf32>,
        %gather3A_223 = tpu.vector_load_idx %arg17[%add3A_79, %broadcast_in_dim3A_220] : memref<128x64xf32, #tpu.memory_space<vmem>>[vector<16xi32>, vector<16xi32>], vector<16xf32>,
        %sub3A_224 = arith.subf %gather3A_222, %gather3A_223 : vector<16xf32>
        %mul3A_225 = arith.mulf %gather3A_221, %sub3A_224 : vector<16xf32>
        %add3A_226 = arith.addf %add3A_218, %mul3A_225 : vector<16xf32>
        %gather3A_227 = tpu.vector_load_idx %arg14[%add3A_79, %broadcast_in_dim3A_220] : memref<128x64xf32, #tpu.memory_space<vmem>>[vector<16xi32>, vector<16xi32>], vector<16xf32>,
        %gather3A_228 = tpu.vector_load_idx %arg16[%add3A_79, %broadcast_in_dim3A_220] : memref<128x64xf32, #tpu.memory_space<vmem>>[vector<16xi32>, vector<16xi32>], vector<16xf32>,
        %gather3A_229 = tpu.vector_load_idx %arg18[%add3A_79, %broadcast_in_dim3A_220] : memref<128x64xf32, #tpu.memory_space<vmem>>[vector<16xi32>, vector<16xi32>], vector<16xf32>,
        %sub3A_230 = arith.subf %gather3A_228, %gather3A_229 : vector<16xf32>
        %mul3A_231 = arith.mulf %gather3A_227, %sub3A_230 : vector<16xf32>
        %add3A_232 = arith.addf %add3A_226, %mul3A_231 : vector<16xf32>
        %broadcast_in_dim3A_233 = arith.constant 11 : i32
        %broadcast_in_dim3A_234 = vector.broadcast %broadcast_in_dim3A_233 : i32 to vector<16xi32>
        %gather3A_235 = tpu.vector_load_idx %arg13[%add3A_79, %broadcast_in_dim3A_234] : memref<128x64xf32, #tpu.memory_space<vmem>>[vector<16xi32>, vector<16xi32>], vector<16xf32>,
        %gather3A_236 = tpu.vector_load_idx %arg15[%add3A_79, %broadcast_in_dim3A_234] : memref<128x64xf32, #tpu.memory_space<vmem>>[vector<16xi32>, vector<16xi32>], vector<16xf32>,
        %gather3A_237 = tpu.vector_load_idx %arg17[%add3A_79, %broadcast_in_dim3A_234] : memref<128x64xf32, #tpu.memory_space<vmem>>[vector<16xi32>, vector<16xi32>], vector<16xf32>,
        %sub3A_238 = arith.subf %gather3A_236, %gather3A_237 : vector<16xf32>
        %mul3A_239 = arith.mulf %gather3A_235, %sub3A_238 : vector<16xf32>
        %add3A_240 = arith.addf %add3A_232, %mul3A_239 : vector<16xf32>
        %gather3A_241 = tpu.vector_load_idx %arg14[%add3A_79, %broadcast_in_dim3A_234] : memref<128x64xf32, #tpu.memory_space<vmem>>[vector<16xi32>, vector<16xi32>], vector<16xf32>,
        %gather3A_242 = tpu.vector_load_idx %arg16[%add3A_79, %broadcast_in_dim3A_234] : memref<128x64xf32, #tpu.memory_space<vmem>>[vector<16xi32>, vector<16xi32>], vector<16xf32>,
        %gather3A_243 = tpu.vector_load_idx %arg18[%add3A_79, %broadcast_in_dim3A_234] : memref<128x64xf32, #tpu.memory_space<vmem>>[vector<16xi32>, vector<16xi32>], vector<16xf32>,
        %sub3A_244 = arith.subf %gather3A_242, %gather3A_243 : vector<16xf32>
        %mul3A_245 = arith.mulf %gather3A_241, %sub3A_244 : vector<16xf32>
        %add3A_246 = arith.addf %add3A_240, %mul3A_245 : vector<16xf32>
        %broadcast_in_dim3A_247 = arith.constant 12 : i32
        %broadcast_in_dim3A_248 = vector.broadcast %broadcast_in_dim3A_247 : i32 to vector<16xi32>
        %gather3A_249 = tpu.vector_load_idx %arg13[%add3A_79, %broadcast_in_dim3A_248] : memref<128x64xf32, #tpu.memory_space<vmem>>[vector<16xi32>, vector<16xi32>], vector<16xf32>,
        %gather3A_250 = tpu.vector_load_idx %arg15[%add3A_79, %broadcast_in_dim3A_248] : memref<128x64xf32, #tpu.memory_space<vmem>>[vector<16xi32>, vector<16xi32>], vector<16xf32>,
        %gather3A_251 = tpu.vector_load_idx %arg17[%add3A_79, %broadcast_in_dim3A_248] : memref<128x64xf32, #tpu.memory_space<vmem>>[vector<16xi32>, vector<16xi32>], vector<16xf32>,
        %sub3A_252 = arith.subf %gather3A_250, %gather3A_251 : vector<16xf32>
        %mul3A_253 = arith.mulf %gather3A_249, %sub3A_252 : vector<16xf32>
        %add3A_254 = arith.addf %add3A_246, %mul3A_253 : vector<16xf32>
        %gather3A_255 = tpu.vector_load_idx %arg14[%add3A_79, %broadcast_in_dim3A_248] : memref<128x64xf32, #tpu.memory_space<vmem>>[vector<16xi32>, vector<16xi32>], vector<16xf32>,
        %gather3A_256 = tpu.vector_load_idx %arg16[%add3A_79, %broadcast_in_dim3A_248] : memref<128x64xf32, #tpu.memory_space<vmem>>[vector<16xi32>, vector<16xi32>], vector<16xf32>,
        %gather3A_257 = tpu.vector_load_idx %arg18[%add3A_79, %broadcast_in_dim3A_248] : memref<128x64xf32, #tpu.memory_space<vmem>>[vector<16xi32>, vector<16xi32>], vector<16xf32>,
        %sub3A_258 = arith.subf %gather3A_256, %gather3A_257 : vector<16xf32>
        %mul3A_259 = arith.mulf %gather3A_255, %sub3A_258 : vector<16xf32>
        %add3A_260 = arith.addf %add3A_254, %mul3A_259 : vector<16xf32>
        %broadcast_in_dim3A_261 = arith.constant 13 : i32
        %broadcast_in_dim3A_262 = vector.broadcast %broadcast_in_dim3A_261 : i32 to vector<16xi32>
        %gather3A_263 = tpu.vector_load_idx %arg13[%add3A_79, %broadcast_in_dim3A_262] : memref<128x64xf32, #tpu.memory_space<vmem>>[vector<16xi32>, vector<16xi32>], vector<16xf32>,
        %gather3A_264 = tpu.vector_load_idx %arg15[%add3A_79, %broadcast_in_dim3A_262] : memref<128x64xf32, #tpu.memory_space<vmem>>[vector<16xi32>, vector<16xi32>], vector<16xf32>,
        %gather3A_265 = tpu.vector_load_idx %arg17[%add3A_79, %broadcast_in_dim3A_262] : memref<128x64xf32, #tpu.memory_space<vmem>>[vector<16xi32>, vector<16xi32>], vector<16xf32>,
        %sub3A_266 = arith.subf %gather3A_264, %gather3A_265 : vector<16xf32>
        %mul3A_267 = arith.mulf %gather3A_263, %sub3A_266 : vector<16xf32>
        %add3A_268 = arith.addf %add3A_260, %mul3A_267 : vector<16xf32>
        %gather3A_269 = tpu.vector_load_idx %arg14[%add3A_79, %broadcast_in_dim3A_262] : memref<128x64xf32, #tpu.memory_space<vmem>>[vector<16xi32>, vector<16xi32>], vector<16xf32>,
        %gather3A_270 = tpu.vector_load_idx %arg16[%add3A_79, %broadcast_in_dim3A_262] : memref<128x64xf32, #tpu.memory_space<vmem>>[vector<16xi32>, vector<16xi32>], vector<16xf32>,
        %gather3A_271 = tpu.vector_load_idx %arg18[%add3A_79, %broadcast_in_dim3A_262] : memref<128x64xf32, #tpu.memory_space<vmem>>[vector<16xi32>, vector<16xi32>], vector<16xf32>,
        %sub3A_272 = arith.subf %gather3A_270, %gather3A_271 : vector<16xf32>
        %mul3A_273 = arith.mulf %gather3A_269, %sub3A_272 : vector<16xf32>
        %add3A_274 = arith.addf %add3A_268, %mul3A_273 : vector<16xf32>
        %broadcast_in_dim3A_275 = arith.constant 14 : i32
        %broadcast_in_dim3A_276 = vector.broadcast %broadcast_in_dim3A_275 : i32 to vector<16xi32>
        %gather3A_277 = tpu.vector_load_idx %arg13[%add3A_79, %broadcast_in_dim3A_276] : memref<128x64xf32, #tpu.memory_space<vmem>>[vector<16xi32>, vector<16xi32>], vector<16xf32>,
        %gather3A_278 = tpu.vector_load_idx %arg15[%add3A_79, %broadcast_in_dim3A_276] : memref<128x64xf32, #tpu.memory_space<vmem>>[vector<16xi32>, vector<16xi32>], vector<16xf32>,
        %gather3A_279 = tpu.vector_load_idx %arg17[%add3A_79, %broadcast_in_dim3A_276] : memref<128x64xf32, #tpu.memory_space<vmem>>[vector<16xi32>, vector<16xi32>], vector<16xf32>,
        %sub3A_280 = arith.subf %gather3A_278, %gather3A_279 : vector<16xf32>
        %mul3A_281 = arith.mulf %gather3A_277, %sub3A_280 : vector<16xf32>
        %add3A_282 = arith.addf %add3A_274, %mul3A_281 : vector<16xf32>
        %gather3A_283 = tpu.vector_load_idx %arg14[%add3A_79, %broadcast_in_dim3A_276] : memref<128x64xf32, #tpu.memory_space<vmem>>[vector<16xi32>, vector<16xi32>], vector<16xf32>,
        %gather3A_284 = tpu.vector_load_idx %arg16[%add3A_79, %broadcast_in_dim3A_276] : memref<128x64xf32, #tpu.memory_space<vmem>>[vector<16xi32>, vector<16xi32>], vector<16xf32>,
        %gather3A_285 = tpu.vector_load_idx %arg18[%add3A_79, %broadcast_in_dim3A_276] : memref<128x64xf32, #tpu.memory_space<vmem>>[vector<16xi32>, vector<16xi32>], vector<16xf32>,
        %sub3A_286 = arith.subf %gather3A_284, %gather3A_285 : vector<16xf32>
        %mul3A_287 = arith.mulf %gather3A_283, %sub3A_286 : vector<16xf32>
        %add3A_288 = arith.addf %add3A_282, %mul3A_287 : vector<16xf32>
        %broadcast_in_dim3A_289 = arith.constant 15 : i32
        %broadcast_in_dim3A_290 = vector.broadcast %broadcast_in_dim3A_289 : i32 to vector<16xi32>
        %gather3A_291 = tpu.vector_load_idx %arg13[%add3A_79, %broadcast_in_dim3A_290] : memref<128x64xf32, #tpu.memory_space<vmem>>[vector<16xi32>, vector<16xi32>], vector<16xf32>,
        %gather3A_292 = tpu.vector_load_idx %arg15[%add3A_79, %broadcast_in_dim3A_290] : memref<128x64xf32, #tpu.memory_space<vmem>>[vector<16xi32>, vector<16xi32>], vector<16xf32>,
        %gather3A_293 = tpu.vector_load_idx %arg17[%add3A_79, %broadcast_in_dim3A_290] : memref<128x64xf32, #tpu.memory_space<vmem>>[vector<16xi32>, vector<16xi32>], vector<16xf32>,
        %sub3A_294 = arith.subf %gather3A_292, %gather3A_293 : vector<16xf32>
        %mul3A_295 = arith.mulf %gather3A_291, %sub3A_294 : vector<16xf32>
        %add3A_296 = arith.addf %add3A_288, %mul3A_295 : vector<16xf32>
        %gather3A_297 = tpu.vector_load_idx %arg14[%add3A_79, %broadcast_in_dim3A_290] : memref<128x64xf32, #tpu.memory_space<vmem>>[vector<16xi32>, vector<16xi32>], vector<16xf32>,
        %gather3A_298 = tpu.vector_load_idx %arg16[%add3A_79, %broadcast_in_dim3A_290] : memref<128x64xf32, #tpu.memory_space<vmem>>[vector<16xi32>, vector<16xi32>], vector<16xf32>,
        %gather3A_299 = tpu.vector_load_idx %arg18[%add3A_79, %broadcast_in_dim3A_290] : memref<128x64xf32, #tpu.memory_space<vmem>>[vector<16xi32>, vector<16xi32>], vector<16xf32>,
        %sub3A_300 = arith.subf %gather3A_298, %gather3A_299 : vector<16xf32>
        %mul3A_301 = arith.mulf %gather3A_297, %sub3A_300 : vector<16xf32>
        %add3A_302 = arith.addf %add3A_296, %mul3A_301 : vector<16xf32>
        %broadcast_in_dim3A_303 = arith.constant 16 : i32
        %broadcast_in_dim3A_304 = vector.broadcast %broadcast_in_dim3A_303 : i32 to vector<16xi32>
        %gather3A_305 = tpu.vector_load_idx %arg13[%add3A_79, %broadcast_in_dim3A_304] : memref<128x64xf32, #tpu.memory_space<vmem>>[vector<16xi32>, vector<16xi32>], vector<16xf32>,
        %gather3A_306 = tpu.vector_load_idx %arg15[%add3A_79, %broadcast_in_dim3A_304] : memref<128x64xf32, #tpu.memory_space<vmem>>[vector<16xi32>, vector<16xi32>], vector<16xf32>,
        %gather3A_307 = tpu.vector_load_idx %arg17[%add3A_79, %broadcast_in_dim3A_304] : memref<128x64xf32, #tpu.memory_space<vmem>>[vector<16xi32>, vector<16xi32>], vector<16xf32>,
        %sub3A_308 = arith.subf %gather3A_306, %gather3A_307 : vector<16xf32>
        %mul3A_309 = arith.mulf %gather3A_305, %sub3A_308 : vector<16xf32>
        %add3A_310 = arith.addf %add3A_302, %mul3A_309 : vector<16xf32>
        %gather3A_311 = tpu.vector_load_idx %arg14[%add3A_79, %broadcast_in_dim3A_304] : memref<128x64xf32, #tpu.memory_space<vmem>>[vector<16xi32>, vector<16xi32>], vector<16xf32>,
        %gather3A_312 = tpu.vector_load_idx %arg16[%add3A_79, %broadcast_in_dim3A_304] : memref<128x64xf32, #tpu.memory_space<vmem>>[vector<16xi32>, vector<16xi32>], vector<16xf32>,
        %gather3A_313 = tpu.vector_load_idx %arg18[%add3A_79, %broadcast_in_dim3A_304] : memref<128x64xf32, #tpu.memory_space<vmem>>[vector<16xi32>, vector<16xi32>], vector<16xf32>,
        %sub3A_314 = arith.subf %gather3A_312, %gather3A_313 : vector<16xf32>
        %mul3A_315 = arith.mulf %gather3A_311, %sub3A_314 : vector<16xf32>
        %add3A_316 = arith.addf %add3A_310, %mul3A_315 : vector<16xf32>
        %broadcast_in_dim3A_317 = arith.constant 17 : i32
        %broadcast_in_dim3A_318 = vector.broadcast %broadcast_in_dim3A_317 : i32 to vector<16xi32>
        %gather3A_319 = tpu.vector_load_idx %arg13[%add3A_79, %broadcast_in_dim3A_318] : memref<128x64xf32, #tpu.memory_space<vmem>>[vector<16xi32>, vector<16xi32>], vector<16xf32>,
        %gather3A_320 = tpu.vector_load_idx %arg15[%add3A_79, %broadcast_in_dim3A_318] : memref<128x64xf32, #tpu.memory_space<vmem>>[vector<16xi32>, vector<16xi32>], vector<16xf32>,
        %gather3A_321 = tpu.vector_load_idx %arg17[%add3A_79, %broadcast_in_dim3A_318] : memref<128x64xf32, #tpu.memory_space<vmem>>[vector<16xi32>, vector<16xi32>], vector<16xf32>,
        %sub3A_322 = arith.subf %gather3A_320, %gather3A_321 : vector<16xf32>
        %mul3A_323 = arith.mulf %gather3A_319, %sub3A_322 : vector<16xf32>
        %add3A_324 = arith.addf %add3A_316, %mul3A_323 : vector<16xf32>
        %gather3A_325 = tpu.vector_load_idx %arg14[%add3A_79, %broadcast_in_dim3A_318] : memref<128x64xf32, #tpu.memory_space<vmem>>[vector<16xi32>, vector<16xi32>], vector<16xf32>,
        %gather3A_326 = tpu.vector_load_idx %arg16[%add3A_79, %broadcast_in_dim3A_318] : memref<128x64xf32, #tpu.memory_space<vmem>>[vector<16xi32>, vector<16xi32>], vector<16xf32>,
        %gather3A_327 = tpu.vector_load_idx %arg18[%add3A_79, %broadcast_in_dim3A_318] : memref<128x64xf32, #tpu.memory_space<vmem>>[vector<16xi32>, vector<16xi32>], vector<16xf32>,
        %sub3A_328 = arith.subf %gather3A_326, %gather3A_327 : vector<16xf32>
        %mul3A_329 = arith.mulf %gather3A_325, %sub3A_328 : vector<16xf32>
        %add3A_330 = arith.addf %add3A_324, %mul3A_329 : vector<16xf32>
        %broadcast_in_dim3A_331 = arith.constant 18 : i32
        %broadcast_in_dim3A_332 = vector.broadcast %broadcast_in_dim3A_331 : i32 to vector<16xi32>
        %gather3A_333 = tpu.vector_load_idx %arg13[%add3A_79, %broadcast_in_dim3A_332] : memref<128x64xf32, #tpu.memory_space<vmem>>[vector<16xi32>, vector<16xi32>], vector<16xf32>,
        %gather3A_334 = tpu.vector_load_idx %arg15[%add3A_79, %broadcast_in_dim3A_332] : memref<128x64xf32, #tpu.memory_space<vmem>>[vector<16xi32>, vector<16xi32>], vector<16xf32>,
        %gather3A_335 = tpu.vector_load_idx %arg17[%add3A_79, %broadcast_in_dim3A_332] : memref<128x64xf32, #tpu.memory_space<vmem>>[vector<16xi32>, vector<16xi32>], vector<16xf32>,
        %sub3A_336 = arith.subf %gather3A_334, %gather3A_335 : vector<16xf32>
        %mul3A_337 = arith.mulf %gather3A_333, %sub3A_336 : vector<16xf32>
        %add3A_338 = arith.addf %add3A_330, %mul3A_337 : vector<16xf32>
        %gather3A_339 = tpu.vector_load_idx %arg14[%add3A_79, %broadcast_in_dim3A_332] : memref<128x64xf32, #tpu.memory_space<vmem>>[vector<16xi32>, vector<16xi32>], vector<16xf32>,
        %gather3A_340 = tpu.vector_load_idx %arg16[%add3A_79, %broadcast_in_dim3A_332] : memref<128x64xf32, #tpu.memory_space<vmem>>[vector<16xi32>, vector<16xi32>], vector<16xf32>,
        %gather3A_341 = tpu.vector_load_idx %arg18[%add3A_79, %broadcast_in_dim3A_332] : memref<128x64xf32, #tpu.memory_space<vmem>>[vector<16xi32>, vector<16xi32>], vector<16xf32>,
        %sub3A_342 = arith.subf %gather3A_340, %gather3A_341 : vector<16xf32>
        %mul3A_343 = arith.mulf %gather3A_339, %sub3A_342 : vector<16xf32>
        %add3A_344 = arith.addf %add3A_338, %mul3A_343 : vector<16xf32>
        %broadcast_in_dim3A_345 = arith.constant 19 : i32
        %broadcast_in_dim3A_346 = vector.broadcast %broadcast_in_dim3A_345 : i32 to vector<16xi32>
        %gather3A_347 = tpu.vector_load_idx %arg13[%add3A_79, %broadcast_in_dim3A_346] : memref<128x64xf32, #tpu.memory_space<vmem>>[vector<16xi32>, vector<16xi32>], vector<16xf32>,
        %gather3A_348 = tpu.vector_load_idx %arg15[%add3A_79, %broadcast_in_dim3A_346] : memref<128x64xf32, #tpu.memory_space<vmem>>[vector<16xi32>, vector<16xi32>], vector<16xf32>,
        %gather3A_349 = tpu.vector_load_idx %arg17[%add3A_79, %broadcast_in_dim3A_346] : memref<128x64xf32, #tpu.memory_space<vmem>>[vector<16xi32>, vector<16xi32>], vector<16xf32>,
        %sub3A_350 = arith.subf %gather3A_348, %gather3A_349 : vector<16xf32>
        %mul3A_351 = arith.mulf %gather3A_347, %sub3A_350 : vector<16xf32>
        %add3A_352 = arith.addf %add3A_344, %mul3A_351 : vector<16xf32>
        %gather3A_353 = tpu.vector_load_idx %arg14[%add3A_79, %broadcast_in_dim3A_346] : memref<128x64xf32, #tpu.memory_space<vmem>>[vector<16xi32>, vector<16xi32>], vector<16xf32>,
        %gather3A_354 = tpu.vector_load_idx %arg16[%add3A_79, %broadcast_in_dim3A_346] : memref<128x64xf32, #tpu.memory_space<vmem>>[vector<16xi32>, vector<16xi32>], vector<16xf32>,
        %gather3A_355 = tpu.vector_load_idx %arg18[%add3A_79, %broadcast_in_dim3A_346] : memref<128x64xf32, #tpu.memory_space<vmem>>[vector<16xi32>, vector<16xi32>], vector<16xf32>,
        %sub3A_356 = arith.subf %gather3A_354, %gather3A_355 : vector<16xf32>
        %mul3A_357 = arith.mulf %gather3A_353, %sub3A_356 : vector<16xf32>
        %add3A_358 = arith.addf %add3A_352, %mul3A_357 : vector<16xf32>
        %broadcast_in_dim3A_359 = arith.constant 20 : i32
        %broadcast_in_dim3A_360 = vector.broadcast %broadcast_in_dim3A_359 : i32 to vector<16xi32>
        %gather3A_361 = tpu.vector_load_idx %arg13[%add3A_79, %broadcast_in_dim3A_360] : memref<128x64xf32, #tpu.memory_space<vmem>>[vector<16xi32>, vector<16xi32>], vector<16xf32>,
        %gather3A_362 = tpu.vector_load_idx %arg15[%add3A_79, %broadcast_in_dim3A_360] : memref<128x64xf32, #tpu.memory_space<vmem>>[vector<16xi32>, vector<16xi32>], vector<16xf32>,
        %gather3A_363 = tpu.vector_load_idx %arg17[%add3A_79, %broadcast_in_dim3A_360] : memref<128x64xf32, #tpu.memory_space<vmem>>[vector<16xi32>, vector<16xi32>], vector<16xf32>,
        %sub3A_364 = arith.subf %gather3A_362, %gather3A_363 : vector<16xf32>
        %mul3A_365 = arith.mulf %gather3A_361, %sub3A_364 : vector<16xf32>
        %add3A_366 = arith.addf %add3A_358, %mul3A_365 : vector<16xf32>
        %gather3A_367 = tpu.vector_load_idx %arg14[%add3A_79, %broadcast_in_dim3A_360] : memref<128x64xf32, #tpu.memory_space<vmem>>[vector<16xi32>, vector<16xi32>], vector<16xf32>,
        %gather3A_368 = tpu.vector_load_idx %arg16[%add3A_79, %broadcast_in_dim3A_360] : memref<128x64xf32, #tpu.memory_space<vmem>>[vector<16xi32>, vector<16xi32>], vector<16xf32>,
        %gather3A_369 = tpu.vector_load_idx %arg18[%add3A_79, %broadcast_in_dim3A_360] : memref<128x64xf32, #tpu.memory_space<vmem>>[vector<16xi32>, vector<16xi32>], vector<16xf32>,
        %sub3A_370 = arith.subf %gather3A_368, %gather3A_369 : vector<16xf32>
        %mul3A_371 = arith.mulf %gather3A_367, %sub3A_370 : vector<16xf32>
        %add3A_372 = arith.addf %add3A_366, %mul3A_371 : vector<16xf32>
        %broadcast_in_dim3A_373 = arith.constant 21 : i32
        %broadcast_in_dim3A_374 = vector.broadcast %broadcast_in_dim3A_373 : i32 to vector<16xi32>
        %gather3A_375 = tpu.vector_load_idx %arg13[%add3A_79, %broadcast_in_dim3A_374] : memref<128x64xf32, #tpu.memory_space<vmem>>[vector<16xi32>, vector<16xi32>], vector<16xf32>,
        %gather3A_376 = tpu.vector_load_idx %arg15[%add3A_79, %broadcast_in_dim3A_374] : memref<128x64xf32, #tpu.memory_space<vmem>>[vector<16xi32>, vector<16xi32>], vector<16xf32>,
        %gather3A_377 = tpu.vector_load_idx %arg17[%add3A_79, %broadcast_in_dim3A_374] : memref<128x64xf32, #tpu.memory_space<vmem>>[vector<16xi32>, vector<16xi32>], vector<16xf32>,
        %sub3A_378 = arith.subf %gather3A_376, %gather3A_377 : vector<16xf32>
        %mul3A_379 = arith.mulf %gather3A_375, %sub3A_378 : vector<16xf32>
        %add3A_380 = arith.addf %add3A_372, %mul3A_379 : vector<16xf32>
        %gather3A_381 = tpu.vector_load_idx %arg14[%add3A_79, %broadcast_in_dim3A_374] : memref<128x64xf32, #tpu.memory_space<vmem>>[vector<16xi32>, vector<16xi32>], vector<16xf32>,
        %gather3A_382 = tpu.vector_load_idx %arg16[%add3A_79, %broadcast_in_dim3A_374] : memref<128x64xf32, #tpu.memory_space<vmem>>[vector<16xi32>, vector<16xi32>], vector<16xf32>,
        %gather3A_383 = tpu.vector_load_idx %arg18[%add3A_79, %broadcast_in_dim3A_374] : memref<128x64xf32, #tpu.memory_space<vmem>>[vector<16xi32>, vector<16xi32>], vector<16xf32>,
        %sub3A_384 = arith.subf %gather3A_382, %gather3A_383 : vector<16xf32>
        %mul3A_385 = arith.mulf %gather3A_381, %sub3A_384 : vector<16xf32>
        %add3A_386 = arith.addf %add3A_380, %mul3A_385 : vector<16xf32>
        %broadcast_in_dim3A_387 = arith.constant 22 : i32
        %broadcast_in_dim3A_388 = vector.broadcast %broadcast_in_dim3A_387 : i32 to vector<16xi32>
        %gather3A_389 = tpu.vector_load_idx %arg13[%add3A_79, %broadcast_in_dim3A_388] : memref<128x64xf32, #tpu.memory_space<vmem>>[vector<16xi32>, vector<16xi32>], vector<16xf32>,
        %gather3A_390 = tpu.vector_load_idx %arg15[%add3A_79, %broadcast_in_dim3A_388] : memref<128x64xf32, #tpu.memory_space<vmem>>[vector<16xi32>, vector<16xi32>], vector<16xf32>,
        %gather3A_391 = tpu.vector_load_idx %arg17[%add3A_79, %broadcast_in_dim3A_388] : memref<128x64xf32, #tpu.memory_space<vmem>>[vector<16xi32>, vector<16xi32>], vector<16xf32>,
        %sub3A_392 = arith.subf %gather3A_390, %gather3A_391 : vector<16xf32>
        %mul3A_393 = arith.mulf %gather3A_389, %sub3A_392 : vector<16xf32>
        %add3A_394 = arith.addf %add3A_386, %mul3A_393 : vector<16xf32>
        %gather3A_395 = tpu.vector_load_idx %arg14[%add3A_79, %broadcast_in_dim3A_388] : memref<128x64xf32, #tpu.memory_space<vmem>>[vector<16xi32>, vector<16xi32>], vector<16xf32>,
        %gather3A_396 = tpu.vector_load_idx %arg16[%add3A_79, %broadcast_in_dim3A_388] : memref<128x64xf32, #tpu.memory_space<vmem>>[vector<16xi32>, vector<16xi32>], vector<16xf32>,
        %gather3A_397 = tpu.vector_load_idx %arg18[%add3A_79, %broadcast_in_dim3A_388] : memref<128x64xf32, #tpu.memory_space<vmem>>[vector<16xi32>, vector<16xi32>], vector<16xf32>,
        %sub3A_398 = arith.subf %gather3A_396, %gather3A_397 : vector<16xf32>
        %mul3A_399 = arith.mulf %gather3A_395, %sub3A_398 : vector<16xf32>
        %add3A_400 = arith.addf %add3A_394, %mul3A_399 : vector<16xf32>
        %broadcast_in_dim3A_401 = arith.constant 23 : i32
        %broadcast_in_dim3A_402 = vector.broadcast %broadcast_in_dim3A_401 : i32 to vector<16xi32>
        %gather3A_403 = tpu.vector_load_idx %arg13[%add3A_79, %broadcast_in_dim3A_402] : memref<128x64xf32, #tpu.memory_space<vmem>>[vector<16xi32>, vector<16xi32>], vector<16xf32>,
        %gather3A_404 = tpu.vector_load_idx %arg15[%add3A_79, %broadcast_in_dim3A_402] : memref<128x64xf32, #tpu.memory_space<vmem>>[vector<16xi32>, vector<16xi32>], vector<16xf32>,
        %gather3A_405 = tpu.vector_load_idx %arg17[%add3A_79, %broadcast_in_dim3A_402] : memref<128x64xf32, #tpu.memory_space<vmem>>[vector<16xi32>, vector<16xi32>], vector<16xf32>,
        %sub3A_406 = arith.subf %gather3A_404, %gather3A_405 : vector<16xf32>
        %mul3A_407 = arith.mulf %gather3A_403, %sub3A_406 : vector<16xf32>
        %add3A_408 = arith.addf %add3A_400, %mul3A_407 : vector<16xf32>
        %gather3A_409 = tpu.vector_load_idx %arg14[%add3A_79, %broadcast_in_dim3A_402] : memref<128x64xf32, #tpu.memory_space<vmem>>[vector<16xi32>, vector<16xi32>], vector<16xf32>,
        %gather3A_410 = tpu.vector_load_idx %arg16[%add3A_79, %broadcast_in_dim3A_402] : memref<128x64xf32, #tpu.memory_space<vmem>>[vector<16xi32>, vector<16xi32>], vector<16xf32>,
        %gather3A_411 = tpu.vector_load_idx %arg18[%add3A_79, %broadcast_in_dim3A_402] : memref<128x64xf32, #tpu.memory_space<vmem>>[vector<16xi32>, vector<16xi32>], vector<16xf32>,
        %sub3A_412 = arith.subf %gather3A_410, %gather3A_411 : vector<16xf32>
        %mul3A_413 = arith.mulf %gather3A_409, %sub3A_412 : vector<16xf32>
        %add3A_414 = arith.addf %add3A_408, %mul3A_413 : vector<16xf32>
        %broadcast_in_dim3A_415 = arith.constant 24 : i32
        %broadcast_in_dim3A_416 = vector.broadcast %broadcast_in_dim3A_415 : i32 to vector<16xi32>
        %gather3A_417 = tpu.vector_load_idx %arg13[%add3A_79, %broadcast_in_dim3A_416] : memref<128x64xf32, #tpu.memory_space<vmem>>[vector<16xi32>, vector<16xi32>], vector<16xf32>,
        %gather3A_418 = tpu.vector_load_idx %arg15[%add3A_79, %broadcast_in_dim3A_416] : memref<128x64xf32, #tpu.memory_space<vmem>>[vector<16xi32>, vector<16xi32>], vector<16xf32>,
        %gather3A_419 = tpu.vector_load_idx %arg17[%add3A_79, %broadcast_in_dim3A_416] : memref<128x64xf32, #tpu.memory_space<vmem>>[vector<16xi32>, vector<16xi32>], vector<16xf32>,
        %sub3A_420 = arith.subf %gather3A_418, %gather3A_419 : vector<16xf32>
        %mul3A_421 = arith.mulf %gather3A_417, %sub3A_420 : vector<16xf32>
        %add3A_422 = arith.addf %add3A_414, %mul3A_421 : vector<16xf32>
        %gather3A_423 = tpu.vector_load_idx %arg14[%add3A_79, %broadcast_in_dim3A_416] : memref<128x64xf32, #tpu.memory_space<vmem>>[vector<16xi32>, vector<16xi32>], vector<16xf32>,
        %gather3A_424 = tpu.vector_load_idx %arg16[%add3A_79, %broadcast_in_dim3A_416] : memref<128x64xf32, #tpu.memory_space<vmem>>[vector<16xi32>, vector<16xi32>], vector<16xf32>,
        %gather3A_425 = tpu.vector_load_idx %arg18[%add3A_79, %broadcast_in_dim3A_416] : memref<128x64xf32, #tpu.memory_space<vmem>>[vector<16xi32>, vector<16xi32>], vector<16xf32>,
        %sub3A_426 = arith.subf %gather3A_424, %gather3A_425 : vector<16xf32>
        %mul3A_427 = arith.mulf %gather3A_423, %sub3A_426 : vector<16xf32>
        %add3A_428 = arith.addf %add3A_422, %mul3A_427 : vector<16xf32>
        %broadcast_in_dim3A_429 = arith.constant 25 : i32
        %broadcast_in_dim3A_430 = vector.broadcast %broadcast_in_dim3A_429 : i32 to vector<16xi32>
        %gather3A_431 = tpu.vector_load_idx %arg13[%add3A_79, %broadcast_in_dim3A_430] : memref<128x64xf32, #tpu.memory_space<vmem>>[vector<16xi32>, vector<16xi32>], vector<16xf32>,
        %gather3A_432 = tpu.vector_load_idx %arg15[%add3A_79, %broadcast_in_dim3A_430] : memref<128x64xf32, #tpu.memory_space<vmem>>[vector<16xi32>, vector<16xi32>], vector<16xf32>,
        %gather3A_433 = tpu.vector_load_idx %arg17[%add3A_79, %broadcast_in_dim3A_430] : memref<128x64xf32, #tpu.memory_space<vmem>>[vector<16xi32>, vector<16xi32>], vector<16xf32>,
        %sub3A_434 = arith.subf %gather3A_432, %gather3A_433 : vector<16xf32>
        %mul3A_435 = arith.mulf %gather3A_431, %sub3A_434 : vector<16xf32>
        %add3A_436 = arith.addf %add3A_428, %mul3A_435 : vector<16xf32>
        %gather3A_437 = tpu.vector_load_idx %arg14[%add3A_79, %broadcast_in_dim3A_430] : memref<128x64xf32, #tpu.memory_space<vmem>>[vector<16xi32>, vector<16xi32>], vector<16xf32>,
        %gather3A_438 = tpu.vector_load_idx %arg16[%add3A_79, %broadcast_in_dim3A_430] : memref<128x64xf32, #tpu.memory_space<vmem>>[vector<16xi32>, vector<16xi32>], vector<16xf32>,
        %gather3A_439 = tpu.vector_load_idx %arg18[%add3A_79, %broadcast_in_dim3A_430] : memref<128x64xf32, #tpu.memory_space<vmem>>[vector<16xi32>, vector<16xi32>], vector<16xf32>,
        %sub3A_440 = arith.subf %gather3A_438, %gather3A_439 : vector<16xf32>
        %mul3A_441 = arith.mulf %gather3A_437, %sub3A_440 : vector<16xf32>
        %add3A_442 = arith.addf %add3A_436, %mul3A_441 : vector<16xf32>
        %broadcast_in_dim3A_443 = arith.constant 26 : i32
        %broadcast_in_dim3A_444 = vector.broadcast %broadcast_in_dim3A_443 : i32 to vector<16xi32>
        %gather3A_445 = tpu.vector_load_idx %arg13[%add3A_79, %broadcast_in_dim3A_444] : memref<128x64xf32, #tpu.memory_space<vmem>>[vector<16xi32>, vector<16xi32>], vector<16xf32>,
        %gather3A_446 = tpu.vector_load_idx %arg15[%add3A_79, %broadcast_in_dim3A_444] : memref<128x64xf32, #tpu.memory_space<vmem>>[vector<16xi32>, vector<16xi32>], vector<16xf32>,
        %gather3A_447 = tpu.vector_load_idx %arg17[%add3A_79, %broadcast_in_dim3A_444] : memref<128x64xf32, #tpu.memory_space<vmem>>[vector<16xi32>, vector<16xi32>], vector<16xf32>,
        %sub3A_448 = arith.subf %gather3A_446, %gather3A_447 : vector<16xf32>
        %mul3A_449 = arith.mulf %gather3A_445, %sub3A_448 : vector<16xf32>
        %add3A_450 = arith.addf %add3A_442, %mul3A_449 : vector<16xf32>
        %gather3A_451 = tpu.vector_load_idx %arg14[%add3A_79, %broadcast_in_dim3A_444] : memref<128x64xf32, #tpu.memory_space<vmem>>[vector<16xi32>, vector<16xi32>], vector<16xf32>,
        %gather3A_452 = tpu.vector_load_idx %arg16[%add3A_79, %broadcast_in_dim3A_444] : memref<128x64xf32, #tpu.memory_space<vmem>>[vector<16xi32>, vector<16xi32>], vector<16xf32>,
        %gather3A_453 = tpu.vector_load_idx %arg18[%add3A_79, %broadcast_in_dim3A_444] : memref<128x64xf32, #tpu.memory_space<vmem>>[vector<16xi32>, vector<16xi32>], vector<16xf32>,
        %sub3A_454 = arith.subf %gather3A_452, %gather3A_453 : vector<16xf32>
        %mul3A_455 = arith.mulf %gather3A_451, %sub3A_454 : vector<16xf32>
        %add3A_456 = arith.addf %add3A_450, %mul3A_455 : vector<16xf32>
        %broadcast_in_dim3A_457 = arith.constant 27 : i32
        %broadcast_in_dim3A_458 = vector.broadcast %broadcast_in_dim3A_457 : i32 to vector<16xi32>
        %gather3A_459 = tpu.vector_load_idx %arg13[%add3A_79, %broadcast_in_dim3A_458] : memref<128x64xf32, #tpu.memory_space<vmem>>[vector<16xi32>, vector<16xi32>], vector<16xf32>,
        %gather3A_460 = tpu.vector_load_idx %arg15[%add3A_79, %broadcast_in_dim3A_458] : memref<128x64xf32, #tpu.memory_space<vmem>>[vector<16xi32>, vector<16xi32>], vector<16xf32>,
        %gather3A_461 = tpu.vector_load_idx %arg17[%add3A_79, %broadcast_in_dim3A_458] : memref<128x64xf32, #tpu.memory_space<vmem>>[vector<16xi32>, vector<16xi32>], vector<16xf32>,
        %sub3A_462 = arith.subf %gather3A_460, %gather3A_461 : vector<16xf32>
        %mul3A_463 = arith.mulf %gather3A_459, %sub3A_462 : vector<16xf32>
        %add3A_464 = arith.addf %add3A_456, %mul3A_463 : vector<16xf32>
        %gather3A_465 = tpu.vector_load_idx %arg14[%add3A_79, %broadcast_in_dim3A_458] : memref<128x64xf32, #tpu.memory_space<vmem>>[vector<16xi32>, vector<16xi32>], vector<16xf32>,
        %gather3A_466 = tpu.vector_load_idx %arg16[%add3A_79, %broadcast_in_dim3A_458] : memref<128x64xf32, #tpu.memory_space<vmem>>[vector<16xi32>, vector<16xi32>], vector<16xf32>,
        %gather3A_467 = tpu.vector_load_idx %arg18[%add3A_79, %broadcast_in_dim3A_458] : memref<128x64xf32, #tpu.memory_space<vmem>>[vector<16xi32>, vector<16xi32>], vector<16xf32>,
        %sub3A_468 = arith.subf %gather3A_466, %gather3A_467 : vector<16xf32>
        %mul3A_469 = arith.mulf %gather3A_465, %sub3A_468 : vector<16xf32>
        %add3A_470 = arith.addf %add3A_464, %mul3A_469 : vector<16xf32>
        %broadcast_in_dim3A_471 = arith.constant 28 : i32
        %broadcast_in_dim3A_472 = vector.broadcast %broadcast_in_dim3A_471 : i32 to vector<16xi32>
        %gather3A_473 = tpu.vector_load_idx %arg13[%add3A_79, %broadcast_in_dim3A_472] : memref<128x64xf32, #tpu.memory_space<vmem>>[vector<16xi32>, vector<16xi32>], vector<16xf32>,
        %gather3A_474 = tpu.vector_load_idx %arg15[%add3A_79, %broadcast_in_dim3A_472] : memref<128x64xf32, #tpu.memory_space<vmem>>[vector<16xi32>, vector<16xi32>], vector<16xf32>,
        %gather3A_475 = tpu.vector_load_idx %arg17[%add3A_79, %broadcast_in_dim3A_472] : memref<128x64xf32, #tpu.memory_space<vmem>>[vector<16xi32>, vector<16xi32>], vector<16xf32>,
        %sub3A_476 = arith.subf %gather3A_474, %gather3A_475 : vector<16xf32>
        %mul3A_477 = arith.mulf %gather3A_473, %sub3A_476 : vector<16xf32>
        %add3A_478 = arith.addf %add3A_470, %mul3A_477 : vector<16xf32>
        %gather3A_479 = tpu.vector_load_idx %arg14[%add3A_79, %broadcast_in_dim3A_472] : memref<128x64xf32, #tpu.memory_space<vmem>>[vector<16xi32>, vector<16xi32>], vector<16xf32>,
        %gather3A_480 = tpu.vector_load_idx %arg16[%add3A_79, %broadcast_in_dim3A_472] : memref<128x64xf32, #tpu.memory_space<vmem>>[vector<16xi32>, vector<16xi32>], vector<16xf32>,
        %gather3A_481 = tpu.vector_load_idx %arg18[%add3A_79, %broadcast_in_dim3A_472] : memref<128x64xf32, #tpu.memory_space<vmem>>[vector<16xi32>, vector<16xi32>], vector<16xf32>,
        %sub3A_482 = arith.subf %gather3A_480, %gather3A_481 : vector<16xf32>
        %mul3A_483 = arith.mulf %gather3A_479, %sub3A_482 : vector<16xf32>
        %add3A_484 = arith.addf %add3A_478, %mul3A_483 : vector<16xf32>
        %broadcast_in_dim3A_485 = arith.constant 29 : i32
        %broadcast_in_dim3A_486 = vector.broadcast %broadcast_in_dim3A_485 : i32 to vector<16xi32>
        %gather3A_487 = tpu.vector_load_idx %arg13[%add3A_79, %broadcast_in_dim3A_486] : memref<128x64xf32, #tpu.memory_space<vmem>>[vector<16xi32>, vector<16xi32>], vector<16xf32>,
        %gather3A_488 = tpu.vector_load_idx %arg15[%add3A_79, %broadcast_in_dim3A_486] : memref<128x64xf32, #tpu.memory_space<vmem>>[vector<16xi32>, vector<16xi32>], vector<16xf32>,
        %gather3A_489 = tpu.vector_load_idx %arg17[%add3A_79, %broadcast_in_dim3A_486] : memref<128x64xf32, #tpu.memory_space<vmem>>[vector<16xi32>, vector<16xi32>], vector<16xf32>,
        %sub3A_490 = arith.subf %gather3A_488, %gather3A_489 : vector<16xf32>
        %mul3A_491 = arith.mulf %gather3A_487, %sub3A_490 : vector<16xf32>
        %add3A_492 = arith.addf %add3A_484, %mul3A_491 : vector<16xf32>
        %gather3A_493 = tpu.vector_load_idx %arg14[%add3A_79, %broadcast_in_dim3A_486] : memref<128x64xf32, #tpu.memory_space<vmem>>[vector<16xi32>, vector<16xi32>], vector<16xf32>,
        %gather3A_494 = tpu.vector_load_idx %arg16[%add3A_79, %broadcast_in_dim3A_486] : memref<128x64xf32, #tpu.memory_space<vmem>>[vector<16xi32>, vector<16xi32>], vector<16xf32>,
        %gather3A_495 = tpu.vector_load_idx %arg18[%add3A_79, %broadcast_in_dim3A_486] : memref<128x64xf32, #tpu.memory_space<vmem>>[vector<16xi32>, vector<16xi32>], vector<16xf32>,
        %sub3A_496 = arith.subf %gather3A_494, %gather3A_495 : vector<16xf32>
        %mul3A_497 = arith.mulf %gather3A_493, %sub3A_496 : vector<16xf32>
        %add3A_498 = arith.addf %add3A_492, %mul3A_497 : vector<16xf32>
        %broadcast_in_dim3A_499 = arith.constant 30 : i32
        %broadcast_in_dim3A_500 = vector.broadcast %broadcast_in_dim3A_499 : i32 to vector<16xi32>
        %gather3A_501 = tpu.vector_load_idx %arg13[%add3A_79, %broadcast_in_dim3A_500] : memref<128x64xf32, #tpu.memory_space<vmem>>[vector<16xi32>, vector<16xi32>], vector<16xf32>,
        %gather3A_502 = tpu.vector_load_idx %arg15[%add3A_79, %broadcast_in_dim3A_500] : memref<128x64xf32, #tpu.memory_space<vmem>>[vector<16xi32>, vector<16xi32>], vector<16xf32>,
        %gather3A_503 = tpu.vector_load_idx %arg17[%add3A_79, %broadcast_in_dim3A_500] : memref<128x64xf32, #tpu.memory_space<vmem>>[vector<16xi32>, vector<16xi32>], vector<16xf32>,
        %sub3A_504 = arith.subf %gather3A_502, %gather3A_503 : vector<16xf32>
        %mul3A_505 = arith.mulf %gather3A_501, %sub3A_504 : vector<16xf32>
        %add3A_506 = arith.addf %add3A_498, %mul3A_505 : vector<16xf32>
        %gather3A_507 = tpu.vector_load_idx %arg14[%add3A_79, %broadcast_in_dim3A_500] : memref<128x64xf32, #tpu.memory_space<vmem>>[vector<16xi32>, vector<16xi32>], vector<16xf32>,
        %gather3A_508 = tpu.vector_load_idx %arg16[%add3A_79, %broadcast_in_dim3A_500] : memref<128x64xf32, #tpu.memory_space<vmem>>[vector<16xi32>, vector<16xi32>], vector<16xf32>,
        %gather3A_509 = tpu.vector_load_idx %arg18[%add3A_79, %broadcast_in_dim3A_500] : memref<128x64xf32, #tpu.memory_space<vmem>>[vector<16xi32>, vector<16xi32>], vector<16xf32>,
        %sub3A_510 = arith.subf %gather3A_508, %gather3A_509 : vector<16xf32>
        %mul3A_511 = arith.mulf %gather3A_507, %sub3A_510 : vector<16xf32>
        %add3A_512 = arith.addf %add3A_506, %mul3A_511 : vector<16xf32>
        %broadcast_in_dim3A_513 = arith.constant 31 : i32
        %broadcast_in_dim3A_514 = vector.broadcast %broadcast_in_dim3A_513 : i32 to vector<16xi32>
        %gather3A_515 = tpu.vector_load_idx %arg13[%add3A_79, %broadcast_in_dim3A_514] : memref<128x64xf32, #tpu.memory_space<vmem>>[vector<16xi32>, vector<16xi32>], vector<16xf32>,
        %gather3A_516 = tpu.vector_load_idx %arg15[%add3A_79, %broadcast_in_dim3A_514] : memref<128x64xf32, #tpu.memory_space<vmem>>[vector<16xi32>, vector<16xi32>], vector<16xf32>,
        %gather3A_517 = tpu.vector_load_idx %arg17[%add3A_79, %broadcast_in_dim3A_514] : memref<128x64xf32, #tpu.memory_space<vmem>>[vector<16xi32>, vector<16xi32>], vector<16xf32>,
        %sub3A_518 = arith.subf %gather3A_516, %gather3A_517 : vector<16xf32>
        %mul3A_519 = arith.mulf %gather3A_515, %sub3A_518 : vector<16xf32>
        %add3A_520 = arith.addf %add3A_512, %mul3A_519 : vector<16xf32>
        %gather3A_521 = tpu.vector_load_idx %arg14[%add3A_79, %broadcast_in_dim3A_514] : memref<128x64xf32, #tpu.memory_space<vmem>>[vector<16xi32>, vector<16xi32>], vector<16xf32>,
        %gather3A_522 = tpu.vector_load_idx %arg16[%add3A_79, %broadcast_in_dim3A_514] : memref<128x64xf32, #tpu.memory_space<vmem>>[vector<16xi32>, vector<16xi32>], vector<16xf32>,
        %gather3A_523 = tpu.vector_load_idx %arg18[%add3A_79, %broadcast_in_dim3A_514] : memref<128x64xf32, #tpu.memory_space<vmem>>[vector<16xi32>, vector<16xi32>], vector<16xf32>,
        %sub3A_524 = arith.subf %gather3A_522, %gather3A_523 : vector<16xf32>
        %mul3A_525 = arith.mulf %gather3A_521, %sub3A_524 : vector<16xf32>
        %add3A_526 = arith.addf %add3A_520, %mul3A_525 : vector<16xf32>
        %broadcast_in_dim3A_527 = arith.constant 32 : i32
        %broadcast_in_dim3A_528 = vector.broadcast %broadcast_in_dim3A_527 : i32 to vector<16xi32>
        %gather3A_529 = tpu.vector_load_idx %arg13[%add3A_79, %broadcast_in_dim3A_528] : memref<128x64xf32, #tpu.memory_space<vmem>>[vector<16xi32>, vector<16xi32>], vector<16xf32>,
        %gather3A_530 = tpu.vector_load_idx %arg15[%add3A_79, %broadcast_in_dim3A_528] : memref<128x64xf32, #tpu.memory_space<vmem>>[vector<16xi32>, vector<16xi32>], vector<16xf32>,
        %gather3A_531 = tpu.vector_load_idx %arg17[%add3A_79, %broadcast_in_dim3A_528] : memref<128x64xf32, #tpu.memory_space<vmem>>[vector<16xi32>, vector<16xi32>], vector<16xf32>,
        %sub3A_532 = arith.subf %gather3A_530, %gather3A_531 : vector<16xf32>
        %mul3A_533 = arith.mulf %gather3A_529, %sub3A_532 : vector<16xf32>
        %add3A_534 = arith.addf %add3A_526, %mul3A_533 : vector<16xf32>
        %gather3A_535 = tpu.vector_load_idx %arg14[%add3A_79, %broadcast_in_dim3A_528] : memref<128x64xf32, #tpu.memory_space<vmem>>[vector<16xi32>, vector<16xi32>], vector<16xf32>,
        %gather3A_536 = tpu.vector_load_idx %arg16[%add3A_79, %broadcast_in_dim3A_528] : memref<128x64xf32, #tpu.memory_space<vmem>>[vector<16xi32>, vector<16xi32>], vector<16xf32>,
        %gather3A_537 = tpu.vector_load_idx %arg18[%add3A_79, %broadcast_in_dim3A_528] : memref<128x64xf32, #tpu.memory_space<vmem>>[vector<16xi32>, vector<16xi32>], vector<16xf32>,
        %sub3A_538 = arith.subf %gather3A_536, %gather3A_537 : vector<16xf32>
        %mul3A_539 = arith.mulf %gather3A_535, %sub3A_538 : vector<16xf32>
        %add3A_540 = arith.addf %add3A_534, %mul3A_539 : vector<16xf32>
        %broadcast_in_dim3A_541 = arith.constant 33 : i32
        %broadcast_in_dim3A_542 = vector.broadcast %broadcast_in_dim3A_541 : i32 to vector<16xi32>
        %gather3A_543 = tpu.vector_load_idx %arg13[%add3A_79, %broadcast_in_dim3A_542] : memref<128x64xf32, #tpu.memory_space<vmem>>[vector<16xi32>, vector<16xi32>], vector<16xf32>,
        %gather3A_544 = tpu.vector_load_idx %arg15[%add3A_79, %broadcast_in_dim3A_542] : memref<128x64xf32, #tpu.memory_space<vmem>>[vector<16xi32>, vector<16xi32>], vector<16xf32>,
        %gather3A_545 = tpu.vector_load_idx %arg17[%add3A_79, %broadcast_in_dim3A_542] : memref<128x64xf32, #tpu.memory_space<vmem>>[vector<16xi32>, vector<16xi32>], vector<16xf32>,
        %sub3A_546 = arith.subf %gather3A_544, %gather3A_545 : vector<16xf32>
        %mul3A_547 = arith.mulf %gather3A_543, %sub3A_546 : vector<16xf32>
        %add3A_548 = arith.addf %add3A_540, %mul3A_547 : vector<16xf32>
        %gather3A_549 = tpu.vector_load_idx %arg14[%add3A_79, %broadcast_in_dim3A_542] : memref<128x64xf32, #tpu.memory_space<vmem>>[vector<16xi32>, vector<16xi32>], vector<16xf32>,
        %gather3A_550 = tpu.vector_load_idx %arg16[%add3A_79, %broadcast_in_dim3A_542] : memref<128x64xf32, #tpu.memory_space<vmem>>[vector<16xi32>, vector<16xi32>], vector<16xf32>,
        %gather3A_551 = tpu.vector_load_idx %arg18[%add3A_79, %broadcast_in_dim3A_542] : memref<128x64xf32, #tpu.memory_space<vmem>>[vector<16xi32>, vector<16xi32>], vector<16xf32>,
        %sub3A_552 = arith.subf %gather3A_550, %gather3A_551 : vector<16xf32>
        %mul3A_553 = arith.mulf %gather3A_549, %sub3A_552 : vector<16xf32>
        %add3A_554 = arith.addf %add3A_548, %mul3A_553 : vector<16xf32>
        %broadcast_in_dim3A_555 = arith.constant 34 : i32
        %broadcast_in_dim3A_556 = vector.broadcast %broadcast_in_dim3A_555 : i32 to vector<16xi32>
        %gather3A_557 = tpu.vector_load_idx %arg13[%add3A_79, %broadcast_in_dim3A_556] : memref<128x64xf32, #tpu.memory_space<vmem>>[vector<16xi32>, vector<16xi32>], vector<16xf32>,
        %gather3A_558 = tpu.vector_load_idx %arg15[%add3A_79, %broadcast_in_dim3A_556] : memref<128x64xf32, #tpu.memory_space<vmem>>[vector<16xi32>, vector<16xi32>], vector<16xf32>,
        %gather3A_559 = tpu.vector_load_idx %arg17[%add3A_79, %broadcast_in_dim3A_556] : memref<128x64xf32, #tpu.memory_space<vmem>>[vector<16xi32>, vector<16xi32>], vector<16xf32>,
        %sub3A_560 = arith.subf %gather3A_558, %gather3A_559 : vector<16xf32>
        %mul3A_561 = arith.mulf %gather3A_557, %sub3A_560 : vector<16xf32>
        %add3A_562 = arith.addf %add3A_554, %mul3A_561 : vector<16xf32>
        %gather3A_563 = tpu.vector_load_idx %arg14[%add3A_79, %broadcast_in_dim3A_556] : memref<128x64xf32, #tpu.memory_space<vmem>>[vector<16xi32>, vector<16xi32>], vector<16xf32>,
        %gather3A_564 = tpu.vector_load_idx %arg16[%add3A_79, %broadcast_in_dim3A_556] : memref<128x64xf32, #tpu.memory_space<vmem>>[vector<16xi32>, vector<16xi32>], vector<16xf32>,
        %gather3A_565 = tpu.vector_load_idx %arg18[%add3A_79, %broadcast_in_dim3A_556] : memref<128x64xf32, #tpu.memory_space<vmem>>[vector<16xi32>, vector<16xi32>], vector<16xf32>,
        %sub3A_566 = arith.subf %gather3A_564, %gather3A_565 : vector<16xf32>
        %mul3A_567 = arith.mulf %gather3A_563, %sub3A_566 : vector<16xf32>
        %add3A_568 = arith.addf %add3A_562, %mul3A_567 : vector<16xf32>
        %broadcast_in_dim3A_569 = arith.constant 35 : i32
        %broadcast_in_dim3A_570 = vector.broadcast %broadcast_in_dim3A_569 : i32 to vector<16xi32>
        %gather3A_571 = tpu.vector_load_idx %arg13[%add3A_79, %broadcast_in_dim3A_570] : memref<128x64xf32, #tpu.memory_space<vmem>>[vector<16xi32>, vector<16xi32>], vector<16xf32>,
        %gather3A_572 = tpu.vector_load_idx %arg15[%add3A_79, %broadcast_in_dim3A_570] : memref<128x64xf32, #tpu.memory_space<vmem>>[vector<16xi32>, vector<16xi32>], vector<16xf32>,
        %gather3A_573 = tpu.vector_load_idx %arg17[%add3A_79, %broadcast_in_dim3A_570] : memref<128x64xf32, #tpu.memory_space<vmem>>[vector<16xi32>, vector<16xi32>], vector<16xf32>,
        %sub3A_574 = arith.subf %gather3A_572, %gather3A_573 : vector<16xf32>
        %mul3A_575 = arith.mulf %gather3A_571, %sub3A_574 : vector<16xf32>
        %add3A_576 = arith.addf %add3A_568, %mul3A_575 : vector<16xf32>
        %gather3A_577 = tpu.vector_load_idx %arg14[%add3A_79, %broadcast_in_dim3A_570] : memref<128x64xf32, #tpu.memory_space<vmem>>[vector<16xi32>, vector<16xi32>], vector<16xf32>,
        %gather3A_578 = tpu.vector_load_idx %arg16[%add3A_79, %broadcast_in_dim3A_570] : memref<128x64xf32, #tpu.memory_space<vmem>>[vector<16xi32>, vector<16xi32>], vector<16xf32>,
        %gather3A_579 = tpu.vector_load_idx %arg18[%add3A_79, %broadcast_in_dim3A_570] : memref<128x64xf32, #tpu.memory_space<vmem>>[vector<16xi32>, vector<16xi32>], vector<16xf32>,
        %sub3A_580 = arith.subf %gather3A_578, %gather3A_579 : vector<16xf32>
        %mul3A_581 = arith.mulf %gather3A_577, %sub3A_580 : vector<16xf32>
        %add3A_582 = arith.addf %add3A_576, %mul3A_581 : vector<16xf32>
        %broadcast_in_dim3A_583 = arith.constant 36 : i32
        %broadcast_in_dim3A_584 = vector.broadcast %broadcast_in_dim3A_583 : i32 to vector<16xi32>
        %gather3A_585 = tpu.vector_load_idx %arg13[%add3A_79, %broadcast_in_dim3A_584] : memref<128x64xf32, #tpu.memory_space<vmem>>[vector<16xi32>, vector<16xi32>], vector<16xf32>,
        %gather3A_586 = tpu.vector_load_idx %arg15[%add3A_79, %broadcast_in_dim3A_584] : memref<128x64xf32, #tpu.memory_space<vmem>>[vector<16xi32>, vector<16xi32>], vector<16xf32>,
        %gather3A_587 = tpu.vector_load_idx %arg17[%add3A_79, %broadcast_in_dim3A_584] : memref<128x64xf32, #tpu.memory_space<vmem>>[vector<16xi32>, vector<16xi32>], vector<16xf32>,
        %sub3A_588 = arith.subf %gather3A_586, %gather3A_587 : vector<16xf32>
        %mul3A_589 = arith.mulf %gather3A_585, %sub3A_588 : vector<16xf32>
        %add3A_590 = arith.addf %add3A_582, %mul3A_589 : vector<16xf32>
        %gather3A_591 = tpu.vector_load_idx %arg14[%add3A_79, %broadcast_in_dim3A_584] : memref<128x64xf32, #tpu.memory_space<vmem>>[vector<16xi32>, vector<16xi32>], vector<16xf32>,
        %gather3A_592 = tpu.vector_load_idx %arg16[%add3A_79, %broadcast_in_dim3A_584] : memref<128x64xf32, #tpu.memory_space<vmem>>[vector<16xi32>, vector<16xi32>], vector<16xf32>,
        %gather3A_593 = tpu.vector_load_idx %arg18[%add3A_79, %broadcast_in_dim3A_584] : memref<128x64xf32, #tpu.memory_space<vmem>>[vector<16xi32>, vector<16xi32>], vector<16xf32>,
        %sub3A_594 = arith.subf %gather3A_592, %gather3A_593 : vector<16xf32>
        %mul3A_595 = arith.mulf %gather3A_591, %sub3A_594 : vector<16xf32>
        %add3A_596 = arith.addf %add3A_590, %mul3A_595 : vector<16xf32>
        %broadcast_in_dim3A_597 = arith.constant 37 : i32
        %broadcast_in_dim3A_598 = vector.broadcast %broadcast_in_dim3A_597 : i32 to vector<16xi32>
        %gather3A_599 = tpu.vector_load_idx %arg13[%add3A_79, %broadcast_in_dim3A_598] : memref<128x64xf32, #tpu.memory_space<vmem>>[vector<16xi32>, vector<16xi32>], vector<16xf32>,
        %gather3A_600 = tpu.vector_load_idx %arg15[%add3A_79, %broadcast_in_dim3A_598] : memref<128x64xf32, #tpu.memory_space<vmem>>[vector<16xi32>, vector<16xi32>], vector<16xf32>,
        %gather3A_601 = tpu.vector_load_idx %arg17[%add3A_79, %broadcast_in_dim3A_598] : memref<128x64xf32, #tpu.memory_space<vmem>>[vector<16xi32>, vector<16xi32>], vector<16xf32>,
        %sub3A_602 = arith.subf %gather3A_600, %gather3A_601 : vector<16xf32>
        %mul3A_603 = arith.mulf %gather3A_599, %sub3A_602 : vector<16xf32>
        %add3A_604 = arith.addf %add3A_596, %mul3A_603 : vector<16xf32>
        %gather3A_605 = tpu.vector_load_idx %arg14[%add3A_79, %broadcast_in_dim3A_598] : memref<128x64xf32, #tpu.memory_space<vmem>>[vector<16xi32>, vector<16xi32>], vector<16xf32>,
        %gather3A_606 = tpu.vector_load_idx %arg16[%add3A_79, %broadcast_in_dim3A_598] : memref<128x64xf32, #tpu.memory_space<vmem>>[vector<16xi32>, vector<16xi32>], vector<16xf32>,
        %gather3A_607 = tpu.vector_load_idx %arg18[%add3A_79, %broadcast_in_dim3A_598] : memref<128x64xf32, #tpu.memory_space<vmem>>[vector<16xi32>, vector<16xi32>], vector<16xf32>,
        %sub3A_608 = arith.subf %gather3A_606, %gather3A_607 : vector<16xf32>
        %mul3A_609 = arith.mulf %gather3A_605, %sub3A_608 : vector<16xf32>
        %add3A_610 = arith.addf %add3A_604, %mul3A_609 : vector<16xf32>
        %broadcast_in_dim3A_611 = arith.constant 38 : i32
        %broadcast_in_dim3A_612 = vector.broadcast %broadcast_in_dim3A_611 : i32 to vector<16xi32>
        %gather3A_613 = tpu.vector_load_idx %arg13[%add3A_79, %broadcast_in_dim3A_612] : memref<128x64xf32, #tpu.memory_space<vmem>>[vector<16xi32>, vector<16xi32>], vector<16xf32>,
        %gather3A_614 = tpu.vector_load_idx %arg15[%add3A_79, %broadcast_in_dim3A_612] : memref<128x64xf32, #tpu.memory_space<vmem>>[vector<16xi32>, vector<16xi32>], vector<16xf32>,
        %gather3A_615 = tpu.vector_load_idx %arg17[%add3A_79, %broadcast_in_dim3A_612] : memref<128x64xf32, #tpu.memory_space<vmem>>[vector<16xi32>, vector<16xi32>], vector<16xf32>,
        %sub3A_616 = arith.subf %gather3A_614, %gather3A_615 : vector<16xf32>
        %mul3A_617 = arith.mulf %gather3A_613, %sub3A_616 : vector<16xf32>
        %add3A_618 = arith.addf %add3A_610, %mul3A_617 : vector<16xf32>
        %gather3A_619 = tpu.vector_load_idx %arg14[%add3A_79, %broadcast_in_dim3A_612] : memref<128x64xf32, #tpu.memory_space<vmem>>[vector<16xi32>, vector<16xi32>], vector<16xf32>,
        %gather3A_620 = tpu.vector_load_idx %arg16[%add3A_79, %broadcast_in_dim3A_612] : memref<128x64xf32, #tpu.memory_space<vmem>>[vector<16xi32>, vector<16xi32>], vector<16xf32>,
        %gather3A_621 = tpu.vector_load_idx %arg18[%add3A_79, %broadcast_in_dim3A_612] : memref<128x64xf32, #tpu.memory_space<vmem>>[vector<16xi32>, vector<16xi32>], vector<16xf32>,
        %sub3A_622 = arith.subf %gather3A_620, %gather3A_621 : vector<16xf32>
        %mul3A_623 = arith.mulf %gather3A_619, %sub3A_622 : vector<16xf32>
        %add3A_624 = arith.addf %add3A_618, %mul3A_623 : vector<16xf32>
        %broadcast_in_dim3A_625 = arith.constant 39 : i32
        %broadcast_in_dim3A_626 = vector.broadcast %broadcast_in_dim3A_625 : i32 to vector<16xi32>
        %gather3A_627 = tpu.vector_load_idx %arg13[%add3A_79, %broadcast_in_dim3A_626] : memref<128x64xf32, #tpu.memory_space<vmem>>[vector<16xi32>, vector<16xi32>], vector<16xf32>,
        %gather3A_628 = tpu.vector_load_idx %arg15[%add3A_79, %broadcast_in_dim3A_626] : memref<128x64xf32, #tpu.memory_space<vmem>>[vector<16xi32>, vector<16xi32>], vector<16xf32>,
        %gather3A_629 = tpu.vector_load_idx %arg17[%add3A_79, %broadcast_in_dim3A_626] : memref<128x64xf32, #tpu.memory_space<vmem>>[vector<16xi32>, vector<16xi32>], vector<16xf32>,
        %sub3A_630 = arith.subf %gather3A_628, %gather3A_629 : vector<16xf32>
        %mul3A_631 = arith.mulf %gather3A_627, %sub3A_630 : vector<16xf32>
        %add3A_632 = arith.addf %add3A_624, %mul3A_631 : vector<16xf32>
        %gather3A_633 = tpu.vector_load_idx %arg14[%add3A_79, %broadcast_in_dim3A_626] : memref<128x64xf32, #tpu.memory_space<vmem>>[vector<16xi32>, vector<16xi32>], vector<16xf32>,
        %gather3A_634 = tpu.vector_load_idx %arg16[%add3A_79, %broadcast_in_dim3A_626] : memref<128x64xf32, #tpu.memory_space<vmem>>[vector<16xi32>, vector<16xi32>], vector<16xf32>,
        %gather3A_635 = tpu.vector_load_idx %arg18[%add3A_79, %broadcast_in_dim3A_626] : memref<128x64xf32, #tpu.memory_space<vmem>>[vector<16xi32>, vector<16xi32>], vector<16xf32>,
        %sub3A_636 = arith.subf %gather3A_634, %gather3A_635 : vector<16xf32>
        %mul3A_637 = arith.mulf %gather3A_633, %sub3A_636 : vector<16xf32>
        %add3A_638 = arith.addf %add3A_632, %mul3A_637 : vector<16xf32>
        %broadcast_in_dim3A_639 = arith.constant 40 : i32
        %broadcast_in_dim3A_640 = vector.broadcast %broadcast_in_dim3A_639 : i32 to vector<16xi32>
        %gather3A_641 = tpu.vector_load_idx %arg13[%add3A_79, %broadcast_in_dim3A_640] : memref<128x64xf32, #tpu.memory_space<vmem>>[vector<16xi32>, vector<16xi32>], vector<16xf32>,
        %gather3A_642 = tpu.vector_load_idx %arg15[%add3A_79, %broadcast_in_dim3A_640] : memref<128x64xf32, #tpu.memory_space<vmem>>[vector<16xi32>, vector<16xi32>], vector<16xf32>,
        %gather3A_643 = tpu.vector_load_idx %arg17[%add3A_79, %broadcast_in_dim3A_640] : memref<128x64xf32, #tpu.memory_space<vmem>>[vector<16xi32>, vector<16xi32>], vector<16xf32>,
        %sub3A_644 = arith.subf %gather3A_642, %gather3A_643 : vector<16xf32>
        %mul3A_645 = arith.mulf %gather3A_641, %sub3A_644 : vector<16xf32>
        %add3A_646 = arith.addf %add3A_638, %mul3A_645 : vector<16xf32>
        %gather3A_647 = tpu.vector_load_idx %arg14[%add3A_79, %broadcast_in_dim3A_640] : memref<128x64xf32, #tpu.memory_space<vmem>>[vector<16xi32>, vector<16xi32>], vector<16xf32>,
        %gather3A_648 = tpu.vector_load_idx %arg16[%add3A_79, %broadcast_in_dim3A_640] : memref<128x64xf32, #tpu.memory_space<vmem>>[vector<16xi32>, vector<16xi32>], vector<16xf32>,
        %gather3A_649 = tpu.vector_load_idx %arg18[%add3A_79, %broadcast_in_dim3A_640] : memref<128x64xf32, #tpu.memory_space<vmem>>[vector<16xi32>, vector<16xi32>], vector<16xf32>,
        %sub3A_650 = arith.subf %gather3A_648, %gather3A_649 : vector<16xf32>
        %mul3A_651 = arith.mulf %gather3A_647, %sub3A_650 : vector<16xf32>
        %add3A_652 = arith.addf %add3A_646, %mul3A_651 : vector<16xf32>
        %broadcast_in_dim3A_653 = arith.constant 41 : i32
        %broadcast_in_dim3A_654 = vector.broadcast %broadcast_in_dim3A_653 : i32 to vector<16xi32>
        %gather3A_655 = tpu.vector_load_idx %arg13[%add3A_79, %broadcast_in_dim3A_654] : memref<128x64xf32, #tpu.memory_space<vmem>>[vector<16xi32>, vector<16xi32>], vector<16xf32>,
        %gather3A_656 = tpu.vector_load_idx %arg15[%add3A_79, %broadcast_in_dim3A_654] : memref<128x64xf32, #tpu.memory_space<vmem>>[vector<16xi32>, vector<16xi32>], vector<16xf32>,
        %gather3A_657 = tpu.vector_load_idx %arg17[%add3A_79, %broadcast_in_dim3A_654] : memref<128x64xf32, #tpu.memory_space<vmem>>[vector<16xi32>, vector<16xi32>], vector<16xf32>,
        %sub3A_658 = arith.subf %gather3A_656, %gather3A_657 : vector<16xf32>
        %mul3A_659 = arith.mulf %gather3A_655, %sub3A_658 : vector<16xf32>
        %add3A_660 = arith.addf %add3A_652, %mul3A_659 : vector<16xf32>
        %gather3A_661 = tpu.vector_load_idx %arg14[%add3A_79, %broadcast_in_dim3A_654] : memref<128x64xf32, #tpu.memory_space<vmem>>[vector<16xi32>, vector<16xi32>], vector<16xf32>,
        %gather3A_662 = tpu.vector_load_idx %arg16[%add3A_79, %broadcast_in_dim3A_654] : memref<128x64xf32, #tpu.memory_space<vmem>>[vector<16xi32>, vector<16xi32>], vector<16xf32>,
        %gather3A_663 = tpu.vector_load_idx %arg18[%add3A_79, %broadcast_in_dim3A_654] : memref<128x64xf32, #tpu.memory_space<vmem>>[vector<16xi32>, vector<16xi32>], vector<16xf32>,
        %sub3A_664 = arith.subf %gather3A_662, %gather3A_663 : vector<16xf32>
        %mul3A_665 = arith.mulf %gather3A_661, %sub3A_664 : vector<16xf32>
        %add3A_666 = arith.addf %add3A_660, %mul3A_665 : vector<16xf32>
        %broadcast_in_dim3A_667 = arith.constant 42 : i32
        %broadcast_in_dim3A_668 = vector.broadcast %broadcast_in_dim3A_667 : i32 to vector<16xi32>
        %gather3A_669 = tpu.vector_load_idx %arg13[%add3A_79, %broadcast_in_dim3A_668] : memref<128x64xf32, #tpu.memory_space<vmem>>[vector<16xi32>, vector<16xi32>], vector<16xf32>,
        %gather3A_670 = tpu.vector_load_idx %arg15[%add3A_79, %broadcast_in_dim3A_668] : memref<128x64xf32, #tpu.memory_space<vmem>>[vector<16xi32>, vector<16xi32>], vector<16xf32>,
        %gather3A_671 = tpu.vector_load_idx %arg17[%add3A_79, %broadcast_in_dim3A_668] : memref<128x64xf32, #tpu.memory_space<vmem>>[vector<16xi32>, vector<16xi32>], vector<16xf32>,
        %sub3A_672 = arith.subf %gather3A_670, %gather3A_671 : vector<16xf32>
        %mul3A_673 = arith.mulf %gather3A_669, %sub3A_672 : vector<16xf32>
        %add3A_674 = arith.addf %add3A_666, %mul3A_673 : vector<16xf32>
        %gather3A_675 = tpu.vector_load_idx %arg14[%add3A_79, %broadcast_in_dim3A_668] : memref<128x64xf32, #tpu.memory_space<vmem>>[vector<16xi32>, vector<16xi32>], vector<16xf32>,
        %gather3A_676 = tpu.vector_load_idx %arg16[%add3A_79, %broadcast_in_dim3A_668] : memref<128x64xf32, #tpu.memory_space<vmem>>[vector<16xi32>, vector<16xi32>], vector<16xf32>,
        %gather3A_677 = tpu.vector_load_idx %arg18[%add3A_79, %broadcast_in_dim3A_668] : memref<128x64xf32, #tpu.memory_space<vmem>>[vector<16xi32>, vector<16xi32>], vector<16xf32>,
        %sub3A_678 = arith.subf %gather3A_676, %gather3A_677 : vector<16xf32>
        %mul3A_679 = arith.mulf %gather3A_675, %sub3A_678 : vector<16xf32>
        %add3A_680 = arith.addf %add3A_674, %mul3A_679 : vector<16xf32>
        %broadcast_in_dim3A_681 = arith.constant 43 : i32
        %broadcast_in_dim3A_682 = vector.broadcast %broadcast_in_dim3A_681 : i32 to vector<16xi32>
        %gather3A_683 = tpu.vector_load_idx %arg13[%add3A_79, %broadcast_in_dim3A_682] : memref<128x64xf32, #tpu.memory_space<vmem>>[vector<16xi32>, vector<16xi32>], vector<16xf32>,
        %gather3A_684 = tpu.vector_load_idx %arg15[%add3A_79, %broadcast_in_dim3A_682] : memref<128x64xf32, #tpu.memory_space<vmem>>[vector<16xi32>, vector<16xi32>], vector<16xf32>,
        %gather3A_685 = tpu.vector_load_idx %arg17[%add3A_79, %broadcast_in_dim3A_682] : memref<128x64xf32, #tpu.memory_space<vmem>>[vector<16xi32>, vector<16xi32>], vector<16xf32>,
        %sub3A_686 = arith.subf %gather3A_684, %gather3A_685 : vector<16xf32>
        %mul3A_687 = arith.mulf %gather3A_683, %sub3A_686 : vector<16xf32>
        %add3A_688 = arith.addf %add3A_680, %mul3A_687 : vector<16xf32>
        %gather3A_689 = tpu.vector_load_idx %arg14[%add3A_79, %broadcast_in_dim3A_682] : memref<128x64xf32, #tpu.memory_space<vmem>>[vector<16xi32>, vector<16xi32>], vector<16xf32>,
        %gather3A_690 = tpu.vector_load_idx %arg16[%add3A_79, %broadcast_in_dim3A_682] : memref<128x64xf32, #tpu.memory_space<vmem>>[vector<16xi32>, vector<16xi32>], vector<16xf32>,
        %gather3A_691 = tpu.vector_load_idx %arg18[%add3A_79, %broadcast_in_dim3A_682] : memref<128x64xf32, #tpu.memory_space<vmem>>[vector<16xi32>, vector<16xi32>], vector<16xf32>,
        %sub3A_692 = arith.subf %gather3A_690, %gather3A_691 : vector<16xf32>
        %mul3A_693 = arith.mulf %gather3A_689, %sub3A_692 : vector<16xf32>
        %add3A_694 = arith.addf %add3A_688, %mul3A_693 : vector<16xf32>
        %broadcast_in_dim3A_695 = arith.constant 44 : i32
        %broadcast_in_dim3A_696 = vector.broadcast %broadcast_in_dim3A_695 : i32 to vector<16xi32>
        %gather3A_697 = tpu.vector_load_idx %arg13[%add3A_79, %broadcast_in_dim3A_696] : memref<128x64xf32, #tpu.memory_space<vmem>>[vector<16xi32>, vector<16xi32>], vector<16xf32>,
        %gather3A_698 = tpu.vector_load_idx %arg15[%add3A_79, %broadcast_in_dim3A_696] : memref<128x64xf32, #tpu.memory_space<vmem>>[vector<16xi32>, vector<16xi32>], vector<16xf32>,
        %gather3A_699 = tpu.vector_load_idx %arg17[%add3A_79, %broadcast_in_dim3A_696] : memref<128x64xf32, #tpu.memory_space<vmem>>[vector<16xi32>, vector<16xi32>], vector<16xf32>,
        %sub3A_700 = arith.subf %gather3A_698, %gather3A_699 : vector<16xf32>
        %mul3A_701 = arith.mulf %gather3A_697, %sub3A_700 : vector<16xf32>
        %add3A_702 = arith.addf %add3A_694, %mul3A_701 : vector<16xf32>
        %gather3A_703 = tpu.vector_load_idx %arg14[%add3A_79, %broadcast_in_dim3A_696] : memref<128x64xf32, #tpu.memory_space<vmem>>[vector<16xi32>, vector<16xi32>], vector<16xf32>,
        %gather3A_704 = tpu.vector_load_idx %arg16[%add3A_79, %broadcast_in_dim3A_696] : memref<128x64xf32, #tpu.memory_space<vmem>>[vector<16xi32>, vector<16xi32>], vector<16xf32>,
        %gather3A_705 = tpu.vector_load_idx %arg18[%add3A_79, %broadcast_in_dim3A_696] : memref<128x64xf32, #tpu.memory_space<vmem>>[vector<16xi32>, vector<16xi32>], vector<16xf32>,
        %sub3A_706 = arith.subf %gather3A_704, %gather3A_705 : vector<16xf32>
        %mul3A_707 = arith.mulf %gather3A_703, %sub3A_706 : vector<16xf32>
        %add3A_708 = arith.addf %add3A_702, %mul3A_707 : vector<16xf32>
        %broadcast_in_dim3A_709 = arith.constant 45 : i32
        %broadcast_in_dim3A_710 = vector.broadcast %broadcast_in_dim3A_709 : i32 to vector<16xi32>
        %gather3A_711 = tpu.vector_load_idx %arg13[%add3A_79, %broadcast_in_dim3A_710] : memref<128x64xf32, #tpu.memory_space<vmem>>[vector<16xi32>, vector<16xi32>], vector<16xf32>,
        %gather3A_712 = tpu.vector_load_idx %arg15[%add3A_79, %broadcast_in_dim3A_710] : memref<128x64xf32, #tpu.memory_space<vmem>>[vector<16xi32>, vector<16xi32>], vector<16xf32>,
        %gather3A_713 = tpu.vector_load_idx %arg17[%add3A_79, %broadcast_in_dim3A_710] : memref<128x64xf32, #tpu.memory_space<vmem>>[vector<16xi32>, vector<16xi32>], vector<16xf32>,
        %sub3A_714 = arith.subf %gather3A_712, %gather3A_713 : vector<16xf32>
        %mul3A_715 = arith.mulf %gather3A_711, %sub3A_714 : vector<16xf32>
        %add3A_716 = arith.addf %add3A_708, %mul3A_715 : vector<16xf32>
        %gather3A_717 = tpu.vector_load_idx %arg14[%add3A_79, %broadcast_in_dim3A_710] : memref<128x64xf32, #tpu.memory_space<vmem>>[vector<16xi32>, vector<16xi32>], vector<16xf32>,
        %gather3A_718 = tpu.vector_load_idx %arg16[%add3A_79, %broadcast_in_dim3A_710] : memref<128x64xf32, #tpu.memory_space<vmem>>[vector<16xi32>, vector<16xi32>], vector<16xf32>,
        %gather3A_719 = tpu.vector_load_idx %arg18[%add3A_79, %broadcast_in_dim3A_710] : memref<128x64xf32, #tpu.memory_space<vmem>>[vector<16xi32>, vector<16xi32>], vector<16xf32>,
        %sub3A_720 = arith.subf %gather3A_718, %gather3A_719 : vector<16xf32>
        %mul3A_721 = arith.mulf %gather3A_717, %sub3A_720 : vector<16xf32>
        %add3A_722 = arith.addf %add3A_716, %mul3A_721 : vector<16xf32>
        %broadcast_in_dim3A_723 = arith.constant 46 : i32
        %broadcast_in_dim3A_724 = vector.broadcast %broadcast_in_dim3A_723 : i32 to vector<16xi32>
        %gather3A_725 = tpu.vector_load_idx %arg13[%add3A_79, %broadcast_in_dim3A_724] : memref<128x64xf32, #tpu.memory_space<vmem>>[vector<16xi32>, vector<16xi32>], vector<16xf32>,
        %gather3A_726 = tpu.vector_load_idx %arg15[%add3A_79, %broadcast_in_dim3A_724] : memref<128x64xf32, #tpu.memory_space<vmem>>[vector<16xi32>, vector<16xi32>], vector<16xf32>,
        %gather3A_727 = tpu.vector_load_idx %arg17[%add3A_79, %broadcast_in_dim3A_724] : memref<128x64xf32, #tpu.memory_space<vmem>>[vector<16xi32>, vector<16xi32>], vector<16xf32>,
        %sub3A_728 = arith.subf %gather3A_726, %gather3A_727 : vector<16xf32>
        %mul3A_729 = arith.mulf %gather3A_725, %sub3A_728 : vector<16xf32>
        %add3A_730 = arith.addf %add3A_722, %mul3A_729 : vector<16xf32>
        %gather3A_731 = tpu.vector_load_idx %arg14[%add3A_79, %broadcast_in_dim3A_724] : memref<128x64xf32, #tpu.memory_space<vmem>>[vector<16xi32>, vector<16xi32>], vector<16xf32>,
        %gather3A_732 = tpu.vector_load_idx %arg16[%add3A_79, %broadcast_in_dim3A_724] : memref<128x64xf32, #tpu.memory_space<vmem>>[vector<16xi32>, vector<16xi32>], vector<16xf32>,
        %gather3A_733 = tpu.vector_load_idx %arg18[%add3A_79, %broadcast_in_dim3A_724] : memref<128x64xf32, #tpu.memory_space<vmem>>[vector<16xi32>, vector<16xi32>], vector<16xf32>,
        %sub3A_734 = arith.subf %gather3A_732, %gather3A_733 : vector<16xf32>
        %mul3A_735 = arith.mulf %gather3A_731, %sub3A_734 : vector<16xf32>
        %add3A_736 = arith.addf %add3A_730, %mul3A_735 : vector<16xf32>
        %broadcast_in_dim3A_737 = arith.constant 47 : i32
        %broadcast_in_dim3A_738 = vector.broadcast %broadcast_in_dim3A_737 : i32 to vector<16xi32>
        %gather3A_739 = tpu.vector_load_idx %arg13[%add3A_79, %broadcast_in_dim3A_738] : memref<128x64xf32, #tpu.memory_space<vmem>>[vector<16xi32>, vector<16xi32>], vector<16xf32>,
        %gather3A_740 = tpu.vector_load_idx %arg15[%add3A_79, %broadcast_in_dim3A_738] : memref<128x64xf32, #tpu.memory_space<vmem>>[vector<16xi32>, vector<16xi32>], vector<16xf32>,
        %gather3A_741 = tpu.vector_load_idx %arg17[%add3A_79, %broadcast_in_dim3A_738] : memref<128x64xf32, #tpu.memory_space<vmem>>[vector<16xi32>, vector<16xi32>], vector<16xf32>,
        %sub3A_742 = arith.subf %gather3A_740, %gather3A_741 : vector<16xf32>
        %mul3A_743 = arith.mulf %gather3A_739, %sub3A_742 : vector<16xf32>
        %add3A_744 = arith.addf %add3A_736, %mul3A_743 : vector<16xf32>
        %gather3A_745 = tpu.vector_load_idx %arg14[%add3A_79, %broadcast_in_dim3A_738] : memref<128x64xf32, #tpu.memory_space<vmem>>[vector<16xi32>, vector<16xi32>], vector<16xf32>,
        %gather3A_746 = tpu.vector_load_idx %arg16[%add3A_79, %broadcast_in_dim3A_738] : memref<128x64xf32, #tpu.memory_space<vmem>>[vector<16xi32>, vector<16xi32>], vector<16xf32>,
        %gather3A_747 = tpu.vector_load_idx %arg18[%add3A_79, %broadcast_in_dim3A_738] : memref<128x64xf32, #tpu.memory_space<vmem>>[vector<16xi32>, vector<16xi32>], vector<16xf32>,
        %sub3A_748 = arith.subf %gather3A_746, %gather3A_747 : vector<16xf32>
        %mul3A_749 = arith.mulf %gather3A_745, %sub3A_748 : vector<16xf32>
        %add3A_750 = arith.addf %add3A_744, %mul3A_749 : vector<16xf32>
        %broadcast_in_dim3A_751 = arith.constant 48 : i32
        %broadcast_in_dim3A_752 = vector.broadcast %broadcast_in_dim3A_751 : i32 to vector<16xi32>
        %gather3A_753 = tpu.vector_load_idx %arg13[%add3A_79, %broadcast_in_dim3A_752] : memref<128x64xf32, #tpu.memory_space<vmem>>[vector<16xi32>, vector<16xi32>], vector<16xf32>,
        %gather3A_754 = tpu.vector_load_idx %arg15[%add3A_79, %broadcast_in_dim3A_752] : memref<128x64xf32, #tpu.memory_space<vmem>>[vector<16xi32>, vector<16xi32>], vector<16xf32>,
        %gather3A_755 = tpu.vector_load_idx %arg17[%add3A_79, %broadcast_in_dim3A_752] : memref<128x64xf32, #tpu.memory_space<vmem>>[vector<16xi32>, vector<16xi32>], vector<16xf32>,
        %sub3A_756 = arith.subf %gather3A_754, %gather3A_755 : vector<16xf32>
        %mul3A_757 = arith.mulf %gather3A_753, %sub3A_756 : vector<16xf32>
        %add3A_758 = arith.addf %add3A_750, %mul3A_757 : vector<16xf32>
        %gather3A_759 = tpu.vector_load_idx %arg14[%add3A_79, %broadcast_in_dim3A_752] : memref<128x64xf32, #tpu.memory_space<vmem>>[vector<16xi32>, vector<16xi32>], vector<16xf32>,
        %gather3A_760 = tpu.vector_load_idx %arg16[%add3A_79, %broadcast_in_dim3A_752] : memref<128x64xf32, #tpu.memory_space<vmem>>[vector<16xi32>, vector<16xi32>], vector<16xf32>,
        %gather3A_761 = tpu.vector_load_idx %arg18[%add3A_79, %broadcast_in_dim3A_752] : memref<128x64xf32, #tpu.memory_space<vmem>>[vector<16xi32>, vector<16xi32>], vector<16xf32>,
        %sub3A_762 = arith.subf %gather3A_760, %gather3A_761 : vector<16xf32>
        %mul3A_763 = arith.mulf %gather3A_759, %sub3A_762 : vector<16xf32>
        %add3A_764 = arith.addf %add3A_758, %mul3A_763 : vector<16xf32>
        %broadcast_in_dim3A_765 = arith.constant 49 : i32
        %broadcast_in_dim3A_766 = vector.broadcast %broadcast_in_dim3A_765 : i32 to vector<16xi32>
        %gather3A_767 = tpu.vector_load_idx %arg13[%add3A_79, %broadcast_in_dim3A_766] : memref<128x64xf32, #tpu.memory_space<vmem>>[vector<16xi32>, vector<16xi32>], vector<16xf32>,
        %gather3A_768 = tpu.vector_load_idx %arg15[%add3A_79, %broadcast_in_dim3A_766] : memref<128x64xf32, #tpu.memory_space<vmem>>[vector<16xi32>, vector<16xi32>], vector<16xf32>,
        %gather3A_769 = tpu.vector_load_idx %arg17[%add3A_79, %broadcast_in_dim3A_766] : memref<128x64xf32, #tpu.memory_space<vmem>>[vector<16xi32>, vector<16xi32>], vector<16xf32>,
        %sub3A_770 = arith.subf %gather3A_768, %gather3A_769 : vector<16xf32>
        %mul3A_771 = arith.mulf %gather3A_767, %sub3A_770 : vector<16xf32>
        %add3A_772 = arith.addf %add3A_764, %mul3A_771 : vector<16xf32>
        %gather3A_773 = tpu.vector_load_idx %arg14[%add3A_79, %broadcast_in_dim3A_766] : memref<128x64xf32, #tpu.memory_space<vmem>>[vector<16xi32>, vector<16xi32>], vector<16xf32>,
        %gather3A_774 = tpu.vector_load_idx %arg16[%add3A_79, %broadcast_in_dim3A_766] : memref<128x64xf32, #tpu.memory_space<vmem>>[vector<16xi32>, vector<16xi32>], vector<16xf32>,
        %gather3A_775 = tpu.vector_load_idx %arg18[%add3A_79, %broadcast_in_dim3A_766] : memref<128x64xf32, #tpu.memory_space<vmem>>[vector<16xi32>, vector<16xi32>], vector<16xf32>,
        %sub3A_776 = arith.subf %gather3A_774, %gather3A_775 : vector<16xf32>
        %mul3A_777 = arith.mulf %gather3A_773, %sub3A_776 : vector<16xf32>
        %add3A_778 = arith.addf %add3A_772, %mul3A_777 : vector<16xf32>
        %broadcast_in_dim3A_779 = arith.constant 50 : i32
        %broadcast_in_dim3A_780 = vector.broadcast %broadcast_in_dim3A_779 : i32 to vector<16xi32>
        %gather3A_781 = tpu.vector_load_idx %arg13[%add3A_79, %broadcast_in_dim3A_780] : memref<128x64xf32, #tpu.memory_space<vmem>>[vector<16xi32>, vector<16xi32>], vector<16xf32>,
        %gather3A_782 = tpu.vector_load_idx %arg15[%add3A_79, %broadcast_in_dim3A_780] : memref<128x64xf32, #tpu.memory_space<vmem>>[vector<16xi32>, vector<16xi32>], vector<16xf32>,
        %gather3A_783 = tpu.vector_load_idx %arg17[%add3A_79, %broadcast_in_dim3A_780] : memref<128x64xf32, #tpu.memory_space<vmem>>[vector<16xi32>, vector<16xi32>], vector<16xf32>,
        %sub3A_784 = arith.subf %gather3A_782, %gather3A_783 : vector<16xf32>
        %mul3A_785 = arith.mulf %gather3A_781, %sub3A_784 : vector<16xf32>
        %add3A_786 = arith.addf %add3A_778, %mul3A_785 : vector<16xf32>
        %gather3A_787 = tpu.vector_load_idx %arg14[%add3A_79, %broadcast_in_dim3A_780] : memref<128x64xf32, #tpu.memory_space<vmem>>[vector<16xi32>, vector<16xi32>], vector<16xf32>,
        %gather3A_788 = tpu.vector_load_idx %arg16[%add3A_79, %broadcast_in_dim3A_780] : memref<128x64xf32, #tpu.memory_space<vmem>>[vector<16xi32>, vector<16xi32>], vector<16xf32>,
        %gather3A_789 = tpu.vector_load_idx %arg18[%add3A_79, %broadcast_in_dim3A_780] : memref<128x64xf32, #tpu.memory_space<vmem>>[vector<16xi32>, vector<16xi32>], vector<16xf32>,
        %sub3A_790 = arith.subf %gather3A_788, %gather3A_789 : vector<16xf32>
        %mul3A_791 = arith.mulf %gather3A_787, %sub3A_790 : vector<16xf32>
        %add3A_792 = arith.addf %add3A_786, %mul3A_791 : vector<16xf32>
        %broadcast_in_dim3A_793 = arith.constant 51 : i32
        %broadcast_in_dim3A_794 = vector.broadcast %broadcast_in_dim3A_793 : i32 to vector<16xi32>
        %gather3A_795 = tpu.vector_load_idx %arg13[%add3A_79, %broadcast_in_dim3A_794] : memref<128x64xf32, #tpu.memory_space<vmem>>[vector<16xi32>, vector<16xi32>], vector<16xf32>,
        %gather3A_796 = tpu.vector_load_idx %arg15[%add3A_79, %broadcast_in_dim3A_794] : memref<128x64xf32, #tpu.memory_space<vmem>>[vector<16xi32>, vector<16xi32>], vector<16xf32>,
        %gather3A_797 = tpu.vector_load_idx %arg17[%add3A_79, %broadcast_in_dim3A_794] : memref<128x64xf32, #tpu.memory_space<vmem>>[vector<16xi32>, vector<16xi32>], vector<16xf32>,
        %sub3A_798 = arith.subf %gather3A_796, %gather3A_797 : vector<16xf32>
        %mul3A_799 = arith.mulf %gather3A_795, %sub3A_798 : vector<16xf32>
        %add3A_800 = arith.addf %add3A_792, %mul3A_799 : vector<16xf32>
        %gather3A_801 = tpu.vector_load_idx %arg14[%add3A_79, %broadcast_in_dim3A_794] : memref<128x64xf32, #tpu.memory_space<vmem>>[vector<16xi32>, vector<16xi32>], vector<16xf32>,
        %gather3A_802 = tpu.vector_load_idx %arg16[%add3A_79, %broadcast_in_dim3A_794] : memref<128x64xf32, #tpu.memory_space<vmem>>[vector<16xi32>, vector<16xi32>], vector<16xf32>,
        %gather3A_803 = tpu.vector_load_idx %arg18[%add3A_79, %broadcast_in_dim3A_794] : memref<128x64xf32, #tpu.memory_space<vmem>>[vector<16xi32>, vector<16xi32>], vector<16xf32>,
        %sub3A_804 = arith.subf %gather3A_802, %gather3A_803 : vector<16xf32>
        %mul3A_805 = arith.mulf %gather3A_801, %sub3A_804 : vector<16xf32>
        %add3A_806 = arith.addf %add3A_800, %mul3A_805 : vector<16xf32>
        %broadcast_in_dim3A_807 = arith.constant 52 : i32
        %broadcast_in_dim3A_808 = vector.broadcast %broadcast_in_dim3A_807 : i32 to vector<16xi32>
        %gather3A_809 = tpu.vector_load_idx %arg13[%add3A_79, %broadcast_in_dim3A_808] : memref<128x64xf32, #tpu.memory_space<vmem>>[vector<16xi32>, vector<16xi32>], vector<16xf32>,
        %gather3A_810 = tpu.vector_load_idx %arg15[%add3A_79, %broadcast_in_dim3A_808] : memref<128x64xf32, #tpu.memory_space<vmem>>[vector<16xi32>, vector<16xi32>], vector<16xf32>,
        %gather3A_811 = tpu.vector_load_idx %arg17[%add3A_79, %broadcast_in_dim3A_808] : memref<128x64xf32, #tpu.memory_space<vmem>>[vector<16xi32>, vector<16xi32>], vector<16xf32>,
        %sub3A_812 = arith.subf %gather3A_810, %gather3A_811 : vector<16xf32>
        %mul3A_813 = arith.mulf %gather3A_809, %sub3A_812 : vector<16xf32>
        %add3A_814 = arith.addf %add3A_806, %mul3A_813 : vector<16xf32>
        %gather3A_815 = tpu.vector_load_idx %arg14[%add3A_79, %broadcast_in_dim3A_808] : memref<128x64xf32, #tpu.memory_space<vmem>>[vector<16xi32>, vector<16xi32>], vector<16xf32>,
        %gather3A_816 = tpu.vector_load_idx %arg16[%add3A_79, %broadcast_in_dim3A_808] : memref<128x64xf32, #tpu.memory_space<vmem>>[vector<16xi32>, vector<16xi32>], vector<16xf32>,
        %gather3A_817 = tpu.vector_load_idx %arg18[%add3A_79, %broadcast_in_dim3A_808] : memref<128x64xf32, #tpu.memory_space<vmem>>[vector<16xi32>, vector<16xi32>], vector<16xf32>,
        %sub3A_818 = arith.subf %gather3A_816, %gather3A_817 : vector<16xf32>
        %mul3A_819 = arith.mulf %gather3A_815, %sub3A_818 : vector<16xf32>
        %add3A_820 = arith.addf %add3A_814, %mul3A_819 : vector<16xf32>
        %broadcast_in_dim3A_821 = arith.constant 53 : i32
        %broadcast_in_dim3A_822 = vector.broadcast %broadcast_in_dim3A_821 : i32 to vector<16xi32>
        %gather3A_823 = tpu.vector_load_idx %arg13[%add3A_79, %broadcast_in_dim3A_822] : memref<128x64xf32, #tpu.memory_space<vmem>>[vector<16xi32>, vector<16xi32>], vector<16xf32>,
        %gather3A_824 = tpu.vector_load_idx %arg15[%add3A_79, %broadcast_in_dim3A_822] : memref<128x64xf32, #tpu.memory_space<vmem>>[vector<16xi32>, vector<16xi32>], vector<16xf32>,
        %gather3A_825 = tpu.vector_load_idx %arg17[%add3A_79, %broadcast_in_dim3A_822] : memref<128x64xf32, #tpu.memory_space<vmem>>[vector<16xi32>, vector<16xi32>], vector<16xf32>,
        %sub3A_826 = arith.subf %gather3A_824, %gather3A_825 : vector<16xf32>
        %mul3A_827 = arith.mulf %gather3A_823, %sub3A_826 : vector<16xf32>
        %add3A_828 = arith.addf %add3A_820, %mul3A_827 : vector<16xf32>
        %gather3A_829 = tpu.vector_load_idx %arg14[%add3A_79, %broadcast_in_dim3A_822] : memref<128x64xf32, #tpu.memory_space<vmem>>[vector<16xi32>, vector<16xi32>], vector<16xf32>,
        %gather3A_830 = tpu.vector_load_idx %arg16[%add3A_79, %broadcast_in_dim3A_822] : memref<128x64xf32, #tpu.memory_space<vmem>>[vector<16xi32>, vector<16xi32>], vector<16xf32>,
        %gather3A_831 = tpu.vector_load_idx %arg18[%add3A_79, %broadcast_in_dim3A_822] : memref<128x64xf32, #tpu.memory_space<vmem>>[vector<16xi32>, vector<16xi32>], vector<16xf32>,
        %sub3A_832 = arith.subf %gather3A_830, %gather3A_831 : vector<16xf32>
        %mul3A_833 = arith.mulf %gather3A_829, %sub3A_832 : vector<16xf32>
        %add3A_834 = arith.addf %add3A_828, %mul3A_833 : vector<16xf32>
        %broadcast_in_dim3A_835 = arith.constant 54 : i32
        %broadcast_in_dim3A_836 = vector.broadcast %broadcast_in_dim3A_835 : i32 to vector<16xi32>
        %gather3A_837 = tpu.vector_load_idx %arg13[%add3A_79, %broadcast_in_dim3A_836] : memref<128x64xf32, #tpu.memory_space<vmem>>[vector<16xi32>, vector<16xi32>], vector<16xf32>,
        %gather3A_838 = tpu.vector_load_idx %arg15[%add3A_79, %broadcast_in_dim3A_836] : memref<128x64xf32, #tpu.memory_space<vmem>>[vector<16xi32>, vector<16xi32>], vector<16xf32>,
        %gather3A_839 = tpu.vector_load_idx %arg17[%add3A_79, %broadcast_in_dim3A_836] : memref<128x64xf32, #tpu.memory_space<vmem>>[vector<16xi32>, vector<16xi32>], vector<16xf32>,
        %sub3A_840 = arith.subf %gather3A_838, %gather3A_839 : vector<16xf32>
        %mul3A_841 = arith.mulf %gather3A_837, %sub3A_840 : vector<16xf32>
        %add3A_842 = arith.addf %add3A_834, %mul3A_841 : vector<16xf32>
        %gather3A_843 = tpu.vector_load_idx %arg14[%add3A_79, %broadcast_in_dim3A_836] : memref<128x64xf32, #tpu.memory_space<vmem>>[vector<16xi32>, vector<16xi32>], vector<16xf32>,
        %gather3A_844 = tpu.vector_load_idx %arg16[%add3A_79, %broadcast_in_dim3A_836] : memref<128x64xf32, #tpu.memory_space<vmem>>[vector<16xi32>, vector<16xi32>], vector<16xf32>,
        %gather3A_845 = tpu.vector_load_idx %arg18[%add3A_79, %broadcast_in_dim3A_836] : memref<128x64xf32, #tpu.memory_space<vmem>>[vector<16xi32>, vector<16xi32>], vector<16xf32>,
        %sub3A_846 = arith.subf %gather3A_844, %gather3A_845 : vector<16xf32>
        %mul3A_847 = arith.mulf %gather3A_843, %sub3A_846 : vector<16xf32>
        %add3A_848 = arith.addf %add3A_842, %mul3A_847 : vector<16xf32>
        %broadcast_in_dim3A_849 = arith.constant 55 : i32
        %broadcast_in_dim3A_850 = vector.broadcast %broadcast_in_dim3A_849 : i32 to vector<16xi32>
        %gather3A_851 = tpu.vector_load_idx %arg13[%add3A_79, %broadcast_in_dim3A_850] : memref<128x64xf32, #tpu.memory_space<vmem>>[vector<16xi32>, vector<16xi32>], vector<16xf32>,
        %gather3A_852 = tpu.vector_load_idx %arg15[%add3A_79, %broadcast_in_dim3A_850] : memref<128x64xf32, #tpu.memory_space<vmem>>[vector<16xi32>, vector<16xi32>], vector<16xf32>,
        %gather3A_853 = tpu.vector_load_idx %arg17[%add3A_79, %broadcast_in_dim3A_850] : memref<128x64xf32, #tpu.memory_space<vmem>>[vector<16xi32>, vector<16xi32>], vector<16xf32>,
        %sub3A_854 = arith.subf %gather3A_852, %gather3A_853 : vector<16xf32>
        %mul3A_855 = arith.mulf %gather3A_851, %sub3A_854 : vector<16xf32>
        %add3A_856 = arith.addf %add3A_848, %mul3A_855 : vector<16xf32>
        %gather3A_857 = tpu.vector_load_idx %arg14[%add3A_79, %broadcast_in_dim3A_850] : memref<128x64xf32, #tpu.memory_space<vmem>>[vector<16xi32>, vector<16xi32>], vector<16xf32>,
        %gather3A_858 = tpu.vector_load_idx %arg16[%add3A_79, %broadcast_in_dim3A_850] : memref<128x64xf32, #tpu.memory_space<vmem>>[vector<16xi32>, vector<16xi32>], vector<16xf32>,
        %gather3A_859 = tpu.vector_load_idx %arg18[%add3A_79, %broadcast_in_dim3A_850] : memref<128x64xf32, #tpu.memory_space<vmem>>[vector<16xi32>, vector<16xi32>], vector<16xf32>,
        %sub3A_860 = arith.subf %gather3A_858, %gather3A_859 : vector<16xf32>
        %mul3A_861 = arith.mulf %gather3A_857, %sub3A_860 : vector<16xf32>
        %add3A_862 = arith.addf %add3A_856, %mul3A_861 : vector<16xf32>
        %broadcast_in_dim3A_863 = arith.constant 56 : i32
        %broadcast_in_dim3A_864 = vector.broadcast %broadcast_in_dim3A_863 : i32 to vector<16xi32>
        %gather3A_865 = tpu.vector_load_idx %arg13[%add3A_79, %broadcast_in_dim3A_864] : memref<128x64xf32, #tpu.memory_space<vmem>>[vector<16xi32>, vector<16xi32>], vector<16xf32>,
        %gather3A_866 = tpu.vector_load_idx %arg15[%add3A_79, %broadcast_in_dim3A_864] : memref<128x64xf32, #tpu.memory_space<vmem>>[vector<16xi32>, vector<16xi32>], vector<16xf32>,
        %gather3A_867 = tpu.vector_load_idx %arg17[%add3A_79, %broadcast_in_dim3A_864] : memref<128x64xf32, #tpu.memory_space<vmem>>[vector<16xi32>, vector<16xi32>], vector<16xf32>,
        %sub3A_868 = arith.subf %gather3A_866, %gather3A_867 : vector<16xf32>
        %mul3A_869 = arith.mulf %gather3A_865, %sub3A_868 : vector<16xf32>
        %add3A_870 = arith.addf %add3A_862, %mul3A_869 : vector<16xf32>
        %gather3A_871 = tpu.vector_load_idx %arg14[%add3A_79, %broadcast_in_dim3A_864] : memref<128x64xf32, #tpu.memory_space<vmem>>[vector<16xi32>, vector<16xi32>], vector<16xf32>,
        %gather3A_872 = tpu.vector_load_idx %arg16[%add3A_79, %broadcast_in_dim3A_864] : memref<128x64xf32, #tpu.memory_space<vmem>>[vector<16xi32>, vector<16xi32>], vector<16xf32>,
        %gather3A_873 = tpu.vector_load_idx %arg18[%add3A_79, %broadcast_in_dim3A_864] : memref<128x64xf32, #tpu.memory_space<vmem>>[vector<16xi32>, vector<16xi32>], vector<16xf32>,
        %sub3A_874 = arith.subf %gather3A_872, %gather3A_873 : vector<16xf32>
        %mul3A_875 = arith.mulf %gather3A_871, %sub3A_874 : vector<16xf32>
        %add3A_876 = arith.addf %add3A_870, %mul3A_875 : vector<16xf32>
        %broadcast_in_dim3A_877 = arith.constant 57 : i32
        %broadcast_in_dim3A_878 = vector.broadcast %broadcast_in_dim3A_877 : i32 to vector<16xi32>
        %gather3A_879 = tpu.vector_load_idx %arg13[%add3A_79, %broadcast_in_dim3A_878] : memref<128x64xf32, #tpu.memory_space<vmem>>[vector<16xi32>, vector<16xi32>], vector<16xf32>,
        %gather3A_880 = tpu.vector_load_idx %arg15[%add3A_79, %broadcast_in_dim3A_878] : memref<128x64xf32, #tpu.memory_space<vmem>>[vector<16xi32>, vector<16xi32>], vector<16xf32>,
        %gather3A_881 = tpu.vector_load_idx %arg17[%add3A_79, %broadcast_in_dim3A_878] : memref<128x64xf32, #tpu.memory_space<vmem>>[vector<16xi32>, vector<16xi32>], vector<16xf32>,
        %sub3A_882 = arith.subf %gather3A_880, %gather3A_881 : vector<16xf32>
        %mul3A_883 = arith.mulf %gather3A_879, %sub3A_882 : vector<16xf32>
        %add3A_884 = arith.addf %add3A_876, %mul3A_883 : vector<16xf32>
        %gather3A_885 = tpu.vector_load_idx %arg14[%add3A_79, %broadcast_in_dim3A_878] : memref<128x64xf32, #tpu.memory_space<vmem>>[vector<16xi32>, vector<16xi32>], vector<16xf32>,
        %gather3A_886 = tpu.vector_load_idx %arg16[%add3A_79, %broadcast_in_dim3A_878] : memref<128x64xf32, #tpu.memory_space<vmem>>[vector<16xi32>, vector<16xi32>], vector<16xf32>,
        %gather3A_887 = tpu.vector_load_idx %arg18[%add3A_79, %broadcast_in_dim3A_878] : memref<128x64xf32, #tpu.memory_space<vmem>>[vector<16xi32>, vector<16xi32>], vector<16xf32>,
        %sub3A_888 = arith.subf %gather3A_886, %gather3A_887 : vector<16xf32>
        %mul3A_889 = arith.mulf %gather3A_885, %sub3A_888 : vector<16xf32>
        %add3A_890 = arith.addf %add3A_884, %mul3A_889 : vector<16xf32>
        %broadcast_in_dim3A_891 = arith.constant 58 : i32
        %broadcast_in_dim3A_892 = vector.broadcast %broadcast_in_dim3A_891 : i32 to vector<16xi32>
        %gather3A_893 = tpu.vector_load_idx %arg13[%add3A_79, %broadcast_in_dim3A_892] : memref<128x64xf32, #tpu.memory_space<vmem>>[vector<16xi32>, vector<16xi32>], vector<16xf32>,
        %gather3A_894 = tpu.vector_load_idx %arg15[%add3A_79, %broadcast_in_dim3A_892] : memref<128x64xf32, #tpu.memory_space<vmem>>[vector<16xi32>, vector<16xi32>], vector<16xf32>,
        %gather3A_895 = tpu.vector_load_idx %arg17[%add3A_79, %broadcast_in_dim3A_892] : memref<128x64xf32, #tpu.memory_space<vmem>>[vector<16xi32>, vector<16xi32>], vector<16xf32>,
        %sub3A_896 = arith.subf %gather3A_894, %gather3A_895 : vector<16xf32>
        %mul3A_897 = arith.mulf %gather3A_893, %sub3A_896 : vector<16xf32>
        %add3A_898 = arith.addf %add3A_890, %mul3A_897 : vector<16xf32>
        %gather3A_899 = tpu.vector_load_idx %arg14[%add3A_79, %broadcast_in_dim3A_892] : memref<128x64xf32, #tpu.memory_space<vmem>>[vector<16xi32>, vector<16xi32>], vector<16xf32>,
        %gather3A_900 = tpu.vector_load_idx %arg16[%add3A_79, %broadcast_in_dim3A_892] : memref<128x64xf32, #tpu.memory_space<vmem>>[vector<16xi32>, vector<16xi32>], vector<16xf32>,
        %gather3A_901 = tpu.vector_load_idx %arg18[%add3A_79, %broadcast_in_dim3A_892] : memref<128x64xf32, #tpu.memory_space<vmem>>[vector<16xi32>, vector<16xi32>], vector<16xf32>,
        %sub3A_902 = arith.subf %gather3A_900, %gather3A_901 : vector<16xf32>
        %mul3A_903 = arith.mulf %gather3A_899, %sub3A_902 : vector<16xf32>
        %add3A_904 = arith.addf %add3A_898, %mul3A_903 : vector<16xf32>
        %broadcast_in_dim3A_905 = arith.constant 59 : i32
        %broadcast_in_dim3A_906 = vector.broadcast %broadcast_in_dim3A_905 : i32 to vector<16xi32>
        %gather3A_907 = tpu.vector_load_idx %arg13[%add3A_79, %broadcast_in_dim3A_906] : memref<128x64xf32, #tpu.memory_space<vmem>>[vector<16xi32>, vector<16xi32>], vector<16xf32>,
        %gather3A_908 = tpu.vector_load_idx %arg15[%add3A_79, %broadcast_in_dim3A_906] : memref<128x64xf32, #tpu.memory_space<vmem>>[vector<16xi32>, vector<16xi32>], vector<16xf32>,
        %gather3A_909 = tpu.vector_load_idx %arg17[%add3A_79, %broadcast_in_dim3A_906] : memref<128x64xf32, #tpu.memory_space<vmem>>[vector<16xi32>, vector<16xi32>], vector<16xf32>,
        %sub3A_910 = arith.subf %gather3A_908, %gather3A_909 : vector<16xf32>
        %mul3A_911 = arith.mulf %gather3A_907, %sub3A_910 : vector<16xf32>
        %add3A_912 = arith.addf %add3A_904, %mul3A_911 : vector<16xf32>
        %gather3A_913 = tpu.vector_load_idx %arg14[%add3A_79, %broadcast_in_dim3A_906] : memref<128x64xf32, #tpu.memory_space<vmem>>[vector<16xi32>, vector<16xi32>], vector<16xf32>,
        %gather3A_914 = tpu.vector_load_idx %arg16[%add3A_79, %broadcast_in_dim3A_906] : memref<128x64xf32, #tpu.memory_space<vmem>>[vector<16xi32>, vector<16xi32>], vector<16xf32>,
        %gather3A_915 = tpu.vector_load_idx %arg18[%add3A_79, %broadcast_in_dim3A_906] : memref<128x64xf32, #tpu.memory_space<vmem>>[vector<16xi32>, vector<16xi32>], vector<16xf32>,
        %sub3A_916 = arith.subf %gather3A_914, %gather3A_915 : vector<16xf32>
        %mul3A_917 = arith.mulf %gather3A_913, %sub3A_916 : vector<16xf32>
        %add3A_918 = arith.addf %add3A_912, %mul3A_917 : vector<16xf32>
        %broadcast_in_dim3A_919 = arith.constant 60 : i32
        %broadcast_in_dim3A_920 = vector.broadcast %broadcast_in_dim3A_919 : i32 to vector<16xi32>
        %gather3A_921 = tpu.vector_load_idx %arg13[%add3A_79, %broadcast_in_dim3A_920] : memref<128x64xf32, #tpu.memory_space<vmem>>[vector<16xi32>, vector<16xi32>], vector<16xf32>,
        %gather3A_922 = tpu.vector_load_idx %arg15[%add3A_79, %broadcast_in_dim3A_920] : memref<128x64xf32, #tpu.memory_space<vmem>>[vector<16xi32>, vector<16xi32>], vector<16xf32>,
        %gather3A_923 = tpu.vector_load_idx %arg17[%add3A_79, %broadcast_in_dim3A_920] : memref<128x64xf32, #tpu.memory_space<vmem>>[vector<16xi32>, vector<16xi32>], vector<16xf32>,
        %sub3A_924 = arith.subf %gather3A_922, %gather3A_923 : vector<16xf32>
        %mul3A_925 = arith.mulf %gather3A_921, %sub3A_924 : vector<16xf32>
        %add3A_926 = arith.addf %add3A_918, %mul3A_925 : vector<16xf32>
        %gather3A_927 = tpu.vector_load_idx %arg14[%add3A_79, %broadcast_in_dim3A_920] : memref<128x64xf32, #tpu.memory_space<vmem>>[vector<16xi32>, vector<16xi32>], vector<16xf32>,
        %gather3A_928 = tpu.vector_load_idx %arg16[%add3A_79, %broadcast_in_dim3A_920] : memref<128x64xf32, #tpu.memory_space<vmem>>[vector<16xi32>, vector<16xi32>], vector<16xf32>,
        %gather3A_929 = tpu.vector_load_idx %arg18[%add3A_79, %broadcast_in_dim3A_920] : memref<128x64xf32, #tpu.memory_space<vmem>>[vector<16xi32>, vector<16xi32>], vector<16xf32>,
        %sub3A_930 = arith.subf %gather3A_928, %gather3A_929 : vector<16xf32>
        %mul3A_931 = arith.mulf %gather3A_927, %sub3A_930 : vector<16xf32>
        %add3A_932 = arith.addf %add3A_926, %mul3A_931 : vector<16xf32>
        %broadcast_in_dim3A_933 = arith.constant 61 : i32
        %broadcast_in_dim3A_934 = vector.broadcast %broadcast_in_dim3A_933 : i32 to vector<16xi32>
        %gather3A_935 = tpu.vector_load_idx %arg13[%add3A_79, %broadcast_in_dim3A_934] : memref<128x64xf32, #tpu.memory_space<vmem>>[vector<16xi32>, vector<16xi32>], vector<16xf32>,
        %gather3A_936 = tpu.vector_load_idx %arg15[%add3A_79, %broadcast_in_dim3A_934] : memref<128x64xf32, #tpu.memory_space<vmem>>[vector<16xi32>, vector<16xi32>], vector<16xf32>,
        %gather3A_937 = tpu.vector_load_idx %arg17[%add3A_79, %broadcast_in_dim3A_934] : memref<128x64xf32, #tpu.memory_space<vmem>>[vector<16xi32>, vector<16xi32>], vector<16xf32>,
        %sub3A_938 = arith.subf %gather3A_936, %gather3A_937 : vector<16xf32>
        %mul3A_939 = arith.mulf %gather3A_935, %sub3A_938 : vector<16xf32>
        %add3A_940 = arith.addf %add3A_932, %mul3A_939 : vector<16xf32>
        %gather3A_941 = tpu.vector_load_idx %arg14[%add3A_79, %broadcast_in_dim3A_934] : memref<128x64xf32, #tpu.memory_space<vmem>>[vector<16xi32>, vector<16xi32>], vector<16xf32>,
        %gather3A_942 = tpu.vector_load_idx %arg16[%add3A_79, %broadcast_in_dim3A_934] : memref<128x64xf32, #tpu.memory_space<vmem>>[vector<16xi32>, vector<16xi32>], vector<16xf32>,
        %gather3A_943 = tpu.vector_load_idx %arg18[%add3A_79, %broadcast_in_dim3A_934] : memref<128x64xf32, #tpu.memory_space<vmem>>[vector<16xi32>, vector<16xi32>], vector<16xf32>,
        %sub3A_944 = arith.subf %gather3A_942, %gather3A_943 : vector<16xf32>
        %mul3A_945 = arith.mulf %gather3A_941, %sub3A_944 : vector<16xf32>
        %add3A_946 = arith.addf %add3A_940, %mul3A_945 : vector<16xf32>
        %broadcast_in_dim3A_947 = arith.constant 62 : i32
        %broadcast_in_dim3A_948 = vector.broadcast %broadcast_in_dim3A_947 : i32 to vector<16xi32>
        %gather3A_949 = tpu.vector_load_idx %arg13[%add3A_79, %broadcast_in_dim3A_948] : memref<128x64xf32, #tpu.memory_space<vmem>>[vector<16xi32>, vector<16xi32>], vector<16xf32>,
        %gather3A_950 = tpu.vector_load_idx %arg15[%add3A_79, %broadcast_in_dim3A_948] : memref<128x64xf32, #tpu.memory_space<vmem>>[vector<16xi32>, vector<16xi32>], vector<16xf32>,
        %gather3A_951 = tpu.vector_load_idx %arg17[%add3A_79, %broadcast_in_dim3A_948] : memref<128x64xf32, #tpu.memory_space<vmem>>[vector<16xi32>, vector<16xi32>], vector<16xf32>,
        %sub3A_952 = arith.subf %gather3A_950, %gather3A_951 : vector<16xf32>
        %mul3A_953 = arith.mulf %gather3A_949, %sub3A_952 : vector<16xf32>
        %add3A_954 = arith.addf %add3A_946, %mul3A_953 : vector<16xf32>
        %gather3A_955 = tpu.vector_load_idx %arg14[%add3A_79, %broadcast_in_dim3A_948] : memref<128x64xf32, #tpu.memory_space<vmem>>[vector<16xi32>, vector<16xi32>], vector<16xf32>,
        %gather3A_956 = tpu.vector_load_idx %arg16[%add3A_79, %broadcast_in_dim3A_948] : memref<128x64xf32, #tpu.memory_space<vmem>>[vector<16xi32>, vector<16xi32>], vector<16xf32>,
        %gather3A_957 = tpu.vector_load_idx %arg18[%add3A_79, %broadcast_in_dim3A_948] : memref<128x64xf32, #tpu.memory_space<vmem>>[vector<16xi32>, vector<16xi32>], vector<16xf32>,
        %sub3A_958 = arith.subf %gather3A_956, %gather3A_957 : vector<16xf32>
        %mul3A_959 = arith.mulf %gather3A_955, %sub3A_958 : vector<16xf32>
        %add3A_960 = arith.addf %add3A_954, %mul3A_959 : vector<16xf32>
        %broadcast_in_dim3A_961 = arith.constant 63 : i32
        %broadcast_in_dim3A_962 = vector.broadcast %broadcast_in_dim3A_961 : i32 to vector<16xi32>
        %gather3A_963 = tpu.vector_load_idx %arg13[%add3A_79, %broadcast_in_dim3A_962] : memref<128x64xf32, #tpu.memory_space<vmem>>[vector<16xi32>, vector<16xi32>], vector<16xf32>,
        %gather3A_964 = tpu.vector_load_idx %arg15[%add3A_79, %broadcast_in_dim3A_962] : memref<128x64xf32, #tpu.memory_space<vmem>>[vector<16xi32>, vector<16xi32>], vector<16xf32>,
        %gather3A_965 = tpu.vector_load_idx %arg17[%add3A_79, %broadcast_in_dim3A_962] : memref<128x64xf32, #tpu.memory_space<vmem>>[vector<16xi32>, vector<16xi32>], vector<16xf32>,
        %sub3A_966 = arith.subf %gather3A_964, %gather3A_965 : vector<16xf32>
        %mul3A_967 = arith.mulf %gather3A_963, %sub3A_966 : vector<16xf32>
        %add3A_968 = arith.addf %add3A_960, %mul3A_967 : vector<16xf32>
        %gather3A_969 = tpu.vector_load_idx %arg14[%add3A_79, %broadcast_in_dim3A_962] : memref<128x64xf32, #tpu.memory_space<vmem>>[vector<16xi32>, vector<16xi32>], vector<16xf32>,
        %gather3A_970 = tpu.vector_load_idx %arg16[%add3A_79, %broadcast_in_dim3A_962] : memref<128x64xf32, #tpu.memory_space<vmem>>[vector<16xi32>, vector<16xi32>], vector<16xf32>,
        %gather3A_971 = tpu.vector_load_idx %arg18[%add3A_79, %broadcast_in_dim3A_962] : memref<128x64xf32, #tpu.memory_space<vmem>>[vector<16xi32>, vector<16xi32>], vector<16xf32>,
        %sub3A_972 = arith.subf %gather3A_970, %gather3A_971 : vector<16xf32>
        %mul3A_973 = arith.mulf %gather3A_969, %sub3A_972 : vector<16xf32>
        %add3A_974 = arith.addf %add3A_968, %mul3A_973 : vector<16xf32>
        %mul3A_975 = arith.constant 16 : i32
        %mul3A_976 = arith.muli %scan3A_74, %mul3A_975 : i32
        %add3A_977 = arith.addi %mul3A_19, %mul3A_976 : i32
        %swap3A = arith.index_cast %add3A_977 : i32 to index
        %swap3A_978 = tpu.vector_load %arg19[%swap3A] {strides = array<i32>} : memref<512xf32, #tpu.memory_space<vmem>>, vector<16xf32>,
        tpu.vector_store %arg19[%swap3A], %add3A_974 {strides = array<i32>} : memref<512xf32, #tpu.memory_space<vmem>>, vector<16xf32>,
        %scan3A_979 = arith.constant 0 : i32
        scf.yield %scan3A_979 : i32
      }
      %scan3A_72 = arith.constant 8 : i32
      %scan3A_73 = arith.constant 0 : i32
      scf.yield %scan3A_73 : i32
    }
    %scan3A_15 = arith.constant 4 : i32
    "tpu.region"() ({
      %run_scoped3A = tpu.sem_alloc : memref<!tpu.dma_semaphore, #tpu.memory_space<semaphore_mem>>
      %dma_start3A = tpu.memref_slice %arg7[%mul3A_2] : memref<16384xf32, #tpu.memory_space<hbm>> -> memref<512xf32, #tpu.memory_space<hbm>>
      %dma_start3A_16 = tpu.memref_slice %arg7[%mul3A_2] : memref<16384xf32, #tpu.memory_space<hbm>> -> memref<512xf32, #tpu.memory_space<hbm>>
      tpu.enqueue_dma source(%arg19 : memref<512xf32, #tpu.memory_space<vmem>>) target(%dma_start3A_16 : memref<512xf32, #tpu.memory_space<hbm>>) target_semaphore(%run_scoped3A : memref<!tpu.dma_semaphore, #tpu.memory_space<semaphore_mem>>)
      %dma_wait3A = tpu.memref_slice %arg7[%mul3A_2] : memref<16384xf32, #tpu.memory_space<hbm>> -> memref<512xf32, #tpu.memory_space<hbm>>
      %dma_wait3A_17 = tpu.memref_slice %arg7[%mul3A_2] : memref<16384xf32, #tpu.memory_space<hbm>> -> memref<512xf32, #tpu.memory_space<hbm>>
      tpu.wait_dma2 semaphore(%run_scoped3A : memref<!tpu.dma_semaphore, #tpu.memory_space<semaphore_mem>>) src(%arg19 : memref<512xf32, #tpu.memory_space<vmem>>) dst(%dma_wait3A_17 : memref<512xf32, #tpu.memory_space<hbm>>)
      tpu.yield
    }) : () -> ()
    return
  }
}

</mosaic_0001>

<sc_bundles>
// kernel: kernel.3.cloned.1.call-start
scs
__scs_entry_jumppad:
0x0: {  	(pc) =	sbr.rel $0x88, $3  }
0x1: {  	(tag) =	ssettag $0x0;
	lr =	simm.s32 $0x1  }
0x2: {  	[smem:$0x3F9C] =	sst lr;
	_ =	strace $0xD0000000  }
0x3: {  	_ = 	snop  }
0x4: {  	_ = 	snop  }
0x5: {  	_ = 	snop  }
0x6: {  	_ = 	snop  }
0x7: {  	_ = 	snop  }
__scs_overlays_trampoline_lowered:
0x8: {  	[smem:$0x3FAB] =	sst s0  }
0x9: {  	[smem:$0x3FAC] =	sst s1  }
0xa: {  	[smem:$0x3FAD] =	sst s2  }
0xb: {  	[smem:$0x3FAE] =	sst s3  }
0xc: {  	[smem:$0x3FAF] =	sst s4  }
0xd: {  	[smem:$0x3FB0] =	sst s5  }
0xe: {  	[smem:$0x3FB1] =	sst s6  }
0xf: {  	[smem:$0x3FB2] =	sst s7  }
0x10: {  	[smem:$0x3FB3] =	sst s8  }
0x11: {  	[smem:$0x3FB4] =	sst s9;
	s0 =	simm.s32 @!p0 $0x0  }
0x12: {  	s1 =	sld [smem:$0x3F9A];
	s0 =	simm.s32 @p0 $0x1  }
0x13: {  	[smem:$0x3FB5] =	sst s0;
	s0 =	simm.s32 @!p1 $0x0  }
0x14: {  	s2 =	sld [smem:$0x3F99];
	s0 =	simm.s32 @p1 $0x1  }
0x15: {  	[smem:$0x3FB6] =	sst s0;
	s0 =	simm.s32 @!p2 $0x0  }
0x16: {  	s3 =	sld [smem:$0x3FDB];
	s0 =	simm.s32 @p2 $0x1  }
0x17: {  	s4 =	simm.s32 $0x1BF5;
	[smem:$0x3FB8] =	sst s0  }
0x18: {  	s0 =	sld [smem:$0x3F9B];
	_ =	swait.ge [sflag:s4], $0x0  }
0x19: {  	s7 =	sld [smem:$0x3F9C]  }
0x1a: {  	s8 =	sadd.s32 $0xFFFFE003, lr  }
0x1b: {  	s9 =	sadd.s32 $0xFFFFFEF7, lr;
	s5 =	simm.s32 $0xFFFFFFFF;
	p2 =	slt.u32 s8, $0xFFFFF086  }
0x1c: {  	p1 =	slt.u32 s9, $0xF7A;
	s5 =	simm.s32 @!p2 $0x0  }
0x1d: {  	s5 =	simm.s32 @p1 $0x1;
	p0 =	seq.s32 s7, s2  }
0x1e: {  	s7 =	smul.u32 @!p0 $0xF7A, s2;
	p2 =	seq.s32 @!p0 s5, $0x0  }
0x1f: {  	s9 =	smul.u32 $0xF7A, s1;
	s8 =	simm.s32 @!p0 $0x1BF5;
	p2 =	por !p2, p0  }
0x20: {  	[sflag:s8] =	ssyncset.s32 @!p0 $0xFFFFF086;
	s6 =	sadd.s32 @!p0 s3, s7;
	s7 =	simm.s32 @!p0 $0x108  }
0x21: {  	s3 =	sadd.s32 s3, s9;
	s6 =	sadd.s32 @!p0 $0x88, s6;
	s7 =	simm.s32 @p2 $0x1082  }
0x22: {  	[simem:s7], [sflag:s8] =	dma.local @!p0 [hbm:s6], $0xF7A  }
0x23: {  	s9 =	sor.u32 $0xD0000000, s2;
	s6 =	simm.s32 $0x108;
	_ =	swait.ge @!p0 [sflag:s8], $0x0  }
0x24: {  	s3 =	sadd.s32 $0x88, s3;
	s6 =	simm.s32 @!p1 $0x1082;
	[sflag:s4] =	ssyncset.s32 $0xFFFFF086  }
0x25: {  	[simem:s6], [sflag:s4] =	dma.local [hbm:s3], $0xF7A  }
0x26: {  	[smem:$0x3F9C] =	sst s1;
	(tag) =	ssettag s2;
	_ =	strace s9  }
0x27: {  	s1 =	sld [smem:$0x3FAC]  }
0x28: {  	s2 =	sld [smem:$0x3FAD]  }
0x29: {  	s4 =	sld [smem:$0x3FAF]  }
0x2a: {  	p0 =	seq.s32 s5, $0x0;
	s5 =	sld [smem:$0x3FB0]  }
0x2b: {  	s6 =	sld [smem:$0x3FB1]  }
0x2c: {  	s7 =	sld [smem:$0x3FB2]  }
0x2d: {  	s3 =	simm.s32 $0x108;
	s8 =	sld [smem:$0x3FB3]  }
0x2e: {  	s3 =	simm.s32 @!p0 $0x1082;
	s9 =	sld [smem:$0x3FB4]  }
0x2f: {  	lr =	sadd.s32 s0, s3;
	s0 =	sld [smem:$0x3FAB]  }
0x30: {  	s3 =	sld [smem:$0x3FAE]  }
0x31: {  	[smem:$0x3FB7] =	sst s10  }
0x32: {  	s10 =	sld [smem:$0x3FB5];
	_ =	sdelay $0x3  }
0x33: {  	p0 =	seq.s32 s10, $0x1;
	s10 =	sld [smem:$0x3FB7];
	_ =	sdelay $0x3  }
0x34: {  	[smem:$0x3FB7] =	sst s10  }
0x35: {  	s10 =	sld [smem:$0x3FB6];
	_ =	sdelay $0x3  }
0x36: {  	p1 =	seq.s32 s10, $0x1;
	s10 =	sld [smem:$0x3FB7];
	_ =	sdelay $0x3  }
0x37: {  	[smem:$0x3FB7] =	sst s10  }
0x38: {  	s10 =	sld [smem:$0x3FB8]  }
0x39: {  	_ = 	snop;
	(pc) =	sbr.ind lr, $3  }
0x3a: {  	_ = 	snop  }
0x3b: {  	_ = 	snop  }
0x3c: {  	p2 =	seq.s32 s10, $0x1;
	s10 =	sld [smem:$0x3FB7]  }
0x3d: {  	_ =	shalt  }
0x3e: {  	_ =	shalt  }
0x3f: {  	_ =	shalt  }
0x40: {  	_ =	shalt  }
0x41: {  	_ =	shalt  }
0x42: {  	_ =	shalt  }
0x43: {  	_ =	shalt  }
0x44: {  	_ =	shalt  }
0x45: {  	_ =	shalt  }
0x46: {  	_ =	shalt  }
0x47: {  	_ =	shalt  }
0x48: {  	_ =	shalt  }
0x49: {  	_ =	shalt  }
0x4a: {  	_ =	shalt  }
0x4b: {  	_ =	shalt  }
0x4c: {  	_ =	shalt  }
0x4d: {  	_ =	shalt  }
0x4e: {  	_ =	shalt  }
0x4f: {  	_ =	shalt  }
0x50: {  	_ =	shalt  }
0x51: {  	_ =	shalt  }
0x52: {  	_ =	shalt  }
0x53: {  	_ =	shalt  }
0x54: {  	_ =	shalt  }
0x55: {  	_ =	shalt  }
0x56: {  	_ =	shalt  }
0x57: {  	_ =	shalt  }
0x58: {  	_ =	shalt  }
0x59: {  	_ =	shalt  }
0x5a: {  	_ =	shalt  }
0x5b: {  	_ =	shalt  }
0x5c: {  	_ =	shalt  }
0x5d: {  	_ =	shalt  }
0x5e: {  	_ =	shalt  }
0x5f: {  	_ =	shalt  }
0x60: {  	_ =	shalt  }
0x61: {  	_ =	shalt  }
0x62: {  	_ =	shalt  }
0x63: {  	_ =	shalt  }
0x64: {  	_ =	shalt  }
0x65: {  	_ =	shalt  }
0x66: {  	_ =	shalt  }
0x67: {  	_ =	shalt  }
0x68: {  	_ =	shalt  }
0x69: {  	_ =	shalt  }
0x6a: {  	_ =	shalt  }
0x6b: {  	_ =	shalt  }
0x6c: {  	_ =	shalt  }
0x6d: {  	_ =	shalt  }
0x6e: {  	_ =	shalt  }
0x6f: {  	_ =	shalt  }
0x70: {  	_ =	shalt  }
0x71: {  	_ =	shalt  }
0x72: {  	_ =	shalt  }
0x73: {  	_ =	shalt  }
0x74: {  	_ =	shalt  }
0x75: {  	_ =	shalt  }
0x76: {  	_ =	shalt  }
0x77: {  	_ =	shalt  }
0x78: {  	_ =	shalt  }
0x79: {  	_ =	shalt  }
0x7a: {  	_ =	shalt  }
0x7b: {  	_ =	shalt  }
0x7c: {  	_ =	shalt  }
0x7d: {  	_ =	shalt  }
0x7e: {  	_ =	shalt  }
0x7f: {  	_ =	shalt  }
0x80: {  	_ =	shalt  }
0x81: {  	_ =	shalt  }
0x82: {  	_ =	shalt  }
0x83: {  	_ =	shalt  }
0x84: {  	_ =	shalt  }
0x85: {  	_ =	shalt  }
0x86: {  	_ =	shalt  }
0x87: {  	_ =	shalt  }
.Lfunc_end0:
.L_simem_size_0:
called_computation_lowered:
.L_overlay_start_0:
0x88: {  	s2 =	sld [smem:$0x3FD9]  }
0x89: {  	s3 =	sld [smem:$0x3FFE];
	_ =	sdelay $0x1  }
0x8a: {  	s1 =	srdreg.scid  }
0x8b: {  	s0 =	sand.u32 $0x1, s1  }
0x8c: {  	s17 =	sshll.u32 s0, $0xA;
	s2 =	sadd.s32 s3, s2  }
0x8d: {  	s2 =	sadd.s32 s2, s17  }
0x8e: {  	[smem:$0x3FC3] =	sst s2  }
0x8f: {  	_ = 	snop  }
0x90: {  	s2 =	sld [smem:$0x3FD0];
	(tm) =	ssettm $0x1  }
0x91: {  	s18 =	sld [smem:$0x3FFB];
	_ =	sdelay $0x3  }
0x92: {  	_ =	strace s18  }
0x93: {  	s3 =	sld [smem:$0x3FFC];
	_ =	sdelay $0x3  }
0x94: {  	_ =	strace s3  }
0x95: {  	s3 =	sld [smem:$0x3FFD];
	_ =	sdelay $0x3  }
0x96: {  	_ =	strace s3  }
0x97: {  	_ =	strace $0x8FFFFFFF  }
0x98: {  	s19 =	sld [smem:$0x3FDB];
	_ =	sdelay $0x1  }
0x99: {  	s4 =	simm.s32 $_scs_section_size  }
0x9a: {  	s5 =	simm.s32 $_size__tile_overlayer_lowered;
	s6 =	simm.s32 $_tile_overlayer_lowered  }
0x9b: {  	s22 =	simm.s32 $0x1BFF;
	s21 =	sshll.u32 s6, $0x1;
	s3 =	sadd.s32 s4, s19  }
0x9c: {  	s7 =	simm.s32 $0x0;
	s20 =	sshll.u32 s5, $0x1;
	s5 =	sadd.s32 s21, s3  }
0x9d: {  	[timem:s7], [sflag:s22] =	dma.local [hbm:s5], s20  }
0x9e: {  	_ =	swait.ge [sflag:s22], s20  }
0x9f: {  	s4 =	ssub.s32 $0x0, s20;
	[sflag:s22] =	ssyncset.done $0x0  }
0xa0: {  	[sflag:s22] =	ssyncadd.s32 s4;
	_ =	sdelay $0x1  }
0xa1: {  	s23 =	simm.s32 $0x1B8B  }
0xa2: {  	_ =	swait.ge [sflag:s23], $0x1  }
0xa3: {  	[sflag:s23] =	ssyncset.done $0x0  }
0xa4: {  	s25 =	simm.s32 $0x1B8E;
	s24 =	sld [smem:$0x3FFE];
	[sflag:s23] =	ssyncadd.s32 $0xFFFFFFFF  }
0xa5: {  	s26 =	simm.s32 $execute0_lowered;
	[smem:$0x3FD2] =	sst s25  }
0xa6: {  	s5 =	sshll.u32 s26, $0x1;
	_ =	strace $0x80000046;
	[dreg:$0x1] =	wrdreg $0xFFFFFFFF  }
0xa7: {  	s28 =	simm.s32 $_size_execute0_lowered;
	s3 =	sadd.s32 s3, s5;
	[dreg:$0x0] =	wrdreg $0x0  }
0xa8: {  	s5 =	sshll.u32 s28, $0x1;
	[dreg:$0x2] =	wrdreg s3  }
0xa9: {  	[dreg:$0x3] =	wrdreg s5  }
0xaa: {  	[dreg:$0x4] =	wrdreg $0xC0  }
0xab: {  	_ =	task [dreg:s7], $0x5FFFF  }
0xac: {  	[dreg:$0x1] =	wrdreg $0xFFFFFFFF  }
0xad: {  	[dreg:$0x0] =	wrdreg $0x60  }
0xae: {  	[dreg:$0x2] =	wrdreg s24  }
0xaf: {  	[dreg:$0x3] =	wrdreg s2  }
0xb0: {  	[dreg:$0x4] =	wrdreg $0x9  }
0xb1: {  	_ =	task.clear_ibuf [dreg:s7], $0x5FFFF;
	_ =	strace $0x90000046  }
0xb2: {  	s29 =	simm.s32 $0x9;
	_ =	strace $0x80000048  }
0xb3: {  	_ =	swait.ge [sflag:s29], $0x1  }
0xb4: {  	[sflag:s29] =	ssyncadd.s32 $0xFFFFFFFF  }
0xb5: {  	_ =	strace $0x90000048  }
0xb6: {  	_ =	sfence  }
0xb7: {  	s30 =	sld [smem:$0x0];
	_ =	sdelay $0x2  }
0xb8: {  	s31 =	sshll.u32 s1, $0xD;
	s1 =	sshrl.u32 s1, $0x2  }
0xb9: {  	s3 =	sand.u32 $0x4000, s31;
	s1 =	sadd.s32 s1, s30  }
0xba: {  	s0 =	sor.u32 s3, s0;
	s1 =	sshll.u32 s1, $0x11  }
0xbb: {  	s0 =	sor.u32 s1, s0  }
0xbc: {  	s0 =	sadd.s32 $0x8F2B, s0  }
0xbd: {  	[sflag:s0] =	ssyncadd.remote.s32 $0x1  }
0xbe: {  	_ =	sfence.sel $0xFFFF  }
0xbf: {  	[dreg:$0x0] =	wrdreg $0xFFFFFFFF;
	(pc) =	sbr.abs _section_cstart, $3  }
0xc0: {  	[dreg:$0x1] =	wrdreg $0xFFFFFFFF  }
0xc1: {  	_ =	task.clear_ibuf [dreg:s7], $0x2FFFF;
	_ =	strace $0x9FFFFFFF  }
0xc2: {  	(tm) =	ssettm $0x7FFFFFFF  }
0xc3: {  	_ =	shalt  }
tec
execute0_lowered:
.L_overlay_start_1:
0x0: {  	(tag) =	ssettag $0x1  }
0x1: {  	s6 =	rddreg [dreg:$0x0]  }
0x2: {  	s8 =	rddreg [dreg:$0x1];
	s2 =	srdreg.scid  }
0x3: {  	s0 =	rddreg [dreg:$0x2];
	s1 =	stileid.u32;
	s12 =	simm.s32 $0x1800  }
0x4: {  	s13 =	simm.s32 $0x3800;
	s14 =	simm.s32 $0x5800;
	s15 =	simm.s32 $0x7800  }
0x5: {  	s16 =	simm.s32 $0x9800;
	s17 =	simm.s32 $0xB800;
	s18 =	simm.s32 $0x1  }
0x6: {  	s19 =	simm.s32 $0xD800;
	s20 =	simm.s32 $0x0;
	s7 =	sand.u32 $0x1, s2  }
0x7: {  	s2 =	simm.s32 $0x0;
	s3 =	sshll.u32 s1, $0xA;
	s5 =	sadd.s32 $0x24DE00, s6  }
0x8: {  	s4 =	sshll.u32 s7, $0x9;
	[smem:$0x7FF] =	sst s2;
	s7 =	ssub.s32 $0x2, s7  }
.Ltmp0:
0x9: {  	v0 =	vlaneseq.u32;
	s9 =	sor.u32 s4, s3;
	_ =	strace $0x80000047;
	(pc) =	sbr.rel .LBB2_1-.Ltmp0, $4  }
0xa: {  	v3 =	vmul.u32 $0x8, v0;
	v0 =	vmul.u32 $0x40, v0;
	s3 =	sadd.s32 $0x3D4A00, s6;
	s4 =	sadd.s32 $0x311400, s6;
	s11 =	sshrl.u32 s7, $0x1  }
0xb: {  	s10 =	sadd.s32 s9, s6;
	s6 =	sadd.s32 $0x18A800, s6;
	s9 =	sshrl.u32 s9, $0x3  }
0xc: {  	[tilespmem:$0x1FFE0] =	vst v0;
	s11 =	ssub.s32 s7, s11;
	s7 =	sadd.s32 $0x3E00, s10;
	s8 =	sadd.s32 s8, s9  }
0xd: {  	[tilespmem:$0x1FFF0] =	vst v3;
	s9 =	smax.u32 s11, $0x1;
	s10 =	simm.s32 $0x2;
	s11 =	simm.s32 $0x80  }
.LBB2_11:
0xe: {  	[hbm4b:s8+s2] =	stream.linear.scatter [tilespmem:s19], [sflag:$0x2], $0x200, $0x38;
	[tilespmem:$0xDA00] =	vst v63  }
0xf: {  	s20 =	sadd.s32 $0x1, s20  }
0x10: {  	p0 =	sne.s32 s20, s9  }
.Ltmp1:
0x11: {  	_ =	swait.ge [sflag:s10], $0x200;
	(pc) =	sbr.rel @!p0 .LBB2_12-.Ltmp1, $3  }
0x12: {  	v3 =	vld [tilespmem:$0x1FFF0];
	_ =	sdelay $0x1  }
0x13: {  	[sflag:s10] =	ssyncset.done $0x0  }
0x14: {  	[sflag:s10] =	ssyncadd.s32 $0xFFFFFE00  }
.LBB2_1:
0x15: {  	v0 =	vmov s2  }
0x16: {  	v0 =	vshll.u32 v0, $0x3  }
0x17: {  	v0 =	vor.u32 v3, v0  }
0x18: {  	[tilespmem:s2], [sflag:$0x2] =	stream.linear.gather [hbm4b:s7+s2], $0x1000, $0x38;
	[tilespmem:$0xDA00] =	vst v63  }
0x19: {  	_ =	swait.ge [sflag:s10], $0x1000  }
0x1a: {  	[sflag:s10] =	ssyncset.done $0x0  }
0x1b: {  	[sflag:s10] =	ssyncadd.s32 $0xFFFFF000  }
0x1c: {  	v1 =	vld.idx.msk [tilespmem:v0+s2+$0x0], $0xffff  }
0x1d: {  	v2 =	vor.u32 $0x1, v0;
	_ =	sdelay $0x2  }
0x1e: {  	s21 =	simm.s32 $0x1000  }
0x1f: {  	[tilespmem:s21+$0x0] =	vst v1  }
0x20: {  	v1 =	vld.idx.msk [tilespmem:v2+s2+$0x0], $0xffff  }
0x21: {  	v2 =	vor.u32 $0x2, v0;
	_ =	sdelay $0x2  }
0x22: {  	s29 =	simm.s32 $0x1200  }
0x23: {  	[tilespmem:s29+$0x0] =	vst v1  }
0x24: {  	v1 =	vld.idx.msk [tilespmem:v2+s2+$0x0], $0xffff  }
0x25: {  	v0 =	vor.u32 $0x3, v0;
	_ =	sdelay $0x2  }
0x26: {  	s30 =	simm.s32 $0x1400;
	s22 =	simm.s32 $0x10  }
0x27: {  	[tilespmem:s30+$0x0] =	vst v1;
	v1 =	vmov s22  }
0x28: {  	v0 =	vld.idx.msk [tilespmem:v0+s2+$0x0], $0xffff;
	v1 =	vshll.u32 v1, $0x3  }
0x29: {  	v1 =	vor.u32 v3, v1;
	_ =	sdelay $0x2  }
0x2a: {  	s22 =	simm.s32 $0x1600  }
0x2b: {  	[tilespmem:s22+$0x0] =	vst v0  }
0x2c: {  	v0 =	vld.idx.msk [tilespmem:v1+s2+$0x0], $0xffff  }
0x2d: {  	v2 =	vor.u32 $0x1, v1;
	_ =	sdelay $0x2  }
0x2e: {  	s23 =	simm.s32 $0x1010  }
0x2f: {  	[tilespmem:s23+$0x0] =	vst v0  }
0x30: {  	v0 =	vld.idx.msk [tilespmem:v2+s2+$0x0], $0xffff  }
0x31: {  	v2 =	vor.u32 $0x2, v1;
	_ =	sdelay $0x2  }
0x32: {  	s24 =	simm.s32 $0x1210  }
0x33: {  	[tilespmem:s24+$0x0] =	vst v0  }
0x34: {  	v0 =	vld.idx.msk [tilespmem:v2+s2+$0x0], $0xffff  }
0x35: {  	v2 =	vor.u32 $0x3, v1;
	_ =	sdelay $0x2  }
0x36: {  	s25 =	simm.s32 $0x1410  }
0x37: {  	s31 =	simm.s32 $0x20;
	[tilespmem:s25+$0x0] =	vst v0  }
0x38: {  	s26 =	simm.s32 $0x30;
	v1 =	vmov s31;
	v0 =	vld.idx.msk [tilespmem:v2+s2+$0x0], $0xffff  }
.LBB2_2:
0x39: {  	p0 =	sne.s32 s26, $0x1F0;
	v1 =	vshll.u32 v1, $0x3  }
0x3a: {  	v1 =	vor.u32 v3, v1;
	_ =	sdelay $0x2  }
0x3b: {  	s22 =	sadd.s32 $0x10, s22  }
0x3c: {  	s21 =	simm.s32 $0x0;
	[tilespmem:s22+$0x0] =	vst v0  }
0x3d: {  	v0 =	vld.idx.msk [tilespmem:v1+s21+$0x0], $0xffff;
	_ =	sdelay $0x1  }
0x3e: {  	v2 =	vor.u32 $0x1, v1;
	_ =	sdelay $0x2  }
0x3f: {  	s23 =	sadd.s32 $0x10, s23  }
0x40: {  	[tilespmem:s23+$0x0] =	vst v0  }
0x41: {  	v0 =	vld.idx.msk [tilespmem:v2+s21+$0x0], $0xffff;
	_ =	sdelay $0x1  }
0x42: {  	v2 =	vor.u32 $0x2, v1;
	_ =	sdelay $0x2  }
0x43: {  	s24 =	sadd.s32 $0x10, s24  }
0x44: {  	[tilespmem:s24+$0x0] =	vst v0  }
0x45: {  	v0 =	vld.idx.msk [tilespmem:v2+s21+$0x0], $0xffff;
	_ =	sdelay $0x1  }
0x46: {  	v2 =	vor.u32 $0x3, v1  }
.Ltmp2:
0x47: {  	(pc) =	sbr.rel @p0 .LBB2_2-.Ltmp2, $4  }
0x48: {  	_ = 	snop  }
0x49: {  	s25 =	sadd.s32 $0x10, s25  }
0x4a: {  	[tilespmem:s25+$0x0] =	vst v0  }
0x4b: {  	v1 =	vmov s26;
	s26 =	sadd.s32 $0x10, s26;
	v0 =	vld.idx.msk [tilespmem:v2+s21+$0x0], $0xffff  }
0x4c: {  	v1 =	vshll.u32 v1, $0x3  }
0x4d: {  	v1 =	vor.u32 v3, v1;
	_ =	sdelay $0x2  }
0x4e: {  	s22 =	sadd.s32 $0x10, s22  }
0x4f: {  	[tilespmem:s22+$0x0] =	vst v0  }
0x50: {  	v0 =	vld.idx.msk [tilespmem:v1+s21+$0x0], $0xffff  }
0x51: {  	v2 =	vor.u32 $0x1, v1;
	_ =	sdelay $0x2  }
0x52: {  	s23 =	sadd.s32 $0x10, s23  }
0x53: {  	[tilespmem:s23+$0x0] =	vst v0  }
0x54: {  	v0 =	vld.idx.msk [tilespmem:v2+s21+$0x0], $0xffff  }
0x55: {  	v63 =	vor.u32 $0x2, v1;
	_ =	sdelay $0x2  }
0x56: {  	s30 =	sadd.s32 $0x10, s24  }
0x57: {  	[tilespmem:s30+$0x0] =	vst v0  }
0x58: {  	v0 =	vld.idx.msk [tilespmem:v63+s21+$0x0], $0xffff  }
0x59: {  	v1 =	vor.u32 $0x3, v1;
	_ =	sdelay $0x2  }
0x5a: {  	s31 =	sadd.s32 $0x10, s25  }
0x5b: {  	[tilespmem:s31+$0x0] =	vst v0  }
0x5c: {  	v0 =	vld.idx.msk [tilespmem:v1+s21+$0x0], $0xffff;
	_ =	sdelay $0x3  }
0x5d: {  	s22 =	sadd.s32 $0x10, s22  }
0x5e: {  	s23 =	simm.s32 $0xD800;
	[tilespmem:s22+$0x0] =	vst v0;
	s22 =	simm.s32 $0x0  }
.LBB2_4:
0x5f: {  	s24 =	sshll.u32 s22, $0x7  }
0x60: {  	s25 =	sadd.s32 $0x1000, s24  }
0x61: {  	[tilespmem:s12], [sflag:$0x1] =	stream.indirect.gather [hbm4b:s3+s11], $0x40, s25, s11, $0xb8;
	[tilespmem:$0xDA00] =	vst v63  }
0x62: {  	s30 =	sadd.s32 $0x1200, s24  }
0x63: {  	[tilespmem:s13], [sflag:$0x1] =	stream.indirect.gather [hbm4b:s4+s11], $0x40, s30, s11, $0xb8;
	[tilespmem:$0xDA00] =	vst v63  }
0x64: {  	s31 =	sadd.s32 $0x1400, s24  }
0x65: {  	[tilespmem:s14], [sflag:$0x1] =	stream.indirect.gather [hbm4b:s5+s11], $0x40, s31, s11, $0xb8;
	[tilespmem:$0xDA00] =	vst v63  }
0x66: {  	_ = 	snop  }
0x67: {  	[tilespmem:s15], [sflag:$0x1] =	stream.indirect.gather [hbm4b:s6+s11], $0x40, s31, s11, $0xb8;
	[tilespmem:$0xDA00] =	vst v63  }
0x68: {  	s24 =	sadd.s32 $0x1600, s24  }
0x69: {  	[tilespmem:s16], [sflag:$0x1] =	stream.indirect.gather [hbm4b:s5+s11], $0x40, s24, s11, $0xb8;
	[tilespmem:$0xDA00] =	vst v63  }
0x6a: {  	_ = 	snop  }
0x6b: {  	[tilespmem:s17], [sflag:$0x1] =	stream.indirect.gather [hbm4b:s6+s11], $0x40, s24, s11, $0xb8;
	[tilespmem:$0xDA00] =	vst v63  }
0x6c: {  	_ =	swait.ge [sflag:s18], $0x2000  }
0x6d: {  	[sflag:s18] =	ssyncset.done $0x0  }
0x6e: {  	[sflag:s18] =	ssyncadd.s32 $0xFFFFE000  }
0x6f: {  	_ =	swait.ge [sflag:s18], $0x2000  }
0x70: {  	[sflag:s18] =	ssyncset.done $0x0  }
0x71: {  	[sflag:s18] =	ssyncadd.s32 $0xFFFFE000  }
0x72: {  	_ =	swait.ge [sflag:s18], $0x2000  }
0x73: {  	[sflag:s18] =	ssyncset.done $0x0  }
0x74: {  	[sflag:s18] =	ssyncadd.s32 $0xFFFFE000  }
0x75: {  	_ =	swait.ge [sflag:s18], $0x2000  }
0x76: {  	[sflag:s18] =	ssyncset.done $0x0  }
0x77: {  	[sflag:s18] =	ssyncadd.s32 $0xFFFFE000  }
0x78: {  	_ =	swait.ge [sflag:s18], $0x2000  }
0x79: {  	v1 =	vld [tilespmem:$0x1FFE0];
	_ =	sdelay $0x2  }
0x7a: {  	v0 =	vmov s21  }
0x7b: {  	v0 =	vshll.u32 v0, $0x6  }
0x7c: {  	v15 =	vor.u32 v1, v0  }
0x7d: {  	[sflag:s18] =	ssyncset.done $0x0;
	v47 =	vor.u32 $0x3F, v15  }
0x7e: {  	[sflag:s18] =	ssyncadd.s32 $0xFFFFE000  }
0x7f: {  	_ =	swait.ge [sflag:s18], $0x2000  }
0x80: {  	[sflag:s18] =	ssyncset.done $0x0  }
0x81: {  	[sflag:s18] =	ssyncadd.s32 $0xFFFFE000  }
0x82: {  	v1 =	vor.u32 $0x3E, v15;
	v0 =	vld.idx.msk [tilespmem:v47+s12+$0x0], $0xffff;
	_ =	sdelay $0x4  }
0x83: {  	[tilespmem:$0x1F830] =	vst v0;
	v0 =	vld.idx.msk [tilespmem:v1+s13+$0x0], $0xffff;
	_ =	sdelay $0x4  }
0x84: {  	v2 =	vor.u32 $0x3D, v15;
	[tilespmem:$0x1F840] =	vst v0;
	v0 =	vld.idx.msk [tilespmem:v1+s12+$0x0], $0xffff;
	_ =	sdelay $0x4  }
0x85: {  	[tilespmem:$0x1F860] =	vst v0;
	v0 =	vld.idx.msk [tilespmem:v2+s13+$0x0], $0xffff;
	_ =	sdelay $0x4  }
0x86: {  	v3 =	vor.u32 $0x3C, v15;
	[tilespmem:$0x1F870] =	vst v0;
	v0 =	vld.idx.msk [tilespmem:v2+s12+$0x0], $0xffff;
	_ =	sdelay $0x4  }
0x87: {  	[tilespmem:$0x1F890] =	vst v0;
	v0 =	vld.idx.msk [tilespmem:v3+s13+$0x0], $0xffff;
	_ =	sdelay $0x4  }
0x88: {  	v4 =	vor.u32 $0x3B, v15;
	[tilespmem:$0x1F8A0] =	vst v0;
	v0 =	vld.idx.msk [tilespmem:v3+s12+$0x0], $0xffff;
	_ =	sdelay $0x4  }
0x89: {  	[tilespmem:$0x1F8C0] =	vst v0;
	v0 =	vld.idx.msk [tilespmem:v4+s13+$0x0], $0xffff;
	_ =	sdelay $0x3  }
0x8a: {  	[tilespmem:$0x1F850] =	vst v1  }
0x8b: {  	v1 =	vor.u32 $0x3A, v15;
	[tilespmem:$0x1F8D0] =	vst v0;
	v0 =	vld.idx.msk [tilespmem:v4+s12+$0x0], $0xffff;
	_ =	sdelay $0x4  }
0x8c: {  	[tilespmem:$0x1F8F0] =	vst v0;
	v0 =	vld.idx.msk [tilespmem:v1+s13+$0x0], $0xffff;
	_ =	sdelay $0x3  }
0x8d: {  	[tilespmem:$0x1F880] =	vst v2  }
0x8e: {  	v2 =	vor.u32 $0x39, v15;
	[tilespmem:$0x1F900] =	vst v0;
	v0 =	vld.idx.msk [tilespmem:v1+s12+$0x0], $0xffff;
	_ =	sdelay $0x4  }
0x8f: {  	[tilespmem:$0x1F920] =	vst v0;
	v0 =	vld.idx.msk [tilespmem:v2+s13+$0x0], $0xffff;
	_ =	sdelay $0x3  }
0x90: {  	[tilespmem:$0x1F8B0] =	vst v3  }
0x91: {  	v3 =	vor.u32 $0x38, v15;
	[tilespmem:$0x1F930] =	vst v0;
	v0 =	vld.idx.msk [tilespmem:v2+s12+$0x0], $0xffff;
	_ =	sdelay $0x4  }
0x92: {  	[tilespmem:$0x1F950] =	vst v0;
	v0 =	vld.idx.msk [tilespmem:v3+s13+$0x0], $0xffff;
	_ =	sdelay $0x3  }
0x93: {  	[tilespmem:$0x1F8E0] =	vst v4  }
0x94: {  	v4 =	vor.u32 $0x37, v15;
	[tilespmem:$0x1F960] =	vst v0;
	v0 =	vld.idx.msk [tilespmem:v3+s12+$0x0], $0xffff;
	_ =	sdelay $0x4  }
0x95: {  	[tilespmem:$0x1F980] =	vst v0;
	v0 =	vld.idx.msk [tilespmem:v4+s13+$0x0], $0xffff;
	_ =	sdelay $0x3  }
0x96: {  	[tilespmem:$0x1F910] =	vst v1  }
0x97: {  	v1 =	vor.u32 $0x36, v15;
	[tilespmem:$0x1F990] =	vst v0;
	v0 =	vld.idx.msk [tilespmem:v4+s12+$0x0], $0xffff;
	_ =	sdelay $0x4  }
0x98: {  	[tilespmem:$0x1F9B0] =	vst v0;
	v0 =	vld.idx.msk [tilespmem:v1+s13+$0x0], $0xffff;
	_ =	sdelay $0x3  }
0x99: {  	[tilespmem:$0x1F940] =	vst v2  }
0x9a: {  	v2 =	vor.u32 $0x35, v15;
	[tilespmem:$0x1F9C0] =	vst v0;
	v0 =	vld.idx.msk [tilespmem:v1+s12+$0x0], $0xffff;
	_ =	sdelay $0x4  }
0x9b: {  	[tilespmem:$0x1F9E0] =	vst v0;
	v0 =	vld.idx.msk [tilespmem:v2+s13+$0x0], $0xffff;
	_ =	sdelay $0x3  }
0x9c: {  	[tilespmem:$0x1F970] =	vst v3  }
0x9d: {  	v3 =	vor.u32 $0x34, v15;
	[tilespmem:$0x1F9F0] =	vst v0;
	v0 =	vld.idx.msk [tilespmem:v2+s12+$0x0], $0xffff;
	_ =	sdelay $0x4  }
0x9e: {  	[tilespmem:$0x1FA10] =	vst v0;
	v0 =	vld.idx.msk [tilespmem:v3+s13+$0x0], $0xffff;
	_ =	sdelay $0x3  }
0x9f: {  	[tilespmem:$0x1F9A0] =	vst v4  }
0xa0: {  	v4 =	vor.u32 $0x33, v15;
	[tilespmem:$0x1FA20] =	vst v0;
	v0 =	vld.idx.msk [tilespmem:v3+s12+$0x0], $0xffff;
	_ =	sdelay $0x4  }
0xa1: {  	[tilespmem:$0x1FA40] =	vst v0;
	v0 =	vld.idx.msk [tilespmem:v4+s13+$0x0], $0xffff;
	_ =	sdelay $0x3  }
0xa2: {  	[tilespmem:$0x1F9D0] =	vst v1  }
0xa3: {  	v1 =	vor.u32 $0x32, v15;
	[tilespmem:$0x1FA50] =	vst v0;
	v0 =	vld.idx.msk [tilespmem:v4+s12+$0x0], $0xffff;
	_ =	sdelay $0x4  }
0xa4: {  	[tilespmem:$0x1FA70] =	vst v0;
	v0 =	vld.idx.msk [tilespmem:v1+s13+$0x0], $0xffff;
	_ =	sdelay $0x3  }
0xa5: {  	[tilespmem:$0x1FA00] =	vst v2  }
0xa6: {  	v2 =	vor.u32 $0x31, v15;
	[tilespmem:$0x1FA80] =	vst v0;
	v0 =	vld.idx.msk [tilespmem:v1+s12+$0x0], $0xffff;
	_ =	sdelay $0x4  }
0xa7: {  	[tilespmem:$0x1FAA0] =	vst v0;
	v0 =	vld.idx.msk [tilespmem:v2+s13+$0x0], $0xffff;
	_ =	sdelay $0x3  }
0xa8: {  	[tilespmem:$0x1FA30] =	vst v3  }
0xa9: {  	v3 =	vor.u32 $0x30, v15;
	[tilespmem:$0x1FAB0] =	vst v0;
	v0 =	vld.idx.msk [tilespmem:v2+s12+$0x0], $0xffff;
	_ =	sdelay $0x4  }
0xaa: {  	[tilespmem:$0x1FAD0] =	vst v0;
	v0 =	vld.idx.msk [tilespmem:v3+s13+$0x0], $0xffff;
	_ =	sdelay $0x3  }
0xab: {  	[tilespmem:$0x1FA60] =	vst v4  }
0xac: {  	v4 =	vor.u32 $0x2F, v15;
	[tilespmem:$0x1FAE0] =	vst v0;
	v0 =	vld.idx.msk [tilespmem:v3+s12+$0x0], $0xffff;
	_ =	sdelay $0x4  }
0xad: {  	[tilespmem:$0x1FB00] =	vst v0;
	v0 =	vld.idx.msk [tilespmem:v4+s13+$0x0], $0xffff;
	_ =	sdelay $0x3  }
0xae: {  	[tilespmem:$0x1FA90] =	vst v1  }
0xaf: {  	v1 =	vor.u32 $0x2E, v15;
	[tilespmem:$0x1FB10] =	vst v0;
	v0 =	vld.idx.msk [tilespmem:v4+s12+$0x0], $0xffff;
	_ =	sdelay $0x4  }
0xb0: {  	[tilespmem:$0x1FB30] =	vst v0;
	v0 =	vld.idx.msk [tilespmem:v1+s13+$0x0], $0xffff;
	_ =	sdelay $0x3  }
0xb1: {  	[tilespmem:$0x1FAC0] =	vst v2  }
0xb2: {  	v2 =	vor.u32 $0x2D, v15;
	[tilespmem:$0x1FB40] =	vst v0;
	v0 =	vld.idx.msk [tilespmem:v1+s12+$0x0], $0xffff;
	_ =	sdelay $0x4  }
0xb3: {  	[tilespmem:$0x1FB60] =	vst v0;
	v0 =	vld.idx.msk [tilespmem:v2+s13+$0x0], $0xffff;
	_ =	sdelay $0x3  }
0xb4: {  	[tilespmem:$0x1FAF0] =	vst v3  }
0xb5: {  	v3 =	vor.u32 $0x2C, v15;
	[tilespmem:$0x1FB70] =	vst v0;
	v0 =	vld.idx.msk [tilespmem:v2+s12+$0x0], $0xffff;
	_ =	sdelay $0x4  }
0xb6: {  	[tilespmem:$0x1FB90] =	vst v0;
	v0 =	vld.idx.msk [tilespmem:v3+s13+$0x0], $0xffff;
	_ =	sdelay $0x3  }
0xb7: {  	[tilespmem:$0x1FB20] =	vst v4  }
0xb8: {  	v4 =	vor.u32 $0x2B, v15;
	[tilespmem:$0x1FBA0] =	vst v0;
	v0 =	vld.idx.msk [tilespmem:v3+s12+$0x0], $0xffff;
	_ =	sdelay $0x4  }
0xb9: {  	[tilespmem:$0x1FBC0] =	vst v0;
	v0 =	vld.idx.msk [tilespmem:v4+s13+$0x0], $0xffff;
	_ =	sdelay $0x3  }
0xba: {  	[tilespmem:$0x1FB50] =	vst v1  }
0xbb: {  	v1 =	vor.u32 $0x2A, v15;
	[tilespmem:$0x1FBD0] =	vst v0;
	v0 =	vld.idx.msk [tilespmem:v4+s12+$0x0], $0xffff;
	_ =	sdelay $0x4  }
0xbc: {  	[tilespmem:$0x1FBF0] =	vst v0;
	v0 =	vld.idx.msk [tilespmem:v1+s13+$0x0], $0xffff;
	_ =	sdelay $0x3  }
0xbd: {  	[tilespmem:$0x1FB80] =	vst v2  }
0xbe: {  	v2 =	vor.u32 $0x29, v15;
	[tilespmem:$0x1FC00] =	vst v0;
	v0 =	vld.idx.msk [tilespmem:v1+s12+$0x0], $0xffff;
	_ =	sdelay $0x4  }
0xbf: {  	[tilespmem:$0x1FC20] =	vst v0;
	v0 =	vld.idx.msk [tilespmem:v2+s13+$0x0], $0xffff;
	_ =	sdelay $0x3  }
0xc0: {  	[tilespmem:$0x1FBB0] =	vst v3  }
0xc1: {  	v3 =	vor.u32 $0x28, v15;
	[tilespmem:$0x1FC30] =	vst v0;
	v0 =	vld.idx.msk [tilespmem:v2+s12+$0x0], $0xffff;
	_ =	sdelay $0x4  }
0xc2: {  	[tilespmem:$0x1FC50] =	vst v0;
	v0 =	vld.idx.msk [tilespmem:v3+s13+$0x0], $0xffff;
	_ =	sdelay $0x3  }
0xc3: {  	[tilespmem:$0x1FBE0] =	vst v4  }
0xc4: {  	v4 =	vor.u32 $0x27, v15;
	[tilespmem:$0x1FC60] =	vst v0;
	v0 =	vld.idx.msk [tilespmem:v3+s12+$0x0], $0xffff;
	_ =	sdelay $0x4  }
0xc5: {  	[tilespmem:$0x1FC80] =	vst v0;
	v0 =	vld.idx.msk [tilespmem:v4+s13+$0x0], $0xffff;
	_ =	sdelay $0x3  }
0xc6: {  	[tilespmem:$0x1FC10] =	vst v1  }
0xc7: {  	v1 =	vor.u32 $0x26, v15;
	[tilespmem:$0x1FC90] =	vst v0;
	v0 =	vld.idx.msk [tilespmem:v4+s12+$0x0], $0xffff;
	_ =	sdelay $0x4  }
0xc8: {  	[tilespmem:$0x1FCB0] =	vst v0;
	v0 =	vld.idx.msk [tilespmem:v1+s13+$0x0], $0xffff;
	_ =	sdelay $0x4  }
0xc9: {  	v29 =	vor.u32 $0x25, v15;
	[tilespmem:$0x1FCC0] =	vst v0;
	v0 =	vld.idx.msk [tilespmem:v1+s12+$0x0], $0xffff;
	_ =	sdelay $0x4  }
0xca: {  	[tilespmem:$0x1FCE0] =	vst v0;
	v0 =	vld.idx.msk [tilespmem:v29+s13+$0x0], $0xffff;
	_ =	sdelay $0x4  }
0xcb: {  	v37 =	vor.u32 $0x24, v15;
	[tilespmem:$0x1FCF0] =	vst v0;
	v0 =	vld.idx.msk [tilespmem:v29+s12+$0x0], $0xffff;
	_ =	sdelay $0x4  }
0xcc: {  	[tilespmem:$0x1FD00] =	vst v0;
	v0 =	vld.idx.msk [tilespmem:v37+s13+$0x0], $0xffff;
	_ =	sdelay $0x4  }
0xcd: {  	v38 =	vor.u32 $0x23, v15;
	[tilespmem:$0x1FD10] =	vst v0;
	v0 =	vld.idx.msk [tilespmem:v37+s12+$0x0], $0xffff;
	_ =	sdelay $0x4  }
0xce: {  	[tilespmem:$0x1FD20] =	vst v0;
	v0 =	vld.idx.msk [tilespmem:v38+s13+$0x0], $0xffff;
	_ =	sdelay $0x4  }
0xcf: {  	v18 =	vor.u32 $0x22, v15;
	[tilespmem:$0x1FD30] =	vst v0;
	v0 =	vld.idx.msk [tilespmem:v38+s12+$0x0], $0xffff;
	_ =	sdelay $0x4  }
0xd0: {  	[tilespmem:$0x1FD40] =	vst v0;
	v0 =	vld.idx.msk [tilespmem:v18+s13+$0x0], $0xffff;
	_ =	sdelay $0x4  }
0xd1: {  	v43 =	vor.u32 $0x21, v15;
	[tilespmem:$0x1FD50] =	vst v0;
	v0 =	vld.idx.msk [tilespmem:v18+s12+$0x0], $0xffff;
	_ =	sdelay $0x4  }
0xd2: {  	[tilespmem:$0x1FD60] =	vst v0;
	v0 =	vld.idx.msk [tilespmem:v43+s13+$0x0], $0xffff;
	_ =	sdelay $0x4  }
0xd3: {  	v31 =	vor.u32 $0x20, v15;
	[tilespmem:$0x1FD70] =	vst v0;
	v0 =	vld.idx.msk [tilespmem:v43+s12+$0x0], $0xffff;
	_ =	sdelay $0x4  }
0xd4: {  	[tilespmem:$0x1FD80] =	vst v0;
	v0 =	vld.idx.msk [tilespmem:v31+s13+$0x0], $0xffff;
	_ =	sdelay $0x4  }
0xd5: {  	v21 =	vor.u32 $0x1F, v15;
	[tilespmem:$0x1FD90] =	vst v0;
	v0 =	vld.idx.msk [tilespmem:v31+s12+$0x0], $0xffff;
	_ =	sdelay $0x4  }
0xd6: {  	[tilespmem:$0x1FDA0] =	vst v0;
	v0 =	vld.idx.msk [tilespmem:v21+s13+$0x0], $0xffff;
	_ =	sdelay $0x4  }
0xd7: {  	v27 =	vor.u32 $0x1E, v15;
	[tilespmem:$0x1FDB0] =	vst v0;
	v0 =	vld.idx.msk [tilespmem:v21+s12+$0x0], $0xffff;
	_ =	sdelay $0x4  }
0xd8: {  	[tilespmem:$0x1FDC0] =	vst v0;
	v0 =	vld.idx.msk [tilespmem:v27+s13+$0x0], $0xffff;
	_ =	sdelay $0x4  }
0xd9: {  	v24 =	vor.u32 $0x1D, v15;
	[tilespmem:$0x1FDD0] =	vst v0;
	v0 =	vld.idx.msk [tilespmem:v27+s12+$0x0], $0xffff;
	_ =	sdelay $0x4  }
0xda: {  	[tilespmem:$0x1FDE0] =	vst v0;
	v0 =	vld.idx.msk [tilespmem:v24+s13+$0x0], $0xffff;
	_ =	sdelay $0x4  }
0xdb: {  	v33 =	vor.u32 $0x1C, v15;
	[tilespmem:$0x1FDF0] =	vst v0;
	v0 =	vld.idx.msk [tilespmem:v24+s12+$0x0], $0xffff;
	_ =	sdelay $0x4  }
0xdc: {  	[tilespmem:$0x1FE00] =	vst v0;
	v0 =	vld.idx.msk [tilespmem:v33+s13+$0x0], $0xffff;
	_ =	sdelay $0x4  }
0xdd: {  	v8 =	vor.u32 $0x1B, v15;
	[tilespmem:$0x1FE10] =	vst v0;
	v0 =	vld.idx.msk [tilespmem:v33+s12+$0x0], $0xffff;
	_ =	sdelay $0x4  }
0xde: {  	[tilespmem:$0x1FE20] =	vst v0;
	v0 =	vld.idx.msk [tilespmem:v8+s13+$0x0], $0xffff;
	_ =	sdelay $0x4  }
0xdf: {  	v49 =	vor.u32 $0x1A, v15;
	[tilespmem:$0x1FE30] =	vst v0;
	v0 =	vld.idx.msk [tilespmem:v8+s12+$0x0], $0xffff;
	_ =	sdelay $0x4  }
0xe0: {  	[tilespmem:$0x1FE40] =	vst v0;
	v0 =	vld.idx.msk [tilespmem:v49+s13+$0x0], $0xffff;
	_ =	sdelay $0x4  }
0xe1: {  	v22 =	vor.u32 $0x19, v15;
	[tilespmem:$0x1FE50] =	vst v0;
	v0 =	vld.idx.msk [tilespmem:v49+s12+$0x0], $0xffff;
	_ =	sdelay $0x4  }
0xe2: {  	[tilespmem:$0x1FE60] =	vst v0;
	v0 =	vld.idx.msk [tilespmem:v22+s13+$0x0], $0xffff;
	_ =	sdelay $0x4  }
0xe3: {  	v32 =	vor.u32 $0x18, v15;
	[tilespmem:$0x1FE70] =	vst v0;
	v0 =	vld.idx.msk [tilespmem:v22+s12+$0x0], $0xffff;
	_ =	sdelay $0x4  }
0xe4: {  	[tilespmem:$0x1FE80] =	vst v0;
	v0 =	vld.idx.msk [tilespmem:v32+s13+$0x0], $0xffff;
	_ =	sdelay $0x4  }
0xe5: {  	v44 =	vor.u32 $0x17, v15;
	[tilespmem:$0x1FE90] =	vst v0;
	v0 =	vld.idx.msk [tilespmem:v32+s12+$0x0], $0xffff;
	_ =	sdelay $0x4  }
0xe6: {  	[tilespmem:$0x1FEA0] =	vst v0;
	v0 =	vld.idx.msk [tilespmem:v44+s13+$0x0], $0xffff;
	_ =	sdelay $0x4  }
0xe7: {  	v55 =	vor.u32 $0x16, v15;
	[tilespmem:$0x1FEB0] =	vst v0;
	v0 =	vld.idx.msk [tilespmem:v44+s12+$0x0], $0xffff;
	_ =	sdelay $0x4  }
0xe8: {  	[tilespmem:$0x1FEC0] =	vst v0;
	v0 =	vld.idx.msk [tilespmem:v55+s13+$0x0], $0xffff;
	_ =	sdelay $0x4  }
0xe9: {  	v28 =	vor.u32 $0x15, v15;
	[tilespmem:$0x1FED0] =	vst v0;
	v0 =	vld.idx.msk [tilespmem:v55+s12+$0x0], $0xffff;
	_ =	sdelay $0x4  }
0xea: {  	[tilespmem:$0x1FEE0] =	vst v0;
	v0 =	vld.idx.msk [tilespmem:v28+s13+$0x0], $0xffff;
	_ =	sdelay $0x4  }
0xeb: {  	v34 =	vor.u32 $0x14, v15;
	[tilespmem:$0x1FEF0] =	vst v0;
	v0 =	vld.idx.msk [tilespmem:v28+s12+$0x0], $0xffff;
	_ =	sdelay $0x4  }
0xec: {  	[tilespmem:$0x1FF00] =	vst v0;
	v0 =	vld.idx.msk [tilespmem:v34+s13+$0x0], $0xffff;
	_ =	sdelay $0x4  }
0xed: {  	v62 =	vor.u32 $0x13, v15;
	[tilespmem:$0x1FF10] =	vst v0;
	v0 =	vld.idx.msk [tilespmem:v34+s12+$0x0], $0xffff;
	_ =	sdelay $0x4  }
0xee: {  	[tilespmem:$0x1FF20] =	vst v0;
	v0 =	vld.idx.msk [tilespmem:v62+s13+$0x0], $0xffff;
	_ =	sdelay $0x4  }
0xef: {  	v36 =	vor.u32 $0x12, v15;
	[tilespmem:$0x1FF30] =	vst v0;
	v0 =	vld.idx.msk [tilespmem:v62+s12+$0x0], $0xffff;
	_ =	sdelay $0x4  }
0xf0: {  	[tilespmem:$0x1FF40] =	vst v0;
	v0 =	vld.idx.msk [tilespmem:v36+s13+$0x0], $0xffff;
	_ =	sdelay $0x4  }
0xf1: {  	v57 =	vor.u32 $0x11, v15;
	[tilespmem:$0x1FF50] =	vst v0;
	v0 =	vld.idx.msk [tilespmem:v36+s12+$0x0], $0xffff;
	_ =	sdelay $0x4  }
0xf2: {  	[tilespmem:$0x1FF60] =	vst v0;
	v0 =	vld.idx.msk [tilespmem:v57+s13+$0x0], $0xffff;
	_ =	sdelay $0x4  }
0xf3: {  	v61 =	vor.u32 $0x10, v15;
	[tilespmem:$0x1FF70] =	vst v0;
	v0 =	vld.idx.msk [tilespmem:v57+s12+$0x0], $0xffff;
	_ =	sdelay $0x3  }
0xf4: {  	v19 =	vor.u32 $0xE, v15  }
0xf5: {  	[tilespmem:$0x1FF80] =	vst v0;
	v0 =	vld.idx.msk [tilespmem:v61+s13+$0x0], $0xffff  }
0xf6: {  	v40 =	vor.u32 $0xB, v15;
	_ =	sdelay $0x1  }
0xf7: {  	v42 =	vor.u32 $0xA, v15  }
0xf8: {  	v14 =	vld.idx.msk [tilespmem:v19+s12+$0x0], $0xffff  }
0xf9: {  	v63 =	vor.u32 $0xF, v15;
	[tilespmem:$0x1FF90] =	vst v0;
	v0 =	vld.idx.msk [tilespmem:v61+s12+$0x0], $0xffff  }
0xfa: {  	v50 =	vor.u32 $0x9, v15;
	v25 =	vld.idx.msk [tilespmem:v40+s13+$0x0], $0xffff  }
0xfb: {  	v30 =	vld.idx.msk [tilespmem:v40+s12+$0x0], $0xffff  }
0xfc: {  	v51 =	vor.u32 $0x8, v15;
	v41 =	vld.idx.msk [tilespmem:v42+s13+$0x0], $0xffff  }
0xfd: {  	v52 =	vld.idx.msk [tilespmem:v42+s12+$0x0], $0xffff  }
0xfe: {  	[tilespmem:$0x1FFA0] =	vst v0;
	v0 =	vld.idx.msk [tilespmem:v63+s13+$0x0], $0xffff  }
0xff: {  	v59 =	vor.u32 $0x7, v15;
	v45 =	vld.idx.msk [tilespmem:v50+s13+$0x0], $0xffff  }
0x100: {  	v46 =	vld.idx.msk [tilespmem:v50+s12+$0x0], $0xffff  }
0x101: {  	v10 =	vor.u32 $0x4, v15;
	v23 =	vld.idx.msk [tilespmem:v51+s13+$0x0], $0xffff  }
0x102: {  	v54 =	vld.idx.msk [tilespmem:v51+s12+$0x0], $0xffff  }
0x103: {  	[tilespmem:$0x1FFB0] =	vst v0;
	v0 =	vld.idx.msk [tilespmem:v63+s12+$0x0], $0xffff  }
0x104: {  	v16 =	vor.u32 $0x3, v15;
	v48 =	vld.idx.msk [tilespmem:v59+s13+$0x0], $0xffff  }
0x105: {  	v58 =	vld.idx.msk [tilespmem:v59+s12+$0x0], $0xffff  }
0x106: {  	v20 =	vor.u32 $0x2, v15;
	v5 =	vld.idx.msk [tilespmem:v10+s13+$0x0], $0xffff  }
0x107: {  	v7 =	vld.idx.msk [tilespmem:v10+s12+$0x0], $0xffff;
	[tilespmem:$0x1FC40] =	vst v2;
	v2 =	vor.u32 $0xD, v15  }
0x108: {  	[tilespmem:$0x1FFC0] =	vst v0;
	v0 =	vld.idx.msk [tilespmem:v19+s13+$0x0], $0xffff  }
0x109: {  	v11 =	vld.idx.msk [tilespmem:v16+s13+$0x0], $0xffff;
	[tilespmem:$0x1FC70] =	vst v3;
	v3 =	vor.u32 $0x5, v15  }
0x10a: {  	v9 =	vld.idx.msk [tilespmem:v16+s12+$0x0], $0xffff  }
0x10b: {  	v13 =	vld.idx.msk [tilespmem:v20+s13+$0x0], $0xffff;
	[tilespmem:$0x1FCD0] =	vst v1;
	v1 =	vor.u32 $0xC, v15  }
0x10c: {  	v56 =	vld.idx.msk [tilespmem:v2+s13+$0x0], $0xffff  }
0x10d: {  	v60 =	vld.idx.msk [tilespmem:v2+s12+$0x0], $0xffff;
	[tilespmem:$0x1FFD0] =	vst v0;
	v0 =	vor.u32 $0x6, v15  }
0x10e: {  	p1 =	por $0x1, $0x1;
	v6 =	vld.idx.msk [tilespmem:v3+s13+$0x0], $0xffff  }
.Ltmp3:
0x10f: {  	[tilespmem:$0x1FCA0] =	vst v4;
	v4 =	vld.idx.msk [tilespmem:v3+s12+$0x0], $0xffff;
	(pc) =	sbr.rel @!p1 .LBB2_5-.Ltmp3, $4  }
0x110: {  	v39 =	vld.idx.msk [tilespmem:v1+s13+$0x0], $0xffff  }
0x111: {  	v35 =	vld.idx.msk [tilespmem:v1+s12+$0x0], $0xffff  }
0x112: {  	v26 =	vld.idx.msk [tilespmem:v0+s13+$0x0], $0xffff  }
0x113: {  	p0 =	por $0x0, $0x0;
	s24 =	simm.s32 $0x10;
	v17 =	vor.u32 $0x1, v15;
	v53 =	vld.idx.msk [tilespmem:v0+s12+$0x0], $0xffff  }
0x114: {  	_ =	sdelay $0x3  }
0x115: {  	v12 =	vld.idx.msk [tilespmem:v15+s13+$0x0], $0xffff;
	_ =	sdelay $0x4  }
0x116: {  	[tilespmem:$0x1F490] =	vst v12;
	v12 =	vld.idx.msk [tilespmem:v15+s12+$0x0], $0xffff;
	_ =	sdelay $0x4  }
0x117: {  	[tilespmem:$0x1F460] =	vst v12;
	v12 =	vld.idx.msk [tilespmem:v15+s14+$0x0], $0xffff;
	_ =	sdelay $0x4  }
0x118: {  	[tilespmem:$0x1F440] =	vst v12;
	v12 =	vld.idx.msk [tilespmem:v15+s16+$0x0], $0xffff;
	_ =	sdelay $0x4  }
0x119: {  	[tilespmem:$0x1F450] =	vst v12;
	v12 =	vld.idx.msk [tilespmem:v15+s15+$0x0], $0xffff;
	_ =	sdelay $0x4  }
0x11a: {  	[tilespmem:$0x1F470] =	vst v12;
	v12 =	vld.idx.msk [tilespmem:v15+s17+$0x0], $0xffff;
	_ =	sdelay $0x4  }
0x11b: {  	[tilespmem:$0x1F480] =	vst v12;
	v12 =	vld.idx.msk [tilespmem:v17+s12+$0x0], $0xffff;
	_ =	sdelay $0x4  }
0x11c: {  	[tilespmem:$0x1F4E0] =	vst v12;
	v12 =	vld.idx.msk [tilespmem:v17+s14+$0x0], $0xffff;
	_ =	sdelay $0x4  }
0x11d: {  	[tilespmem:$0x1F4A0] =	vst v12;
	v12 =	vld.idx.msk [tilespmem:v17+s16+$0x0], $0xffff;
	_ =	sdelay $0x3  }
0x11e: {  	v15 =	vld.idx.msk [tilespmem:v17+s13+$0x0], $0xffff  }
0x11f: {  	[tilespmem:$0x1F4B0] =	vst v12;
	v12 =	vld.idx.msk [tilespmem:v17+s15+$0x0], $0xffff;
	_ =	sdelay $0x3  }
0x120: {  	[tilespmem:$0x1F510] =	vst v15;
	v15 =	vld [tilespmem:$0x1F450]  }
0x121: {  	[tilespmem:$0x1F4F0] =	vst v12;
	v12 =	vld [tilespmem:$0x1F440];
	_ =	sdelay $0x4  }
0x122: {  	v15 =	vsub.f32 v12, v15;
	v12 =	vld.idx.msk [tilespmem:v17+s17+$0x0], $0xffff;
	_ =	sdelay $0x4  }
0x123: {  	[tilespmem:$0x1F500] =	vst v12;
	v12 =	vld [tilespmem:$0x1F460];
	_ =	sdelay $0x4  }
0x124: {  	v12 =	vmul.f32 v15, v12  }
0x125: {  	v15 =	vld [tilespmem:$0x1F480]  }
0x126: {  	[tilespmem:$0x1F4C0] =	vst v12;
	v12 =	vld [tilespmem:$0x1F470];
	_ =	sdelay $0x4  }
0x127: {  	v15 =	vsub.f32 v12, v15;
	v12 =	vld.idx.msk [tilespmem:v20+s14+$0x0], $0xffff;
	_ =	sdelay $0x4  }
0x128: {  	[tilespmem:$0x1F520] =	vst v12;
	v12 =	vld.idx.msk [tilespmem:v20+s16+$0x0], $0xffff;
	_ =	sdelay $0x4  }
0x129: {  	[tilespmem:$0x1F530] =	vst v12;
	v12 =	vld [tilespmem:$0x1F490];
	_ =	sdelay $0x4  }
0x12a: {  	v17 =	vld.idx.msk [tilespmem:v20+s12+$0x0], $0xffff;
	v12 =	vmul.f32 v15, v12  }
0x12b: {  	v15 =	vld [tilespmem:$0x1F4B0]  }
0x12c: {  	[tilespmem:$0x1F4D0] =	vst v12;
	v12 =	vld [tilespmem:$0x1F4A0];
	_ =	sdelay $0x4  }
0x12d: {  	[tilespmem:$0x1F540] =	vst v17;
	v17 =	vsub.f32 v12, v15;
	v12 =	vld [tilespmem:$0x1F4C0];
	_ =	sdelay $0x4  }
0x12e: {  	v15 =	vadd.f32 $0.0e+00, v12;
	v12 =	vld.idx.msk [tilespmem:v20+s15+$0x0], $0xffff;
	_ =	sdelay $0x4  }
0x12f: {  	[tilespmem:$0x1F550] =	vst v12;
	v12 =	vld.idx.msk [tilespmem:v20+s17+$0x0], $0xffff;
	_ =	sdelay $0x4  }
0x130: {  	[tilespmem:$0x1F560] =	vst v12;
	v12 =	vld [tilespmem:$0x1F4D0];
	_ =	sdelay $0x4  }
0x131: {  	v20 =	vadd.f32 v12, v15;
	v12 =	vld [tilespmem:$0x1F4E0];
	_ =	sdelay $0x3  }
0x132: {  	v15 =	vld [tilespmem:$0x1F500]  }
0x133: {  	v17 =	vmul.f32 v17, v12;
	v12 =	vld [tilespmem:$0x1F4F0];
	_ =	sdelay $0x4  }
0x134: {  	v15 =	vsub.f32 v12, v15;
	v12 =	vld.idx.msk [tilespmem:v16+s14+$0x0], $0xffff;
	_ =	sdelay $0x3  }
0x135: {  	v17 =	vadd.f32 v17, v20;
	v20 =	vld [tilespmem:$0x1F510]  }
0x136: {  	[tilespmem:$0x1F570] =	vst v12;
	v12 =	vld.idx.msk [tilespmem:v16+s16+$0x0], $0xffff;
	_ =	sdelay $0x3  }
0x137: {  	v15 =	vmul.f32 v15, v20;
	v20 =	vld [tilespmem:$0x1F530]  }
0x138: {  	[tilespmem:$0x1F580] =	vst v12;
	v12 =	vld [tilespmem:$0x1F520];
	_ =	sdelay $0x3  }
0x139: {  	v15 =	vadd.f32 v15, v17;
	v17 =	vld [tilespmem:$0x1F540]  }
0x13a: {  	v20 =	vsub.f32 v12, v20;
	v12 =	vld.idx.msk [tilespmem:v16+s15+$0x0], $0xffff;
	_ =	sdelay $0x3  }
0x13b: {  	v17 =	vmul.f32 v20, v17;
	v20 =	vld [tilespmem:$0x1F560]  }
0x13c: {  	[tilespmem:$0x1F590] =	vst v12;
	v12 =	vld [tilespmem:$0x1F550];
	_ =	sdelay $0x4  }
0x13d: {  	v20 =	vsub.f32 v12, v20;
	v12 =	vld.idx.msk [tilespmem:v10+s14+$0x0], $0xffff;
	_ =	sdelay $0x4  }
0x13e: {  	[tilespmem:$0x1F5A0] =	vst v12;
	v12 =	vld.idx.msk [tilespmem:v10+s16+$0x0], $0xffff;
	_ =	sdelay $0x3  }
0x13f: {  	v15 =	vadd.f32 v17, v15;
	v17 =	vld [tilespmem:$0x1F580]  }
0x140: {  	[tilespmem:$0x1F5B0] =	vst v12;
	v12 =	vld [tilespmem:$0x1F570];
	_ =	sdelay $0x3  }
0x141: {  	v16 =	vld.idx.msk [tilespmem:v16+s17+$0x0], $0xffff  }
0x142: {  	v13 =	vmul.f32 v20, v13;
	v17 =	vsub.f32 v12, v17;
	v12 =	vld [tilespmem:$0x1F590];
	_ =	sdelay $0x1  }
0x143: {  	v13 =	vadd.f32 v13, v15;
	v9 =	vmul.f32 v17, v9;
	_ =	sdelay $0x1  }
0x144: {  	v9 =	vadd.f32 v9, v13;
	v13 =	vld [tilespmem:$0x1F5B0]  }
0x145: {  	v15 =	vsub.f32 v12, v16;
	v12 =	vld [tilespmem:$0x1F5A0]  }
0x146: {  	v20 =	vld.idx.msk [tilespmem:v10+s15+$0x0], $0xffff  }
0x147: {  	v10 =	vld.idx.msk [tilespmem:v10+s17+$0x0], $0xffff  }
0x148: {  	v17 =	vld.idx.msk [tilespmem:v3+s16+$0x0], $0xffff  }
0x149: {  	v16 =	vld.idx.msk [tilespmem:v3+s14+$0x0], $0xffff  }
0x14a: {  	v11 =	vmul.f32 v15, v11;
	v15 =	vld.idx.msk [tilespmem:v3+s15+$0x0], $0xffff;
	v13 =	vsub.f32 v12, v13  }
0x14b: {  	v3 =	vld.idx.msk [tilespmem:v3+s17+$0x0], $0xffff  }
0x14c: {  	v10 =	vsub.f32 v20, v10;
	v9 =	vadd.f32 v11, v9;
	v11 =	vld.idx.msk [tilespmem:v0+s14+$0x0], $0xffff;
	v7 =	vmul.f32 v13, v7  }
0x14d: {  	v13 =	vld.idx.msk [tilespmem:v0+s16+$0x0], $0xffff  }
0x14e: {  	v5 =	vmul.f32 v10, v5;
	v10 =	vld.idx.msk [tilespmem:v0+s15+$0x0], $0xffff;
	v7 =	vadd.f32 v7, v9;
	v9 =	vsub.f32 v16, v17  }
0x14f: {  	v0 =	vld.idx.msk [tilespmem:v0+s17+$0x0], $0xffff  }
0x150: {  	v3 =	vsub.f32 v15, v3;
	v5 =	vadd.f32 v5, v7;
	v4 =	vmul.f32 v9, v4;
	v7 =	vld.idx.msk [tilespmem:v59+s14+$0x0], $0xffff  }
0x151: {  	v9 =	vld.idx.msk [tilespmem:v59+s16+$0x0], $0xffff  }
0x152: {  	v3 =	vmul.f32 v3, v6;
	v4 =	vadd.f32 v4, v5;
	v5 =	vsub.f32 v11, v13;
	v11 =	vld.idx.msk [tilespmem:v59+s15+$0x0], $0xffff  }
0x153: {  	v13 =	vld.idx.msk [tilespmem:v59+s17+$0x0], $0xffff  }
0x154: {  	v0 =	vsub.f32 v10, v0;
	v10 =	vld.idx.msk [tilespmem:v51+s16+$0x0], $0xffff;
	v3 =	vadd.f32 v3, v4;
	v4 =	vmul.f32 v5, v53  }
0x155: {  	v5 =	vld.idx.msk [tilespmem:v51+s14+$0x0], $0xffff  }
0x156: {  	v0 =	vmul.f32 v0, v26;
	v3 =	vadd.f32 v4, v3;
	v4 =	vsub.f32 v7, v9;
	v7 =	vld.idx.msk [tilespmem:v51+s15+$0x0], $0xffff  }
0x157: {  	v9 =	vld.idx.msk [tilespmem:v51+s17+$0x0], $0xffff  }
0x158: {  	v0 =	vadd.f32 v0, v3;
	v3 =	vmul.f32 v4, v58;
	v4 =	vsub.f32 v11, v13;
	v11 =	vld.idx.msk [tilespmem:v50+s14+$0x0], $0xffff  }
0x159: {  	v13 =	vld.idx.msk [tilespmem:v50+s16+$0x0], $0xffff  }
0x15a: {  	v0 =	vadd.f32 v3, v0;
	v3 =	vmul.f32 v4, v48;
	v4 =	vsub.f32 v5, v10;
	v5 =	vld.idx.msk [tilespmem:v50+s15+$0x0], $0xffff  }
0x15b: {  	v10 =	vld.idx.msk [tilespmem:v50+s17+$0x0], $0xffff  }
0x15c: {  	v0 =	vadd.f32 v3, v0;
	v3 =	vmul.f32 v4, v54;
	v4 =	vsub.f32 v7, v9;
	v7 =	vld.idx.msk [tilespmem:v42+s14+$0x0], $0xffff  }
0x15d: {  	v9 =	vld.idx.msk [tilespmem:v42+s16+$0x0], $0xffff  }
0x15e: {  	v0 =	vadd.f32 v3, v0;
	v3 =	vmul.f32 v4, v23;
	v4 =	vsub.f32 v11, v13;
	v11 =	vld.idx.msk [tilespmem:v42+s15+$0x0], $0xffff  }
0x15f: {  	v13 =	vld.idx.msk [tilespmem:v42+s17+$0x0], $0xffff  }
0x160: {  	v0 =	vadd.f32 v3, v0;
	v3 =	vmul.f32 v4, v46;
	v4 =	vsub.f32 v5, v10;
	v5 =	vld.idx.msk [tilespmem:v40+s14+$0x0], $0xffff  }
0x161: {  	v10 =	vld.idx.msk [tilespmem:v40+s16+$0x0], $0xffff  }
0x162: {  	v0 =	vadd.f32 v3, v0;
	v3 =	vmul.f32 v4, v45;
	v4 =	vsub.f32 v7, v9;
	v7 =	vld.idx.msk [tilespmem:v40+s15+$0x0], $0xffff  }
0x163: {  	v9 =	vld.idx.msk [tilespmem:v40+s17+$0x0], $0xffff  }
0x164: {  	v0 =	vadd.f32 v3, v0;
	v3 =	vmul.f32 v4, v52;
	v4 =	vsub.f32 v11, v13;
	v11 =	vld.idx.msk [tilespmem:v1+s14+$0x0], $0xffff  }
0x165: {  	v13 =	vld.idx.msk [tilespmem:v1+s16+$0x0], $0xffff  }
0x166: {  	v0 =	vadd.f32 v3, v0;
	v3 =	vmul.f32 v4, v41;
	v4 =	vsub.f32 v5, v10;
	v5 =	vld.idx.msk [tilespmem:v1+s15+$0x0], $0xffff  }
0x167: {  	v10 =	vld.idx.msk [tilespmem:v1+s17+$0x0], $0xffff  }
0x168: {  	v0 =	vadd.f32 v3, v0;
	v3 =	vmul.f32 v4, v30;
	v4 =	vsub.f32 v7, v9;
	v7 =	vld.idx.msk [tilespmem:v2+s14+$0x0], $0xffff  }
0x169: {  	v9 =	vld.idx.msk [tilespmem:v2+s16+$0x0], $0xffff  }
0x16a: {  	v0 =	vadd.f32 v3, v0;
	v3 =	vmul.f32 v4, v25;
	v4 =	vsub.f32 v11, v13;
	v11 =	vld.idx.msk [tilespmem:v2+s15+$0x0], $0xffff  }
0x16b: {  	v13 =	vld.idx.msk [tilespmem:v2+s17+$0x0], $0xffff  }
0x16c: {  	v0 =	vadd.f32 v3, v0;
	v3 =	vmul.f32 v4, v35;
	v4 =	vsub.f32 v5, v10;
	v5 =	vld.idx.msk [tilespmem:v19+s14+$0x0], $0xffff  }
0x16d: {  	v10 =	vld.idx.msk [tilespmem:v19+s16+$0x0], $0xffff  }
0x16e: {  	v0 =	vadd.f32 v3, v0;
	v3 =	vmul.f32 v4, v39;
	v4 =	vsub.f32 v7, v9;
	v7 =	vld.idx.msk [tilespmem:v19+s15+$0x0], $0xffff  }
0x16f: {  	v9 =	vld.idx.msk [tilespmem:v19+s17+$0x0], $0xffff  }
0x170: {  	v0 =	vadd.f32 v3, v0;
	v3 =	vmul.f32 v4, v60;
	v4 =	vsub.f32 v11, v13  }
0x171: {  	v1 =	vld [tilespmem:$0x1FFD0]  }
0x172: {  	v0 =	vadd.f32 v3, v0;
	v3 =	vmul.f32 v4, v56;
	v4 =	vsub.f32 v5, v10  }
0x173: {  	v11 =	vld.idx.msk [tilespmem:v63+s14+$0x0], $0xffff  }
0x174: {  	v13 =	vld.idx.msk [tilespmem:v63+s16+$0x0], $0xffff;
	v0 =	vadd.f32 v3, v0;
	v3 =	vmul.f32 v4, v14;
	v4 =	vsub.f32 v7, v9;
	_ =	sdelay $0x1  }
0x175: {  	v0 =	vadd.f32 v3, v0;
	v3 =	vmul.f32 v4, v1;
	v1 =	vld [tilespmem:$0x1FFC0];
	_ =	sdelay $0x1  }
0x176: {  	v5 =	vld.idx.msk [tilespmem:v63+s15+$0x0], $0xffff  }
0x177: {  	v10 =	vld.idx.msk [tilespmem:v63+s17+$0x0], $0xffff;
	v4 =	vsub.f32 v11, v13;
	_ =	sdelay $0x1  }
0x178: {  	v0 =	vadd.f32 v3, v0;
	v3 =	vmul.f32 v4, v1;
	v1 =	vld [tilespmem:$0x1FFB0];
	_ =	sdelay $0x1  }
0x179: {  	v7 =	vld.idx.msk [tilespmem:v61+s14+$0x0], $0xffff  }
0x17a: {  	v9 =	vld.idx.msk [tilespmem:v61+s16+$0x0], $0xffff;
	v4 =	vsub.f32 v5, v10;
	_ =	sdelay $0x1  }
0x17b: {  	v0 =	vadd.f32 v3, v0;
	v3 =	vmul.f32 v4, v1;
	v1 =	vld [tilespmem:$0x1FFA0];
	_ =	sdelay $0x1  }
0x17c: {  	v12 =	vld.idx.msk [tilespmem:v61+s17+$0x0], $0xffff  }
0x17d: {  	v11 =	vld.idx.msk [tilespmem:v61+s15+$0x0], $0xffff;
	v4 =	vsub.f32 v7, v9;
	_ =	sdelay $0x1  }
0x17e: {  	v0 =	vadd.f32 v3, v0;
	v3 =	vmul.f32 v4, v1;
	v1 =	vld [tilespmem:$0x1FF90];
	_ =	sdelay $0x1  }
0x17f: {  	v5 =	vld.idx.msk [tilespmem:v57+s14+$0x0], $0xffff  }
0x180: {  	v10 =	vld.idx.msk [tilespmem:v57+s16+$0x0], $0xffff;
	v4 =	vsub.f32 v11, v12;
	_ =	sdelay $0x1  }
0x181: {  	v0 =	vadd.f32 v3, v0;
	v3 =	vmul.f32 v4, v1;
	v1 =	vld [tilespmem:$0x1FF80];
	_ =	sdelay $0x1  }
0x182: {  	v6 =	vld.idx.msk [tilespmem:v57+s17+$0x0], $0xffff  }
0x183: {  	v7 =	vld.idx.msk [tilespmem:v57+s15+$0x0], $0xffff;
	v4 =	vsub.f32 v5, v10;
	_ =	sdelay $0x1  }
0x184: {  	v0 =	vadd.f32 v3, v0;
	v3 =	vmul.f32 v4, v1;
	v1 =	vld [tilespmem:$0x1FF70];
	_ =	sdelay $0x1  }
0x185: {  	v9 =	vld.idx.msk [tilespmem:v36+s14+$0x0], $0xffff  }
0x186: {  	v11 =	vld.idx.msk [tilespmem:v36+s16+$0x0], $0xffff;
	v4 =	vsub.f32 v7, v6;
	_ =	sdelay $0x1  }
0x187: {  	v0 =	vadd.f32 v3, v0;
	v3 =	vmul.f32 v4, v1;
	v1 =	vld [tilespmem:$0x1FF60];
	_ =	sdelay $0x1  }
0x188: {  	v2 =	vld.idx.msk [tilespmem:v36+s17+$0x0], $0xffff  }
0x189: {  	v5 =	vld.idx.msk [tilespmem:v36+s15+$0x0], $0xffff;
	v4 =	vsub.f32 v9, v11;
	_ =	sdelay $0x1  }
0x18a: {  	v0 =	vadd.f32 v3, v0;
	v3 =	vmul.f32 v4, v1;
	v1 =	vld [tilespmem:$0x1FF50];
	_ =	sdelay $0x1  }
0x18b: {  	v6 =	vld.idx.msk [tilespmem:v62+s14+$0x0], $0xffff  }
0x18c: {  	v7 =	vld.idx.msk [tilespmem:v62+s16+$0x0], $0xffff;
	v2 =	vsub.f32 v5, v2;
	_ =	sdelay $0x1  }
0x18d: {  	v2 =	vmul.f32 v2, v1;
	v1 =	vld [tilespmem:$0x1FF40];
	_ =	sdelay $0x1  }
0x18e: {  	v10 =	vld.idx.msk [tilespmem:v62+s17+$0x0], $0xffff  }
0x18f: {  	v9 =	vld.idx.msk [tilespmem:v62+s15+$0x0], $0xffff;
	v0 =	vadd.f32 v3, v0;
	v3 =	vsub.f32 v6, v7;
	_ =	sdelay $0x1  }
0x190: {  	v0 =	vadd.f32 v2, v0;
	v2 =	vmul.f32 v3, v1;
	v1 =	vld [tilespmem:$0x1FF30];
	_ =	sdelay $0x1  }
0x191: {  	v5 =	vld.idx.msk [tilespmem:v34+s16+$0x0], $0xffff  }
0x192: {  	v4 =	vld.idx.msk [tilespmem:v34+s14+$0x0], $0xffff;
	v3 =	vsub.f32 v9, v10;
	_ =	sdelay $0x1  }
0x193: {  	v0 =	vadd.f32 v2, v0;
	v2 =	vmul.f32 v3, v1;
	v1 =	vld [tilespmem:$0x1FF20];
	_ =	sdelay $0x1  }
0x194: {  	v6 =	vld.idx.msk [tilespmem:v34+s15+$0x0], $0xffff  }
0x195: {  	v7 =	vld.idx.msk [tilespmem:v34+s17+$0x0], $0xffff;
	v3 =	vsub.f32 v4, v5;
	_ =	sdelay $0x1  }
0x196: {  	v0 =	vadd.f32 v2, v0;
	v2 =	vmul.f32 v3, v1;
	v1 =	vld [tilespmem:$0x1FF10];
	_ =	sdelay $0x1  }
0x197: {  	v9 =	vld.idx.msk [tilespmem:v28+s14+$0x0], $0xffff  }
0x198: {  	v10 =	vld.idx.msk [tilespmem:v28+s16+$0x0], $0xffff;
	v3 =	vsub.f32 v6, v7;
	_ =	sdelay $0x1  }
0x199: {  	v0 =	vadd.f32 v2, v0;
	v2 =	vmul.f32 v3, v1;
	v1 =	vld [tilespmem:$0x1FF00];
	_ =	sdelay $0x1  }
0x19a: {  	v4 =	vld.idx.msk [tilespmem:v28+s15+$0x0], $0xffff  }
0x19b: {  	v5 =	vld.idx.msk [tilespmem:v28+s17+$0x0], $0xffff;
	v3 =	vsub.f32 v9, v10;
	_ =	sdelay $0x1  }
0x19c: {  	v0 =	vadd.f32 v2, v0;
	v2 =	vmul.f32 v3, v1;
	v1 =	vld [tilespmem:$0x1FEF0];
	_ =	sdelay $0x1  }
0x19d: {  	v6 =	vld.idx.msk [tilespmem:v55+s14+$0x0], $0xffff  }
0x19e: {  	v7 =	vld.idx.msk [tilespmem:v55+s16+$0x0], $0xffff;
	v3 =	vsub.f32 v4, v5;
	_ =	sdelay $0x1  }
0x19f: {  	v0 =	vadd.f32 v2, v0;
	v2 =	vmul.f32 v3, v1;
	v1 =	vld [tilespmem:$0x1FEE0];
	_ =	sdelay $0x1  }
0x1a0: {  	v9 =	vld.idx.msk [tilespmem:v55+s15+$0x0], $0xffff  }
0x1a1: {  	v10 =	vld.idx.msk [tilespmem:v55+s17+$0x0], $0xffff;
	v3 =	vsub.f32 v6, v7;
	_ =	sdelay $0x1  }
0x1a2: {  	v0 =	vadd.f32 v2, v0;
	v2 =	vmul.f32 v3, v1;
	v1 =	vld [tilespmem:$0x1FED0];
	_ =	sdelay $0x1  }
0x1a3: {  	v4 =	vld.idx.msk [tilespmem:v44+s14+$0x0], $0xffff  }
0x1a4: {  	v5 =	vld.idx.msk [tilespmem:v44+s16+$0x0], $0xffff;
	v3 =	vsub.f32 v9, v10;
	_ =	sdelay $0x1  }
0x1a5: {  	v0 =	vadd.f32 v2, v0;
	v2 =	vmul.f32 v3, v1;
	v1 =	vld [tilespmem:$0x1FEC0];
	_ =	sdelay $0x1  }
0x1a6: {  	v6 =	vld.idx.msk [tilespmem:v44+s15+$0x0], $0xffff  }
0x1a7: {  	v7 =	vld.idx.msk [tilespmem:v44+s17+$0x0], $0xffff;
	v3 =	vsub.f32 v4, v5;
	_ =	sdelay $0x1  }
0x1a8: {  	v0 =	vadd.f32 v2, v0;
	v2 =	vmul.f32 v3, v1;
	v1 =	vld [tilespmem:$0x1FEB0]  }
0x1a9: {  	v9 =	vld.idx.msk [tilespmem:v32+s14+$0x0], $0xffff  }
0x1aa: {  	v10 =	vld.idx.msk [tilespmem:v32+s16+$0x0], $0xffff  }
0x1ab: {  	v4 =	vld.idx.msk [tilespmem:v32+s15+$0x0], $0xffff;
	v3 =	vsub.f32 v6, v7  }
0x1ac: {  	v5 =	vld.idx.msk [tilespmem:v32+s17+$0x0], $0xffff  }
0x1ad: {  	v0 =	vadd.f32 v2, v0;
	v2 =	vmul.f32 v3, v1;
	v1 =	vld [tilespmem:$0x1FEA0]  }
0x1ae: {  	v6 =	vld.idx.msk [tilespmem:v22+s14+$0x0], $0xffff  }
0x1af: {  	v7 =	vld.idx.msk [tilespmem:v22+s16+$0x0], $0xffff  }
0x1b0: {  	v3 =	vsub.f32 v9, v10;
	v9 =	vld.idx.msk [tilespmem:v22+s15+$0x0], $0xffff  }
0x1b1: {  	v10 =	vld.idx.msk [tilespmem:v22+s17+$0x0], $0xffff  }
0x1b2: {  	v0 =	vadd.f32 v2, v0;
	v2 =	vmul.f32 v3, v1;
	v3 =	vsub.f32 v4, v5;
	v4 =	vld.idx.msk [tilespmem:v49+s14+$0x0], $0xffff  }
0x1b3: {  	v5 =	vld.idx.msk [tilespmem:v49+s16+$0x0], $0xffff  }
0x1b4: {  	v1 =	vld [tilespmem:$0x1FE90];
	_ =	sdelay $0x4  }
0x1b5: {  	v0 =	vadd.f32 v2, v0;
	v2 =	vmul.f32 v3, v1;
	v1 =	vld [tilespmem:$0x1FE80];
	_ =	sdelay $0x2  }
0x1b6: {  	v3 =	vsub.f32 v6, v7;
	_ =	sdelay $0x1  }
0x1b7: {  	v0 =	vadd.f32 v2, v0;
	v2 =	vmul.f32 v3, v1;
	v1 =	vld [tilespmem:$0x1FE70];
	_ =	sdelay $0x2  }
0x1b8: {  	v3 =	vsub.f32 v9, v10;
	_ =	sdelay $0x1  }
0x1b9: {  	v0 =	vadd.f32 v2, v0;
	v2 =	vmul.f32 v3, v1;
	v1 =	vld [tilespmem:$0x1FE60];
	_ =	sdelay $0x1  }
0x1ba: {  	v6 =	vld.idx.msk [tilespmem:v49+s15+$0x0], $0xffff  }
0x1bb: {  	v7 =	vld.idx.msk [tilespmem:v49+s17+$0x0], $0xffff;
	v3 =	vsub.f32 v4, v5;
	_ =	sdelay $0x1  }
0x1bc: {  	v0 =	vadd.f32 v2, v0;
	v2 =	vmul.f32 v3, v1;
	v1 =	vld [tilespmem:$0x1FE50];
	_ =	sdelay $0x2  }
0x1bd: {  	v3 =	vsub.f32 v6, v7  }
0x1be: {  	v9 =	vld.idx.msk [tilespmem:v8+s14+$0x0], $0xffff  }
0x1bf: {  	v10 =	vld.idx.msk [tilespmem:v8+s16+$0x0], $0xffff;
	v0 =	vadd.f32 v2, v0;
	v2 =	vmul.f32 v3, v1;
	_ =	sdelay $0x1  }
0x1c0: {  	v0 =	vadd.f32 v2, v0;
	v2 =	vld [tilespmem:$0x1FE40];
	_ =	sdelay $0x2  }
0x1c1: {  	v3 =	vsub.f32 v9, v10  }
0x1c2: {  	v4 =	vld.idx.msk [tilespmem:v8+s15+$0x0], $0xffff  }
0x1c3: {  	v5 =	vld.idx.msk [tilespmem:v8+s17+$0x0], $0xffff;
	v2 =	vmul.f32 v3, v2;
	_ =	sdelay $0x1  }
0x1c4: {  	v0 =	vadd.f32 v2, v0;
	v2 =	vld [tilespmem:$0x1FE30];
	_ =	sdelay $0x2  }
0x1c5: {  	v3 =	vsub.f32 v4, v5  }
0x1c6: {  	v6 =	vld.idx.msk [tilespmem:v33+s14+$0x0], $0xffff  }
0x1c7: {  	v7 =	vld.idx.msk [tilespmem:v33+s16+$0x0], $0xffff;
	v2 =	vmul.f32 v3, v2;
	_ =	sdelay $0x1  }
0x1c8: {  	v0 =	vadd.f32 v2, v0;
	v2 =	vld [tilespmem:$0x1FE20];
	_ =	sdelay $0x2  }
0x1c9: {  	v3 =	vsub.f32 v6, v7  }
0x1ca: {  	v8 =	vld.idx.msk [tilespmem:v33+s15+$0x0], $0xffff  }
0x1cb: {  	v1 =	vld.idx.msk [tilespmem:v33+s17+$0x0], $0xffff;
	v2 =	vmul.f32 v3, v2;
	_ =	sdelay $0x1  }
0x1cc: {  	v0 =	vadd.f32 v2, v0;
	v2 =	vld [tilespmem:$0x1FE10];
	_ =	sdelay $0x2  }
0x1cd: {  	v1 =	vsub.f32 v8, v1  }
0x1ce: {  	v4 =	vld.idx.msk [tilespmem:v24+s14+$0x0], $0xffff  }
0x1cf: {  	v5 =	vld.idx.msk [tilespmem:v24+s16+$0x0], $0xffff;
	v1 =	vmul.f32 v1, v2;
	_ =	sdelay $0x1  }
0x1d0: {  	v0 =	vadd.f32 v1, v0;
	v1 =	vld [tilespmem:$0x1FE00];
	_ =	sdelay $0x2  }
0x1d1: {  	v2 =	vsub.f32 v4, v5  }
0x1d2: {  	v6 =	vld.idx.msk [tilespmem:v24+s15+$0x0], $0xffff  }
0x1d3: {  	v7 =	vld.idx.msk [tilespmem:v24+s17+$0x0], $0xffff;
	v1 =	vmul.f32 v2, v1;
	_ =	sdelay $0x1  }
0x1d4: {  	v0 =	vadd.f32 v1, v0;
	v1 =	vld [tilespmem:$0x1FDF0];
	_ =	sdelay $0x2  }
0x1d5: {  	v2 =	vsub.f32 v6, v7  }
0x1d6: {  	v8 =	vld.idx.msk [tilespmem:v27+s16+$0x0], $0xffff  }
0x1d7: {  	v3 =	vld.idx.msk [tilespmem:v27+s14+$0x0], $0xffff;
	v1 =	vmul.f32 v2, v1;
	_ =	sdelay $0x1  }
0x1d8: {  	v0 =	vadd.f32 v1, v0;
	v1 =	vld [tilespmem:$0x1FDE0];
	_ =	sdelay $0x2  }
0x1d9: {  	v2 =	vsub.f32 v3, v8  }
0x1da: {  	v4 =	vld.idx.msk [tilespmem:v27+s15+$0x0], $0xffff  }
0x1db: {  	v5 =	vld.idx.msk [tilespmem:v27+s17+$0x0], $0xffff;
	v1 =	vmul.f32 v2, v1;
	_ =	sdelay $0x1  }
0x1dc: {  	v0 =	vadd.f32 v1, v0;
	v1 =	vld [tilespmem:$0x1FDD0];
	_ =	sdelay $0x2  }
0x1dd: {  	v2 =	vsub.f32 v4, v5  }
0x1de: {  	v6 =	vld.idx.msk [tilespmem:v21+s14+$0x0], $0xffff  }
0x1df: {  	v7 =	vld.idx.msk [tilespmem:v21+s16+$0x0], $0xffff;
	v1 =	vmul.f32 v2, v1;
	_ =	sdelay $0x1  }
0x1e0: {  	v0 =	vadd.f32 v1, v0;
	v1 =	vld [tilespmem:$0x1FDC0];
	_ =	sdelay $0x2  }
0x1e1: {  	v2 =	vsub.f32 v6, v7  }
0x1e2: {  	v3 =	vld.idx.msk [tilespmem:v21+s15+$0x0], $0xffff  }
0x1e3: {  	v8 =	vld.idx.msk [tilespmem:v21+s17+$0x0], $0xffff;
	v1 =	vmul.f32 v2, v1;
	_ =	sdelay $0x1  }
0x1e4: {  	v0 =	vadd.f32 v1, v0;
	v1 =	vld [tilespmem:$0x1FDB0];
	_ =	sdelay $0x2  }
0x1e5: {  	v2 =	vsub.f32 v3, v8  }
0x1e6: {  	v4 =	vld.idx.msk [tilespmem:v31+s14+$0x0], $0xffff  }
0x1e7: {  	v5 =	vld.idx.msk [tilespmem:v31+s16+$0x0], $0xffff;
	v1 =	vmul.f32 v2, v1;
	_ =	sdelay $0x1  }
0x1e8: {  	v0 =	vadd.f32 v1, v0;
	v1 =	vld [tilespmem:$0x1FDA0];
	_ =	sdelay $0x2  }
0x1e9: {  	v2 =	vsub.f32 v4, v5  }
0x1ea: {  	v6 =	vld.idx.msk [tilespmem:v31+s15+$0x0], $0xffff  }
0x1eb: {  	v7 =	vld.idx.msk [tilespmem:v31+s17+$0x0], $0xffff;
	v1 =	vmul.f32 v2, v1;
	_ =	sdelay $0x1  }
0x1ec: {  	v0 =	vadd.f32 v1, v0;
	v1 =	vld [tilespmem:$0x1FD90];
	_ =	sdelay $0x2  }
0x1ed: {  	v2 =	vsub.f32 v6, v7  }
0x1ee: {  	v3 =	vld.idx.msk [tilespmem:v43+s14+$0x0], $0xffff  }
0x1ef: {  	v8 =	vld.idx.msk [tilespmem:v43+s16+$0x0], $0xffff;
	v1 =	vmul.f32 v2, v1;
	_ =	sdelay $0x1  }
0x1f0: {  	v0 =	vadd.f32 v1, v0;
	v1 =	vld [tilespmem:$0x1FD80];
	_ =	sdelay $0x2  }
0x1f1: {  	v2 =	vsub.f32 v3, v8  }
0x1f2: {  	v4 =	vld.idx.msk [tilespmem:v43+s15+$0x0], $0xffff  }
0x1f3: {  	v5 =	vld.idx.msk [tilespmem:v43+s17+$0x0], $0xffff;
	v1 =	vmul.f32 v2, v1;
	_ =	sdelay $0x1  }
0x1f4: {  	v0 =	vadd.f32 v1, v0;
	v1 =	vld [tilespmem:$0x1FD70];
	_ =	sdelay $0x2  }
0x1f5: {  	v2 =	vsub.f32 v4, v5  }
0x1f6: {  	v6 =	vld.idx.msk [tilespmem:v18+s14+$0x0], $0xffff  }
0x1f7: {  	v7 =	vld.idx.msk [tilespmem:v18+s16+$0x0], $0xffff;
	v1 =	vmul.f32 v2, v1;
	_ =	sdelay $0x1  }
0x1f8: {  	v0 =	vadd.f32 v1, v0;
	v1 =	vld [tilespmem:$0x1FD60];
	_ =	sdelay $0x2  }
0x1f9: {  	v2 =	vsub.f32 v6, v7  }
0x1fa: {  	v3 =	vld.idx.msk [tilespmem:v18+s15+$0x0], $0xffff  }
0x1fb: {  	v8 =	vld.idx.msk [tilespmem:v18+s17+$0x0], $0xffff;
	v1 =	vmul.f32 v2, v1;
	_ =	sdelay $0x1  }
0x1fc: {  	v0 =	vadd.f32 v1, v0;
	v1 =	vld [tilespmem:$0x1FD50];
	_ =	sdelay $0x2  }
0x1fd: {  	v2 =	vsub.f32 v3, v8  }
0x1fe: {  	v4 =	vld.idx.msk [tilespmem:v38+s14+$0x0], $0xffff  }
0x1ff: {  	v5 =	vld.idx.msk [tilespmem:v38+s16+$0x0], $0xffff;
	v1 =	vmul.f32 v2, v1;
	_ =	sdelay $0x1  }
0x200: {  	v0 =	vadd.f32 v1, v0;
	v1 =	vld [tilespmem:$0x1FD40];
	_ =	sdelay $0x2  }
0x201: {  	v2 =	vsub.f32 v4, v5  }
0x202: {  	v6 =	vld.idx.msk [tilespmem:v38+s15+$0x0], $0xffff  }
0x203: {  	v7 =	vld.idx.msk [tilespmem:v38+s17+$0x0], $0xffff;
	v1 =	vmul.f32 v2, v1;
	_ =	sdelay $0x1  }
0x204: {  	v0 =	vadd.f32 v1, v0;
	v1 =	vld [tilespmem:$0x1FD30];
	_ =	sdelay $0x2  }
0x205: {  	v2 =	vsub.f32 v6, v7  }
0x206: {  	v3 =	vld.idx.msk [tilespmem:v37+s14+$0x0], $0xffff  }
0x207: {  	v8 =	vld.idx.msk [tilespmem:v37+s16+$0x0], $0xffff;
	v1 =	vmul.f32 v2, v1;
	_ =	sdelay $0x1  }
0x208: {  	v0 =	vadd.f32 v1, v0;
	v1 =	vld [tilespmem:$0x1FD20];
	_ =	sdelay $0x2  }
0x209: {  	v2 =	vsub.f32 v3, v8  }
0x20a: {  	v4 =	vld.idx.msk [tilespmem:v37+s15+$0x0], $0xffff  }
0x20b: {  	v5 =	vld.idx.msk [tilespmem:v37+s17+$0x0], $0xffff;
	v1 =	vmul.f32 v2, v1;
	_ =	sdelay $0x1  }
0x20c: {  	v0 =	vadd.f32 v1, v0;
	v1 =	vld [tilespmem:$0x1FD10];
	_ =	sdelay $0x2  }
0x20d: {  	v2 =	vsub.f32 v4, v5  }
0x20e: {  	v6 =	vld.idx.msk [tilespmem:v29+s14+$0x0], $0xffff  }
0x20f: {  	v7 =	vld.idx.msk [tilespmem:v29+s16+$0x0], $0xffff;
	v1 =	vmul.f32 v2, v1;
	_ =	sdelay $0x1  }
0x210: {  	v0 =	vadd.f32 v1, v0;
	v1 =	vld [tilespmem:$0x1FD00];
	_ =	sdelay $0x2  }
0x211: {  	v9 =	vld [tilespmem:$0x1FCD0];
	v2 =	vsub.f32 v6, v7  }
0x212: {  	v3 =	vld.idx.msk [tilespmem:v29+s15+$0x0], $0xffff  }
0x213: {  	v8 =	vld.idx.msk [tilespmem:v29+s17+$0x0], $0xffff;
	v1 =	vmul.f32 v2, v1;
	_ =	sdelay $0x1  }
0x214: {  	v0 =	vadd.f32 v1, v0;
	v1 =	vld [tilespmem:$0x1FCF0];
	_ =	sdelay $0x2  }
0x215: {  	v2 =	vsub.f32 v3, v8  }
0x216: {  	v4 =	vld.idx.msk [tilespmem:v9+s14+$0x0], $0xffff  }
0x217: {  	v5 =	vld.idx.msk [tilespmem:v9+s16+$0x0], $0xffff;
	v1 =	vmul.f32 v2, v1;
	_ =	sdelay $0x1  }
0x218: {  	v0 =	vadd.f32 v1, v0;
	v1 =	vld [tilespmem:$0x1FCE0]  }
0x219: {  	v6 =	vld.idx.msk [tilespmem:v9+s15+$0x0], $0xffff  }
0x21a: {  	v7 =	vld.idx.msk [tilespmem:v9+s17+$0x0], $0xffff  }
0x21b: {  	v9 =	vld [tilespmem:$0x1FCA0];
	v2 =	vsub.f32 v4, v5;
	_ =	sdelay $0x1  }
0x21c: {  	v1 =	vmul.f32 v2, v1;
	_ =	sdelay $0x1  }
0x21d: {  	v0 =	vadd.f32 v1, v0;
	v1 =	vld [tilespmem:$0x1FCC0];
	_ =	sdelay $0x2  }
0x21e: {  	v2 =	vsub.f32 v6, v7  }
0x21f: {  	v3 =	vld.idx.msk [tilespmem:v9+s14+$0x0], $0xffff  }
0x220: {  	v8 =	vld.idx.msk [tilespmem:v9+s16+$0x0], $0xffff;
	v1 =	vmul.f32 v2, v1;
	_ =	sdelay $0x1  }
0x221: {  	v0 =	vadd.f32 v1, v0;
	v1 =	vld [tilespmem:$0x1FCB0]  }
0x222: {  	v4 =	vld.idx.msk [tilespmem:v9+s15+$0x0], $0xffff  }
0x223: {  	v5 =	vld.idx.msk [tilespmem:v9+s17+$0x0], $0xffff  }
0x224: {  	v9 =	vld [tilespmem:$0x1FC70];
	v2 =	vsub.f32 v3, v8;
	_ =	sdelay $0x1  }
0x225: {  	v1 =	vmul.f32 v2, v1;
	_ =	sdelay $0x1  }
0x226: {  	v0 =	vadd.f32 v1, v0;
	v1 =	vld [tilespmem:$0x1FC90];
	_ =	sdelay $0x2  }
0x227: {  	v2 =	vsub.f32 v4, v5  }
0x228: {  	v6 =	vld.idx.msk [tilespmem:v9+s14+$0x0], $0xffff  }
0x229: {  	v7 =	vld.idx.msk [tilespmem:v9+s16+$0x0], $0xffff;
	v1 =	vmul.f32 v2, v1;
	_ =	sdelay $0x1  }
0x22a: {  	v0 =	vadd.f32 v1, v0;
	v1 =	vld [tilespmem:$0x1FC80]  }
0x22b: {  	v3 =	vld.idx.msk [tilespmem:v9+s15+$0x0], $0xffff  }
0x22c: {  	v8 =	vld.idx.msk [tilespmem:v9+s17+$0x0], $0xffff  }
0x22d: {  	v9 =	vld [tilespmem:$0x1FC40];
	v2 =	vsub.f32 v6, v7;
	_ =	sdelay $0x1  }
0x22e: {  	v1 =	vmul.f32 v2, v1;
	_ =	sdelay $0x1  }
0x22f: {  	v0 =	vadd.f32 v1, v0;
	v1 =	vld [tilespmem:$0x1FC60];
	_ =	sdelay $0x2  }
0x230: {  	v2 =	vsub.f32 v3, v8  }
0x231: {  	v4 =	vld.idx.msk [tilespmem:v9+s14+$0x0], $0xffff  }
0x232: {  	v5 =	vld.idx.msk [tilespmem:v9+s16+$0x0], $0xffff;
	v1 =	vmul.f32 v2, v1;
	_ =	sdelay $0x1  }
0x233: {  	v0 =	vadd.f32 v1, v0;
	v1 =	vld [tilespmem:$0x1FC50]  }
0x234: {  	v6 =	vld.idx.msk [tilespmem:v9+s15+$0x0], $0xffff  }
0x235: {  	v7 =	vld.idx.msk [tilespmem:v9+s17+$0x0], $0xffff  }
0x236: {  	v9 =	vld [tilespmem:$0x1FC10];
	v2 =	vsub.f32 v4, v5;
	_ =	sdelay $0x1  }
0x237: {  	v1 =	vmul.f32 v2, v1;
	_ =	sdelay $0x1  }
0x238: {  	v0 =	vadd.f32 v1, v0;
	v1 =	vld [tilespmem:$0x1FC30];
	_ =	sdelay $0x2  }
0x239: {  	v2 =	vsub.f32 v6, v7  }
0x23a: {  	v3 =	vld.idx.msk [tilespmem:v9+s14+$0x0], $0xffff  }
0x23b: {  	v8 =	vld.idx.msk [tilespmem:v9+s16+$0x0], $0xffff;
	v1 =	vmul.f32 v2, v1;
	_ =	sdelay $0x1  }
0x23c: {  	v0 =	vadd.f32 v1, v0;
	v1 =	vld [tilespmem:$0x1FC20]  }
0x23d: {  	v4 =	vld.idx.msk [tilespmem:v9+s15+$0x0], $0xffff  }
0x23e: {  	v5 =	vld.idx.msk [tilespmem:v9+s17+$0x0], $0xffff  }
0x23f: {  	v9 =	vld [tilespmem:$0x1FBE0];
	v2 =	vsub.f32 v3, v8;
	_ =	sdelay $0x1  }
0x240: {  	v1 =	vmul.f32 v2, v1;
	_ =	sdelay $0x1  }
0x241: {  	v0 =	vadd.f32 v1, v0;
	v1 =	vld [tilespmem:$0x1FC00];
	_ =	sdelay $0x2  }
0x242: {  	v2 =	vsub.f32 v4, v5  }
0x243: {  	v6 =	vld.idx.msk [tilespmem:v9+s14+$0x0], $0xffff  }
0x244: {  	v7 =	vld.idx.msk [tilespmem:v9+s16+$0x0], $0xffff;
	v1 =	vmul.f32 v2, v1;
	_ =	sdelay $0x1  }
0x245: {  	v0 =	vadd.f32 v1, v0;
	v1 =	vld [tilespmem:$0x1FBF0]  }
0x246: {  	v3 =	vld.idx.msk [tilespmem:v9+s15+$0x0], $0xffff  }
0x247: {  	v8 =	vld.idx.msk [tilespmem:v9+s17+$0x0], $0xffff  }
0x248: {  	v9 =	vld [tilespmem:$0x1FBB0];
	v2 =	vsub.f32 v6, v7;
	_ =	sdelay $0x1  }
0x249: {  	v1 =	vmul.f32 v2, v1;
	_ =	sdelay $0x1  }
0x24a: {  	v0 =	vadd.f32 v1, v0;
	v1 =	vld [tilespmem:$0x1FBD0];
	_ =	sdelay $0x2  }
0x24b: {  	v2 =	vsub.f32 v3, v8  }
0x24c: {  	v4 =	vld.idx.msk [tilespmem:v9+s14+$0x0], $0xffff  }
0x24d: {  	v5 =	vld.idx.msk [tilespmem:v9+s16+$0x0], $0xffff;
	v1 =	vmul.f32 v2, v1;
	_ =	sdelay $0x1  }
0x24e: {  	v0 =	vadd.f32 v1, v0;
	v1 =	vld [tilespmem:$0x1FBC0]  }
0x24f: {  	v6 =	vld.idx.msk [tilespmem:v9+s15+$0x0], $0xffff  }
0x250: {  	v7 =	vld.idx.msk [tilespmem:v9+s17+$0x0], $0xffff  }
0x251: {  	v9 =	vld [tilespmem:$0x1FB80];
	v2 =	vsub.f32 v4, v5;
	_ =	sdelay $0x1  }
0x252: {  	v1 =	vmul.f32 v2, v1;
	_ =	sdelay $0x1  }
0x253: {  	v0 =	vadd.f32 v1, v0;
	v1 =	vld [tilespmem:$0x1FBA0];
	_ =	sdelay $0x2  }
0x254: {  	v2 =	vsub.f32 v6, v7  }
0x255: {  	v3 =	vld.idx.msk [tilespmem:v9+s14+$0x0], $0xffff  }
0x256: {  	v8 =	vld.idx.msk [tilespmem:v9+s16+$0x0], $0xffff;
	v1 =	vmul.f32 v2, v1;
	_ =	sdelay $0x1  }
0x257: {  	v0 =	vadd.f32 v1, v0;
	v1 =	vld [tilespmem:$0x1FB90]  }
0x258: {  	v4 =	vld.idx.msk [tilespmem:v9+s15+$0x0], $0xffff  }
0x259: {  	v5 =	vld.idx.msk [tilespmem:v9+s17+$0x0], $0xffff  }
0x25a: {  	v3 =	vsub.f32 v3, v8;
	v9 =	vld [tilespmem:$0x1FB50];
	_ =	sdelay $0x1  }
0x25b: {  	v1 =	vmul.f32 v3, v1;
	_ =	sdelay $0x1  }
0x25c: {  	v0 =	vadd.f32 v1, v0;
	v1 =	vld [tilespmem:$0x1FB70];
	_ =	sdelay $0x2  }
0x25d: {  	v3 =	vsub.f32 v4, v5  }
0x25e: {  	v6 =	vld.idx.msk [tilespmem:v9+s14+$0x0], $0xffff  }
0x25f: {  	v7 =	vld.idx.msk [tilespmem:v9+s16+$0x0], $0xffff;
	v1 =	vmul.f32 v3, v1;
	_ =	sdelay $0x1  }
0x260: {  	v0 =	vadd.f32 v1, v0;
	v1 =	vld [tilespmem:$0x1FB60];
	_ =	sdelay $0x2  }
0x261: {  	v10 =	vld [tilespmem:$0x1FB20];
	v3 =	vsub.f32 v6, v7  }
0x262: {  	v8 =	vld.idx.msk [tilespmem:v9+s17+$0x0], $0xffff  }
0x263: {  	v2 =	vld.idx.msk [tilespmem:v9+s15+$0x0], $0xffff;
	v1 =	vmul.f32 v3, v1;
	_ =	sdelay $0x1  }
0x264: {  	v0 =	vadd.f32 v1, v0;
	v1 =	vld [tilespmem:$0x1FB40];
	_ =	sdelay $0x2  }
0x265: {  	v2 =	vsub.f32 v2, v8  }
0x266: {  	v9 =	vld.idx.msk [tilespmem:v10+s14+$0x0], $0xffff  }
0x267: {  	v4 =	vld.idx.msk [tilespmem:v10+s16+$0x0], $0xffff;
	v1 =	vmul.f32 v2, v1;
	_ =	sdelay $0x1  }
0x268: {  	v0 =	vadd.f32 v1, v0;
	v1 =	vld [tilespmem:$0x1FB30]  }
0x269: {  	v5 =	vld.idx.msk [tilespmem:v10+s15+$0x0], $0xffff  }
0x26a: {  	v6 =	vld.idx.msk [tilespmem:v10+s17+$0x0], $0xffff  }
0x26b: {  	v10 =	vld [tilespmem:$0x1FAF0];
	v2 =	vsub.f32 v9, v4;
	_ =	sdelay $0x1  }
0x26c: {  	v1 =	vmul.f32 v2, v1;
	_ =	sdelay $0x1  }
0x26d: {  	v0 =	vadd.f32 v1, v0;
	v1 =	vld [tilespmem:$0x1FB10];
	_ =	sdelay $0x2  }
0x26e: {  	v2 =	vsub.f32 v5, v6  }
0x26f: {  	v7 =	vld.idx.msk [tilespmem:v10+s14+$0x0], $0xffff  }
0x270: {  	v3 =	vld.idx.msk [tilespmem:v10+s16+$0x0], $0xffff;
	v1 =	vmul.f32 v2, v1;
	_ =	sdelay $0x1  }
0x271: {  	v0 =	vadd.f32 v1, v0;
	v1 =	vld [tilespmem:$0x1FB00]  }
0x272: {  	v8 =	vld.idx.msk [tilespmem:v10+s15+$0x0], $0xffff  }
0x273: {  	v4 =	vld.idx.msk [tilespmem:v10+s17+$0x0], $0xffff  }
0x274: {  	v10 =	vld [tilespmem:$0x1FAC0];
	v2 =	vsub.f32 v7, v3;
	_ =	sdelay $0x1  }
0x275: {  	v1 =	vmul.f32 v2, v1;
	_ =	sdelay $0x1  }
0x276: {  	v0 =	vadd.f32 v1, v0;
	v1 =	vld [tilespmem:$0x1FAE0];
	_ =	sdelay $0x2  }
0x277: {  	v2 =	vsub.f32 v8, v4  }
0x278: {  	v9 =	vld.idx.msk [tilespmem:v10+s14+$0x0], $0xffff  }
0x279: {  	v5 =	vld.idx.msk [tilespmem:v10+s16+$0x0], $0xffff;
	v1 =	vmul.f32 v2, v1;
	_ =	sdelay $0x1  }
0x27a: {  	v0 =	vadd.f32 v1, v0;
	v1 =	vld [tilespmem:$0x1FAD0]  }
0x27b: {  	v6 =	vld.idx.msk [tilespmem:v10+s15+$0x0], $0xffff  }
0x27c: {  	v3 =	vld.idx.msk [tilespmem:v10+s17+$0x0], $0xffff  }
0x27d: {  	v10 =	vld [tilespmem:$0x1FA90];
	v2 =	vsub.f32 v9, v5;
	_ =	sdelay $0x1  }
0x27e: {  	v1 =	vmul.f32 v2, v1;
	_ =	sdelay $0x1  }
0x27f: {  	v0 =	vadd.f32 v1, v0;
	v1 =	vld [tilespmem:$0x1FAB0];
	_ =	sdelay $0x2  }
0x280: {  	v2 =	vsub.f32 v6, v3  }
0x281: {  	v7 =	vld.idx.msk [tilespmem:v10+s14+$0x0], $0xffff  }
0x282: {  	v4 =	vld.idx.msk [tilespmem:v10+s16+$0x0], $0xffff;
	v1 =	vmul.f32 v2, v1;
	_ =	sdelay $0x1  }
0x283: {  	v0 =	vadd.f32 v1, v0;
	v1 =	vld [tilespmem:$0x1FAA0]  }
0x284: {  	v8 =	vld.idx.msk [tilespmem:v10+s15+$0x0], $0xffff  }
0x285: {  	v5 =	vld.idx.msk [tilespmem:v10+s17+$0x0], $0xffff  }
0x286: {  	v10 =	vld [tilespmem:$0x1FA60];
	v2 =	vsub.f32 v7, v4;
	_ =	sdelay $0x1  }
0x287: {  	v1 =	vmul.f32 v2, v1;
	_ =	sdelay $0x1  }
0x288: {  	v0 =	vadd.f32 v1, v0;
	v1 =	vld [tilespmem:$0x1FA80];
	_ =	sdelay $0x2  }
0x289: {  	v2 =	vsub.f32 v8, v5  }
0x28a: {  	v9 =	vld.idx.msk [tilespmem:v10+s14+$0x0], $0xffff  }
0x28b: {  	v3 =	vld.idx.msk [tilespmem:v10+s16+$0x0], $0xffff;
	v1 =	vmul.f32 v2, v1;
	_ =	sdelay $0x1  }
0x28c: {  	v0 =	vadd.f32 v1, v0;
	v1 =	vld [tilespmem:$0x1FA70]  }
0x28d: {  	v6 =	vld.idx.msk [tilespmem:v10+s15+$0x0], $0xffff  }
0x28e: {  	v4 =	vld.idx.msk [tilespmem:v10+s17+$0x0], $0xffff  }
0x28f: {  	v10 =	vld [tilespmem:$0x1FA30];
	v2 =	vsub.f32 v9, v3;
	_ =	sdelay $0x1  }
0x290: {  	v1 =	vmul.f32 v2, v1;
	_ =	sdelay $0x1  }
0x291: {  	v0 =	vadd.f32 v1, v0;
	v1 =	vld [tilespmem:$0x1FA50];
	_ =	sdelay $0x2  }
0x292: {  	v2 =	vsub.f32 v6, v4  }
0x293: {  	v7 =	vld.idx.msk [tilespmem:v10+s14+$0x0], $0xffff  }
0x294: {  	v5 =	vld.idx.msk [tilespmem:v10+s16+$0x0], $0xffff;
	v1 =	vmul.f32 v2, v1;
	_ =	sdelay $0x1  }
0x295: {  	v0 =	vadd.f32 v1, v0;
	v1 =	vld [tilespmem:$0x1FA40]  }
0x296: {  	v8 =	vld.idx.msk [tilespmem:v10+s15+$0x0], $0xffff  }
0x297: {  	v3 =	vld.idx.msk [tilespmem:v10+s17+$0x0], $0xffff  }
0x298: {  	v10 =	vld [tilespmem:$0x1FA00];
	v2 =	vsub.f32 v7, v5;
	_ =	sdelay $0x1  }
0x299: {  	v1 =	vmul.f32 v2, v1;
	_ =	sdelay $0x1  }
0x29a: {  	v0 =	vadd.f32 v1, v0;
	v1 =	vld [tilespmem:$0x1FA20];
	_ =	sdelay $0x2  }
0x29b: {  	v2 =	vsub.f32 v8, v3  }
0x29c: {  	v9 =	vld.idx.msk [tilespmem:v10+s14+$0x0], $0xffff  }
0x29d: {  	v4 =	vld.idx.msk [tilespmem:v10+s16+$0x0], $0xffff;
	v1 =	vmul.f32 v2, v1;
	_ =	sdelay $0x1  }
0x29e: {  	v0 =	vadd.f32 v1, v0;
	v1 =	vld [tilespmem:$0x1FA10]  }
0x29f: {  	v6 =	vld.idx.msk [tilespmem:v10+s15+$0x0], $0xffff  }
0x2a0: {  	v5 =	vld.idx.msk [tilespmem:v10+s17+$0x0], $0xffff  }
0x2a1: {  	v10 =	vld [tilespmem:$0x1F9D0];
	v2 =	vsub.f32 v9, v4;
	_ =	sdelay $0x1  }
0x2a2: {  	v1 =	vmul.f32 v2, v1;
	_ =	sdelay $0x1  }
0x2a3: {  	v0 =	vadd.f32 v1, v0;
	v1 =	vld [tilespmem:$0x1F9F0];
	_ =	sdelay $0x2  }
0x2a4: {  	v2 =	vsub.f32 v6, v5  }
0x2a5: {  	v7 =	vld.idx.msk [tilespmem:v10+s14+$0x0], $0xffff  }
0x2a6: {  	v3 =	vld.idx.msk [tilespmem:v10+s16+$0x0], $0xffff;
	v1 =	vmul.f32 v2, v1;
	_ =	sdelay $0x1  }
0x2a7: {  	v0 =	vadd.f32 v1, v0;
	v1 =	vld [tilespmem:$0x1F9E0]  }
0x2a8: {  	v8 =	vld.idx.msk [tilespmem:v10+s15+$0x0], $0xffff  }
0x2a9: {  	v4 =	vld.idx.msk [tilespmem:v10+s17+$0x0], $0xffff  }
0x2aa: {  	v10 =	vld [tilespmem:$0x1F9A0];
	v2 =	vsub.f32 v7, v3;
	_ =	sdelay $0x1  }
0x2ab: {  	v1 =	vmul.f32 v2, v1;
	_ =	sdelay $0x1  }
0x2ac: {  	v0 =	vadd.f32 v1, v0;
	v1 =	vld [tilespmem:$0x1F9C0];
	_ =	sdelay $0x2  }
0x2ad: {  	v2 =	vsub.f32 v8, v4  }
0x2ae: {  	v9 =	vld.idx.msk [tilespmem:v10+s14+$0x0], $0xffff  }
0x2af: {  	v5 =	vld.idx.msk [tilespmem:v10+s16+$0x0], $0xffff;
	v1 =	vmul.f32 v2, v1;
	_ =	sdelay $0x1  }
0x2b0: {  	v0 =	vadd.f32 v1, v0;
	v1 =	vld [tilespmem:$0x1F9B0]  }
0x2b1: {  	v6 =	vld.idx.msk [tilespmem:v10+s15+$0x0], $0xffff  }
0x2b2: {  	v3 =	vld.idx.msk [tilespmem:v10+s17+$0x0], $0xffff  }
0x2b3: {  	v10 =	vld [tilespmem:$0x1F970];
	v2 =	vsub.f32 v9, v5;
	_ =	sdelay $0x1  }
0x2b4: {  	v1 =	vmul.f32 v2, v1;
	_ =	sdelay $0x1  }
0x2b5: {  	v0 =	vadd.f32 v1, v0;
	v1 =	vld [tilespmem:$0x1F990];
	_ =	sdelay $0x2  }
0x2b6: {  	v2 =	vsub.f32 v6, v3  }
0x2b7: {  	v7 =	vld.idx.msk [tilespmem:v10+s14+$0x0], $0xffff  }
0x2b8: {  	v4 =	vld.idx.msk [tilespmem:v10+s16+$0x0], $0xffff;
	v1 =	vmul.f32 v2, v1;
	_ =	sdelay $0x1  }
0x2b9: {  	v0 =	vadd.f32 v1, v0;
	v1 =	vld [tilespmem:$0x1F980]  }
0x2ba: {  	v8 =	vld.idx.msk [tilespmem:v10+s15+$0x0], $0xffff  }
0x2bb: {  	v5 =	vld.idx.msk [tilespmem:v10+s17+$0x0], $0xffff  }
0x2bc: {  	v10 =	vld [tilespmem:$0x1F940];
	v2 =	vsub.f32 v7, v4;
	_ =	sdelay $0x1  }
0x2bd: {  	v1 =	vmul.f32 v2, v1;
	_ =	sdelay $0x1  }
0x2be: {  	v0 =	vadd.f32 v1, v0;
	v1 =	vld [tilespmem:$0x1F960];
	_ =	sdelay $0x2  }
0x2bf: {  	v2 =	vsub.f32 v8, v5  }
0x2c0: {  	v9 =	vld.idx.msk [tilespmem:v10+s14+$0x0], $0xffff  }
0x2c1: {  	v3 =	vld.idx.msk [tilespmem:v10+s16+$0x0], $0xffff;
	v1 =	vmul.f32 v2, v1;
	_ =	sdelay $0x1  }
0x2c2: {  	v0 =	vadd.f32 v1, v0;
	v1 =	vld [tilespmem:$0x1F950]  }
0x2c3: {  	v6 =	vld.idx.msk [tilespmem:v10+s15+$0x0], $0xffff  }
0x2c4: {  	v4 =	vld.idx.msk [tilespmem:v10+s17+$0x0], $0xffff  }
0x2c5: {  	v10 =	vld [tilespmem:$0x1F910];
	v2 =	vsub.f32 v9, v3;
	_ =	sdelay $0x1  }
0x2c6: {  	v1 =	vmul.f32 v2, v1;
	_ =	sdelay $0x1  }
0x2c7: {  	v0 =	vadd.f32 v1, v0;
	v1 =	vld [tilespmem:$0x1F930];
	_ =	sdelay $0x2  }
0x2c8: {  	v2 =	vsub.f32 v6, v4  }
0x2c9: {  	v7 =	vld.idx.msk [tilespmem:v10+s14+$0x0], $0xffff  }
0x2ca: {  	v5 =	vld.idx.msk [tilespmem:v10+s16+$0x0], $0xffff;
	v1 =	vmul.f32 v2, v1;
	_ =	sdelay $0x1  }
0x2cb: {  	v0 =	vadd.f32 v1, v0;
	v1 =	vld [tilespmem:$0x1F920]  }
0x2cc: {  	v8 =	vld.idx.msk [tilespmem:v10+s15+$0x0], $0xffff  }
0x2cd: {  	v3 =	vld.idx.msk [tilespmem:v10+s17+$0x0], $0xffff  }
0x2ce: {  	v10 =	vld [tilespmem:$0x1F8E0];
	v2 =	vsub.f32 v7, v5;
	_ =	sdelay $0x1  }
0x2cf: {  	v1 =	vmul.f32 v2, v1;
	_ =	sdelay $0x1  }
0x2d0: {  	v0 =	vadd.f32 v1, v0;
	v1 =	vld [tilespmem:$0x1F900];
	_ =	sdelay $0x2  }
0x2d1: {  	v2 =	vsub.f32 v8, v3  }
0x2d2: {  	v9 =	vld.idx.msk [tilespmem:v10+s14+$0x0], $0xffff  }
0x2d3: {  	v4 =	vld.idx.msk [tilespmem:v10+s16+$0x0], $0xffff;
	v1 =	vmul.f32 v2, v1;
	_ =	sdelay $0x1  }
0x2d4: {  	v0 =	vadd.f32 v1, v0;
	v1 =	vld [tilespmem:$0x1F8F0]  }
0x2d5: {  	v6 =	vld.idx.msk [tilespmem:v10+s15+$0x0], $0xffff  }
0x2d6: {  	v5 =	vld.idx.msk [tilespmem:v10+s17+$0x0], $0xffff  }
0x2d7: {  	v10 =	vld [tilespmem:$0x1F8B0];
	v2 =	vsub.f32 v9, v4;
	_ =	sdelay $0x1  }
0x2d8: {  	v1 =	vmul.f32 v2, v1;
	_ =	sdelay $0x1  }
0x2d9: {  	v0 =	vadd.f32 v1, v0;
	v1 =	vld [tilespmem:$0x1F8D0];
	_ =	sdelay $0x2  }
0x2da: {  	v2 =	vsub.f32 v6, v5  }
0x2db: {  	v7 =	vld.idx.msk [tilespmem:v10+s14+$0x0], $0xffff  }
0x2dc: {  	v3 =	vld.idx.msk [tilespmem:v10+s16+$0x0], $0xffff;
	v1 =	vmul.f32 v2, v1;
	_ =	sdelay $0x1  }
0x2dd: {  	v0 =	vadd.f32 v1, v0;
	v1 =	vld [tilespmem:$0x1F8C0]  }
0x2de: {  	v8 =	vld.idx.msk [tilespmem:v10+s15+$0x0], $0xffff  }
0x2df: {  	v4 =	vld.idx.msk [tilespmem:v10+s17+$0x0], $0xffff  }
0x2e0: {  	v10 =	vld [tilespmem:$0x1F880];
	v2 =	vsub.f32 v7, v3;
	_ =	sdelay $0x1  }
0x2e1: {  	v1 =	vmul.f32 v2, v1;
	_ =	sdelay $0x1  }
0x2e2: {  	v0 =	vadd.f32 v1, v0;
	v1 =	vld [tilespmem:$0x1F8A0];
	_ =	sdelay $0x2  }
0x2e3: {  	v2 =	vsub.f32 v8, v4  }
0x2e4: {  	v9 =	vld.idx.msk [tilespmem:v10+s14+$0x0], $0xffff  }
0x2e5: {  	v5 =	vld.idx.msk [tilespmem:v10+s16+$0x0], $0xffff;
	v1 =	vmul.f32 v2, v1;
	_ =	sdelay $0x1  }
0x2e6: {  	v0 =	vadd.f32 v1, v0;
	v1 =	vld [tilespmem:$0x1F890]  }
0x2e7: {  	v6 =	vld.idx.msk [tilespmem:v10+s15+$0x0], $0xffff  }
0x2e8: {  	v3 =	vld.idx.msk [tilespmem:v10+s17+$0x0], $0xffff  }
0x2e9: {  	v10 =	vld [tilespmem:$0x1F850];
	v2 =	vsub.f32 v9, v5;
	_ =	sdelay $0x1  }
0x2ea: {  	v1 =	vmul.f32 v2, v1;
	_ =	sdelay $0x1  }
0x2eb: {  	v0 =	vadd.f32 v1, v0;
	v1 =	vld [tilespmem:$0x1F870];
	_ =	sdelay $0x2  }
0x2ec: {  	v2 =	vsub.f32 v6, v3  }
0x2ed: {  	v7 =	vld.idx.msk [tilespmem:v10+s14+$0x0], $0xffff  }
0x2ee: {  	v4 =	vld.idx.msk [tilespmem:v10+s16+$0x0], $0xffff;
	v1 =	vmul.f32 v2, v1;
	_ =	sdelay $0x1  }
0x2ef: {  	v0 =	vadd.f32 v1, v0;
	v1 =	vld [tilespmem:$0x1F860];
	_ =	sdelay $0x2  }
0x2f0: {  	v2 =	vsub.f32 v7, v4  }
0x2f1: {  	v8 =	vld.idx.msk [tilespmem:v10+s15+$0x0], $0xffff  }
0x2f2: {  	v5 =	vld.idx.msk [tilespmem:v10+s17+$0x0], $0xffff;
	v1 =	vmul.f32 v2, v1;
	_ =	sdelay $0x1  }
0x2f3: {  	v0 =	vadd.f32 v1, v0;
	v1 =	vld [tilespmem:$0x1F840];
	_ =	sdelay $0x2  }
0x2f4: {  	v9 =	vld.idx.msk [tilespmem:v47+s14+$0x0], $0xffff;
	v2 =	vsub.f32 v8, v5  }
0x2f5: {  	v3 =	vld.idx.msk [tilespmem:v47+s16+$0x0], $0xffff  }
0x2f6: {  	v6 =	vld.idx.msk [tilespmem:v47+s15+$0x0], $0xffff;
	v1 =	vmul.f32 v2, v1  }
0x2f7: {  	v4 =	vld.idx.msk [tilespmem:v47+s17+$0x0], $0xffff  }
0x2f8: {  	v0 =	vadd.f32 v1, v0;
	v1 =	vld [tilespmem:$0x1F830];
	_ =	sdelay $0x2  }
0x2f9: {  	v2 =	vsub.f32 v9, v3;
	_ =	sdelay $0x1  }
0x2fa: {  	v1 =	vmul.f32 v2, v1;
	v2 =	vsub.f32 v6, v4;
	v4 =	vld [tilespmem:$0x1FFE0]  }
0x2fb: {  	v5 =	vld.idx.msk [tilespmem:v47+s13+$0x0], $0xffff;
	_ =	sdelay $0x1  }
0x2fc: {  	v7 =	vmov s24  }
0x2fd: {  	v3 =	vshll.u32 v7, $0x6  }
0x2fe: {  	v15 =	vor.u32 v4, v3  }
0x2ff: {  	v0 =	vadd.f32 v1, v0;
	v1 =	vmul.f32 v2, v5;
	v47 =	vor.u32 $0x3F, v15;
	_ =	sdelay $0x1  }
0x300: {  	v0 =	vadd.f32 v1, v0;
	_ =	sdelay $0x1  }
0x301: {  	[tilespmem:s23+$0x0] =	vst v0  }
0x302: {  	v0 =	vld.idx.msk [tilespmem:v47+s12+$0x0], $0xffff;
	_ =	sdelay $0x4  }
0x303: {  	[tilespmem:$0x1F830] =	vst v0;
	v0 =	vor.u32 $0x3B, v15;
	_ =	sdelay $0x4  }
0x304: {  	v43 =	vld.idx.msk [tilespmem:v0+s13+$0x0], $0xffff  }
0x305: {  	v1 =	vor.u32 $0x3A, v15;
	[tilespmem:$0x1F8E0] =	vst v0;
	v0 =	vld.idx.msk [tilespmem:v0+s12+$0x0], $0xffff;
	_ =	sdelay $0x4  }
0x306: {  	[tilespmem:$0x1F8F0] =	vst v0;
	v0 =	vld.idx.msk [tilespmem:v1+s13+$0x0], $0xffff;
	_ =	sdelay $0x4  }
0x307: {  	v2 =	vor.u32 $0x39, v15;
	[tilespmem:$0x1F900] =	vst v0;
	v0 =	vld.idx.msk [tilespmem:v1+s12+$0x0], $0xffff;
	_ =	sdelay $0x4  }
0x308: {  	[tilespmem:$0x1F920] =	vst v0;
	v0 =	vld.idx.msk [tilespmem:v2+s13+$0x0], $0xffff;
	_ =	sdelay $0x4  }
0x309: {  	v3 =	vor.u32 $0x38, v15;
	[tilespmem:$0x1F930] =	vst v0;
	v0 =	vld.idx.msk [tilespmem:v2+s12+$0x0], $0xffff;
	_ =	sdelay $0x4  }
0x30a: {  	[tilespmem:$0x1F950] =	vst v0;
	v0 =	vld.idx.msk [tilespmem:v3+s13+$0x0], $0xffff;
	_ =	sdelay $0x4  }
0x30b: {  	v4 =	vor.u32 $0x37, v15;
	[tilespmem:$0x1F960] =	vst v0;
	v0 =	vld.idx.msk [tilespmem:v3+s12+$0x0], $0xffff;
	_ =	sdelay $0x4  }
0x30c: {  	[tilespmem:$0x1F980] =	vst v0;
	v0 =	vld.idx.msk [tilespmem:v4+s13+$0x0], $0xffff;
	_ =	sdelay $0x3  }
0x30d: {  	[tilespmem:$0x1F910] =	vst v1  }
0x30e: {  	v1 =	vor.u32 $0x36, v15;
	[tilespmem:$0x1F990] =	vst v0;
	v0 =	vld.idx.msk [tilespmem:v4+s12+$0x0], $0xffff;
	_ =	sdelay $0x4  }
0x30f: {  	[tilespmem:$0x1F9B0] =	vst v0;
	v0 =	vld.idx.msk [tilespmem:v1+s13+$0x0], $0xffff;
	_ =	sdelay $0x3  }
0x310: {  	[tilespmem:$0x1F940] =	vst v2  }
0x311: {  	v2 =	vor.u32 $0x35, v15;
	[tilespmem:$0x1F9C0] =	vst v0;
	v0 =	vld.idx.msk [tilespmem:v1+s12+$0x0], $0xffff;
	_ =	sdelay $0x4  }
0x312: {  	[tilespmem:$0x1F9E0] =	vst v0;
	v0 =	vld.idx.msk [tilespmem:v2+s13+$0x0], $0xffff;
	_ =	sdelay $0x3  }
0x313: {  	[tilespmem:$0x1F970] =	vst v3  }
0x314: {  	v3 =	vor.u32 $0x34, v15;
	[tilespmem:$0x1F9F0] =	vst v0;
	v0 =	vld.idx.msk [tilespmem:v2+s12+$0x0], $0xffff;
	_ =	sdelay $0x4  }
0x315: {  	[tilespmem:$0x1FA10] =	vst v0;
	v0 =	vld.idx.msk [tilespmem:v3+s13+$0x0], $0xffff;
	_ =	sdelay $0x3  }
0x316: {  	[tilespmem:$0x1F9A0] =	vst v4  }
0x317: {  	v4 =	vor.u32 $0x33, v15;
	[tilespmem:$0x1FA20] =	vst v0;
	v0 =	vld.idx.msk [tilespmem:v3+s12+$0x0], $0xffff;
	_ =	sdelay $0x4  }
0x318: {  	[tilespmem:$0x1FA40] =	vst v0;
	v0 =	vld.idx.msk [tilespmem:v4+s13+$0x0], $0xffff;
	_ =	sdelay $0x3  }
0x319: {  	[tilespmem:$0x1F9D0] =	vst v1  }
0x31a: {  	v1 =	vor.u32 $0x32, v15;
	[tilespmem:$0x1FA50] =	vst v0;
	v0 =	vld.idx.msk [tilespmem:v4+s12+$0x0], $0xffff;
	_ =	sdelay $0x4  }
0x31b: {  	[tilespmem:$0x1FA70] =	vst v0;
	v0 =	vld.idx.msk [tilespmem:v1+s13+$0x0], $0xffff;
	_ =	sdelay $0x3  }
0x31c: {  	[tilespmem:$0x1FA00] =	vst v2  }
0x31d: {  	v2 =	vor.u32 $0x31, v15;
	[tilespmem:$0x1FA80] =	vst v0;
	v0 =	vld.idx.msk [tilespmem:v1+s12+$0x0], $0xffff;
	_ =	sdelay $0x4  }
0x31e: {  	[tilespmem:$0x1FAA0] =	vst v0;
	v0 =	vld.idx.msk [tilespmem:v2+s13+$0x0], $0xffff;
	_ =	sdelay $0x3  }
0x31f: {  	[tilespmem:$0x1FA30] =	vst v3  }
0x320: {  	v3 =	vor.u32 $0x30, v15;
	[tilespmem:$0x1FAB0] =	vst v0;
	v0 =	vld.idx.msk [tilespmem:v2+s12+$0x0], $0xffff;
	_ =	sdelay $0x4  }
0x321: {  	[tilespmem:$0x1FAD0] =	vst v0;
	v0 =	vld.idx.msk [tilespmem:v3+s13+$0x0], $0xffff;
	_ =	sdelay $0x3  }
0x322: {  	[tilespmem:$0x1FA60] =	vst v4  }
0x323: {  	v4 =	vor.u32 $0x2F, v15;
	[tilespmem:$0x1FAE0] =	vst v0;
	v0 =	vld.idx.msk [tilespmem:v3+s12+$0x0], $0xffff;
	_ =	sdelay $0x4  }
0x324: {  	[tilespmem:$0x1FB00] =	vst v0;
	v0 =	vld.idx.msk [tilespmem:v4+s13+$0x0], $0xffff;
	_ =	sdelay $0x3  }
0x325: {  	[tilespmem:$0x1FA90] =	vst v1  }
0x326: {  	v1 =	vor.u32 $0x2E, v15;
	[tilespmem:$0x1FB10] =	vst v0;
	v0 =	vld.idx.msk [tilespmem:v4+s12+$0x0], $0xffff;
	_ =	sdelay $0x4  }
0x327: {  	[tilespmem:$0x1FB30] =	vst v0;
	v0 =	vld.idx.msk [tilespmem:v1+s13+$0x0], $0xffff;
	_ =	sdelay $0x3  }
0x328: {  	[tilespmem:$0x1FAC0] =	vst v2  }
0x329: {  	v2 =	vor.u32 $0x2D, v15;
	[tilespmem:$0x1FB40] =	vst v0;
	v0 =	vld.idx.msk [tilespmem:v1+s12+$0x0], $0xffff;
	_ =	sdelay $0x4  }
0x32a: {  	[tilespmem:$0x1FB60] =	vst v0;
	v0 =	vld.idx.msk [tilespmem:v2+s13+$0x0], $0xffff;
	_ =	sdelay $0x3  }
0x32b: {  	[tilespmem:$0x1FAF0] =	vst v3  }
0x32c: {  	v3 =	vor.u32 $0x2C, v15;
	[tilespmem:$0x1FB70] =	vst v0;
	v0 =	vld.idx.msk [tilespmem:v2+s12+$0x0], $0xffff;
	_ =	sdelay $0x4  }
0x32d: {  	[tilespmem:$0x1FB90] =	vst v0;
	v0 =	vld.idx.msk [tilespmem:v3+s13+$0x0], $0xffff;
	_ =	sdelay $0x3  }
0x32e: {  	[tilespmem:$0x1FB20] =	vst v4  }
0x32f: {  	v4 =	vor.u32 $0x2B, v15;
	[tilespmem:$0x1FBA0] =	vst v0;
	v0 =	vld.idx.msk [tilespmem:v3+s12+$0x0], $0xffff;
	_ =	sdelay $0x4  }
0x330: {  	[tilespmem:$0x1FBC0] =	vst v0;
	v0 =	vld.idx.msk [tilespmem:v4+s13+$0x0], $0xffff;
	_ =	sdelay $0x3  }
0x331: {  	[tilespmem:$0x1FB50] =	vst v1  }
0x332: {  	v1 =	vor.u32 $0x2A, v15;
	[tilespmem:$0x1FBD0] =	vst v0;
	v0 =	vld.idx.msk [tilespmem:v4+s12+$0x0], $0xffff;
	_ =	sdelay $0x4  }
0x333: {  	[tilespmem:$0x1FBF0] =	vst v0;
	v0 =	vld.idx.msk [tilespmem:v1+s13+$0x0], $0xffff;
	_ =	sdelay $0x3  }
0x334: {  	[tilespmem:$0x1FB80] =	vst v2  }
0x335: {  	v2 =	vor.u32 $0x29, v15;
	[tilespmem:$0x1FC00] =	vst v0;
	v0 =	vld.idx.msk [tilespmem:v1+s12+$0x0], $0xffff;
	_ =	sdelay $0x4  }
0x336: {  	[tilespmem:$0x1FC20] =	vst v0;
	v0 =	vld.idx.msk [tilespmem:v2+s13+$0x0], $0xffff;
	_ =	sdelay $0x3  }
0x337: {  	[tilespmem:$0x1FBB0] =	vst v3  }
0x338: {  	v3 =	vor.u32 $0x28, v15;
	[tilespmem:$0x1FC30] =	vst v0;
	v0 =	vld.idx.msk [tilespmem:v2+s12+$0x0], $0xffff;
	_ =	sdelay $0x4  }
0x339: {  	[tilespmem:$0x1FC50] =	vst v0;
	v0 =	vld.idx.msk [tilespmem:v3+s13+$0x0], $0xffff;
	_ =	sdelay $0x3  }
0x33a: {  	[tilespmem:$0x1FBE0] =	vst v4  }
0x33b: {  	v4 =	vor.u32 $0x27, v15;
	[tilespmem:$0x1FC60] =	vst v0;
	v0 =	vld.idx.msk [tilespmem:v3+s12+$0x0], $0xffff;
	_ =	sdelay $0x4  }
0x33c: {  	[tilespmem:$0x1FC80] =	vst v0;
	v0 =	vld.idx.msk [tilespmem:v4+s13+$0x0], $0xffff;
	_ =	sdelay $0x3  }
0x33d: {  	[tilespmem:$0x1FC10] =	vst v1  }
0x33e: {  	v1 =	vor.u32 $0x26, v15;
	[tilespmem:$0x1FC90] =	vst v0;
	v0 =	vld.idx.msk [tilespmem:v4+s12+$0x0], $0xffff;
	_ =	sdelay $0x4  }
0x33f: {  	[tilespmem:$0x1FCB0] =	vst v0;
	v0 =	vld.idx.msk [tilespmem:v1+s13+$0x0], $0xffff;
	_ =	sdelay $0x3  }
0x340: {  	[tilespmem:$0x1FC40] =	vst v2  }
0x341: {  	v2 =	vor.u32 $0x25, v15;
	[tilespmem:$0x1FCC0] =	vst v0;
	v0 =	vld.idx.msk [tilespmem:v1+s12+$0x0], $0xffff;
	_ =	sdelay $0x4  }
0x342: {  	[tilespmem:$0x1FCE0] =	vst v0;
	v0 =	vld.idx.msk [tilespmem:v2+s13+$0x0], $0xffff;
	_ =	sdelay $0x3  }
0x343: {  	[tilespmem:$0x1FC70] =	vst v3  }
0x344: {  	v3 =	vor.u32 $0x24, v15;
	[tilespmem:$0x1FCF0] =	vst v0;
	v0 =	vld.idx.msk [tilespmem:v2+s12+$0x0], $0xffff;
	_ =	sdelay $0x4  }
0x345: {  	[tilespmem:$0x1FD00] =	vst v0;
	v0 =	vld.idx.msk [tilespmem:v3+s13+$0x0], $0xffff;
	_ =	sdelay $0x3  }
0x346: {  	[tilespmem:$0x1FCA0] =	vst v4  }
0x347: {  	v4 =	vor.u32 $0x23, v15;
	[tilespmem:$0x1FD10] =	vst v0;
	v0 =	vld.idx.msk [tilespmem:v3+s12+$0x0], $0xffff;
	_ =	sdelay $0x4  }
0x348: {  	[tilespmem:$0x1FD20] =	vst v0;
	v0 =	vld.idx.msk [tilespmem:v4+s13+$0x0], $0xffff;
	_ =	sdelay $0x3  }
0x349: {  	[tilespmem:$0x1FCD0] =	vst v1  }
0x34a: {  	v1 =	vor.u32 $0x22, v15;
	[tilespmem:$0x1FD30] =	vst v0;
	v0 =	vld.idx.msk [tilespmem:v4+s12+$0x0], $0xffff;
	_ =	sdelay $0x4  }
0x34b: {  	[tilespmem:$0x1FD40] =	vst v0;
	v0 =	vld.idx.msk [tilespmem:v1+s13+$0x0], $0xffff;
	_ =	sdelay $0x3  }
0x34c: {  	[tilespmem:$0x1F820] =	vst v2  }
0x34d: {  	v2 =	vor.u32 $0x21, v15;
	[tilespmem:$0x1FD50] =	vst v0;
	v0 =	vld.idx.msk [tilespmem:v1+s12+$0x0], $0xffff;
	_ =	sdelay $0x4  }
0x34e: {  	[tilespmem:$0x1FD60] =	vst v0;
	v0 =	vld.idx.msk [tilespmem:v2+s13+$0x0], $0xffff;
	_ =	sdelay $0x3  }
0x34f: {  	[tilespmem:$0x1F5C0] =	vst v3  }
0x350: {  	v3 =	vor.u32 $0x20, v15;
	[tilespmem:$0x1FD70] =	vst v0;
	v0 =	vld.idx.msk [tilespmem:v2+s12+$0x0], $0xffff;
	_ =	sdelay $0x4  }
0x351: {  	[tilespmem:$0x1FD80] =	vst v0;
	v0 =	vld.idx.msk [tilespmem:v3+s13+$0x0], $0xffff;
	_ =	sdelay $0x3  }
0x352: {  	[tilespmem:$0x1F810] =	vst v4  }
0x353: {  	v4 =	vor.u32 $0x1F, v15;
	[tilespmem:$0x1FD90] =	vst v0;
	v0 =	vld.idx.msk [tilespmem:v3+s12+$0x0], $0xffff;
	_ =	sdelay $0x4  }
0x354: {  	[tilespmem:$0x1FDA0] =	vst v0;
	v0 =	vld.idx.msk [tilespmem:v4+s13+$0x0], $0xffff;
	_ =	sdelay $0x4  }
0x355: {  	v5 =	vor.u32 $0x1E, v15;
	[tilespmem:$0x1FDB0] =	vst v0;
	v0 =	vld.idx.msk [tilespmem:v4+s12+$0x0], $0xffff;
	_ =	sdelay $0x4  }
0x356: {  	[tilespmem:$0x1FDC0] =	vst v0;
	v0 =	vld.idx.msk [tilespmem:v5+s13+$0x0], $0xffff;
	_ =	sdelay $0x3  }
0x357: {  	[tilespmem:$0x1F800] =	vst v2  }
0x358: {  	v2 =	vor.u32 $0x1D, v15;
	[tilespmem:$0x1FDD0] =	vst v0;
	v0 =	vld.idx.msk [tilespmem:v5+s12+$0x0], $0xffff;
	_ =	sdelay $0x4  }
0x359: {  	[tilespmem:$0x1FDE0] =	vst v0;
	v0 =	vld.idx.msk [tilespmem:v2+s13+$0x0], $0xffff;
	_ =	sdelay $0x3  }
0x35a: {  	[tilespmem:$0x1F5D0] =	vst v1  }
0x35b: {  	v1 =	vor.u32 $0x1C, v15;
	[tilespmem:$0x1FDF0] =	vst v0;
	v0 =	vld.idx.msk [tilespmem:v2+s12+$0x0], $0xffff;
	_ =	sdelay $0x4  }
0x35c: {  	[tilespmem:$0x1FE00] =	vst v0;
	v0 =	vld.idx.msk [tilespmem:v1+s13+$0x0], $0xffff;
	_ =	sdelay $0x4  }
0x35d: {  	v8 =	vor.u32 $0x1B, v15;
	[tilespmem:$0x1FE10] =	vst v0;
	v0 =	vld.idx.msk [tilespmem:v1+s12+$0x0], $0xffff;
	_ =	sdelay $0x4  }
0x35e: {  	[tilespmem:$0x1FE20] =	vst v0;
	v0 =	vld.idx.msk [tilespmem:v8+s13+$0x0], $0xffff;
	_ =	sdelay $0x4  }
0x35f: {  	v49 =	vor.u32 $0x1A, v15;
	[tilespmem:$0x1FE30] =	vst v0;
	v0 =	vld.idx.msk [tilespmem:v8+s12+$0x0], $0xffff;
	_ =	sdelay $0x4  }
0x360: {  	[tilespmem:$0x1FE40] =	vst v0;
	v0 =	vld.idx.msk [tilespmem:v49+s13+$0x0], $0xffff;
	_ =	sdelay $0x4  }
0x361: {  	v53 =	vor.u32 $0x19, v15;
	[tilespmem:$0x1FE50] =	vst v0;
	v0 =	vld.idx.msk [tilespmem:v49+s12+$0x0], $0xffff;
	_ =	sdelay $0x4  }
0x362: {  	[tilespmem:$0x1FE60] =	vst v0;
	v0 =	vld.idx.msk [tilespmem:v53+s13+$0x0], $0xffff;
	_ =	sdelay $0x4  }
0x363: {  	v52 =	vor.u32 $0x18, v15;
	[tilespmem:$0x1FE70] =	vst v0;
	v0 =	vld.idx.msk [tilespmem:v53+s12+$0x0], $0xffff;
	_ =	sdelay $0x4  }
0x364: {  	[tilespmem:$0x1FE80] =	vst v0;
	v0 =	vld.idx.msk [tilespmem:v52+s13+$0x0], $0xffff;
	_ =	sdelay $0x4  }
0x365: {  	v44 =	vor.u32 $0x17, v15;
	[tilespmem:$0x1FE90] =	vst v0;
	v0 =	vld.idx.msk [tilespmem:v52+s12+$0x0], $0xffff;
	_ =	sdelay $0x4  }
0x366: {  	[tilespmem:$0x1FEA0] =	vst v0;
	v0 =	vld.idx.msk [tilespmem:v44+s13+$0x0], $0xffff;
	_ =	sdelay $0x4  }
0x367: {  	v55 =	vor.u32 $0x16, v15;
	[tilespmem:$0x1FEB0] =	vst v0;
	v0 =	vld.idx.msk [tilespmem:v44+s12+$0x0], $0xffff;
	_ =	sdelay $0x4  }
0x368: {  	[tilespmem:$0x1FEC0] =	vst v0;
	v0 =	vld.idx.msk [tilespmem:v55+s13+$0x0], $0xffff;
	_ =	sdelay $0x4  }
0x369: {  	v28 =	vor.u32 $0x15, v15;
	[tilespmem:$0x1FED0] =	vst v0;
	v0 =	vld.idx.msk [tilespmem:v55+s12+$0x0], $0xffff;
	_ =	sdelay $0x4  }
0x36a: {  	[tilespmem:$0x1FEE0] =	vst v0;
	v0 =	vld.idx.msk [tilespmem:v28+s13+$0x0], $0xffff;
	_ =	sdelay $0x4  }
0x36b: {  	v58 =	vor.u32 $0x14, v15;
	[tilespmem:$0x1FEF0] =	vst v0;
	v0 =	vld.idx.msk [tilespmem:v28+s12+$0x0], $0xffff;
	_ =	sdelay $0x4  }
0x36c: {  	[tilespmem:$0x1FF00] =	vst v0;
	v0 =	vld.idx.msk [tilespmem:v58+s13+$0x0], $0xffff;
	_ =	sdelay $0x4  }
0x36d: {  	v46 =	vor.u32 $0x13, v15;
	[tilespmem:$0x1FF10] =	vst v0;
	v0 =	vld.idx.msk [tilespmem:v58+s12+$0x0], $0xffff;
	_ =	sdelay $0x4  }
0x36e: {  	[tilespmem:$0x1FF20] =	vst v0;
	v0 =	vld.idx.msk [tilespmem:v46+s13+$0x0], $0xffff;
	_ =	sdelay $0x4  }
0x36f: {  	v37 =	vor.u32 $0x12, v15;
	[tilespmem:$0x1FF30] =	vst v0;
	v0 =	vld.idx.msk [tilespmem:v46+s12+$0x0], $0xffff;
	_ =	sdelay $0x4  }
0x370: {  	[tilespmem:$0x1FF40] =	vst v0;
	v0 =	vld.idx.msk [tilespmem:v37+s13+$0x0], $0xffff;
	_ =	sdelay $0x4  }
0x371: {  	v57 =	vor.u32 $0x11, v15;
	[tilespmem:$0x1FF50] =	vst v0;
	v0 =	vld.idx.msk [tilespmem:v37+s12+$0x0], $0xffff  }
0x372: {  	v23 =	vor.u32 $0x3E, v15;
	_ =	sdelay $0x1  }
0x373: {  	v29 =	vor.u32 $0x3D, v15;
	_ =	sdelay $0x1  }
0x374: {  	[tilespmem:$0x1FF60] =	vst v0;
	v0 =	vld.idx.msk [tilespmem:v57+s13+$0x0], $0xffff  }
0x375: {  	v38 =	vor.u32 $0x3C, v15;
	v19 =	vld.idx.msk [tilespmem:v23+s13+$0x0], $0xffff  }
0x376: {  	v21 =	vld.idx.msk [tilespmem:v23+s12+$0x0], $0xffff  }
0x377: {  	v39 =	vor.u32 $0xE, v15;
	v24 =	vld.idx.msk [tilespmem:v29+s13+$0x0], $0xffff  }
0x378: {  	v25 =	vld.idx.msk [tilespmem:v29+s12+$0x0], $0xffff  }
0x379: {  	v36 =	vor.u32 $0x10, v15;
	[tilespmem:$0x1FF70] =	vst v0;
	v0 =	vld.idx.msk [tilespmem:v57+s12+$0x0], $0xffff  }
0x37a: {  	v6 =	vor.u32 $0xD, v15;
	v31 =	vld.idx.msk [tilespmem:v38+s13+$0x0], $0xffff  }
0x37b: {  	v34 =	vld.idx.msk [tilespmem:v38+s12+$0x0], $0xffff  }
0x37c: {  	v40 =	vor.u32 $0xB, v15;
	v54 =	vld.idx.msk [tilespmem:v39+s13+$0x0], $0xffff  }
0x37d: {  	v12 =	vld.idx.msk [tilespmem:v39+s12+$0x0], $0xffff  }
0x37e: {  	[tilespmem:$0x1FF80] =	vst v0;
	v0 =	vld.idx.msk [tilespmem:v36+s13+$0x0], $0xffff  }
0x37f: {  	v42 =	vor.u32 $0xA, v15;
	v14 =	vld.idx.msk [tilespmem:v6+s13+$0x0], $0xffff  }
0x380: {  	v50 =	vor.u32 $0x9, v15;
	v60 =	vld.idx.msk [tilespmem:v6+s12+$0x0], $0xffff  }
0x381: {  	v18 =	vld.idx.msk [tilespmem:v40+s13+$0x0], $0xffff  }
0x382: {  	v51 =	vor.u32 $0x8, v15;
	v30 =	vld.idx.msk [tilespmem:v40+s12+$0x0], $0xffff  }
0x383: {  	v63 =	vor.u32 $0xF, v15;
	[tilespmem:$0x1FF90] =	vst v0;
	v0 =	vld.idx.msk [tilespmem:v36+s12+$0x0], $0xffff  }
0x384: {  	v62 =	vld.idx.msk [tilespmem:v42+s13+$0x0], $0xffff  }
0x385: {  	v59 =	vor.u32 $0x7, v15;
	v56 =	vld.idx.msk [tilespmem:v50+s13+$0x0], $0xffff  }
0x386: {  	v32 =	vld.idx.msk [tilespmem:v50+s12+$0x0], $0xffff  }
0x387: {  	v10 =	vor.u32 $0x4, v15;
	v33 =	vld.idx.msk [tilespmem:v51+s13+$0x0], $0xffff  }
0x388: {  	[tilespmem:$0x1FFA0] =	vst v0;
	v0 =	vld.idx.msk [tilespmem:v63+s13+$0x0], $0xffff  }
0x389: {  	v16 =	vor.u32 $0x3, v15;
	v45 =	vld.idx.msk [tilespmem:v51+s12+$0x0], $0xffff  }
0x38a: {  	v48 =	vld.idx.msk [tilespmem:v59+s13+$0x0], $0xffff  }
0x38b: {  	v20 =	vor.u32 $0x2, v15;
	v27 =	vld.idx.msk [tilespmem:v59+s12+$0x0], $0xffff  }
0x38c: {  	v7 =	vld.idx.msk [tilespmem:v10+s12+$0x0], $0xffff;
	[tilespmem:$0x1F7F0] =	vst v3;
	v3 =	vor.u32 $0x5, v15  }
0x38d: {  	[tilespmem:$0x1FFB0] =	vst v0;
	v0 =	vld.idx.msk [tilespmem:v63+s12+$0x0], $0xffff  }
0x38e: {  	v11 =	vld.idx.msk [tilespmem:v16+s13+$0x0], $0xffff  }
0x38f: {  	v9 =	vld.idx.msk [tilespmem:v16+s12+$0x0], $0xffff  }
0x390: {  	v13 =	vld.idx.msk [tilespmem:v20+s13+$0x0], $0xffff;
	[tilespmem:$0x1F5F0] =	vst v1;
	v1 =	vor.u32 $0xC, v15  }
0x391: {  	[tilespmem:$0x1F7E0] =	vst v4;
	v22 =	vld.idx.msk [tilespmem:v3+s13+$0x0], $0xffff  }
0x392: {  	v4 =	vld.idx.msk [tilespmem:v3+s12+$0x0], $0xffff;
	[tilespmem:$0x1FFC0] =	vst v0;
	v0 =	vor.u32 $0x6, v15  }
0x393: {  	p1 =	por $0x1, $0x1;
	[tilespmem:$0x1F5E0] =	vst v5;
	v5 =	vld.idx.msk [tilespmem:v10+s13+$0x0], $0xffff  }
.Ltmp4:
0x394: {  	[tilespmem:$0x1F7D0] =	vst v2;
	v2 =	vld.idx.msk [tilespmem:v42+s12+$0x0], $0xffff;
	(pc) =	sbr.rel @!p1 .LBB2_7-.Ltmp4, $4  }
0x395: {  	v41 =	vld.idx.msk [tilespmem:v1+s13+$0x0], $0xffff  }
0x396: {  	v35 =	vld.idx.msk [tilespmem:v1+s12+$0x0], $0xffff  }
0x397: {  	v26 =	vld.idx.msk [tilespmem:v0+s13+$0x0], $0xffff  }
0x398: {  	s25 =	simm.s32 $0x20;
	p0 =	por $0x1, $0x1;
	s24 =	smov.u32 s23;
	v17 =	vor.u32 $0x1, v15;
	v61 =	vld.idx.msk [tilespmem:v0+s12+$0x0], $0xffff  }
.LBB2_8:
0x399: {  	_ =	sdelay $0x3  }
0x39a: {  	[tilespmem:$0x1F880] =	vst v29;
	v29 =	vld.idx.msk [tilespmem:v17+s12+$0x0], $0xffff  }
0x39b: {  	[tilespmem:$0x1F850] =	vst v23;
	v23 =	vld.idx.msk [tilespmem:v15+s12+$0x0], $0xffff  }
0x39c: {  	[tilespmem:$0x1F8B0] =	vst v38;
	v38 =	vld.idx.msk [tilespmem:v15+s14+$0x0], $0xffff  }
0x39d: {  	[tilespmem:$0x1F8D0] =	vst v43;
	v43 =	vld.idx.msk [tilespmem:v15+s15+$0x0], $0xffff  }
0x39e: {  	[tilespmem:$0x1F430] =	vst v47;
	v47 =	vld.idx.msk [tilespmem:v17+s16+$0x0], $0xffff  }
0x39f: {  	[tilespmem:$0x1F890] =	vst v25;
	v25 =	vld.idx.msk [tilespmem:v20+s12+$0x0], $0xffff  }
0x3a0: {  	[tilespmem:$0x1F860] =	vst v21;
	v21 =	vld.idx.msk [tilespmem:v15+s16+$0x0], $0xffff  }
0x3a1: {  	[tilespmem:$0x1F8C0] =	vst v34;
	v34 =	vld.idx.msk [tilespmem:v15+s13+$0x0], $0xffff  }
0x3a2: {  	v15 =	vld.idx.msk [tilespmem:v15+s17+$0x0], $0xffff  }
0x3a3: {  	[tilespmem:$0x1F840] =	vst v19;
	v19 =	vld.idx.msk [tilespmem:v17+s13+$0x0], $0xffff  }
0x3a4: {  	[tilespmem:$0x1F870] =	vst v24;
	v24 =	vld.idx.msk [tilespmem:v17+s14+$0x0], $0xffff  }
0x3a5: {  	[tilespmem:$0x1F8A0] =	vst v31;
	v31 =	vld.idx.msk [tilespmem:v17+s15+$0x0], $0xffff;
	v21 =	vsub.f32 v38, v21  }
0x3a6: {  	v17 =	vld.idx.msk [tilespmem:v17+s17+$0x0], $0xffff  }
0x3a7: {  	v38 =	vld.idx.msk [tilespmem:v20+s14+$0x0], $0xffff;
	v15 =	vsub.f32 v43, v15;
	v21 =	vmul.f32 v21, v23  }
0x3a8: {  	v23 =	vld.idx.msk [tilespmem:v20+s16+$0x0], $0xffff  }
0x3a9: {  	v43 =	vld.idx.msk [tilespmem:v20+s15+$0x0], $0xffff;
	v24 =	vsub.f32 v24, v47;
	v15 =	vmul.f32 v15, v34;
	v21 =	vadd.f32 $0.0e+00, v21  }
0x3aa: {  	v20 =	vld.idx.msk [tilespmem:v20+s17+$0x0], $0xffff  }
0x3ab: {  	v17 =	vsub.f32 v31, v17;
	v34 =	vld.idx.msk [tilespmem:v16+s14+$0x0], $0xffff;
	v15 =	vadd.f32 v15, v21;
	v21 =	vmul.f32 v24, v29  }
0x3ac: {  	v24 =	vld.idx.msk [tilespmem:v16+s16+$0x0], $0xffff  }
0x3ad: {  	v17 =	vmul.f32 v17, v19;
	v29 =	vld.idx.msk [tilespmem:v16+s15+$0x0], $0xffff;
	v19 =	vsub.f32 v38, v23;
	v15 =	vadd.f32 v21, v15  }
0x3ae: {  	v16 =	vld.idx.msk [tilespmem:v16+s17+$0x0], $0xffff  }
0x3af: {  	v21 =	vld.idx.msk [tilespmem:v10+s14+$0x0], $0xffff;
	v15 =	vadd.f32 v17, v15;
	v17 =	vmul.f32 v19, v25;
	v19 =	vsub.f32 v43, v20  }
0x3b0: {  	v20 =	vld.idx.msk [tilespmem:v10+s16+$0x0], $0xffff  }
0x3b1: {  	v23 =	vld.idx.msk [tilespmem:v10+s15+$0x0], $0xffff;
	v15 =	vadd.f32 v17, v15;
	v13 =	vmul.f32 v19, v13;
	v17 =	vsub.f32 v34, v24  }
0x3b2: {  	v10 =	vld.idx.msk [tilespmem:v10+s17+$0x0], $0xffff  }
0x3b3: {  	v19 =	vld.idx.msk [tilespmem:v3+s14+$0x0], $0xffff;
	v13 =	vadd.f32 v13, v15;
	v9 =	vmul.f32 v17, v9;
	v15 =	vsub.f32 v29, v16  }
0x3b4: {  	v16 =	vld.idx.msk [tilespmem:v3+s16+$0x0], $0xffff  }
0x3b5: {  	v17 =	vld.idx.msk [tilespmem:v3+s15+$0x0], $0xffff;
	v9 =	vadd.f32 v9, v13;
	v11 =	vmul.f32 v15, v11;
	v13 =	vsub.f32 v21, v20  }
0x3b6: {  	v3 =	vld.idx.msk [tilespmem:v3+s17+$0x0], $0xffff  }
0x3b7: {  	v10 =	vsub.f32 v23, v10;
	v15 =	vld.idx.msk [tilespmem:v0+s14+$0x0], $0xffff;
	v9 =	vadd.f32 v11, v9;
	v7 =	vmul.f32 v13, v7  }
0x3b8: {  	v11 =	vld.idx.msk [tilespmem:v0+s16+$0x0], $0xffff  }
0x3b9: {  	v5 =	vmul.f32 v10, v5;
	v13 =	vld.idx.msk [tilespmem:v0+s15+$0x0], $0xffff;
	v7 =	vadd.f32 v7, v9;
	v9 =	vsub.f32 v19, v16  }
0x3ba: {  	v0 =	vld.idx.msk [tilespmem:v0+s17+$0x0], $0xffff  }
0x3bb: {  	v10 =	vld.idx.msk [tilespmem:v59+s14+$0x0], $0xffff;
	v3 =	vsub.f32 v17, v3;
	v5 =	vadd.f32 v5, v7;
	v4 =	vmul.f32 v9, v4  }
0x3bc: {  	v7 =	vld.idx.msk [tilespmem:v59+s16+$0x0], $0xffff  }
0x3bd: {  	v3 =	vmul.f32 v3, v22;
	v9 =	vld.idx.msk [tilespmem:v59+s15+$0x0], $0xffff;
	v4 =	vadd.f32 v4, v5;
	v5 =	vsub.f32 v15, v11  }
0x3be: {  	v11 =	vld.idx.msk [tilespmem:v59+s17+$0x0], $0xffff  }
0x3bf: {  	v0 =	vsub.f32 v13, v0;
	v15 =	vld.idx.msk [tilespmem:v51+s14+$0x0], $0xffff;
	v3 =	vadd.f32 v3, v4;
	v4 =	vmul.f32 v5, v61  }
0x3c0: {  	v5 =	vld.idx.msk [tilespmem:v51+s16+$0x0], $0xffff  }
0x3c1: {  	v13 =	vld.idx.msk [tilespmem:v51+s15+$0x0], $0xffff;
	v0 =	vmul.f32 v0, v26;
	v3 =	vadd.f32 v4, v3;
	v4 =	vsub.f32 v10, v7  }
0x3c2: {  	v7 =	vld.idx.msk [tilespmem:v51+s17+$0x0], $0xffff  }
0x3c3: {  	v10 =	vld.idx.msk [tilespmem:v50+s14+$0x0], $0xffff;
	v0 =	vadd.f32 v0, v3;
	v3 =	vmul.f32 v4, v27;
	v4 =	vsub.f32 v9, v11  }
0x3c4: {  	v9 =	vld.idx.msk [tilespmem:v50+s16+$0x0], $0xffff  }
0x3c5: {  	v11 =	vld.idx.msk [tilespmem:v50+s15+$0x0], $0xffff;
	v0 =	vadd.f32 v3, v0;
	v3 =	vmul.f32 v4, v48;
	v4 =	vsub.f32 v15, v5  }
0x3c6: {  	v5 =	vld.idx.msk [tilespmem:v50+s17+$0x0], $0xffff  }
0x3c7: {  	v15 =	vld.idx.msk [tilespmem:v42+s14+$0x0], $0xffff;
	v0 =	vadd.f32 v3, v0;
	v3 =	vmul.f32 v4, v45;
	v4 =	vsub.f32 v13, v7  }
0x3c8: {  	v7 =	vld.idx.msk [tilespmem:v42+s16+$0x0], $0xffff  }
0x3c9: {  	v13 =	vld.idx.msk [tilespmem:v42+s15+$0x0], $0xffff;
	v0 =	vadd.f32 v3, v0;
	v3 =	vmul.f32 v4, v33;
	v4 =	vsub.f32 v10, v9  }
0x3ca: {  	v9 =	vld.idx.msk [tilespmem:v42+s17+$0x0], $0xffff  }
0x3cb: {  	v10 =	vld.idx.msk [tilespmem:v40+s14+$0x0], $0xffff;
	v0 =	vadd.f32 v3, v0;
	v3 =	vmul.f32 v4, v32;
	v4 =	vsub.f32 v11, v5  }
0x3cc: {  	v5 =	vld.idx.msk [tilespmem:v40+s16+$0x0], $0xffff  }
0x3cd: {  	v11 =	vld.idx.msk [tilespmem:v40+s15+$0x0], $0xffff;
	v0 =	vadd.f32 v3, v0;
	v3 =	vmul.f32 v4, v56;
	v4 =	vsub.f32 v15, v7  }
0x3ce: {  	v7 =	vld.idx.msk [tilespmem:v40+s17+$0x0], $0xffff  }
0x3cf: {  	v15 =	vld.idx.msk [tilespmem:v1+s14+$0x0], $0xffff;
	v0 =	vadd.f32 v3, v0;
	v3 =	vmul.f32 v4, v2;
	v4 =	vsub.f32 v13, v9  }
0x3d0: {  	v9 =	vld.idx.msk [tilespmem:v1+s16+$0x0], $0xffff  }
0x3d1: {  	v13 =	vld.idx.msk [tilespmem:v1+s15+$0x0], $0xffff;
	v0 =	vadd.f32 v3, v0;
	v3 =	vmul.f32 v4, v62;
	v4 =	vsub.f32 v10, v5  }
0x3d2: {  	v5 =	vld.idx.msk [tilespmem:v1+s17+$0x0], $0xffff  }
0x3d3: {  	v10 =	vld.idx.msk [tilespmem:v6+s14+$0x0], $0xffff;
	v0 =	vadd.f32 v3, v0;
	v3 =	vmul.f32 v4, v30;
	v4 =	vsub.f32 v11, v7  }
0x3d4: {  	v7 =	vld.idx.msk [tilespmem:v6+s16+$0x0], $0xffff  }
0x3d5: {  	v11 =	vld.idx.msk [tilespmem:v6+s15+$0x0], $0xffff;
	v0 =	vadd.f32 v3, v0;
	v3 =	vmul.f32 v4, v18;
	v4 =	vsub.f32 v15, v9  }
0x3d6: {  	v9 =	vld.idx.msk [tilespmem:v6+s17+$0x0], $0xffff  }
0x3d7: {  	v15 =	vld.idx.msk [tilespmem:v39+s14+$0x0], $0xffff;
	v0 =	vadd.f32 v3, v0;
	v3 =	vmul.f32 v4, v35;
	v4 =	vsub.f32 v13, v5  }
0x3d8: {  	v5 =	vld.idx.msk [tilespmem:v39+s16+$0x0], $0xffff  }
0x3d9: {  	v13 =	vld.idx.msk [tilespmem:v39+s15+$0x0], $0xffff;
	v0 =	vadd.f32 v3, v0;
	v3 =	vmul.f32 v4, v41;
	v4 =	vsub.f32 v10, v7  }
0x3da: {  	v7 =	vld.idx.msk [tilespmem:v39+s17+$0x0], $0xffff  }
0x3db: {  	v10 =	vld.idx.msk [tilespmem:v63+s14+$0x0], $0xffff;
	v0 =	vadd.f32 v3, v0;
	v3 =	vmul.f32 v4, v60;
	v4 =	vsub.f32 v11, v9  }
0x3dc: {  	v9 =	vld.idx.msk [tilespmem:v63+s16+$0x0], $0xffff  }
0x3dd: {  	v0 =	vadd.f32 v3, v0;
	v3 =	vmul.f32 v4, v14;
	v4 =	vsub.f32 v15, v5  }
0x3de: {  	v1 =	vld [tilespmem:$0x1FFC0]  }
0x3df: {  	v0 =	vadd.f32 v3, v0;
	v3 =	vmul.f32 v4, v12;
	v4 =	vsub.f32 v13, v7  }
0x3e0: {  	v11 =	vld.idx.msk [tilespmem:v63+s15+$0x0], $0xffff  }
0x3e1: {  	v5 =	vld.idx.msk [tilespmem:v63+s17+$0x0], $0xffff;
	v0 =	vadd.f32 v3, v0;
	v3 =	vmul.f32 v4, v54;
	v4 =	vsub.f32 v10, v9;
	_ =	sdelay $0x1  }
0x3e2: {  	v0 =	vadd.f32 v3, v0;
	v3 =	vmul.f32 v4, v1;
	v1 =	vld [tilespmem:$0x1FFB0];
	_ =	sdelay $0x1  }
0x3e3: {  	v15 =	vld.idx.msk [tilespmem:v36+s14+$0x0], $0xffff  }
0x3e4: {  	v7 =	vld.idx.msk [tilespmem:v36+s16+$0x0], $0xffff;
	v4 =	vsub.f32 v11, v5;
	_ =	sdelay $0x1  }
0x3e5: {  	v0 =	vadd.f32 v3, v0;
	v3 =	vmul.f32 v4, v1;
	v1 =	vld [tilespmem:$0x1FFA0];
	_ =	sdelay $0x1  }
0x3e6: {  	v13 =	vld.idx.msk [tilespmem:v36+s15+$0x0], $0xffff  }
0x3e7: {  	v9 =	vld.idx.msk [tilespmem:v36+s17+$0x0], $0xffff;
	v4 =	vsub.f32 v15, v7;
	_ =	sdelay $0x1  }
0x3e8: {  	v0 =	vadd.f32 v3, v0;
	v3 =	vmul.f32 v4, v1;
	v1 =	vld [tilespmem:$0x1FF90];
	_ =	sdelay $0x1  }
0x3e9: {  	v10 =	vld.idx.msk [tilespmem:v57+s14+$0x0], $0xffff  }
0x3ea: {  	v5 =	vld.idx.msk [tilespmem:v57+s16+$0x0], $0xffff;
	v4 =	vsub.f32 v13, v9;
	_ =	sdelay $0x1  }
0x3eb: {  	v0 =	vadd.f32 v3, v0;
	v3 =	vmul.f32 v4, v1;
	v1 =	vld [tilespmem:$0x1FF80];
	_ =	sdelay $0x1  }
0x3ec: {  	v6 =	vld.idx.msk [tilespmem:v57+s17+$0x0], $0xffff  }
0x3ed: {  	v11 =	vld.idx.msk [tilespmem:v57+s15+$0x0], $0xffff;
	v4 =	vsub.f32 v10, v5;
	_ =	sdelay $0x1  }
0x3ee: {  	v0 =	vadd.f32 v3, v0;
	v3 =	vmul.f32 v4, v1;
	v1 =	vld [tilespmem:$0x1FF70];
	_ =	sdelay $0x1  }
0x3ef: {  	v7 =	vld.idx.msk [tilespmem:v37+s14+$0x0], $0xffff  }
0x3f0: {  	v9 =	vld.idx.msk [tilespmem:v37+s16+$0x0], $0xffff;
	v4 =	vsub.f32 v11, v6;
	_ =	sdelay $0x1  }
0x3f1: {  	v0 =	vadd.f32 v3, v0;
	v3 =	vmul.f32 v4, v1;
	v1 =	vld [tilespmem:$0x1FF60];
	_ =	sdelay $0x1  }
0x3f2: {  	v2 =	vld.idx.msk [tilespmem:v37+s17+$0x0], $0xffff  }
0x3f3: {  	v12 =	vld.idx.msk [tilespmem:v37+s15+$0x0], $0xffff;
	v4 =	vsub.f32 v7, v9;
	_ =	sdelay $0x1  }
0x3f4: {  	v0 =	vadd.f32 v3, v0;
	v3 =	vmul.f32 v4, v1;
	v1 =	vld [tilespmem:$0x1FF50];
	_ =	sdelay $0x1  }
0x3f5: {  	v5 =	vld.idx.msk [tilespmem:v46+s14+$0x0], $0xffff  }
0x3f6: {  	v2 =	vsub.f32 v12, v2;
	v6 =	vld.idx.msk [tilespmem:v46+s16+$0x0], $0xffff;
	_ =	sdelay $0x1  }
0x3f7: {  	v2 =	vmul.f32 v2, v1;
	v1 =	vld [tilespmem:$0x1FF40];
	_ =	sdelay $0x1  }
0x3f8: {  	v10 =	vld.idx.msk [tilespmem:v46+s15+$0x0], $0xffff  }
0x3f9: {  	v7 =	vld.idx.msk [tilespmem:v46+s17+$0x0], $0xffff;
	v0 =	vadd.f32 v3, v0;
	v3 =	vsub.f32 v5, v6;
	_ =	sdelay $0x1  }
0x3fa: {  	v0 =	vadd.f32 v2, v0;
	v2 =	vmul.f32 v3, v1;
	v1 =	vld [tilespmem:$0x1FF30];
	_ =	sdelay $0x1  }
0x3fb: {  	v9 =	vld.idx.msk [tilespmem:v58+s14+$0x0], $0xffff  }
0x3fc: {  	v4 =	vld.idx.msk [tilespmem:v58+s16+$0x0], $0xffff;
	v3 =	vsub.f32 v10, v7;
	_ =	sdelay $0x1  }
0x3fd: {  	v0 =	vadd.f32 v2, v0;
	v2 =	vmul.f32 v3, v1;
	v1 =	vld [tilespmem:$0x1FF20];
	_ =	sdelay $0x1  }
0x3fe: {  	v11 =	vld.idx.msk [tilespmem:v58+s15+$0x0], $0xffff  }
0x3ff: {  	v5 =	vld.idx.msk [tilespmem:v58+s17+$0x0], $0xffff;
	v3 =	vsub.f32 v9, v4;
	_ =	sdelay $0x1  }
0x400: {  	v0 =	vadd.f32 v2, v0;
	v2 =	vmul.f32 v3, v1;
	v1 =	vld [tilespmem:$0x1FF10];
	_ =	sdelay $0x1  }
0x401: {  	v6 =	vld.idx.msk [tilespmem:v28+s14+$0x0], $0xffff  }
0x402: {  	v7 =	vld.idx.msk [tilespmem:v28+s16+$0x0], $0xffff;
	v3 =	vsub.f32 v11, v5;
	_ =	sdelay $0x1  }
0x403: {  	v0 =	vadd.f32 v2, v0;
	v2 =	vmul.f32 v3, v1;
	v1 =	vld [tilespmem:$0x1FF00];
	_ =	sdelay $0x1  }
0x404: {  	v10 =	vld.idx.msk [tilespmem:v28+s15+$0x0], $0xffff  }
0x405: {  	v4 =	vld.idx.msk [tilespmem:v28+s17+$0x0], $0xffff;
	v3 =	vsub.f32 v6, v7;
	_ =	sdelay $0x1  }
0x406: {  	v0 =	vadd.f32 v2, v0;
	v2 =	vmul.f32 v3, v1;
	v1 =	vld [tilespmem:$0x1FEF0];
	_ =	sdelay $0x1  }
0x407: {  	v9 =	vld.idx.msk [tilespmem:v55+s14+$0x0], $0xffff  }
0x408: {  	v5 =	vld.idx.msk [tilespmem:v55+s16+$0x0], $0xffff;
	v3 =	vsub.f32 v10, v4;
	_ =	sdelay $0x1  }
0x409: {  	v0 =	vadd.f32 v2, v0;
	v2 =	vmul.f32 v3, v1;
	v1 =	vld [tilespmem:$0x1FEE0];
	_ =	sdelay $0x1  }
0x40a: {  	v11 =	vld.idx.msk [tilespmem:v55+s15+$0x0], $0xffff  }
0x40b: {  	v6 =	vld.idx.msk [tilespmem:v55+s17+$0x0], $0xffff;
	v3 =	vsub.f32 v9, v5;
	_ =	sdelay $0x1  }
0x40c: {  	v0 =	vadd.f32 v2, v0;
	v2 =	vmul.f32 v3, v1;
	v1 =	vld [tilespmem:$0x1FED0];
	_ =	sdelay $0x2  }
0x40d: {  	v3 =	vsub.f32 v11, v6  }
0x40e: {  	v7 =	vld.idx.msk [tilespmem:v44+s14+$0x0], $0xffff  }
0x40f: {  	v4 =	vld.idx.msk [tilespmem:v44+s16+$0x0], $0xffff;
	v0 =	vadd.f32 v2, v0;
	v2 =	vmul.f32 v3, v1;
	_ =	sdelay $0x1  }
0x410: {  	v0 =	vadd.f32 v2, v0;
	v2 =	vld [tilespmem:$0x1FEC0];
	_ =	sdelay $0x2  }
0x411: {  	v3 =	vsub.f32 v7, v4  }
0x412: {  	v10 =	vld.idx.msk [tilespmem:v44+s15+$0x0], $0xffff  }
0x413: {  	v5 =	vld.idx.msk [tilespmem:v44+s17+$0x0], $0xffff;
	v2 =	vmul.f32 v3, v2;
	_ =	sdelay $0x1  }
0x414: {  	v0 =	vadd.f32 v2, v0;
	v2 =	vld [tilespmem:$0x1FEB0];
	_ =	sdelay $0x2  }
0x415: {  	v3 =	vsub.f32 v10, v5  }
0x416: {  	v9 =	vld.idx.msk [tilespmem:v52+s14+$0x0], $0xffff  }
0x417: {  	v6 =	vld.idx.msk [tilespmem:v52+s16+$0x0], $0xffff;
	v2 =	vmul.f32 v3, v2;
	_ =	sdelay $0x1  }
0x418: {  	v0 =	vadd.f32 v2, v0;
	v2 =	vld [tilespmem:$0x1FEA0];
	_ =	sdelay $0x2  }
0x419: {  	v3 =	vsub.f32 v9, v6  }
0x41a: {  	v11 =	vld.idx.msk [tilespmem:v52+s15+$0x0], $0xffff  }
0x41b: {  	v4 =	vld.idx.msk [tilespmem:v52+s17+$0x0], $0xffff;
	v2 =	vmul.f32 v3, v2;
	_ =	sdelay $0x1  }
0x41c: {  	v0 =	vadd.f32 v2, v0;
	v2 =	vld [tilespmem:$0x1FE90];
	_ =	sdelay $0x2  }
0x41d: {  	v3 =	vsub.f32 v11, v4  }
0x41e: {  	v7 =	vld.idx.msk [tilespmem:v53+s14+$0x0], $0xffff  }
0x41f: {  	v5 =	vld.idx.msk [tilespmem:v53+s16+$0x0], $0xffff;
	v2 =	vmul.f32 v3, v2  }
0x420: {  	v47 =	vld [tilespmem:$0x1FFE0]  }
0x421: {  	v0 =	vadd.f32 v2, v0;
	v2 =	vld [tilespmem:$0x1FE80]  }
0x422: {  	v1 =	vld [tilespmem:$0x1F5F0]  }
0x423: {  	v10 =	vld.idx.msk [tilespmem:v53+s15+$0x0], $0xffff  }
0x424: {  	v6 =	vld.idx.msk [tilespmem:v53+s17+$0x0], $0xffff;
	v3 =	vsub.f32 v7, v5  }
0x425: {  	v9 =	vld.idx.msk [tilespmem:v49+s14+$0x0], $0xffff  }
0x426: {  	v4 =	vld.idx.msk [tilespmem:v49+s16+$0x0], $0xffff;
	v2 =	vmul.f32 v3, v2  }
0x427: {  	v11 =	vld.idx.msk [tilespmem:v49+s15+$0x0], $0xffff  }
0x428: {  	v0 =	vadd.f32 v2, v0;
	v2 =	vld [tilespmem:$0x1FE70]  }
0x429: {  	v5 =	vld.idx.msk [tilespmem:v49+s17+$0x0], $0xffff  }
0x42a: {  	v7 =	vld.idx.msk [tilespmem:v8+s14+$0x0], $0xffff  }
0x42b: {  	v3 =	vsub.f32 v10, v6;
	v6 =	vld.idx.msk [tilespmem:v8+s16+$0x0], $0xffff  }
0x42c: {  	v10 =	vld.idx.msk [tilespmem:v8+s15+$0x0], $0xffff  }
0x42d: {  	v2 =	vmul.f32 v3, v2;
	v3 =	vsub.f32 v9, v4;
	v4 =	vld.idx.msk [tilespmem:v8+s17+$0x0], $0xffff  }
0x42e: {  	v8 =	vld.idx.msk [tilespmem:v1+s14+$0x0], $0xffff  }
0x42f: {  	v0 =	vadd.f32 v2, v0;
	v2 =	vld [tilespmem:$0x1FE60];
	_ =	sdelay $0x4  }
0x430: {  	v2 =	vmul.f32 v3, v2;
	_ =	sdelay $0x1  }
0x431: {  	v0 =	vadd.f32 v2, v0;
	v2 =	vld [tilespmem:$0x1FE50];
	_ =	sdelay $0x2  }
0x432: {  	v3 =	vsub.f32 v11, v5;
	_ =	sdelay $0x1  }
0x433: {  	v2 =	vmul.f32 v3, v2;
	_ =	sdelay $0x1  }
0x434: {  	v0 =	vadd.f32 v2, v0;
	v2 =	vld [tilespmem:$0x1FE40];
	_ =	sdelay $0x2  }
0x435: {  	v3 =	vsub.f32 v7, v6;
	_ =	sdelay $0x1  }
0x436: {  	v2 =	vmul.f32 v3, v2;
	_ =	sdelay $0x1  }
0x437: {  	v0 =	vadd.f32 v2, v0;
	v2 =	vld [tilespmem:$0x1FE30];
	_ =	sdelay $0x2  }
0x438: {  	v3 =	vsub.f32 v10, v4;
	_ =	sdelay $0x1  }
0x439: {  	v5 =	vld.idx.msk [tilespmem:v1+s16+$0x0], $0xffff;
	v2 =	vmul.f32 v3, v2;
	_ =	sdelay $0x1  }
0x43a: {  	v0 =	vadd.f32 v2, v0;
	v2 =	vld [tilespmem:$0x1FE20];
	_ =	sdelay $0x2  }
0x43b: {  	v11 =	vld [tilespmem:$0x1F7D0];
	v3 =	vsub.f32 v8, v5  }
0x43c: {  	v9 =	vld.idx.msk [tilespmem:v1+s15+$0x0], $0xffff  }
0x43d: {  	v1 =	vld.idx.msk [tilespmem:v1+s17+$0x0], $0xffff;
	v2 =	vmul.f32 v3, v2;
	_ =	sdelay $0x1  }
0x43e: {  	v0 =	vadd.f32 v2, v0;
	v2 =	vld [tilespmem:$0x1FE10];
	_ =	sdelay $0x2  }
0x43f: {  	v1 =	vsub.f32 v9, v1  }
0x440: {  	v6 =	vld.idx.msk [tilespmem:v11+s14+$0x0], $0xffff  }
0x441: {  	v4 =	vld.idx.msk [tilespmem:v11+s16+$0x0], $0xffff;
	v1 =	vmul.f32 v1, v2;
	_ =	sdelay $0x1  }
0x442: {  	v0 =	vadd.f32 v1, v0;
	v1 =	vld [tilespmem:$0x1FE00];
	_ =	sdelay $0x2  }
0x443: {  	v10 =	vld [tilespmem:$0x1F5E0];
	v2 =	vsub.f32 v6, v4  }
0x444: {  	v7 =	vld.idx.msk [tilespmem:v11+s15+$0x0], $0xffff  }
0x445: {  	v5 =	vld.idx.msk [tilespmem:v11+s17+$0x0], $0xffff;
	v1 =	vmul.f32 v2, v1;
	_ =	sdelay $0x1  }
0x446: {  	v0 =	vadd.f32 v1, v0;
	v1 =	vld [tilespmem:$0x1FDF0];
	_ =	sdelay $0x2  }
0x447: {  	v2 =	vsub.f32 v7, v5  }
0x448: {  	v8 =	vld.idx.msk [tilespmem:v10+s14+$0x0], $0xffff  }
0x449: {  	v3 =	vld.idx.msk [tilespmem:v10+s16+$0x0], $0xffff;
	v1 =	vmul.f32 v2, v1;
	_ =	sdelay $0x1  }
0x44a: {  	v0 =	vadd.f32 v1, v0;
	v1 =	vld [tilespmem:$0x1FDE0]  }
0x44b: {  	v9 =	vld.idx.msk [tilespmem:v10+s15+$0x0], $0xffff  }
0x44c: {  	v4 =	vld.idx.msk [tilespmem:v10+s17+$0x0], $0xffff  }
0x44d: {  	v10 =	vld [tilespmem:$0x1F7E0];
	v2 =	vsub.f32 v8, v3;
	_ =	sdelay $0x1  }
0x44e: {  	v1 =	vmul.f32 v2, v1;
	_ =	sdelay $0x1  }
0x44f: {  	v0 =	vadd.f32 v1, v0;
	v1 =	vld [tilespmem:$0x1FDD0];
	_ =	sdelay $0x2  }
0x450: {  	v2 =	vsub.f32 v9, v4  }
0x451: {  	v6 =	vld.idx.msk [tilespmem:v10+s14+$0x0], $0xffff  }
0x452: {  	v5 =	vld.idx.msk [tilespmem:v10+s16+$0x0], $0xffff;
	v1 =	vmul.f32 v2, v1;
	_ =	sdelay $0x1  }
0x453: {  	v0 =	vadd.f32 v1, v0;
	v1 =	vld [tilespmem:$0x1FDC0]  }
0x454: {  	v7 =	vld.idx.msk [tilespmem:v10+s15+$0x0], $0xffff  }
0x455: {  	v3 =	vld.idx.msk [tilespmem:v10+s17+$0x0], $0xffff  }
0x456: {  	v10 =	vld [tilespmem:$0x1F7F0];
	v2 =	vsub.f32 v6, v5;
	_ =	sdelay $0x1  }
0x457: {  	v1 =	vmul.f32 v2, v1;
	_ =	sdelay $0x1  }
0x458: {  	v0 =	vadd.f32 v1, v0;
	v1 =	vld [tilespmem:$0x1FDB0];
	_ =	sdelay $0x2  }
0x459: {  	v2 =	vsub.f32 v7, v3  }
0x45a: {  	v8 =	vld.idx.msk [tilespmem:v10+s14+$0x0], $0xffff  }
0x45b: {  	v4 =	vld.idx.msk [tilespmem:v10+s16+$0x0], $0xffff;
	v1 =	vmul.f32 v2, v1;
	_ =	sdelay $0x1  }
0x45c: {  	v0 =	vadd.f32 v1, v0;
	v1 =	vld [tilespmem:$0x1FDA0]  }
0x45d: {  	v9 =	vld.idx.msk [tilespmem:v10+s15+$0x0], $0xffff  }
0x45e: {  	v5 =	vld.idx.msk [tilespmem:v10+s17+$0x0], $0xffff  }
0x45f: {  	v10 =	vld [tilespmem:$0x1F800];
	v2 =	vsub.f32 v8, v4;
	_ =	sdelay $0x1  }
0x460: {  	v1 =	vmul.f32 v2, v1;
	_ =	sdelay $0x1  }
0x461: {  	v0 =	vadd.f32 v1, v0;
	v1 =	vld [tilespmem:$0x1FD90];
	_ =	sdelay $0x2  }
0x462: {  	v2 =	vsub.f32 v9, v5  }
0x463: {  	v6 =	vld.idx.msk [tilespmem:v10+s14+$0x0], $0xffff  }
0x464: {  	v3 =	vld.idx.msk [tilespmem:v10+s16+$0x0], $0xffff;
	v1 =	vmul.f32 v2, v1;
	_ =	sdelay $0x1  }
0x465: {  	v0 =	vadd.f32 v1, v0;
	v1 =	vld [tilespmem:$0x1FD80]  }
0x466: {  	v7 =	vld.idx.msk [tilespmem:v10+s15+$0x0], $0xffff  }
0x467: {  	v4 =	vld.idx.msk [tilespmem:v10+s17+$0x0], $0xffff  }
0x468: {  	v10 =	vld [tilespmem:$0x1F5D0];
	v2 =	vsub.f32 v6, v3;
	_ =	sdelay $0x1  }
0x469: {  	v1 =	vmul.f32 v2, v1;
	_ =	sdelay $0x1  }
0x46a: {  	v0 =	vadd.f32 v1, v0;
	v1 =	vld [tilespmem:$0x1FD70];
	_ =	sdelay $0x2  }
0x46b: {  	v2 =	vsub.f32 v7, v4  }
0x46c: {  	v8 =	vld.idx.msk [tilespmem:v10+s14+$0x0], $0xffff  }
0x46d: {  	v5 =	vld.idx.msk [tilespmem:v10+s16+$0x0], $0xffff;
	v1 =	vmul.f32 v2, v1;
	_ =	sdelay $0x1  }
0x46e: {  	v0 =	vadd.f32 v1, v0;
	v1 =	vld [tilespmem:$0x1FD60]  }
0x46f: {  	v9 =	vld.idx.msk [tilespmem:v10+s15+$0x0], $0xffff  }
0x470: {  	v3 =	vld.idx.msk [tilespmem:v10+s17+$0x0], $0xffff  }
0x471: {  	v10 =	vld [tilespmem:$0x1F810];
	v2 =	vsub.f32 v8, v5;
	_ =	sdelay $0x1  }
0x472: {  	v1 =	vmul.f32 v2, v1;
	_ =	sdelay $0x1  }
0x473: {  	v0 =	vadd.f32 v1, v0;
	v1 =	vld [tilespmem:$0x1FD50];
	_ =	sdelay $0x2  }
0x474: {  	v2 =	vsub.f32 v9, v3  }
0x475: {  	v6 =	vld.idx.msk [tilespmem:v10+s14+$0x0], $0xffff  }
0x476: {  	v4 =	vld.idx.msk [tilespmem:v10+s16+$0x0], $0xffff;
	v1 =	vmul.f32 v2, v1;
	_ =	sdelay $0x1  }
0x477: {  	v0 =	vadd.f32 v1, v0;
	v1 =	vld [tilespmem:$0x1FD40]  }
0x478: {  	v7 =	vld.idx.msk [tilespmem:v10+s15+$0x0], $0xffff  }
0x479: {  	v5 =	vld.idx.msk [tilespmem:v10+s17+$0x0], $0xffff  }
0x47a: {  	v10 =	vld [tilespmem:$0x1F5C0];
	v2 =	vsub.f32 v6, v4;
	_ =	sdelay $0x1  }
0x47b: {  	v1 =	vmul.f32 v2, v1;
	_ =	sdelay $0x1  }
0x47c: {  	v0 =	vadd.f32 v1, v0;
	v1 =	vld [tilespmem:$0x1FD30];
	_ =	sdelay $0x2  }
0x47d: {  	v2 =	vsub.f32 v7, v5  }
0x47e: {  	v8 =	vld.idx.msk [tilespmem:v10+s14+$0x0], $0xffff  }
0x47f: {  	v3 =	vld.idx.msk [tilespmem:v10+s16+$0x0], $0xffff;
	v1 =	vmul.f32 v2, v1;
	_ =	sdelay $0x1  }
0x480: {  	v0 =	vadd.f32 v1, v0;
	v1 =	vld [tilespmem:$0x1FD20]  }
0x481: {  	v9 =	vld.idx.msk [tilespmem:v10+s15+$0x0], $0xffff  }
0x482: {  	v4 =	vld.idx.msk [tilespmem:v10+s17+$0x0], $0xffff  }
0x483: {  	v10 =	vld [tilespmem:$0x1F820];
	v2 =	vsub.f32 v8, v3;
	_ =	sdelay $0x1  }
0x484: {  	v1 =	vmul.f32 v2, v1;
	_ =	sdelay $0x1  }
0x485: {  	v0 =	vadd.f32 v1, v0;
	v1 =	vld [tilespmem:$0x1FD10];
	_ =	sdelay $0x2  }
0x486: {  	v2 =	vsub.f32 v9, v4  }
0x487: {  	v6 =	vld.idx.msk [tilespmem:v10+s14+$0x0], $0xffff  }
0x488: {  	v5 =	vld.idx.msk [tilespmem:v10+s16+$0x0], $0xffff;
	v1 =	vmul.f32 v2, v1;
	_ =	sdelay $0x1  }
0x489: {  	v0 =	vadd.f32 v1, v0;
	v1 =	vld [tilespmem:$0x1FD00]  }
0x48a: {  	v7 =	vld.idx.msk [tilespmem:v10+s15+$0x0], $0xffff  }
0x48b: {  	v3 =	vld.idx.msk [tilespmem:v10+s17+$0x0], $0xffff  }
0x48c: {  	v10 =	vld [tilespmem:$0x1FCD0];
	v2 =	vsub.f32 v6, v5;
	_ =	sdelay $0x1  }
0x48d: {  	v1 =	vmul.f32 v2, v1;
	_ =	sdelay $0x1  }
0x48e: {  	v0 =	vadd.f32 v1, v0;
	v1 =	vld [tilespmem:$0x1FCF0];
	_ =	sdelay $0x2  }
0x48f: {  	v2 =	vsub.f32 v7, v3  }
0x490: {  	v8 =	vld.idx.msk [tilespmem:v10+s14+$0x0], $0xffff  }
0x491: {  	v4 =	vld.idx.msk [tilespmem:v10+s16+$0x0], $0xffff;
	v1 =	vmul.f32 v2, v1;
	_ =	sdelay $0x1  }
0x492: {  	v0 =	vadd.f32 v1, v0;
	v1 =	vld [tilespmem:$0x1FCE0]  }
0x493: {  	v9 =	vld.idx.msk [tilespmem:v10+s15+$0x0], $0xffff  }
0x494: {  	v5 =	vld.idx.msk [tilespmem:v10+s17+$0x0], $0xffff  }
0x495: {  	v10 =	vld [tilespmem:$0x1FCA0];
	v2 =	vsub.f32 v8, v4;
	_ =	sdelay $0x1  }
0x496: {  	v1 =	vmul.f32 v2, v1;
	_ =	sdelay $0x1  }
0x497: {  	v0 =	vadd.f32 v1, v0;
	v1 =	vld [tilespmem:$0x1FCC0];
	_ =	sdelay $0x2  }
0x498: {  	v2 =	vsub.f32 v9, v5  }
0x499: {  	v6 =	vld.idx.msk [tilespmem:v10+s14+$0x0], $0xffff  }
0x49a: {  	v3 =	vld.idx.msk [tilespmem:v10+s16+$0x0], $0xffff;
	v1 =	vmul.f32 v2, v1;
	_ =	sdelay $0x1  }
0x49b: {  	v0 =	vadd.f32 v1, v0;
	v1 =	vld [tilespmem:$0x1FCB0]  }
0x49c: {  	v7 =	vld.idx.msk [tilespmem:v10+s15+$0x0], $0xffff  }
0x49d: {  	v4 =	vld.idx.msk [tilespmem:v10+s17+$0x0], $0xffff  }
0x49e: {  	v10 =	vld [tilespmem:$0x1FC70];
	v2 =	vsub.f32 v6, v3;
	_ =	sdelay $0x1  }
0x49f: {  	v1 =	vmul.f32 v2, v1;
	_ =	sdelay $0x1  }
0x4a0: {  	v0 =	vadd.f32 v1, v0;
	v1 =	vld [tilespmem:$0x1FC90];
	_ =	sdelay $0x2  }
0x4a1: {  	v2 =	vsub.f32 v7, v4  }
0x4a2: {  	v8 =	vld.idx.msk [tilespmem:v10+s14+$0x0], $0xffff  }
0x4a3: {  	v5 =	vld.idx.msk [tilespmem:v10+s16+$0x0], $0xffff;
	v1 =	vmul.f32 v2, v1;
	_ =	sdelay $0x1  }
0x4a4: {  	v0 =	vadd.f32 v1, v0;
	v1 =	vld [tilespmem:$0x1FC80]  }
0x4a5: {  	v9 =	vld.idx.msk [tilespmem:v10+s15+$0x0], $0xffff  }
0x4a6: {  	v3 =	vld.idx.msk [tilespmem:v10+s17+$0x0], $0xffff  }
0x4a7: {  	v10 =	vld [tilespmem:$0x1FC40];
	v2 =	vsub.f32 v8, v5;
	_ =	sdelay $0x1  }
0x4a8: {  	v1 =	vmul.f32 v2, v1;
	_ =	sdelay $0x1  }
0x4a9: {  	v0 =	vadd.f32 v1, v0;
	v1 =	vld [tilespmem:$0x1FC60];
	_ =	sdelay $0x2  }
0x4aa: {  	v2 =	vsub.f32 v9, v3  }
0x4ab: {  	v6 =	vld.idx.msk [tilespmem:v10+s14+$0x0], $0xffff  }
0x4ac: {  	v4 =	vld.idx.msk [tilespmem:v10+s16+$0x0], $0xffff;
	v1 =	vmul.f32 v2, v1;
	_ =	sdelay $0x1  }
0x4ad: {  	v0 =	vadd.f32 v1, v0;
	v1 =	vld [tilespmem:$0x1FC50]  }
0x4ae: {  	v7 =	vld.idx.msk [tilespmem:v10+s15+$0x0], $0xffff  }
0x4af: {  	v5 =	vld.idx.msk [tilespmem:v10+s17+$0x0], $0xffff  }
0x4b0: {  	v10 =	vld [tilespmem:$0x1FC10];
	v2 =	vsub.f32 v6, v4;
	_ =	sdelay $0x1  }
0x4b1: {  	v1 =	vmul.f32 v2, v1;
	_ =	sdelay $0x1  }
0x4b2: {  	v0 =	vadd.f32 v1, v0;
	v1 =	vld [tilespmem:$0x1FC30];
	_ =	sdelay $0x2  }
0x4b3: {  	v2 =	vsub.f32 v7, v5  }
0x4b4: {  	v8 =	vld.idx.msk [tilespmem:v10+s14+$0x0], $0xffff  }
0x4b5: {  	v3 =	vld.idx.msk [tilespmem:v10+s16+$0x0], $0xffff;
	v1 =	vmul.f32 v2, v1;
	_ =	sdelay $0x1  }
0x4b6: {  	v0 =	vadd.f32 v1, v0;
	v1 =	vld [tilespmem:$0x1FC20]  }
0x4b7: {  	v9 =	vld.idx.msk [tilespmem:v10+s15+$0x0], $0xffff  }
0x4b8: {  	v4 =	vld.idx.msk [tilespmem:v10+s17+$0x0], $0xffff  }
0x4b9: {  	v10 =	vld [tilespmem:$0x1FBE0];
	v2 =	vsub.f32 v8, v3;
	_ =	sdelay $0x1  }
0x4ba: {  	v1 =	vmul.f32 v2, v1;
	_ =	sdelay $0x1  }
0x4bb: {  	v0 =	vadd.f32 v1, v0;
	v1 =	vld [tilespmem:$0x1FC00];
	_ =	sdelay $0x2  }
0x4bc: {  	v2 =	vsub.f32 v9, v4  }
0x4bd: {  	v6 =	vld.idx.msk [tilespmem:v10+s14+$0x0], $0xffff  }
0x4be: {  	v5 =	vld.idx.msk [tilespmem:v10+s16+$0x0], $0xffff;
	v1 =	vmul.f32 v2, v1;
	_ =	sdelay $0x1  }
0x4bf: {  	v0 =	vadd.f32 v1, v0;
	v1 =	vld [tilespmem:$0x1FBF0]  }
0x4c0: {  	v7 =	vld.idx.msk [tilespmem:v10+s15+$0x0], $0xffff  }
0x4c1: {  	v3 =	vld.idx.msk [tilespmem:v10+s17+$0x0], $0xffff  }
0x4c2: {  	v10 =	vld [tilespmem:$0x1FBB0];
	v2 =	vsub.f32 v6, v5;
	_ =	sdelay $0x1  }
0x4c3: {  	v1 =	vmul.f32 v2, v1;
	_ =	sdelay $0x1  }
0x4c4: {  	v0 =	vadd.f32 v1, v0;
	v1 =	vld [tilespmem:$0x1FBD0];
	_ =	sdelay $0x2  }
0x4c5: {  	v2 =	vsub.f32 v7, v3  }
0x4c6: {  	v8 =	vld.idx.msk [tilespmem:v10+s14+$0x0], $0xffff  }
0x4c7: {  	v4 =	vld.idx.msk [tilespmem:v10+s16+$0x0], $0xffff;
	v1 =	vmul.f32 v2, v1;
	_ =	sdelay $0x1  }
0x4c8: {  	v0 =	vadd.f32 v1, v0;
	v1 =	vld [tilespmem:$0x1FBC0]  }
0x4c9: {  	v9 =	vld.idx.msk [tilespmem:v10+s15+$0x0], $0xffff  }
0x4ca: {  	v5 =	vld.idx.msk [tilespmem:v10+s17+$0x0], $0xffff  }
0x4cb: {  	v10 =	vld [tilespmem:$0x1FB80];
	v2 =	vsub.f32 v8, v4;
	_ =	sdelay $0x1  }
0x4cc: {  	v1 =	vmul.f32 v2, v1;
	_ =	sdelay $0x1  }
0x4cd: {  	v0 =	vadd.f32 v1, v0;
	v1 =	vld [tilespmem:$0x1FBA0];
	_ =	sdelay $0x2  }
0x4ce: {  	v2 =	vsub.f32 v9, v5  }
0x4cf: {  	v6 =	vld.idx.msk [tilespmem:v10+s14+$0x0], $0xffff  }
0x4d0: {  	v3 =	vld.idx.msk [tilespmem:v10+s16+$0x0], $0xffff;
	v1 =	vmul.f32 v2, v1;
	_ =	sdelay $0x1  }
0x4d1: {  	v0 =	vadd.f32 v1, v0;
	v1 =	vld [tilespmem:$0x1FB90]  }
0x4d2: {  	v7 =	vld.idx.msk [tilespmem:v10+s15+$0x0], $0xffff  }
0x4d3: {  	v4 =	vld.idx.msk [tilespmem:v10+s17+$0x0], $0xffff  }
0x4d4: {  	v10 =	vld [tilespmem:$0x1FB50];
	v2 =	vsub.f32 v6, v3;
	_ =	sdelay $0x1  }
0x4d5: {  	v1 =	vmul.f32 v2, v1;
	_ =	sdelay $0x1  }
0x4d6: {  	v0 =	vadd.f32 v1, v0;
	v1 =	vld [tilespmem:$0x1FB70];
	_ =	sdelay $0x2  }
0x4d7: {  	v2 =	vsub.f32 v7, v4  }
0x4d8: {  	v8 =	vld.idx.msk [tilespmem:v10+s14+$0x0], $0xffff  }
0x4d9: {  	v5 =	vld.idx.msk [tilespmem:v10+s16+$0x0], $0xffff;
	v1 =	vmul.f32 v2, v1;
	_ =	sdelay $0x1  }
0x4da: {  	v0 =	vadd.f32 v1, v0;
	v1 =	vld [tilespmem:$0x1FB60]  }
0x4db: {  	v9 =	vld.idx.msk [tilespmem:v10+s15+$0x0], $0xffff  }
0x4dc: {  	v3 =	vld.idx.msk [tilespmem:v10+s17+$0x0], $0xffff  }
0x4dd: {  	v10 =	vld [tilespmem:$0x1FB20];
	v2 =	vsub.f32 v8, v5;
	_ =	sdelay $0x1  }
0x4de: {  	v1 =	vmul.f32 v2, v1;
	_ =	sdelay $0x1  }
0x4df: {  	v0 =	vadd.f32 v1, v0;
	v1 =	vld [tilespmem:$0x1FB40];
	_ =	sdelay $0x2  }
0x4e0: {  	v2 =	vsub.f32 v9, v3  }
0x4e1: {  	v6 =	vld.idx.msk [tilespmem:v10+s14+$0x0], $0xffff  }
0x4e2: {  	v4 =	vld.idx.msk [tilespmem:v10+s16+$0x0], $0xffff;
	v1 =	vmul.f32 v2, v1;
	_ =	sdelay $0x1  }
0x4e3: {  	v0 =	vadd.f32 v1, v0;
	v1 =	vld [tilespmem:$0x1FB30]  }
0x4e4: {  	v7 =	vld.idx.msk [tilespmem:v10+s15+$0x0], $0xffff  }
0x4e5: {  	v5 =	vld.idx.msk [tilespmem:v10+s17+$0x0], $0xffff  }
0x4e6: {  	v10 =	vld [tilespmem:$0x1FAF0];
	v2 =	vsub.f32 v6, v4;
	_ =	sdelay $0x1  }
0x4e7: {  	v1 =	vmul.f32 v2, v1;
	_ =	sdelay $0x1  }
0x4e8: {  	v0 =	vadd.f32 v1, v0;
	v1 =	vld [tilespmem:$0x1FB10];
	_ =	sdelay $0x2  }
0x4e9: {  	v2 =	vsub.f32 v7, v5  }
0x4ea: {  	v8 =	vld.idx.msk [tilespmem:v10+s14+$0x0], $0xffff  }
0x4eb: {  	v3 =	vld.idx.msk [tilespmem:v10+s16+$0x0], $0xffff;
	v1 =	vmul.f32 v2, v1;
	_ =	sdelay $0x1  }
0x4ec: {  	v0 =	vadd.f32 v1, v0;
	v1 =	vld [tilespmem:$0x1FB00]  }
0x4ed: {  	v9 =	vld.idx.msk [tilespmem:v10+s15+$0x0], $0xffff  }
0x4ee: {  	v4 =	vld.idx.msk [tilespmem:v10+s17+$0x0], $0xffff  }
0x4ef: {  	v10 =	vld [tilespmem:$0x1FAC0];
	v2 =	vsub.f32 v8, v3;
	_ =	sdelay $0x1  }
0x4f0: {  	v1 =	vmul.f32 v2, v1;
	_ =	sdelay $0x1  }
0x4f1: {  	v0 =	vadd.f32 v1, v0;
	v1 =	vld [tilespmem:$0x1FAE0];
	_ =	sdelay $0x2  }
0x4f2: {  	v2 =	vsub.f32 v9, v4  }
0x4f3: {  	v6 =	vld.idx.msk [tilespmem:v10+s14+$0x0], $0xffff  }
0x4f4: {  	v5 =	vld.idx.msk [tilespmem:v10+s16+$0x0], $0xffff;
	v1 =	vmul.f32 v2, v1;
	_ =	sdelay $0x1  }
0x4f5: {  	v0 =	vadd.f32 v1, v0;
	v1 =	vld [tilespmem:$0x1FAD0]  }
0x4f6: {  	v7 =	vld.idx.msk [tilespmem:v10+s15+$0x0], $0xffff  }
0x4f7: {  	v3 =	vld.idx.msk [tilespmem:v10+s17+$0x0], $0xffff  }
0x4f8: {  	v10 =	vld [tilespmem:$0x1FA90];
	v2 =	vsub.f32 v6, v5;
	_ =	sdelay $0x1  }
0x4f9: {  	v1 =	vmul.f32 v2, v1;
	_ =	sdelay $0x1  }
0x4fa: {  	v0 =	vadd.f32 v1, v0;
	v1 =	vld [tilespmem:$0x1FAB0];
	_ =	sdelay $0x2  }
0x4fb: {  	v2 =	vsub.f32 v7, v3  }
0x4fc: {  	v8 =	vld.idx.msk [tilespmem:v10+s14+$0x0], $0xffff  }
0x4fd: {  	v4 =	vld.idx.msk [tilespmem:v10+s16+$0x0], $0xffff;
	v1 =	vmul.f32 v2, v1;
	_ =	sdelay $0x1  }
0x4fe: {  	v0 =	vadd.f32 v1, v0;
	v1 =	vld [tilespmem:$0x1FAA0]  }
0x4ff: {  	v9 =	vld.idx.msk [tilespmem:v10+s15+$0x0], $0xffff  }
0x500: {  	v5 =	vld.idx.msk [tilespmem:v10+s17+$0x0], $0xffff  }
0x501: {  	v10 =	vld [tilespmem:$0x1FA60];
	v2 =	vsub.f32 v8, v4;
	_ =	sdelay $0x1  }
0x502: {  	v1 =	vmul.f32 v2, v1;
	_ =	sdelay $0x1  }
0x503: {  	v0 =	vadd.f32 v1, v0;
	v1 =	vld [tilespmem:$0x1FA80];
	_ =	sdelay $0x2  }
0x504: {  	v2 =	vsub.f32 v9, v5  }
0x505: {  	v6 =	vld.idx.msk [tilespmem:v10+s14+$0x0], $0xffff  }
0x506: {  	v3 =	vld.idx.msk [tilespmem:v10+s16+$0x0], $0xffff;
	v1 =	vmul.f32 v2, v1;
	_ =	sdelay $0x1  }
0x507: {  	v0 =	vadd.f32 v1, v0;
	v1 =	vld [tilespmem:$0x1FA70]  }
0x508: {  	v7 =	vld.idx.msk [tilespmem:v10+s15+$0x0], $0xffff  }
0x509: {  	v4 =	vld.idx.msk [tilespmem:v10+s17+$0x0], $0xffff  }
0x50a: {  	v10 =	vld [tilespmem:$0x1FA30];
	v2 =	vsub.f32 v6, v3;
	_ =	sdelay $0x1  }
0x50b: {  	v1 =	vmul.f32 v2, v1;
	_ =	sdelay $0x1  }
0x50c: {  	v0 =	vadd.f32 v1, v0;
	v1 =	vld [tilespmem:$0x1FA50];
	_ =	sdelay $0x2  }
0x50d: {  	v2 =	vsub.f32 v7, v4  }
0x50e: {  	v8 =	vld.idx.msk [tilespmem:v10+s14+$0x0], $0xffff  }
0x50f: {  	v5 =	vld.idx.msk [tilespmem:v10+s16+$0x0], $0xffff;
	v1 =	vmul.f32 v2, v1;
	_ =	sdelay $0x1  }
0x510: {  	v0 =	vadd.f32 v1, v0;
	v1 =	vld [tilespmem:$0x1FA40]  }
0x511: {  	v9 =	vld.idx.msk [tilespmem:v10+s15+$0x0], $0xffff  }
0x512: {  	v3 =	vld.idx.msk [tilespmem:v10+s17+$0x0], $0xffff  }
0x513: {  	v10 =	vld [tilespmem:$0x1FA00];
	v2 =	vsub.f32 v8, v5;
	_ =	sdelay $0x1  }
0x514: {  	v1 =	vmul.f32 v2, v1;
	_ =	sdelay $0x1  }
0x515: {  	v0 =	vadd.f32 v1, v0;
	v1 =	vld [tilespmem:$0x1FA20];
	_ =	sdelay $0x2  }
0x516: {  	v2 =	vsub.f32 v9, v3  }
0x517: {  	v6 =	vld.idx.msk [tilespmem:v10+s14+$0x0], $0xffff  }
0x518: {  	v4 =	vld.idx.msk [tilespmem:v10+s16+$0x0], $0xffff;
	v1 =	vmul.f32 v2, v1;
	_ =	sdelay $0x1  }
0x519: {  	v0 =	vadd.f32 v1, v0;
	v1 =	vld [tilespmem:$0x1FA10]  }
0x51a: {  	v7 =	vld.idx.msk [tilespmem:v10+s15+$0x0], $0xffff  }
0x51b: {  	v5 =	vld.idx.msk [tilespmem:v10+s17+$0x0], $0xffff  }
0x51c: {  	v10 =	vld [tilespmem:$0x1F9D0];
	v2 =	vsub.f32 v6, v4;
	_ =	sdelay $0x1  }
0x51d: {  	v1 =	vmul.f32 v2, v1;
	_ =	sdelay $0x1  }
0x51e: {  	v0 =	vadd.f32 v1, v0;
	v1 =	vld [tilespmem:$0x1F9F0];
	_ =	sdelay $0x2  }
0x51f: {  	v2 =	vsub.f32 v7, v5  }
0x520: {  	v8 =	vld.idx.msk [tilespmem:v10+s14+$0x0], $0xffff  }
0x521: {  	v3 =	vld.idx.msk [tilespmem:v10+s16+$0x0], $0xffff;
	v1 =	vmul.f32 v2, v1;
	_ =	sdelay $0x1  }
0x522: {  	v0 =	vadd.f32 v1, v0;
	v1 =	vld [tilespmem:$0x1F9E0]  }
0x523: {  	v9 =	vld.idx.msk [tilespmem:v10+s15+$0x0], $0xffff  }
0x524: {  	v4 =	vld.idx.msk [tilespmem:v10+s17+$0x0], $0xffff  }
0x525: {  	v10 =	vld [tilespmem:$0x1F9A0];
	v2 =	vsub.f32 v8, v3;
	_ =	sdelay $0x1  }
0x526: {  	v1 =	vmul.f32 v2, v1;
	_ =	sdelay $0x1  }
0x527: {  	v0 =	vadd.f32 v1, v0;
	v1 =	vld [tilespmem:$0x1F9C0];
	_ =	sdelay $0x2  }
0x528: {  	v2 =	vsub.f32 v9, v4  }
0x529: {  	v6 =	vld.idx.msk [tilespmem:v10+s14+$0x0], $0xffff  }
0x52a: {  	v5 =	vld.idx.msk [tilespmem:v10+s16+$0x0], $0xffff;
	v1 =	vmul.f32 v2, v1;
	_ =	sdelay $0x1  }
0x52b: {  	v0 =	vadd.f32 v1, v0;
	v1 =	vld [tilespmem:$0x1F9B0]  }
0x52c: {  	v7 =	vld.idx.msk [tilespmem:v10+s15+$0x0], $0xffff  }
0x52d: {  	v3 =	vld.idx.msk [tilespmem:v10+s17+$0x0], $0xffff  }
0x52e: {  	v10 =	vld [tilespmem:$0x1F970];
	v2 =	vsub.f32 v6, v5;
	_ =	sdelay $0x1  }
0x52f: {  	v1 =	vmul.f32 v2, v1;
	_ =	sdelay $0x1  }
0x530: {  	v0 =	vadd.f32 v1, v0;
	v1 =	vld [tilespmem:$0x1F990];
	_ =	sdelay $0x2  }
0x531: {  	v2 =	vsub.f32 v7, v3  }
0x532: {  	v8 =	vld.idx.msk [tilespmem:v10+s14+$0x0], $0xffff  }
0x533: {  	v4 =	vld.idx.msk [tilespmem:v10+s16+$0x0], $0xffff;
	v1 =	vmul.f32 v2, v1;
	_ =	sdelay $0x1  }
0x534: {  	v0 =	vadd.f32 v1, v0;
	v1 =	vld [tilespmem:$0x1F980]  }
0x535: {  	v9 =	vld.idx.msk [tilespmem:v10+s15+$0x0], $0xffff  }
0x536: {  	v5 =	vld.idx.msk [tilespmem:v10+s17+$0x0], $0xffff  }
0x537: {  	v10 =	vld [tilespmem:$0x1F940];
	v2 =	vsub.f32 v8, v4;
	_ =	sdelay $0x1  }
0x538: {  	v1 =	vmul.f32 v2, v1;
	_ =	sdelay $0x1  }
0x539: {  	v0 =	vadd.f32 v1, v0;
	v1 =	vld [tilespmem:$0x1F960];
	_ =	sdelay $0x2  }
0x53a: {  	v2 =	vsub.f32 v9, v5  }
0x53b: {  	v6 =	vld.idx.msk [tilespmem:v10+s14+$0x0], $0xffff  }
0x53c: {  	v3 =	vld.idx.msk [tilespmem:v10+s16+$0x0], $0xffff;
	v1 =	vmul.f32 v2, v1;
	_ =	sdelay $0x1  }
0x53d: {  	v0 =	vadd.f32 v1, v0;
	v1 =	vld [tilespmem:$0x1F950]  }
0x53e: {  	v7 =	vld.idx.msk [tilespmem:v10+s15+$0x0], $0xffff  }
0x53f: {  	v4 =	vld.idx.msk [tilespmem:v10+s17+$0x0], $0xffff  }
0x540: {  	v10 =	vld [tilespmem:$0x1F910];
	v2 =	vsub.f32 v6, v3;
	_ =	sdelay $0x1  }
0x541: {  	v1 =	vmul.f32 v2, v1;
	_ =	sdelay $0x1  }
0x542: {  	v0 =	vadd.f32 v1, v0;
	v1 =	vld [tilespmem:$0x1F930];
	_ =	sdelay $0x2  }
0x543: {  	v2 =	vsub.f32 v7, v4  }
0x544: {  	v8 =	vld.idx.msk [tilespmem:v10+s14+$0x0], $0xffff  }
0x545: {  	v5 =	vld.idx.msk [tilespmem:v10+s16+$0x0], $0xffff;
	v1 =	vmul.f32 v2, v1;
	_ =	sdelay $0x1  }
0x546: {  	v0 =	vadd.f32 v1, v0;
	v1 =	vld [tilespmem:$0x1F920]  }
0x547: {  	v9 =	vld.idx.msk [tilespmem:v10+s15+$0x0], $0xffff  }
0x548: {  	v3 =	vld.idx.msk [tilespmem:v10+s17+$0x0], $0xffff  }
0x549: {  	v10 =	vld [tilespmem:$0x1F8E0];
	v2 =	vsub.f32 v8, v5;
	_ =	sdelay $0x1  }
0x54a: {  	v1 =	vmul.f32 v2, v1;
	_ =	sdelay $0x1  }
0x54b: {  	v0 =	vadd.f32 v1, v0;
	v1 =	vld [tilespmem:$0x1F900];
	_ =	sdelay $0x2  }
0x54c: {  	v2 =	vsub.f32 v9, v3  }
0x54d: {  	v6 =	vld.idx.msk [tilespmem:v10+s14+$0x0], $0xffff  }
0x54e: {  	v4 =	vld.idx.msk [tilespmem:v10+s16+$0x0], $0xffff;
	v1 =	vmul.f32 v2, v1;
	_ =	sdelay $0x1  }
0x54f: {  	v0 =	vadd.f32 v1, v0;
	v1 =	vld [tilespmem:$0x1F8F0]  }
0x550: {  	v7 =	vld.idx.msk [tilespmem:v10+s15+$0x0], $0xffff  }
0x551: {  	v5 =	vld.idx.msk [tilespmem:v10+s17+$0x0], $0xffff  }
0x552: {  	v10 =	vld [tilespmem:$0x1F8B0];
	v2 =	vsub.f32 v6, v4;
	_ =	sdelay $0x1  }
0x553: {  	v1 =	vmul.f32 v2, v1;
	_ =	sdelay $0x1  }
0x554: {  	v0 =	vadd.f32 v1, v0;
	v1 =	vld [tilespmem:$0x1F8D0];
	_ =	sdelay $0x2  }
0x555: {  	v2 =	vsub.f32 v7, v5  }
0x556: {  	v8 =	vld.idx.msk [tilespmem:v10+s14+$0x0], $0xffff  }
0x557: {  	v3 =	vld.idx.msk [tilespmem:v10+s16+$0x0], $0xffff;
	v1 =	vmul.f32 v2, v1;
	_ =	sdelay $0x1  }
0x558: {  	v0 =	vadd.f32 v1, v0;
	v1 =	vld [tilespmem:$0x1F8C0]  }
0x559: {  	v9 =	vld.idx.msk [tilespmem:v10+s15+$0x0], $0xffff  }
0x55a: {  	v4 =	vld.idx.msk [tilespmem:v10+s17+$0x0], $0xffff  }
0x55b: {  	v10 =	vld [tilespmem:$0x1F880];
	v2 =	vsub.f32 v8, v3;
	_ =	sdelay $0x1  }
0x55c: {  	v1 =	vmul.f32 v2, v1;
	_ =	sdelay $0x1  }
0x55d: {  	v0 =	vadd.f32 v1, v0;
	v1 =	vld [tilespmem:$0x1F8A0];
	_ =	sdelay $0x2  }
0x55e: {  	v2 =	vsub.f32 v9, v4  }
0x55f: {  	v6 =	vld.idx.msk [tilespmem:v10+s14+$0x0], $0xffff  }
0x560: {  	v5 =	vld.idx.msk [tilespmem:v10+s16+$0x0], $0xffff;
	v1 =	vmul.f32 v2, v1;
	_ =	sdelay $0x1  }
0x561: {  	v0 =	vadd.f32 v1, v0;
	v1 =	vld [tilespmem:$0x1F890]  }
0x562: {  	v7 =	vld.idx.msk [tilespmem:v10+s15+$0x0], $0xffff  }
0x563: {  	v3 =	vld.idx.msk [tilespmem:v10+s17+$0x0], $0xffff  }
0x564: {  	v10 =	vld [tilespmem:$0x1F850];
	v2 =	vsub.f32 v6, v5;
	_ =	sdelay $0x1  }
0x565: {  	v1 =	vmul.f32 v2, v1;
	_ =	sdelay $0x1  }
0x566: {  	v0 =	vadd.f32 v1, v0;
	v1 =	vld [tilespmem:$0x1F870];
	_ =	sdelay $0x2  }
0x567: {  	v2 =	vsub.f32 v7, v3  }
0x568: {  	v8 =	vld.idx.msk [tilespmem:v10+s14+$0x0], $0xffff  }
0x569: {  	v4 =	vld.idx.msk [tilespmem:v10+s16+$0x0], $0xffff;
	v1 =	vmul.f32 v2, v1  }
0x56a: {  	v9 =	vld.idx.msk [tilespmem:v10+s15+$0x0], $0xffff  }
0x56b: {  	v0 =	vadd.f32 v1, v0;
	v1 =	vld [tilespmem:$0x1F860]  }
0x56c: {  	v5 =	vld.idx.msk [tilespmem:v10+s17+$0x0], $0xffff  }
0x56d: {  	v10 =	vld [tilespmem:$0x1F430]  }
0x56e: {  	v2 =	vsub.f32 v8, v4;
	_ =	sdelay $0x1  }
0x56f: {  	v1 =	vmul.f32 v2, v1;
	_ =	sdelay $0x1  }
0x570: {  	v0 =	vadd.f32 v1, v0;
	v1 =	vld [tilespmem:$0x1F840];
	_ =	sdelay $0x2  }
0x571: {  	v6 =	vld.idx.msk [tilespmem:v10+s14+$0x0], $0xffff;
	v2 =	vsub.f32 v9, v5  }
0x572: {  	v3 =	vld.idx.msk [tilespmem:v10+s16+$0x0], $0xffff  }
0x573: {  	v7 =	vld.idx.msk [tilespmem:v10+s15+$0x0], $0xffff;
	v1 =	vmul.f32 v2, v1  }
0x574: {  	v4 =	vld.idx.msk [tilespmem:v10+s17+$0x0], $0xffff  }
0x575: {  	v0 =	vadd.f32 v1, v0;
	v1 =	vld [tilespmem:$0x1F830];
	_ =	sdelay $0x1  }
0x576: {  	v5 =	vld.idx.msk [tilespmem:v10+s13+$0x0], $0xffff  }
0x577: {  	v2 =	vsub.f32 v6, v3  }
0x578: {  	v8 =	vmov s25  }
0x579: {  	v3 =	vshll.u32 v8, $0x6;
	v1 =	vmul.f32 v2, v1;
	v2 =	vsub.f32 v7, v4  }
0x57a: {  	v15 =	vor.u32 v47, v3  }
0x57b: {  	v47 =	vor.u32 $0x3F, v15;
	v0 =	vadd.f32 v1, v0;
	v1 =	vmul.f32 v2, v5;
	_ =	sdelay $0x1  }
0x57c: {  	v0 =	vadd.f32 v1, v0  }
0x57d: {  	s24 =	sadd.s32 $0x10, s24  }
0x57e: {  	[tilespmem:s24+$0x0] =	vst v0  }
0x57f: {  	v0 =	vld.idx.msk [tilespmem:v47+s12+$0x0], $0xffff;
	_ =	sdelay $0x4  }
0x580: {  	[tilespmem:$0x1F830] =	vst v0;
	v0 =	vor.u32 $0x3B, v15;
	_ =	sdelay $0x4  }
0x581: {  	v43 =	vld.idx.msk [tilespmem:v0+s13+$0x0], $0xffff  }
0x582: {  	v1 =	vor.u32 $0x3A, v15;
	[tilespmem:$0x1F8E0] =	vst v0;
	v0 =	vld.idx.msk [tilespmem:v0+s12+$0x0], $0xffff;
	_ =	sdelay $0x4  }
0x583: {  	[tilespmem:$0x1F8F0] =	vst v0;
	v0 =	vld.idx.msk [tilespmem:v1+s13+$0x0], $0xffff;
	_ =	sdelay $0x4  }
0x584: {  	v2 =	vor.u32 $0x39, v15;
	[tilespmem:$0x1F900] =	vst v0;
	v0 =	vld.idx.msk [tilespmem:v1+s12+$0x0], $0xffff;
	_ =	sdelay $0x4  }
0x585: {  	[tilespmem:$0x1F920] =	vst v0;
	v0 =	vld.idx.msk [tilespmem:v2+s13+$0x0], $0xffff;
	_ =	sdelay $0x4  }
0x586: {  	v3 =	vor.u32 $0x38, v15;
	[tilespmem:$0x1F930] =	vst v0;
	v0 =	vld.idx.msk [tilespmem:v2+s12+$0x0], $0xffff;
	_ =	sdelay $0x4  }
0x587: {  	[tilespmem:$0x1F950] =	vst v0;
	v0 =	vld.idx.msk [tilespmem:v3+s13+$0x0], $0xffff;
	_ =	sdelay $0x4  }
0x588: {  	v4 =	vor.u32 $0x37, v15;
	[tilespmem:$0x1F960] =	vst v0;
	v0 =	vld.idx.msk [tilespmem:v3+s12+$0x0], $0xffff;
	_ =	sdelay $0x4  }
0x589: {  	[tilespmem:$0x1F980] =	vst v0;
	v0 =	vld.idx.msk [tilespmem:v4+s13+$0x0], $0xffff;
	_ =	sdelay $0x3  }
0x58a: {  	[tilespmem:$0x1F910] =	vst v1  }
0x58b: {  	v1 =	vor.u32 $0x36, v15;
	[tilespmem:$0x1F990] =	vst v0;
	v0 =	vld.idx.msk [tilespmem:v4+s12+$0x0], $0xffff;
	_ =	sdelay $0x4  }
0x58c: {  	[tilespmem:$0x1F9B0] =	vst v0;
	v0 =	vld.idx.msk [tilespmem:v1+s13+$0x0], $0xffff;
	_ =	sdelay $0x3  }
0x58d: {  	[tilespmem:$0x1F940] =	vst v2  }
0x58e: {  	v2 =	vor.u32 $0x35, v15;
	[tilespmem:$0x1F9C0] =	vst v0;
	v0 =	vld.idx.msk [tilespmem:v1+s12+$0x0], $0xffff;
	_ =	sdelay $0x4  }
0x58f: {  	[tilespmem:$0x1F9E0] =	vst v0;
	v0 =	vld.idx.msk [tilespmem:v2+s13+$0x0], $0xffff;
	_ =	sdelay $0x3  }
0x590: {  	[tilespmem:$0x1F970] =	vst v3  }
0x591: {  	v3 =	vor.u32 $0x34, v15;
	[tilespmem:$0x1F9F0] =	vst v0;
	v0 =	vld.idx.msk [tilespmem:v2+s12+$0x0], $0xffff;
	_ =	sdelay $0x4  }
0x592: {  	[tilespmem:$0x1FA10] =	vst v0;
	v0 =	vld.idx.msk [tilespmem:v3+s13+$0x0], $0xffff;
	_ =	sdelay $0x3  }
0x593: {  	[tilespmem:$0x1F9A0] =	vst v4  }
0x594: {  	v4 =	vor.u32 $0x33, v15;
	[tilespmem:$0x1FA20] =	vst v0;
	v0 =	vld.idx.msk [tilespmem:v3+s12+$0x0], $0xffff;
	_ =	sdelay $0x4  }
0x595: {  	[tilespmem:$0x1FA40] =	vst v0;
	v0 =	vld.idx.msk [tilespmem:v4+s13+$0x0], $0xffff;
	_ =	sdelay $0x3  }
0x596: {  	[tilespmem:$0x1F9D0] =	vst v1  }
0x597: {  	v1 =	vor.u32 $0x32, v15;
	[tilespmem:$0x1FA50] =	vst v0;
	v0 =	vld.idx.msk [tilespmem:v4+s12+$0x0], $0xffff;
	_ =	sdelay $0x4  }
0x598: {  	[tilespmem:$0x1FA70] =	vst v0;
	v0 =	vld.idx.msk [tilespmem:v1+s13+$0x0], $0xffff;
	_ =	sdelay $0x3  }
0x599: {  	[tilespmem:$0x1FA00] =	vst v2  }
0x59a: {  	v2 =	vor.u32 $0x31, v15;
	[tilespmem:$0x1FA80] =	vst v0;
	v0 =	vld.idx.msk [tilespmem:v1+s12+$0x0], $0xffff;
	_ =	sdelay $0x4  }
0x59b: {  	[tilespmem:$0x1FAA0] =	vst v0;
	v0 =	vld.idx.msk [tilespmem:v2+s13+$0x0], $0xffff;
	_ =	sdelay $0x3  }
0x59c: {  	[tilespmem:$0x1FA30] =	vst v3  }
0x59d: {  	v3 =	vor.u32 $0x30, v15;
	[tilespmem:$0x1FAB0] =	vst v0;
	v0 =	vld.idx.msk [tilespmem:v2+s12+$0x0], $0xffff;
	_ =	sdelay $0x4  }
0x59e: {  	[tilespmem:$0x1FAD0] =	vst v0;
	v0 =	vld.idx.msk [tilespmem:v3+s13+$0x0], $0xffff;
	_ =	sdelay $0x3  }
0x59f: {  	[tilespmem:$0x1FA60] =	vst v4  }
0x5a0: {  	v4 =	vor.u32 $0x2F, v15;
	[tilespmem:$0x1FAE0] =	vst v0;
	v0 =	vld.idx.msk [tilespmem:v3+s12+$0x0], $0xffff;
	_ =	sdelay $0x4  }
0x5a1: {  	[tilespmem:$0x1FB00] =	vst v0;
	v0 =	vld.idx.msk [tilespmem:v4+s13+$0x0], $0xffff;
	_ =	sdelay $0x3  }
0x5a2: {  	[tilespmem:$0x1FA90] =	vst v1  }
0x5a3: {  	v1 =	vor.u32 $0x2E, v15;
	[tilespmem:$0x1FB10] =	vst v0;
	v0 =	vld.idx.msk [tilespmem:v4+s12+$0x0], $0xffff;
	_ =	sdelay $0x4  }
0x5a4: {  	[tilespmem:$0x1FB30] =	vst v0;
	v0 =	vld.idx.msk [tilespmem:v1+s13+$0x0], $0xffff;
	_ =	sdelay $0x3  }
0x5a5: {  	[tilespmem:$0x1FAC0] =	vst v2  }
0x5a6: {  	v2 =	vor.u32 $0x2D, v15;
	[tilespmem:$0x1FB40] =	vst v0;
	v0 =	vld.idx.msk [tilespmem:v1+s12+$0x0], $0xffff;
	_ =	sdelay $0x4  }
0x5a7: {  	[tilespmem:$0x1FB60] =	vst v0;
	v0 =	vld.idx.msk [tilespmem:v2+s13+$0x0], $0xffff;
	_ =	sdelay $0x3  }
0x5a8: {  	[tilespmem:$0x1FAF0] =	vst v3  }
0x5a9: {  	v3 =	vor.u32 $0x2C, v15;
	[tilespmem:$0x1FB70] =	vst v0;
	v0 =	vld.idx.msk [tilespmem:v2+s12+$0x0], $0xffff;
	_ =	sdelay $0x4  }
0x5aa: {  	[tilespmem:$0x1FB90] =	vst v0;
	v0 =	vld.idx.msk [tilespmem:v3+s13+$0x0], $0xffff;
	_ =	sdelay $0x3  }
0x5ab: {  	[tilespmem:$0x1FB20] =	vst v4  }
0x5ac: {  	v4 =	vor.u32 $0x2B, v15;
	[tilespmem:$0x1FBA0] =	vst v0;
	v0 =	vld.idx.msk [tilespmem:v3+s12+$0x0], $0xffff;
	_ =	sdelay $0x4  }
0x5ad: {  	[tilespmem:$0x1FBC0] =	vst v0;
	v0 =	vld.idx.msk [tilespmem:v4+s13+$0x0], $0xffff;
	_ =	sdelay $0x3  }
0x5ae: {  	[tilespmem:$0x1FB50] =	vst v1  }
0x5af: {  	v1 =	vor.u32 $0x2A, v15;
	[tilespmem:$0x1FBD0] =	vst v0;
	v0 =	vld.idx.msk [tilespmem:v4+s12+$0x0], $0xffff;
	_ =	sdelay $0x4  }
0x5b0: {  	[tilespmem:$0x1FBF0] =	vst v0;
	v0 =	vld.idx.msk [tilespmem:v1+s13+$0x0], $0xffff;
	_ =	sdelay $0x3  }
0x5b1: {  	[tilespmem:$0x1FB80] =	vst v2  }
0x5b2: {  	v2 =	vor.u32 $0x29, v15;
	[tilespmem:$0x1FC00] =	vst v0;
	v0 =	vld.idx.msk [tilespmem:v1+s12+$0x0], $0xffff;
	_ =	sdelay $0x4  }
0x5b3: {  	[tilespmem:$0x1FC20] =	vst v0;
	v0 =	vld.idx.msk [tilespmem:v2+s13+$0x0], $0xffff;
	_ =	sdelay $0x3  }
0x5b4: {  	[tilespmem:$0x1FBB0] =	vst v3  }
0x5b5: {  	v3 =	vor.u32 $0x28, v15;
	[tilespmem:$0x1FC30] =	vst v0;
	v0 =	vld.idx.msk [tilespmem:v2+s12+$0x0], $0xffff;
	_ =	sdelay $0x4  }
0x5b6: {  	[tilespmem:$0x1FC50] =	vst v0;
	v0 =	vld.idx.msk [tilespmem:v3+s13+$0x0], $0xffff;
	_ =	sdelay $0x3  }
0x5b7: {  	[tilespmem:$0x1FBE0] =	vst v4  }
0x5b8: {  	v4 =	vor.u32 $0x27, v15;
	[tilespmem:$0x1FC60] =	vst v0;
	v0 =	vld.idx.msk [tilespmem:v3+s12+$0x0], $0xffff;
	_ =	sdelay $0x4  }
0x5b9: {  	[tilespmem:$0x1FC80] =	vst v0;
	v0 =	vld.idx.msk [tilespmem:v4+s13+$0x0], $0xffff;
	_ =	sdelay $0x3  }
0x5ba: {  	[tilespmem:$0x1FC10] =	vst v1  }
0x5bb: {  	v1 =	vor.u32 $0x26, v15;
	[tilespmem:$0x1FC90] =	vst v0;
	v0 =	vld.idx.msk [tilespmem:v4+s12+$0x0], $0xffff;
	_ =	sdelay $0x4  }
0x5bc: {  	[tilespmem:$0x1FCB0] =	vst v0;
	v0 =	vld.idx.msk [tilespmem:v1+s13+$0x0], $0xffff;
	_ =	sdelay $0x3  }
0x5bd: {  	[tilespmem:$0x1FC40] =	vst v2  }
0x5be: {  	v2 =	vor.u32 $0x25, v15;
	[tilespmem:$0x1FCC0] =	vst v0;
	v0 =	vld.idx.msk [tilespmem:v1+s12+$0x0], $0xffff;
	_ =	sdelay $0x4  }
0x5bf: {  	[tilespmem:$0x1FCE0] =	vst v0;
	v0 =	vld.idx.msk [tilespmem:v2+s13+$0x0], $0xffff;
	_ =	sdelay $0x3  }
0x5c0: {  	[tilespmem:$0x1FC70] =	vst v3  }
0x5c1: {  	v3 =	vor.u32 $0x24, v15;
	[tilespmem:$0x1FCF0] =	vst v0;
	v0 =	vld.idx.msk [tilespmem:v2+s12+$0x0], $0xffff;
	_ =	sdelay $0x4  }
0x5c2: {  	[tilespmem:$0x1FD00] =	vst v0;
	v0 =	vld.idx.msk [tilespmem:v3+s13+$0x0], $0xffff;
	_ =	sdelay $0x3  }
0x5c3: {  	[tilespmem:$0x1FCA0] =	vst v4  }
0x5c4: {  	v4 =	vor.u32 $0x23, v15;
	[tilespmem:$0x1FD10] =	vst v0;
	v0 =	vld.idx.msk [tilespmem:v3+s12+$0x0], $0xffff;
	_ =	sdelay $0x4  }
0x5c5: {  	[tilespmem:$0x1FD20] =	vst v0;
	v0 =	vld.idx.msk [tilespmem:v4+s13+$0x0], $0xffff;
	_ =	sdelay $0x3  }
0x5c6: {  	[tilespmem:$0x1FCD0] =	vst v1  }
0x5c7: {  	v1 =	vor.u32 $0x22, v15;
	[tilespmem:$0x1FD30] =	vst v0;
	v0 =	vld.idx.msk [tilespmem:v4+s12+$0x0], $0xffff;
	_ =	sdelay $0x4  }
0x5c8: {  	[tilespmem:$0x1FD40] =	vst v0;
	v0 =	vld.idx.msk [tilespmem:v1+s13+$0x0], $0xffff;
	_ =	sdelay $0x3  }
0x5c9: {  	[tilespmem:$0x1F820] =	vst v2  }
0x5ca: {  	v2 =	vor.u32 $0x21, v15;
	[tilespmem:$0x1FD50] =	vst v0;
	v0 =	vld.idx.msk [tilespmem:v1+s12+$0x0], $0xffff;
	_ =	sdelay $0x4  }
0x5cb: {  	[tilespmem:$0x1FD60] =	vst v0;
	v0 =	vld.idx.msk [tilespmem:v2+s13+$0x0], $0xffff;
	_ =	sdelay $0x3  }
0x5cc: {  	[tilespmem:$0x1F5C0] =	vst v3  }
0x5cd: {  	v3 =	vor.u32 $0x20, v15;
	[tilespmem:$0x1FD70] =	vst v0;
	v0 =	vld.idx.msk [tilespmem:v2+s12+$0x0], $0xffff;
	_ =	sdelay $0x4  }
0x5ce: {  	[tilespmem:$0x1FD80] =	vst v0;
	v0 =	vld.idx.msk [tilespmem:v3+s13+$0x0], $0xffff;
	_ =	sdelay $0x3  }
0x5cf: {  	[tilespmem:$0x1F810] =	vst v4  }
0x5d0: {  	v4 =	vor.u32 $0x1F, v15;
	[tilespmem:$0x1FD90] =	vst v0;
	v0 =	vld.idx.msk [tilespmem:v3+s12+$0x0], $0xffff;
	_ =	sdelay $0x4  }
0x5d1: {  	[tilespmem:$0x1FDA0] =	vst v0;
	v0 =	vld.idx.msk [tilespmem:v4+s13+$0x0], $0xffff;
	_ =	sdelay $0x4  }
0x5d2: {  	v5 =	vor.u32 $0x1E, v15;
	[tilespmem:$0x1FDB0] =	vst v0;
	v0 =	vld.idx.msk [tilespmem:v4+s12+$0x0], $0xffff;
	_ =	sdelay $0x4  }
0x5d3: {  	[tilespmem:$0x1FDC0] =	vst v0;
	v0 =	vld.idx.msk [tilespmem:v5+s13+$0x0], $0xffff;
	_ =	sdelay $0x3  }
0x5d4: {  	[tilespmem:$0x1F800] =	vst v2  }
0x5d5: {  	v2 =	vor.u32 $0x1D, v15;
	[tilespmem:$0x1FDD0] =	vst v0;
	v0 =	vld.idx.msk [tilespmem:v5+s12+$0x0], $0xffff;
	_ =	sdelay $0x4  }
0x5d6: {  	[tilespmem:$0x1FDE0] =	vst v0;
	v0 =	vld.idx.msk [tilespmem:v2+s13+$0x0], $0xffff;
	_ =	sdelay $0x3  }
0x5d7: {  	[tilespmem:$0x1F5D0] =	vst v1  }
0x5d8: {  	v1 =	vor.u32 $0x1C, v15;
	[tilespmem:$0x1FDF0] =	vst v0;
	v0 =	vld.idx.msk [tilespmem:v2+s12+$0x0], $0xffff;
	_ =	sdelay $0x4  }
0x5d9: {  	[tilespmem:$0x1FE00] =	vst v0;
	v0 =	vld.idx.msk [tilespmem:v1+s13+$0x0], $0xffff;
	_ =	sdelay $0x4  }
0x5da: {  	v8 =	vor.u32 $0x1B, v15;
	[tilespmem:$0x1FE10] =	vst v0;
	v0 =	vld.idx.msk [tilespmem:v1+s12+$0x0], $0xffff;
	_ =	sdelay $0x4  }
0x5db: {  	[tilespmem:$0x1FE20] =	vst v0;
	v0 =	vld.idx.msk [tilespmem:v8+s13+$0x0], $0xffff;
	_ =	sdelay $0x4  }
0x5dc: {  	v49 =	vor.u32 $0x1A, v15;
	[tilespmem:$0x1FE30] =	vst v0;
	v0 =	vld.idx.msk [tilespmem:v8+s12+$0x0], $0xffff;
	_ =	sdelay $0x4  }
0x5dd: {  	[tilespmem:$0x1FE40] =	vst v0;
	v0 =	vld.idx.msk [tilespmem:v49+s13+$0x0], $0xffff;
	_ =	sdelay $0x4  }
0x5de: {  	v53 =	vor.u32 $0x19, v15;
	[tilespmem:$0x1FE50] =	vst v0;
	v0 =	vld.idx.msk [tilespmem:v49+s12+$0x0], $0xffff;
	_ =	sdelay $0x4  }
0x5df: {  	[tilespmem:$0x1FE60] =	vst v0;
	v0 =	vld.idx.msk [tilespmem:v53+s13+$0x0], $0xffff;
	_ =	sdelay $0x4  }
0x5e0: {  	v52 =	vor.u32 $0x18, v15;
	[tilespmem:$0x1FE70] =	vst v0;
	v0 =	vld.idx.msk [tilespmem:v53+s12+$0x0], $0xffff;
	_ =	sdelay $0x4  }
0x5e1: {  	[tilespmem:$0x1FE80] =	vst v0;
	v0 =	vld.idx.msk [tilespmem:v52+s13+$0x0], $0xffff;
	_ =	sdelay $0x4  }
0x5e2: {  	v44 =	vor.u32 $0x17, v15;
	[tilespmem:$0x1FE90] =	vst v0;
	v0 =	vld.idx.msk [tilespmem:v52+s12+$0x0], $0xffff;
	_ =	sdelay $0x4  }
0x5e3: {  	[tilespmem:$0x1FEA0] =	vst v0;
	v0 =	vld.idx.msk [tilespmem:v44+s13+$0x0], $0xffff;
	_ =	sdelay $0x4  }
0x5e4: {  	v55 =	vor.u32 $0x16, v15;
	[tilespmem:$0x1FEB0] =	vst v0;
	v0 =	vld.idx.msk [tilespmem:v44+s12+$0x0], $0xffff;
	_ =	sdelay $0x4  }
0x5e5: {  	[tilespmem:$0x1FEC0] =	vst v0;
	v0 =	vld.idx.msk [tilespmem:v55+s13+$0x0], $0xffff;
	_ =	sdelay $0x4  }
0x5e6: {  	v28 =	vor.u32 $0x15, v15;
	[tilespmem:$0x1FED0] =	vst v0;
	v0 =	vld.idx.msk [tilespmem:v55+s12+$0x0], $0xffff;
	_ =	sdelay $0x4  }
0x5e7: {  	[tilespmem:$0x1FEE0] =	vst v0;
	v0 =	vld.idx.msk [tilespmem:v28+s13+$0x0], $0xffff;
	_ =	sdelay $0x4  }
0x5e8: {  	v58 =	vor.u32 $0x14, v15;
	[tilespmem:$0x1FEF0] =	vst v0;
	v0 =	vld.idx.msk [tilespmem:v28+s12+$0x0], $0xffff;
	_ =	sdelay $0x4  }
0x5e9: {  	[tilespmem:$0x1FF00] =	vst v0;
	v0 =	vld.idx.msk [tilespmem:v58+s13+$0x0], $0xffff;
	_ =	sdelay $0x4  }
0x5ea: {  	v46 =	vor.u32 $0x13, v15;
	[tilespmem:$0x1FF10] =	vst v0;
	v0 =	vld.idx.msk [tilespmem:v58+s12+$0x0], $0xffff;
	_ =	sdelay $0x4  }
0x5eb: {  	[tilespmem:$0x1FF20] =	vst v0;
	v0 =	vld.idx.msk [tilespmem:v46+s13+$0x0], $0xffff;
	_ =	sdelay $0x4  }
0x5ec: {  	v37 =	vor.u32 $0x12, v15;
	[tilespmem:$0x1FF30] =	vst v0;
	v0 =	vld.idx.msk [tilespmem:v46+s12+$0x0], $0xffff;
	_ =	sdelay $0x4  }
0x5ed: {  	[tilespmem:$0x1FF40] =	vst v0;
	v0 =	vld.idx.msk [tilespmem:v37+s13+$0x0], $0xffff;
	_ =	sdelay $0x4  }
0x5ee: {  	v57 =	vor.u32 $0x11, v15;
	[tilespmem:$0x1FF50] =	vst v0;
	v0 =	vld.idx.msk [tilespmem:v37+s12+$0x0], $0xffff  }
0x5ef: {  	v23 =	vor.u32 $0x3E, v15;
	_ =	sdelay $0x1  }
0x5f0: {  	v29 =	vor.u32 $0x3D, v15;
	_ =	sdelay $0x1  }
0x5f1: {  	[tilespmem:$0x1FF60] =	vst v0;
	v0 =	vld.idx.msk [tilespmem:v57+s13+$0x0], $0xffff  }
0x5f2: {  	v38 =	vor.u32 $0x3C, v15;
	v19 =	vld.idx.msk [tilespmem:v23+s13+$0x0], $0xffff  }
0x5f3: {  	v21 =	vld.idx.msk [tilespmem:v23+s12+$0x0], $0xffff  }
0x5f4: {  	v39 =	vor.u32 $0xE, v15;
	v24 =	vld.idx.msk [tilespmem:v29+s13+$0x0], $0xffff  }
0x5f5: {  	v25 =	vld.idx.msk [tilespmem:v29+s12+$0x0], $0xffff  }
0x5f6: {  	v36 =	vor.u32 $0x10, v15;
	[tilespmem:$0x1FF70] =	vst v0;
	v0 =	vld.idx.msk [tilespmem:v57+s12+$0x0], $0xffff  }
0x5f7: {  	v6 =	vor.u32 $0xD, v15;
	v31 =	vld.idx.msk [tilespmem:v38+s13+$0x0], $0xffff  }
0x5f8: {  	v34 =	vld.idx.msk [tilespmem:v38+s12+$0x0], $0xffff  }
0x5f9: {  	v40 =	vor.u32 $0xB, v15;
	v54 =	vld.idx.msk [tilespmem:v39+s13+$0x0], $0xffff  }
0x5fa: {  	v12 =	vld.idx.msk [tilespmem:v39+s12+$0x0], $0xffff  }
0x5fb: {  	[tilespmem:$0x1FF80] =	vst v0;
	v0 =	vld.idx.msk [tilespmem:v36+s13+$0x0], $0xffff  }
0x5fc: {  	v42 =	vor.u32 $0xA, v15;
	v14 =	vld.idx.msk [tilespmem:v6+s13+$0x0], $0xffff  }
0x5fd: {  	v50 =	vor.u32 $0x9, v15;
	v60 =	vld.idx.msk [tilespmem:v6+s12+$0x0], $0xffff  }
0x5fe: {  	v18 =	vld.idx.msk [tilespmem:v40+s13+$0x0], $0xffff  }
0x5ff: {  	v51 =	vor.u32 $0x8, v15;
	v30 =	vld.idx.msk [tilespmem:v40+s12+$0x0], $0xffff  }
0x600: {  	v63 =	vor.u32 $0xF, v15;
	[tilespmem:$0x1FF90] =	vst v0;
	v0 =	vld.idx.msk [tilespmem:v36+s12+$0x0], $0xffff  }
0x601: {  	v62 =	vld.idx.msk [tilespmem:v42+s13+$0x0], $0xffff  }
0x602: {  	v59 =	vor.u32 $0x7, v15;
	v56 =	vld.idx.msk [tilespmem:v50+s13+$0x0], $0xffff  }
0x603: {  	v32 =	vld.idx.msk [tilespmem:v50+s12+$0x0], $0xffff  }
0x604: {  	v10 =	vor.u32 $0x4, v15;
	v33 =	vld.idx.msk [tilespmem:v51+s13+$0x0], $0xffff  }
0x605: {  	[tilespmem:$0x1FFA0] =	vst v0;
	v0 =	vld.idx.msk [tilespmem:v63+s13+$0x0], $0xffff  }
0x606: {  	v16 =	vor.u32 $0x3, v15;
	v45 =	vld.idx.msk [tilespmem:v51+s12+$0x0], $0xffff  }
0x607: {  	v48 =	vld.idx.msk [tilespmem:v59+s13+$0x0], $0xffff  }
0x608: {  	v20 =	vor.u32 $0x2, v15;
	v27 =	vld.idx.msk [tilespmem:v59+s12+$0x0], $0xffff  }
0x609: {  	v7 =	vld.idx.msk [tilespmem:v10+s12+$0x0], $0xffff;
	[tilespmem:$0x1F7F0] =	vst v3;
	v3 =	vor.u32 $0x5, v15  }
0x60a: {  	[tilespmem:$0x1FFB0] =	vst v0;
	v0 =	vld.idx.msk [tilespmem:v63+s12+$0x0], $0xffff  }
0x60b: {  	v11 =	vld.idx.msk [tilespmem:v16+s13+$0x0], $0xffff  }
0x60c: {  	v9 =	vld.idx.msk [tilespmem:v16+s12+$0x0], $0xffff  }
0x60d: {  	v13 =	vld.idx.msk [tilespmem:v20+s13+$0x0], $0xffff;
	[tilespmem:$0x1F5F0] =	vst v1;
	v1 =	vor.u32 $0xC, v15  }
0x60e: {  	[tilespmem:$0x1F7E0] =	vst v4;
	v22 =	vld.idx.msk [tilespmem:v3+s13+$0x0], $0xffff  }
0x60f: {  	v4 =	vld.idx.msk [tilespmem:v3+s12+$0x0], $0xffff;
	[tilespmem:$0x1FFC0] =	vst v0;
	v0 =	vor.u32 $0x6, v15  }
0x610: {  	p1 =	sne.s32 s25, $0x70;
	[tilespmem:$0x1F5E0] =	vst v5;
	v5 =	vld.idx.msk [tilespmem:v10+s13+$0x0], $0xffff  }
.Ltmp5:
0x611: {  	[tilespmem:$0x1F7D0] =	vst v2;
	v2 =	vld.idx.msk [tilespmem:v42+s12+$0x0], $0xffff;
	(pc) =	sbr.rel @p1 .LBB2_8-.Ltmp5, $4  }
0x612: {  	v41 =	vld.idx.msk [tilespmem:v1+s13+$0x0], $0xffff  }
0x613: {  	v35 =	vld.idx.msk [tilespmem:v1+s12+$0x0], $0xffff  }
0x614: {  	v26 =	vld.idx.msk [tilespmem:v0+s13+$0x0], $0xffff  }
0x615: {  	s25 =	sadd.s32 $0x10, s25;
	v17 =	vor.u32 $0x1, v15;
	v61 =	vld.idx.msk [tilespmem:v0+s12+$0x0], $0xffff  }
0x616: {  	[tilespmem:$0x1F600] =	vst v33  }
0x617: {  	[tilespmem:$0x1F610] =	vst v45  }
0x618: {  	[tilespmem:$0x1F620] =	vst v32  }
0x619: {  	[tilespmem:$0x1F630] =	vst v6  }
0x61a: {  	[tilespmem:$0x1F640] =	vst v48  }
0x61b: {  	[tilespmem:$0x1F650] =	vst v27  }
0x61c: {  	[tilespmem:$0x1F660] =	vst v56  }
0x61d: {  	[tilespmem:$0x1F670] =	vst v39  }
0x61e: {  	[tilespmem:$0x1F690] =	vst v2  }
0x61f: {  	[tilespmem:$0x1F6B0] =	vst v22  }
0x620: {  	[tilespmem:$0x1F6C0] =	vst v62  }
0x621: {  	[tilespmem:$0x1F6D0] =	vst v63  }
0x622: {  	[tilespmem:$0x1F6E0] =	vst v30  }
0x623: {  	[tilespmem:$0x1F6F0] =	vst v18  }
0x624: {  	[tilespmem:$0x1F720] =	vst v60  }
0x625: {  	[tilespmem:$0x1F730] =	vst v36  }
0x626: {  	[tilespmem:$0x1F740] =	vst v14  }
0x627: {  	[tilespmem:$0x1F750] =	vst v12  }
0x628: {  	[tilespmem:$0x1FFD0] =	vst v54  }
0x629: {  	[tilespmem:$0x1F760] =	vst v57  }
0x62a: {  	[tilespmem:$0x1F770] =	vst v37  }
0x62b: {  	[tilespmem:$0x1F780] =	vst v46  }
0x62c: {  	v36 =	vld [tilespmem:$0x1FF30];
	[tilespmem:$0x1F790] =	vst v58  }
0x62d: {  	[tilespmem:$0x1F7A0] =	vst v28;
	v30 =	vld [tilespmem:$0x1F5F0]  }
0x62e: {  	[tilespmem:$0x1F7B0] =	vst v52;
	v14 =	vld [tilespmem:$0x1F5D0]  }
0x62f: {  	[tilespmem:$0x1F7C0] =	vst v53;
	v37 =	vld [tilespmem:$0x1F5C0]  }
0x630: {  	v56 =	vld [tilespmem:$0x1FCD0];
	[tilespmem:$0x1F8D0] =	vst v43  }
0x631: {  	v54 =	vld [tilespmem:$0x1FC70];
	[tilespmem:$0x1F8B0] =	vst v38  }
0x632: {  	v46 =	vld [tilespmem:$0x1FC40];
	[tilespmem:$0x1F8C0] =	vst v34  }
0x633: {  	v58 =	vld [tilespmem:$0x1FC10];
	[tilespmem:$0x1F8A0] =	vst v31  }
0x634: {  	v52 =	vld [tilespmem:$0x1FBB0];
	[tilespmem:$0x1F880] =	vst v29  }
0x635: {  	v53 =	vld [tilespmem:$0x1FB80];
	[tilespmem:$0x1F890] =	vst v25  }
0x636: {  	v39 =	vld [tilespmem:$0x1FAF0];
	[tilespmem:$0x1F870] =	vst v24  }
0x637: {  	v45 =	vld [tilespmem:$0x1FA60];
	[tilespmem:$0x1F850] =	vst v23  }
0x638: {  	v28 =	vld [tilespmem:$0x1F9D0];
	[tilespmem:$0x1F860] =	vst v21  }
0x639: {  	v32 =	vld [tilespmem:$0x1F9A0];
	[tilespmem:$0x1F840] =	vst v19  }
0x63a: {  	[tilespmem:$0x1F710] =	vst v41;
	v41 =	vld [tilespmem:$0x1FA90]  }
0x63b: {  	[tilespmem:$0x1F700] =	vst v35;
	v35 =	vld [tilespmem:$0x1FA30]  }
0x63c: {  	[tilespmem:$0x1F680] =	vst v26;
	v26 =	vld [tilespmem:$0x1F5E0]  }
0x63d: {  	[tilespmem:$0x1F6A0] =	vst v61;
	v61 =	vld [tilespmem:$0x1FAC0]  }
.LBB2_10:
0x63e: {  	_ =	sdelay $0x3  }
0x63f: {  	v19 =	vld.idx.msk [tilespmem:v15+s13+$0x0], $0xffff  }
0x640: {  	v21 =	vld.idx.msk [tilespmem:v15+s12+$0x0], $0xffff  }
0x641: {  	v23 =	vld.idx.msk [tilespmem:v15+s14+$0x0], $0xffff  }
0x642: {  	v24 =	vld.idx.msk [tilespmem:v15+s16+$0x0], $0xffff  }
0x643: {  	v25 =	vld.idx.msk [tilespmem:v15+s15+$0x0], $0xffff  }
0x644: {  	v2 =	vld.idx.msk [tilespmem:v15+s17+$0x0], $0xffff  }
0x645: {  	v29 =	vld.idx.msk [tilespmem:v17+s13+$0x0], $0xffff  }
0x646: {  	v31 =	vld.idx.msk [tilespmem:v17+s12+$0x0], $0xffff  }
0x647: {  	v34 =	vld.idx.msk [tilespmem:v17+s14+$0x0], $0xffff  }
0x648: {  	v38 =	vld.idx.msk [tilespmem:v17+s16+$0x0], $0xffff  }
0x649: {  	v43 =	vld.idx.msk [tilespmem:v17+s15+$0x0], $0xffff  }
0x64a: {  	v6 =	vld.idx.msk [tilespmem:v17+s17+$0x0], $0xffff  }
0x64b: {  	v48 =	vld.idx.msk [tilespmem:v20+s14+$0x0], $0xffff  }
0x64c: {  	v57 =	vld.idx.msk [tilespmem:v20+s16+$0x0], $0xffff  }
0x64d: {  	v62 =	vld.idx.msk [tilespmem:v20+s15+$0x0], $0xffff  }
0x64e: {  	v63 =	vld.idx.msk [tilespmem:v20+s17+$0x0], $0xffff  }
0x64f: {  	v33 =	vld.idx.msk [tilespmem:v16+s17+$0x0], $0xffff  }
0x650: {  	v22 =	vld.idx.msk [tilespmem:v3+s14+$0x0], $0xffff  }
0x651: {  	v18 =	vld.idx.msk [tilespmem:v51+s16+$0x0], $0xffff  }
0x652: {  	v23 =	vsub.f32 v23, v24;
	v24 =	vld.idx.msk [tilespmem:v20+s12+$0x0], $0xffff  }
0x653: {  	v15 =	vsub.f32 v25, v2;
	v2 =	vld.idx.msk [tilespmem:v16+s14+$0x0], $0xffff  }
0x654: {  	v17 =	vsub.f32 v43, v6;
	v6 =	vld.idx.msk [tilespmem:v16+s16+$0x0], $0xffff  }
0x655: {  	v27 =	vsub.f32 v48, v57;
	v48 =	vld.idx.msk [tilespmem:v10+s14+$0x0], $0xffff  }
0x656: {  	v57 =	vld.idx.msk [tilespmem:v10+s16+$0x0], $0xffff  }
0x657: {  	v43 =	vsub.f32 v62, v63;
	v62 =	vld.idx.msk [tilespmem:v10+s15+$0x0], $0xffff  }
0x658: {  	v63 =	vld.idx.msk [tilespmem:v10+s17+$0x0], $0xffff  }
0x659: {  	v60 =	vsub.f32 v34, v38;
	v17 =	vmul.f32 v17, v29;
	v29 =	vld.idx.msk [tilespmem:v16+s15+$0x0], $0xffff  }
0x65a: {  	v21 =	vmul.f32 v23, v21;
	v23 =	vld.idx.msk [tilespmem:v3+s16+$0x0], $0xffff  }
0x65b: {  	v15 =	vmul.f32 v15, v19;
	v19 =	vmul.f32 v60, v31;
	v31 =	vld.idx.msk [tilespmem:v0+s14+$0x0], $0xffff  }
0x65c: {  	v13 =	vmul.f32 v43, v13;
	v43 =	vld.idx.msk [tilespmem:v0+s17+$0x0], $0xffff  }
0x65d: {  	v38 =	vmul.f32 v27, v24;
	v27 =	vld.idx.msk [tilespmem:v3+s15+$0x0], $0xffff  }
0x65e: {  	v25 =	vsub.f32 v48, v57;
	v48 =	vld.idx.msk [tilespmem:v59+s14+$0x0], $0xffff  }
0x65f: {  	v57 =	vld.idx.msk [tilespmem:v59+s16+$0x0], $0xffff  }
0x660: {  	v60 =	vsub.f32 v2, v6;
	v2 =	vld [tilespmem:$0x1F6B0]  }
0x661: {  	v10 =	vsub.f32 v62, v63;
	v62 =	vld.idx.msk [tilespmem:v59+s15+$0x0], $0xffff  }
0x662: {  	v63 =	vld.idx.msk [tilespmem:v59+s17+$0x0], $0xffff  }
0x663: {  	v21 =	vadd.f32 $0.0e+00, v21;
	v59 =	vld.idx.msk [tilespmem:v42+s16+$0x0], $0xffff  }
0x664: {  	v6 =	vld [tilespmem:$0x1F630]  }
0x665: {  	v15 =	vadd.f32 v15, v21;
	v21 =	vsub.f32 v29, v33;
	v29 =	vld.idx.msk [tilespmem:v3+s17+$0x0], $0xffff  }
0x666: {  	v33 =	vld.idx.msk [tilespmem:v0+s16+$0x0], $0xffff  }
0x667: {  	v34 =	vsub.f32 v22, v23;
	v22 =	vld.idx.msk [tilespmem:v51+s17+$0x0], $0xffff  }
0x668: {  	v23 =	vld [tilespmem:$0x1F650]  }
0x669: {  	v15 =	vadd.f32 v19, v15;
	v19 =	vld [tilespmem:$0x1F680]  }
0x66a: {  	v11 =	vmul.f32 v21, v11;
	v21 =	vld.idx.msk [tilespmem:v51+s15+$0x0], $0xffff  }
0x66b: {  	v15 =	vadd.f32 v17, v15;
	v17 =	vld.idx.msk [tilespmem:v51+s14+$0x0], $0xffff  }
0x66c: {  	v20 =	vsub.f32 v48, v57;
	v48 =	vld [tilespmem:$0x1F610]  }
0x66d: {  	v57 =	vld.idx.msk [tilespmem:v42+s14+$0x0], $0xffff  }
0x66e: {  	v15 =	vadd.f32 v38, v15;
	v38 =	vld.idx.msk [tilespmem:v0+s15+$0x0], $0xffff  }
0x66f: {  	v3 =	vsub.f32 v27, v29;
	v27 =	vld.idx.msk [tilespmem:v50+s14+$0x0], $0xffff  }
0x670: {  	v29 =	vld.idx.msk [tilespmem:v50+s16+$0x0], $0xffff  }
0x671: {  	v9 =	vmul.f32 v60, v9;
	v60 =	vsub.f32 v31, v33;
	v31 =	vld [tilespmem:$0x1F640]  }
0x672: {  	v24 =	vmul.f32 v20, v23;
	v23 =	vld [tilespmem:$0x1F660]  }
0x673: {  	v13 =	vadd.f32 v13, v15;
	v15 =	vld [tilespmem:$0x1F6A0]  }
0x674: {  	v51 =	vsub.f32 v21, v22;
	v21 =	vld.idx.msk [tilespmem:v40+s14+$0x0], $0xffff  }
0x675: {  	v22 =	vld.idx.msk [tilespmem:v40+s16+$0x0], $0xffff  }
0x676: {  	v4 =	vmul.f32 v34, v4;
	v34 =	vsub.f32 v17, v18;
	v17 =	vld.idx.msk [tilespmem:v42+s17+$0x0], $0xffff  }
0x677: {  	v18 =	vld [tilespmem:$0x1F620];
	v9 =	vadd.f32 v9, v13  }
0x678: {  	v0 =	vsub.f32 v38, v43;
	v38 =	vld.idx.msk [tilespmem:v50+s15+$0x0], $0xffff  }
0x679: {  	v7 =	vmul.f32 v25, v7;
	v43 =	vld.idx.msk [tilespmem:v50+s17+$0x0], $0xffff;
	v9 =	vadd.f32 v11, v9  }
0x67a: {  	v25 =	vsub.f32 v62, v63;
	v63 =	vsub.f32 v27, v29;
	v27 =	vld.idx.msk [tilespmem:v40+s15+$0x0], $0xffff  }
0x67b: {  	v5 =	vmul.f32 v10, v5;
	v29 =	vld.idx.msk [tilespmem:v40+s17+$0x0], $0xffff;
	v7 =	vadd.f32 v7, v9  }
0x67c: {  	v33 =	vmul.f32 v25, v31;
	v31 =	vld [tilespmem:$0x1F690]  }
0x67d: {  	v40 =	vld.idx.msk [tilespmem:v1+s16+$0x0], $0xffff;
	v5 =	vadd.f32 v5, v7  }
0x67e: {  	v25 =	vsub.f32 v57, v59;
	v57 =	vld [tilespmem:$0x1F6E0]  }
0x67f: {  	v3 =	vmul.f32 v3, v2;
	v11 =	vld [tilespmem:$0x1FF20];
	v4 =	vadd.f32 v4, v5  }
0x680: {  	v16 =	vmul.f32 v60, v15;
	v60 =	vld [tilespmem:$0x1F600]  }
0x681: {  	v50 =	vmul.f32 v34, v48;
	v48 =	vsub.f32 v21, v22;
	v21 =	vld [tilespmem:$0x1F700];
	v3 =	vadd.f32 v3, v4  }
0x682: {  	v0 =	vmul.f32 v0, v19;
	v19 =	vmul.f32 v63, v18;
	v63 =	vld.idx.msk [tilespmem:v6+s16+$0x0], $0xffff  }
0x683: {  	v20 =	vsub.f32 v38, v43;
	v38 =	vld.idx.msk [tilespmem:v1+s14+$0x0], $0xffff;
	v3 =	vadd.f32 v16, v3  }
0x684: {  	v59 =	vmul.f32 v48, v57;
	v48 =	vld [tilespmem:$0x1F6D0]  }
0x685: {  	v16 =	vld.idx.msk [tilespmem:v42+s15+$0x0], $0xffff;
	v0 =	vadd.f32 v0, v3  }
0x686: {  	v57 =	vld [tilespmem:$0x1F740]  }
0x687: {  	v62 =	vmul.f32 v51, v60;
	v51 =	vld.idx.msk [tilespmem:v1+s17+$0x0], $0xffff;
	v0 =	vadd.f32 v24, v0  }
0x688: {  	v60 =	vsub.f32 v27, v29;
	v29 =	vld [tilespmem:$0x1F710]  }
0x689: {  	v18 =	vsub.f32 v38, v40;
	v40 =	vld [tilespmem:$0x1F720];
	v0 =	vadd.f32 v33, v0  }
0x68a: {  	v34 =	vsub.f32 v16, v17;
	v16 =	vld [tilespmem:$0x1F6F0]  }
0x68b: {  	v42 =	vld [tilespmem:$0x1F6C0];
	v0 =	vadd.f32 v50, v0  }
0x68c: {  	v24 =	vmul.f32 v20, v23;
	v20 =	vld.idx.msk [tilespmem:v6+s17+$0x0], $0xffff  }
0x68d: {  	v50 =	vld.idx.msk [tilespmem:v1+s15+$0x0], $0xffff;
	v0 =	vadd.f32 v62, v0  }
0x68e: {  	v62 =	vld.idx.msk [tilespmem:v6+s14+$0x0], $0xffff  }
0x68f: {  	v17 =	vmul.f32 v60, v16;
	v16 =	vld [tilespmem:$0x1F750];
	v0 =	vadd.f32 v19, v0  }
0x690: {  	v19 =	vld.idx.msk [tilespmem:v6+s15+$0x0], $0xffff  }
0x691: {  	v0 =	vadd.f32 v24, v0;
	v24 =	vld [tilespmem:$0x1F670]  }
0x692: {  	v33 =	vmul.f32 v25, v31;
	v23 =	vsub.f32 v50, v51;
	v50 =	vld.idx.msk [tilespmem:v48+s14+$0x0], $0xffff  }
0x693: {  	v51 =	vld.idx.msk [tilespmem:v48+s16+$0x0], $0xffff  }
0x694: {  	v43 =	vmul.f32 v34, v42;
	v0 =	vadd.f32 v33, v0;
	v33 =	vsub.f32 v62, v63;
	v62 =	vld.idx.msk [tilespmem:v48+s15+$0x0], $0xffff  }
0x695: {  	v63 =	vld.idx.msk [tilespmem:v48+s17+$0x0], $0xffff  }
0x696: {  	v0 =	vadd.f32 v43, v0;
	v43 =	vsub.f32 v19, v20;
	v19 =	vld [tilespmem:$0x1F730]  }
0x697: {  	v42 =	vmul.f32 v33, v40;
	v33 =	vld [tilespmem:$0x1F760]  }
0x698: {  	v40 =	vld [tilespmem:$0x1FFB0]  }
0x699: {  	v25 =	vld.idx.msk [tilespmem:v24+s14+$0x0], $0xffff  }
0x69a: {  	v0 =	vadd.f32 v59, v0;
	v27 =	vld.idx.msk [tilespmem:v24+s16+$0x0], $0xffff  }
0x69b: {  	v34 =	vld.idx.msk [tilespmem:v24+s15+$0x0], $0xffff  }
0x69c: {  	v22 =	vmul.f32 v18, v21;
	v0 =	vadd.f32 v17, v0;
	v38 =	vld.idx.msk [tilespmem:v24+s17+$0x0], $0xffff  }
0x69d: {  	v24 =	vsub.f32 v50, v51;
	v50 =	vld [tilespmem:$0x1FFA0]  }
0x69e: {  	v0 =	vadd.f32 v22, v0;
	v22 =	vld [tilespmem:$0x1FFD0]  }
0x69f: {  	v20 =	vld.idx.msk [tilespmem:v19+s14+$0x0], $0xffff  }
0x6a0: {  	v21 =	vld.idx.msk [tilespmem:v19+s16+$0x0], $0xffff  }
0x6a1: {  	v12 =	vld.idx.msk [tilespmem:v19+s17+$0x0], $0xffff  }
0x6a2: {  	v31 =	vmul.f32 v23, v29;
	v48 =	vld.idx.msk [tilespmem:v33+s15+$0x0], $0xffff  }
0x6a3: {  	v6 =	vld.idx.msk [tilespmem:v33+s17+$0x0], $0xffff  }
0x6a4: {  	v0 =	vadd.f32 v31, v0;
	v31 =	vsub.f32 v62, v63;
	v63 =	vld [tilespmem:$0x1FF90]  }
0x6a5: {  	v60 =	vsub.f32 v25, v27;
	v25 =	vld.idx.msk [tilespmem:v19+s15+$0x0], $0xffff  }
0x6a6: {  	v27 =	vld [tilespmem:$0x1FFC0]  }
0x6a7: {  	v18 =	vsub.f32 v34, v38;
	v34 =	vld.idx.msk [tilespmem:v33+s14+$0x0], $0xffff  }
0x6a8: {  	v59 =	vmul.f32 v43, v57;
	v38 =	vld.idx.msk [tilespmem:v33+s16+$0x0], $0xffff;
	v0 =	vadd.f32 v42, v0  }
0x6a9: {  	v23 =	vmul.f32 v18, v22;
	v18 =	vld [tilespmem:$0x1FF80]  }
0x6aa: {  	v0 =	vadd.f32 v59, v0;
	v59 =	vld [tilespmem:$0x1F770]  }
0x6ab: {  	v43 =	vsub.f32 v20, v21;
	v20 =	vld [tilespmem:$0x1F780]  }
0x6ac: {  	v17 =	vmul.f32 v60, v16;
	v29 =	vmul.f32 v24, v27;
	v27 =	vld [tilespmem:$0x1FF60]  }
0x6ad: {  	v15 =	vsub.f32 v34, v38;
	v34 =	vld [tilespmem:$0x1FF50]  }
0x6ae: {  	v0 =	vadd.f32 v17, v0;
	v51 =	vmul.f32 v43, v50;
	v43 =	vld [tilespmem:$0x1FF40]  }
0x6af: {  	v50 =	vld [tilespmem:$0x1F7A0]  }
0x6b0: {  	v0 =	vadd.f32 v23, v0;
	v23 =	vld [tilespmem:$0x1FF70]  }
0x6b1: {  	v3 =	vmul.f32 v15, v18;
	v15 =	vld.idx.msk [tilespmem:v55+s16+$0x0], $0xffff  }
0x6b2: {  	v18 =	vld.idx.msk [tilespmem:v55+s15+$0x0], $0xffff  }
0x6b3: {  	v0 =	vadd.f32 v29, v0;
	v29 =	vld [tilespmem:$0x1F790]  }
0x6b4: {  	v60 =	vld.idx.msk [tilespmem:v59+s14+$0x0], $0xffff  }
0x6b5: {  	v62 =	vld.idx.msk [tilespmem:v59+s16+$0x0], $0xffff  }
0x6b6: {  	v16 =	vld.idx.msk [tilespmem:v59+s15+$0x0], $0xffff  }
0x6b7: {  	v17 =	vld.idx.msk [tilespmem:v59+s17+$0x0], $0xffff  }
0x6b8: {  	v21 =	vld.idx.msk [tilespmem:v20+s14+$0x0], $0xffff  }
0x6b9: {  	v42 =	vmul.f32 v31, v40;
	v22 =	vld.idx.msk [tilespmem:v20+s16+$0x0], $0xffff  }
0x6ba: {  	v57 =	vsub.f32 v25, v12;
	v25 =	vld.idx.msk [tilespmem:v20+s15+$0x0], $0xffff  }
0x6bb: {  	v0 =	vadd.f32 v42, v0;
	v10 =	vld.idx.msk [tilespmem:v20+s17+$0x0], $0xffff  }
0x6bc: {  	v20 =	vld [tilespmem:$0x1FF00]  }
0x6bd: {  	v0 =	vadd.f32 v51, v0;
	v51 =	vld.idx.msk [tilespmem:v50+s14+$0x0], $0xffff  }
0x6be: {  	v13 =	vmul.f32 v57, v63;
	v57 =	vld.idx.msk [tilespmem:v50+s16+$0x0], $0xffff  }
0x6bf: {  	v63 =	vld.idx.msk [tilespmem:v50+s17+$0x0], $0xffff  }
0x6c0: {  	v0 =	vadd.f32 v13, v0;
	v13 =	vld.idx.msk [tilespmem:v55+s14+$0x0], $0xffff  }
0x6c1: {  	v24 =	vsub.f32 v60, v62;
	v62 =	vld.idx.msk [tilespmem:v50+s15+$0x0], $0xffff  }
0x6c2: {  	v2 =	vsub.f32 v16, v17;
	v16 =	vld [tilespmem:$0x1FF10]  }
0x6c3: {  	v31 =	vld.idx.msk [tilespmem:v29+s14+$0x0], $0xffff  }
0x6c4: {  	v33 =	vld.idx.msk [tilespmem:v29+s16+$0x0], $0xffff  }
0x6c5: {  	v19 =	vsub.f32 v48, v6;
	v40 =	vld.idx.msk [tilespmem:v29+s15+$0x0], $0xffff  }
0x6c6: {  	v42 =	vld.idx.msk [tilespmem:v29+s17+$0x0], $0xffff  }
0x6c7: {  	v0 =	vadd.f32 v3, v0;
	v3 =	vmul.f32 v19, v23;
	v19 =	vld.idx.msk [tilespmem:v55+s17+$0x0], $0xffff  }
0x6c8: {  	v38 =	vsub.f32 v21, v22;
	v22 =	vld.idx.msk [tilespmem:v44+s14+$0x0], $0xffff  }
0x6c9: {  	v23 =	vld.idx.msk [tilespmem:v44+s16+$0x0], $0xffff  }
0x6ca: {  	v29 =	vld.idx.msk [tilespmem:v44+s17+$0x0], $0xffff  }
0x6cb: {  	v48 =	vsub.f32 v25, v10;
	v10 =	vld [tilespmem:$0x1FC20]  }
0x6cc: {  	v2 =	vmul.f32 v2, v34;
	v34 =	vld [tilespmem:$0x1F7B0]  }
0x6cd: {  	v0 =	vadd.f32 v3, v0;
	v3 =	vmul.f32 v24, v27;
	v24 =	vld [tilespmem:$0x1FEF0]  }
0x6ce: {  	v27 =	vld.idx.msk [tilespmem:v44+s15+$0x0], $0xffff  }
0x6cf: {  	v59 =	vmul.f32 v48, v36;
	v48 =	vld [tilespmem:$0x1FEC0]  }
0x6d0: {  	v17 =	vsub.f32 v51, v57;
	v51 =	vld [tilespmem:$0x1F7C0]  }
0x6d1: {  	v25 =	vsub.f32 v13, v15;
	v13 =	vld.idx.msk [tilespmem:v49+s14+$0x0], $0xffff  }
0x6d2: {  	v15 =	vld.idx.msk [tilespmem:v49+s16+$0x0], $0xffff  }
0x6d3: {  	v60 =	vsub.f32 v31, v33;
	v31 =	vld [tilespmem:$0x1FEE0]  }
0x6d4: {  	v12 =	vsub.f32 v40, v42;
	v40 =	vld [tilespmem:$0x1FED0]  }
0x6d5: {  	v33 =	vsub.f32 v18, v19;
	v18 =	vld.idx.msk [tilespmem:v49+s15+$0x0], $0xffff  }
0x6d6: {  	v19 =	vld.idx.msk [tilespmem:v49+s17+$0x0], $0xffff  }
0x6d7: {  	v42 =	vsub.f32 v22, v23;
	v22 =	vld.idx.msk [tilespmem:v8+s14+$0x0], $0xffff  }
0x6d8: {  	v0 =	vadd.f32 v3, v0;
	v23 =	vld.idx.msk [tilespmem:v8+s16+$0x0], $0xffff  }
0x6d9: {  	v49 =	vld [tilespmem:$0x1F7D0]  }
0x6da: {  	v0 =	vadd.f32 v2, v0;
	v2 =	vmul.f32 v38, v43;
	v50 =	vsub.f32 v27, v29;
	v27 =	vld.idx.msk [tilespmem:v8+s15+$0x0], $0xffff  }
0x6db: {  	v29 =	vld.idx.msk [tilespmem:v8+s17+$0x0], $0xffff  }
0x6dc: {  	v0 =	vadd.f32 v2, v0;
	v2 =	vmul.f32 v60, v11;
	v11 =	vld [tilespmem:$0x1FEA0]  }
0x6dd: {  	v36 =	vld.idx.msk [tilespmem:v34+s14+$0x0], $0xffff  }
0x6de: {  	v38 =	vld.idx.msk [tilespmem:v34+s16+$0x0], $0xffff  }
0x6df: {  	v43 =	vld.idx.msk [tilespmem:v34+s15+$0x0], $0xffff  }
0x6e0: {  	v44 =	vld.idx.msk [tilespmem:v34+s17+$0x0], $0xffff  }
0x6e1: {  	v34 =	vld.idx.msk [tilespmem:v30+s14+$0x0], $0xffff  }
0x6e2: {  	v55 =	vld.idx.msk [tilespmem:v51+s14+$0x0], $0xffff  }
0x6e3: {  	v57 =	vld.idx.msk [tilespmem:v51+s16+$0x0], $0xffff  }
0x6e4: {  	v0 =	vadd.f32 v59, v0;
	v59 =	vld [tilespmem:$0x1FEB0]  }
0x6e5: {  	v21 =	vsub.f32 v62, v63;
	v62 =	vld.idx.msk [tilespmem:v51+s15+$0x0], $0xffff  }
0x6e6: {  	v63 =	vld.idx.msk [tilespmem:v51+s17+$0x0], $0xffff  }
0x6e7: {  	v0 =	vadd.f32 v2, v0;
	v2 =	vmul.f32 v12, v16;
	v16 =	vld [tilespmem:$0x1FE90]  }
0x6e8: {  	v51 =	vld.idx.msk [tilespmem:v49+s16+$0x0], $0xffff  }
0x6e9: {  	v0 =	vadd.f32 v2, v0;
	v2 =	vmul.f32 v17, v20;
	v20 =	vld [tilespmem:$0x1FE80]  }
0x6ea: {  	v60 =	vsub.f32 v36, v38;
	v36 =	vld.idx.msk [tilespmem:v30+s16+$0x0], $0xffff  }
0x6eb: {  	v38 =	vld [tilespmem:$0x1FE50]  }
0x6ec: {  	v12 =	vsub.f32 v43, v44;
	v43 =	vld.idx.msk [tilespmem:v30+s17+$0x0], $0xffff  }
0x6ed: {  	v44 =	vld [tilespmem:$0x1FE40]  }
0x6ee: {  	v17 =	vsub.f32 v55, v57;
	v55 =	vld [tilespmem:$0x1FE30]  }
0x6ef: {  	v0 =	vadd.f32 v2, v0;
	v2 =	vmul.f32 v21, v24;
	v24 =	vld [tilespmem:$0x1FE70]  }
0x6f0: {  	v21 =	vsub.f32 v62, v63;
	v62 =	vld [tilespmem:$0x1FE20]  }
0x6f1: {  	v63 =	vld.idx.msk [tilespmem:v26+s14+$0x0], $0xffff  }
0x6f2: {  	v0 =	vadd.f32 v2, v0;
	v2 =	vmul.f32 v25, v31;
	v31 =	vld [tilespmem:$0x1FE60]  }
0x6f3: {  	v25 =	vsub.f32 v13, v15;
	v13 =	vld [tilespmem:$0x1FE10]  }
0x6f4: {  	v57 =	vsub.f32 v34, v36;
	v34 =	vld [tilespmem:$0x1FDD0]  }
0x6f5: {  	v0 =	vadd.f32 v2, v0;
	v2 =	vmul.f32 v33, v40;
	v33 =	vsub.f32 v18, v19;
	v18 =	vld [tilespmem:$0x1FE00]  }
0x6f6: {  	v40 =	vsub.f32 v22, v23;
	v23 =	vld [tilespmem:$0x1FDF0]  }
0x6f7: {  	v0 =	vadd.f32 v2, v0;
	v2 =	vmul.f32 v42, v48;
	v42 =	vld.idx.msk [tilespmem:v30+s15+$0x0], $0xffff  }
0x6f8: {  	v48 =	vsub.f32 v27, v29;
	v27 =	vld [tilespmem:$0x1FDE0]  }
0x6f9: {  	v30 =	vld [tilespmem:$0x1F7F0]  }
0x6fa: {  	v0 =	vadd.f32 v2, v0;
	v2 =	vmul.f32 v50, v59;
	v50 =	vld.idx.msk [tilespmem:v49+s14+$0x0], $0xffff  }
0x6fb: {  	v59 =	vld.idx.msk [tilespmem:v49+s15+$0x0], $0xffff  }
0x6fc: {  	v0 =	vadd.f32 v2, v0;
	v2 =	vmul.f32 v60, v11;
	v60 =	vld.idx.msk [tilespmem:v49+s17+$0x0], $0xffff  }
0x6fd: {  	v11 =	vld [tilespmem:$0x1FD90]  }
0x6fe: {  	v1 =	vsub.f32 v42, v43;
	v42 =	vld [tilespmem:$0x1FDC0]  }
0x6ff: {  	v0 =	vadd.f32 v2, v0;
	v2 =	vmul.f32 v12, v16;
	v12 =	vld.idx.msk [tilespmem:v26+s16+$0x0], $0xffff  }
0x700: {  	v16 =	vld.idx.msk [tilespmem:v26+s15+$0x0], $0xffff  }
0x701: {  	v15 =	vsub.f32 v50, v51;
	v50 =	vld [tilespmem:$0x1FDB0]  }
0x702: {  	v0 =	vadd.f32 v2, v0;
	v2 =	vmul.f32 v17, v20;
	v17 =	vld.idx.msk [tilespmem:v26+s17+$0x0], $0xffff  }
0x703: {  	v20 =	vld [tilespmem:$0x1F7E0]  }
0x704: {  	v1 =	vmul.f32 v1, v13;
	v13 =	vld.idx.msk [tilespmem:v14+s15+$0x0], $0xffff  }
0x705: {  	v19 =	vsub.f32 v59, v60;
	v59 =	vld [tilespmem:$0x1FDA0];
	v0 =	vadd.f32 v2, v0;
	v2 =	vmul.f32 v21, v24  }
0x706: {  	v24 =	vsub.f32 v63, v12;
	v63 =	vld.idx.msk [tilespmem:v14+s16+$0x0], $0xffff  }
0x707: {  	v0 =	vadd.f32 v2, v0;
	v2 =	vmul.f32 v25, v31;
	v31 =	vld.idx.msk [tilespmem:v30+s14+$0x0], $0xffff  }
0x708: {  	v29 =	vsub.f32 v16, v17;
	v16 =	vld [tilespmem:$0x1FD80]  }
0x709: {  	v0 =	vadd.f32 v2, v0;
	v2 =	vmul.f32 v33, v38;
	v33 =	vld.idx.msk [tilespmem:v30+s16+$0x0], $0xffff  }
0x70a: {  	v38 =	vld.idx.msk [tilespmem:v30+s15+$0x0], $0xffff  }
0x70b: {  	v21 =	vld.idx.msk [tilespmem:v20+s14+$0x0], $0xffff  }
0x70c: {  	v22 =	vld.idx.msk [tilespmem:v20+s16+$0x0], $0xffff  }
0x70d: {  	v25 =	vld.idx.msk [tilespmem:v20+s15+$0x0], $0xffff  }
0x70e: {  	v26 =	vld.idx.msk [tilespmem:v20+s17+$0x0], $0xffff  }
0x70f: {  	v0 =	vadd.f32 v2, v0;
	v2 =	vmul.f32 v40, v44;
	v44 =	vld [tilespmem:$0x1F800]  }
0x710: {  	v40 =	vld.idx.msk [tilespmem:v30+s17+$0x0], $0xffff  }
0x711: {  	v30 =	vld [tilespmem:$0x1FD50];
	v0 =	vadd.f32 v2, v0;
	v2 =	vmul.f32 v48, v55  }
0x712: {  	v51 =	vsub.f32 v31, v33;
	v33 =	vld.idx.msk [tilespmem:v37+s15+$0x0], $0xffff  }
0x713: {  	v0 =	vadd.f32 v2, v0;
	v2 =	vmul.f32 v57, v62;
	v62 =	vld.idx.msk [tilespmem:v14+s14+$0x0], $0xffff  }
0x714: {  	v36 =	vsub.f32 v21, v22;
	v21 =	vld [tilespmem:$0x1FD70]  }
0x715: {  	v43 =	vsub.f32 v25, v26;
	v25 =	vld [tilespmem:$0x1FD60]  }
0x716: {  	v60 =	vsub.f32 v38, v40;
	v38 =	vld [tilespmem:$0x1F820]  }
0x717: {  	v48 =	vld.idx.msk [tilespmem:v44+s14+$0x0], $0xffff  }
0x718: {  	v49 =	vld.idx.msk [tilespmem:v44+s16+$0x0], $0xffff  }
0x719: {  	v0 =	vadd.f32 v2, v0;
	v55 =	vld.idx.msk [tilespmem:v44+s15+$0x0], $0xffff  }
0x71a: {  	v57 =	vld.idx.msk [tilespmem:v44+s17+$0x0], $0xffff  }
0x71b: {  	v0 =	vadd.f32 v1, v0;
	v1 =	vmul.f32 v15, v18;
	v15 =	vld.idx.msk [tilespmem:v14+s17+$0x0], $0xffff  }
0x71c: {  	v18 =	vld [tilespmem:$0x1F810]  }
0x71d: {  	v14 =	vld [tilespmem:$0x1FCA0]  }
0x71e: {  	v22 =	vsub.f32 v62, v63;
	v62 =	vld.idx.msk [tilespmem:v56+s15+$0x0], $0xffff;
	v0 =	vadd.f32 v1, v0;
	v1 =	vmul.f32 v19, v23  }
0x71f: {  	v63 =	vld.idx.msk [tilespmem:v56+s17+$0x0], $0xffff  }
0x720: {  	v0 =	vadd.f32 v1, v0;
	v1 =	vmul.f32 v24, v27;
	v27 =	vld.idx.msk [tilespmem:v37+s14+$0x0], $0xffff  }
0x721: {  	v40 =	vld.idx.msk [tilespmem:v38+s14+$0x0], $0xffff  }
0x722: {  	v12 =	vsub.f32 v48, v49;
	v48 =	vld.idx.msk [tilespmem:v38+s15+$0x0], $0xffff  }
0x723: {  	v49 =	vld.idx.msk [tilespmem:v38+s17+$0x0], $0xffff  }
0x724: {  	v17 =	vsub.f32 v55, v57;
	v55 =	vld.idx.msk [tilespmem:v56+s14+$0x0], $0xffff  }
0x725: {  	v57 =	vld.idx.msk [tilespmem:v56+s16+$0x0], $0xffff  }
0x726: {  	v56 =	vld [tilespmem:$0x1FBE0]  }
0x727: {  	v0 =	vadd.f32 v1, v0;
	v1 =	vmul.f32 v29, v34;
	v29 =	vld.idx.msk [tilespmem:v37+s16+$0x0], $0xffff  }
0x728: {  	v34 =	vld.idx.msk [tilespmem:v37+s17+$0x0], $0xffff  }
0x729: {  	v19 =	vld.idx.msk [tilespmem:v18+s14+$0x0], $0xffff  }
0x72a: {  	v20 =	vld.idx.msk [tilespmem:v18+s16+$0x0], $0xffff  }
0x72b: {  	v23 =	vld.idx.msk [tilespmem:v18+s15+$0x0], $0xffff  }
0x72c: {  	v24 =	vld.idx.msk [tilespmem:v18+s17+$0x0], $0xffff  }
0x72d: {  	v0 =	vadd.f32 v1, v0;
	v1 =	vmul.f32 v36, v42;
	v36 =	vld [tilespmem:$0x1FD40]  }
0x72e: {  	v42 =	vld.idx.msk [tilespmem:v38+s16+$0x0], $0xffff  }
0x72f: {  	v26 =	vsub.f32 v13, v15;
	v15 =	vld.idx.msk [tilespmem:v14+s14+$0x0], $0xffff  }
0x730: {  	v38 =	vld.idx.msk [tilespmem:v46+s15+$0x0], $0xffff  }
0x731: {  	v0 =	vadd.f32 v1, v0;
	v1 =	vmul.f32 v43, v50;
	v43 =	vld [tilespmem:$0x1FD30]  }
0x732: {  	v50 =	vld [tilespmem:$0x1FD20]  }
0x733: {  	v13 =	vsub.f32 v48, v49;
	v48 =	vld [tilespmem:$0x1FC60]  }
0x734: {  	v44 =	vsub.f32 v27, v29;
	v27 =	vld.idx.msk [tilespmem:v54+s15+$0x0], $0xffff  }
0x735: {  	v29 =	vld.idx.msk [tilespmem:v54+s17+$0x0], $0xffff  }
0x736: {  	v0 =	vadd.f32 v1, v0;
	v1 =	vmul.f32 v51, v59;
	v59 =	vld [tilespmem:$0x1FD10]  }
0x737: {  	v51 =	vsub.f32 v33, v34;
	v33 =	vld.idx.msk [tilespmem:v46+s14+$0x0], $0xffff  }
0x738: {  	v34 =	vld.idx.msk [tilespmem:v46+s16+$0x0], $0xffff  }
0x739: {  	v31 =	vsub.f32 v19, v20;
	v19 =	vld.idx.msk [tilespmem:v14+s15+$0x0], $0xffff  }
0x73a: {  	v20 =	vld.idx.msk [tilespmem:v14+s17+$0x0], $0xffff  }
0x73b: {  	v37 =	vsub.f32 v23, v24;
	v23 =	vld.idx.msk [tilespmem:v54+s14+$0x0], $0xffff  }
0x73c: {  	v24 =	vld.idx.msk [tilespmem:v54+s16+$0x0], $0xffff  }
0x73d: {  	v54 =	vld [tilespmem:$0x1FC50]  }
0x73e: {  	v18 =	vsub.f32 v55, v57;
	v57 =	vld.idx.msk [tilespmem:v56+s14+$0x0], $0xffff  }
0x73f: {  	v0 =	vadd.f32 v1, v0;
	v1 =	vmul.f32 v60, v11;
	v60 =	vsub.f32 v40, v42;
	v40 =	vld.idx.msk [tilespmem:v46+s17+$0x0], $0xffff  }
0x740: {  	v42 =	vld [tilespmem:$0x1FC80]  }
0x741: {  	v46 =	vld.idx.msk [tilespmem:v58+s16+$0x0], $0xffff  }
0x742: {  	v0 =	vadd.f32 v1, v0;
	v1 =	vmul.f32 v12, v16;
	v12 =	vld [tilespmem:$0x1FD00]  }
0x743: {  	v16 =	vld.idx.msk [tilespmem:v14+s16+$0x0], $0xffff  }
0x744: {  	v14 =	vld [tilespmem:$0x1FC00]  }
0x745: {  	v49 =	vsub.f32 v33, v34;
	v33 =	vld [tilespmem:$0x1FBA0]  }
0x746: {  	v0 =	vadd.f32 v1, v0;
	v1 =	vmul.f32 v17, v21;
	v17 =	vld [tilespmem:$0x1FCF0]  }
0x747: {  	v21 =	vld [tilespmem:$0x1FCE0]  }
0x748: {  	v55 =	vsub.f32 v38, v40;
	v38 =	vld [tilespmem:$0x1FB90]  }
0x749: {  	v40 =	vld [tilespmem:$0x1FB20]  }
0x74a: {  	v0 =	vadd.f32 v1, v0;
	v1 =	vmul.f32 v22, v25;
	v25 =	vld [tilespmem:$0x1FCC0]  }
0x74b: {  	v22 =	vsub.f32 v62, v63;
	v62 =	vld.idx.msk [tilespmem:v56+s15+$0x0], $0xffff  }
0x74c: {  	v63 =	vld.idx.msk [tilespmem:v56+s17+$0x0], $0xffff  }
0x74d: {  	v0 =	vadd.f32 v1, v0;
	v1 =	vmul.f32 v26, v30;
	v30 =	vld [tilespmem:$0x1FCB0]  }
0x74e: {  	v26 =	vsub.f32 v15, v16;
	v16 =	vld.idx.msk [tilespmem:v52+s15+$0x0], $0xffff  }
0x74f: {  	v0 =	vadd.f32 v1, v0;
	v1 =	vmul.f32 v31, v36;
	v36 =	vld [tilespmem:$0x1FC90]  }
0x750: {  	v31 =	vsub.f32 v19, v20;
	v20 =	vld.idx.msk [tilespmem:v53+s14+$0x0], $0xffff  }
0x751: {  	v19 =	vsub.f32 v62, v63;
	v62 =	vld [tilespmem:$0x1FB00]  }
0x752: {  	v63 =	vld.idx.msk [tilespmem:v41+s14+$0x0], $0xffff  }
0x753: {  	v0 =	vadd.f32 v1, v0;
	v1 =	vmul.f32 v37, v43;
	v37 =	vsub.f32 v23, v24;
	v24 =	vld.idx.msk [tilespmem:v53+s15+$0x0], $0xffff  }
0x754: {  	v43 =	vsub.f32 v27, v29;
	v29 =	vld [tilespmem:$0x1FB50]  }
0x755: {  	v0 =	vadd.f32 v1, v0;
	v1 =	vmul.f32 v44, v50;
	v44 =	vld.idx.msk [tilespmem:v58+s14+$0x0], $0xffff  }
0x756: {  	v50 =	vld.idx.msk [tilespmem:v58+s15+$0x0], $0xffff  }
0x757: {  	v0 =	vadd.f32 v1, v0;
	v1 =	vmul.f32 v51, v59;
	v51 =	vld.idx.msk [tilespmem:v58+s17+$0x0], $0xffff  }
0x758: {  	v58 =	vld.idx.msk [tilespmem:v56+s16+$0x0], $0xffff  }
0x759: {  	v59 =	vld [tilespmem:$0x1FC30]  }
0x75a: {  	v56 =	vld [tilespmem:$0x1FB30]  }
0x75b: {  	v0 =	vadd.f32 v1, v0;
	v1 =	vmul.f32 v60, v12;
	v12 =	vld.idx.msk [tilespmem:v52+s14+$0x0], $0xffff  }
0x75c: {  	v60 =	vsub.f32 v44, v46;
	v44 =	vld [tilespmem:$0x1FB70]  }
0x75d: {  	v0 =	vadd.f32 v1, v0;
	v1 =	vmul.f32 v13, v17;
	v13 =	vld.idx.msk [tilespmem:v52+s16+$0x0], $0xffff  }
0x75e: {  	v17 =	vld.idx.msk [tilespmem:v52+s17+$0x0], $0xffff  }
0x75f: {  	v52 =	vld.idx.msk [tilespmem:v39+s16+$0x0], $0xffff  }
0x760: {  	v11 =	vsub.f32 v50, v51;
	v50 =	vld [tilespmem:$0x1FB60]  }
0x761: {  	v51 =	vld.idx.msk [tilespmem:v39+s14+$0x0], $0xffff  }
0x762: {  	v15 =	vsub.f32 v57, v58;
	v57 =	vld.idx.msk [tilespmem:v61+s14+$0x0], $0xffff  }
0x763: {  	v58 =	vld.idx.msk [tilespmem:v61+s16+$0x0], $0xffff  }
0x764: {  	v0 =	vadd.f32 v1, v0;
	v1 =	vmul.f32 v18, v21;
	v18 =	vld [tilespmem:$0x1FBF0]  }
0x765: {  	v21 =	vld.idx.msk [tilespmem:v53+s16+$0x0], $0xffff  }
0x766: {  	v0 =	vadd.f32 v1, v0;
	v1 =	vmul.f32 v22, v25;
	v22 =	vld [tilespmem:$0x1FBD0]  }
0x767: {  	v25 =	vld.idx.msk [tilespmem:v53+s17+$0x0], $0xffff  }
0x768: {  	v53 =	vld [tilespmem:$0x1FB40]  }
0x769: {  	v23 =	vsub.f32 v12, v13;
	v12 =	vld.idx.msk [tilespmem:v41+s16+$0x0], $0xffff  }
0x76a: {  	v13 =	vld [tilespmem:$0x1FAE0]  }
0x76b: {  	v27 =	vsub.f32 v16, v17;
	v16 =	vld [tilespmem:$0x1FAD0]  }
0x76c: {  	v17 =	vld.idx.msk [tilespmem:v45+s14+$0x0], $0xffff  }
0x76d: {  	v0 =	vadd.f32 v1, v0;
	v1 =	vmul.f32 v26, v30;
	v26 =	vld [tilespmem:$0x1FBC0]  }
0x76e: {  	v30 =	vld.idx.msk [tilespmem:v29+s14+$0x0], $0xffff  }
0x76f: {  	v34 =	vsub.f32 v20, v21;
	v20 =	vld.idx.msk [tilespmem:v45+s15+$0x0], $0xffff  }
0x770: {  	v21 =	vld.idx.msk [tilespmem:v45+s17+$0x0], $0xffff  }
0x771: {  	v0 =	vadd.f32 v1, v0;
	v1 =	vmul.f32 v31, v36;
	v31 =	vld.idx.msk [tilespmem:v29+s16+$0x0], $0xffff  }
0x772: {  	v36 =	vld.idx.msk [tilespmem:v29+s15+$0x0], $0xffff  }
0x773: {  	v4 =	vsub.f32 v24, v25;
	v24 =	vld.idx.msk [tilespmem:v35+s16+$0x0], $0xffff  }
0x774: {  	v25 =	vld [tilespmem:$0x1FA80]  }
0x775: {  	v0 =	vadd.f32 v1, v0;
	v1 =	vmul.f32 v37, v42;
	v37 =	vld.idx.msk [tilespmem:v29+s17+$0x0], $0xffff  }
0x776: {  	v42 =	vld.idx.msk [tilespmem:v40+s14+$0x0], $0xffff  }
0x777: {  	v29 =	vld [tilespmem:$0x1FA70]  }
0x778: {  	v0 =	vadd.f32 v1, v0;
	v1 =	vmul.f32 v43, v48;
	v43 =	vld.idx.msk [tilespmem:v40+s16+$0x0], $0xffff  }
0x779: {  	v48 =	vld.idx.msk [tilespmem:v40+s15+$0x0], $0xffff  }
0x77a: {  	v5 =	vsub.f32 v20, v21;
	v20 =	vld [tilespmem:$0x1F960]  }
0x77b: {  	v46 =	vsub.f32 v30, v31;
	v30 =	vld [tilespmem:$0x1FA00]  }
0x77c: {  	v0 =	vadd.f32 v1, v0;
	v1 =	vmul.f32 v49, v54;
	v49 =	vld.idx.msk [tilespmem:v40+s17+$0x0], $0xffff  }
0x77d: {  	v54 =	vld.idx.msk [tilespmem:v39+s15+$0x0], $0xffff  }
0x77e: {  	v40 =	vld.idx.msk [tilespmem:v28+s16+$0x0], $0xffff  }
0x77f: {  	v0 =	vadd.f32 v1, v0;
	v1 =	vmul.f32 v55, v59;
	v55 =	vld.idx.msk [tilespmem:v39+s17+$0x0], $0xffff  }
0x780: {  	v59 =	vld [tilespmem:$0x1FB10]  }
0x781: {  	v39 =	vld.idx.msk [tilespmem:v28+s14+$0x0], $0xffff  }
0x782: {  	v2 =	vsub.f32 v42, v43;
	v42 =	vld.idx.msk [tilespmem:v28+s15+$0x0], $0xffff  }
0x783: {  	v43 =	vld.idx.msk [tilespmem:v28+s17+$0x0], $0xffff  }
0x784: {  	v0 =	vadd.f32 v1, v0;
	v1 =	vmul.f32 v60, v10;
	v60 =	vld.idx.msk [tilespmem:v61+s15+$0x0], $0xffff  }
0x785: {  	v61 =	vld.idx.msk [tilespmem:v61+s17+$0x0], $0xffff  }
0x786: {  	v6 =	vsub.f32 v48, v49;
	v48 =	vld [tilespmem:$0x1F9F0];
	v0 =	vadd.f32 v1, v0;
	v1 =	vmul.f32 v11, v14  }
0x787: {  	v49 =	vld.idx.msk [tilespmem:v32+s15+$0x0], $0xffff  }
0x788: {  	v14 =	vld.idx.msk [tilespmem:v41+s15+$0x0], $0xffff;
	v0 =	vadd.f32 v1, v0;
	v1 =	vmul.f32 v15, v18  }
0x789: {  	v31 =	vld.idx.msk [tilespmem:v30+s14+$0x0], $0xffff  }
0x78a: {  	v3 =	vsub.f32 v36, v37;
	v37 =	vld.idx.msk [tilespmem:v30+s17+$0x0], $0xffff;
	v0 =	vadd.f32 v1, v0;
	v1 =	vmul.f32 v19, v22  }
0x78b: {  	v15 =	vld.idx.msk [tilespmem:v41+s17+$0x0], $0xffff  }
0x78c: {  	v18 =	vld.idx.msk [tilespmem:v45+s16+$0x0], $0xffff;
	v0 =	vadd.f32 v1, v0;
	v1 =	vmul.f32 v23, v26  }
0x78d: {  	v41 =	vld [tilespmem:$0x1FA20]  }
0x78e: {  	v45 =	vld.idx.msk [tilespmem:v32+s14+$0x0], $0xffff;
	v0 =	vadd.f32 v1, v0;
	v1 =	vmul.f32 v27, v33  }
0x78f: {  	v19 =	vld [tilespmem:$0x1FAB0]  }
0x790: {  	v22 =	vld [tilespmem:$0x1FAA0];
	v0 =	vadd.f32 v1, v0;
	v1 =	vmul.f32 v34, v38  }
0x791: {  	v23 =	vld.idx.msk [tilespmem:v35+s14+$0x0], $0xffff  }
0x792: {  	v26 =	vld.idx.msk [tilespmem:v35+s15+$0x0], $0xffff;
	v0 =	vadd.f32 v1, v0;
	v1 =	vmul.f32 v4, v44  }
0x793: {  	v27 =	vld.idx.msk [tilespmem:v35+s17+$0x0], $0xffff  }
0x794: {  	v33 =	vld.idx.msk [tilespmem:v30+s16+$0x0], $0xffff;
	v0 =	vadd.f32 v1, v0;
	v1 =	vmul.f32 v46, v50  }
0x795: {  	v35 =	vld.idx.msk [tilespmem:v30+s15+$0x0], $0xffff  }
0x796: {  	v30 =	vld [tilespmem:$0x1F920];
	v0 =	vadd.f32 v1, v0;
	v1 =	vmul.f32 v3, v53  }
0x797: {  	v34 =	vld [tilespmem:$0x1FA50]  }
0x798: {  	v4 =	vsub.f32 v51, v52;
	v52 =	vld [tilespmem:$0x1F970];
	v0 =	vadd.f32 v1, v0;
	v1 =	vmul.f32 v2, v56  }
0x799: {  	v38 =	vld [tilespmem:$0x1FA40]  }
0x79a: {  	v44 =	vld [tilespmem:$0x1FA10];
	v0 =	vadd.f32 v1, v0;
	v1 =	vmul.f32 v6, v59  }
0x79b: {  	v51 =	vld [tilespmem:$0x1F9E0]  }
0x79c: {  	v46 =	vld.idx.msk [tilespmem:v32+s16+$0x0], $0xffff;
	v3 =	vsub.f32 v54, v55;
	v0 =	vadd.f32 v1, v0;
	v1 =	vmul.f32 v4, v62  }
0x79d: {  	v50 =	vld.idx.msk [tilespmem:v32+s17+$0x0], $0xffff  }
0x79e: {  	v55 =	vld [tilespmem:$0x1F9C0];
	v2 =	vsub.f32 v57, v58;
	v0 =	vadd.f32 v1, v0;
	v1 =	vmul.f32 v3, v13  }
0x79f: {  	v58 =	vld [tilespmem:$0x1F9B0]  }
0x7a0: {  	v6 =	vsub.f32 v60, v61;
	v53 =	vld.idx.msk [tilespmem:v52+s14+$0x0], $0xffff;
	v0 =	vadd.f32 v1, v0;
	v1 =	vmul.f32 v2, v16  }
0x7a1: {  	v54 =	vld.idx.msk [tilespmem:v52+s16+$0x0], $0xffff  }
0x7a2: {  	v56 =	vld.idx.msk [tilespmem:v52+s15+$0x0], $0xffff;
	v4 =	vsub.f32 v63, v12;
	v0 =	vadd.f32 v1, v0;
	v1 =	vmul.f32 v6, v19  }
0x7a3: {  	v59 =	vld [tilespmem:$0x1F940]  }
0x7a4: {  	v57 =	vld.idx.msk [tilespmem:v52+s17+$0x0], $0xffff;
	v3 =	vsub.f32 v14, v15;
	v0 =	vadd.f32 v1, v0;
	v1 =	vmul.f32 v4, v22  }
0x7a5: {  	v52 =	vld [tilespmem:$0x1F890]  }
0x7a6: {  	v60 =	vld [tilespmem:$0x1F840];
	v2 =	vsub.f32 v17, v18;
	v0 =	vadd.f32 v1, v0;
	v1 =	vmul.f32 v3, v25  }
0x7a7: {  	v61 =	vld [tilespmem:$0x1F830]  }
0x7a8: {  	v13 =	vld [tilespmem:$0x1F990];
	v0 =	vadd.f32 v1, v0;
	v1 =	vmul.f32 v2, v29  }
0x7a9: {  	v16 =	vld [tilespmem:$0x1F980]  }
0x7aa: {  	v17 =	vld [tilespmem:$0x1F910];
	v4 =	vsub.f32 v23, v24;
	v0 =	vadd.f32 v1, v0;
	v1 =	vmul.f32 v5, v34  }
0x7ab: {  	v63 =	vld.idx.msk [tilespmem:v59+s14+$0x0], $0xffff  }
0x7ac: {  	v12 =	vld.idx.msk [tilespmem:v59+s16+$0x0], $0xffff;
	v3 =	vsub.f32 v26, v27;
	v0 =	vadd.f32 v1, v0;
	v1 =	vmul.f32 v4, v38  }
0x7ad: {  	v14 =	vld.idx.msk [tilespmem:v59+s15+$0x0], $0xffff  }
0x7ae: {  	v15 =	vld.idx.msk [tilespmem:v59+s17+$0x0], $0xffff;
	v2 =	vsub.f32 v31, v33;
	v0 =	vadd.f32 v1, v0;
	v1 =	vmul.f32 v3, v41  }
0x7af: {  	v23 =	vld [tilespmem:$0x1F950]  }
0x7b0: {  	v24 =	vld [tilespmem:$0x1F8E0];
	v5 =	vsub.f32 v35, v37;
	v0 =	vadd.f32 v1, v0;
	v1 =	vmul.f32 v2, v44  }
0x7b1: {  	v27 =	vld [tilespmem:$0x1F930]  }
0x7b2: {  	v18 =	vld.idx.msk [tilespmem:v17+s14+$0x0], $0xffff;
	v4 =	vsub.f32 v39, v40;
	v0 =	vadd.f32 v1, v0;
	v1 =	vmul.f32 v5, v48  }
0x7b3: {  	v19 =	vld.idx.msk [tilespmem:v17+s16+$0x0], $0xffff  }
0x7b4: {  	v21 =	vld.idx.msk [tilespmem:v17+s15+$0x0], $0xffff;
	v3 =	vsub.f32 v42, v43;
	v0 =	vadd.f32 v1, v0;
	v1 =	vmul.f32 v4, v51  }
0x7b5: {  	v22 =	vld.idx.msk [tilespmem:v17+s17+$0x0], $0xffff  }
0x7b6: {  	v31 =	vld [tilespmem:$0x1F8B0];
	v2 =	vsub.f32 v45, v46;
	v0 =	vadd.f32 v1, v0;
	v1 =	vmul.f32 v3, v55  }
0x7b7: {  	v34 =	vld [tilespmem:$0x1F900]  }
0x7b8: {  	v37 =	vld [tilespmem:$0x1F8F0];
	v5 =	vsub.f32 v49, v50;
	v0 =	vadd.f32 v1, v0;
	v1 =	vmul.f32 v2, v58  }
0x7b9: {  	v25 =	vld.idx.msk [tilespmem:v24+s14+$0x0], $0xffff  }
0x7ba: {  	v26 =	vld.idx.msk [tilespmem:v24+s16+$0x0], $0xffff;
	v4 =	vsub.f32 v53, v54;
	v0 =	vadd.f32 v1, v0;
	v1 =	vmul.f32 v5, v13  }
0x7bb: {  	v28 =	vld.idx.msk [tilespmem:v24+s15+$0x0], $0xffff  }
0x7bc: {  	v29 =	vld.idx.msk [tilespmem:v24+s17+$0x0], $0xffff;
	v3 =	vsub.f32 v56, v57;
	v0 =	vadd.f32 v1, v0;
	v1 =	vmul.f32 v4, v16  }
0x7bd: {  	v38 =	vld [tilespmem:$0x1F880]  }
0x7be: {  	v41 =	vld [tilespmem:$0x1F8D0];
	v2 =	vsub.f32 v63, v12;
	v0 =	vadd.f32 v1, v0;
	v1 =	vmul.f32 v3, v20  }
0x7bf: {  	v32 =	vld.idx.msk [tilespmem:v31+s14+$0x0], $0xffff  }
0x7c0: {  	v33 =	vld.idx.msk [tilespmem:v31+s16+$0x0], $0xffff;
	v5 =	vsub.f32 v14, v15;
	v0 =	vadd.f32 v1, v0;
	v1 =	vmul.f32 v2, v23  }
0x7c1: {  	v35 =	vld.idx.msk [tilespmem:v31+s15+$0x0], $0xffff  }
0x7c2: {  	v36 =	vld.idx.msk [tilespmem:v31+s17+$0x0], $0xffff;
	v4 =	vsub.f32 v18, v19;
	v0 =	vadd.f32 v1, v0;
	v1 =	vmul.f32 v5, v27  }
0x7c3: {  	v45 =	vld [tilespmem:$0x1F850]  }
0x7c4: {  	v44 =	vld [tilespmem:$0x1F8C0];
	v3 =	vsub.f32 v21, v22;
	v0 =	vadd.f32 v1, v0;
	v1 =	vmul.f32 v4, v30  }
0x7c5: {  	v49 =	vld [tilespmem:$0x1F8A0]  }
0x7c6: {  	v39 =	vld.idx.msk [tilespmem:v38+s14+$0x0], $0xffff;
	v2 =	vsub.f32 v25, v26;
	v0 =	vadd.f32 v1, v0;
	v1 =	vmul.f32 v3, v34  }
0x7c7: {  	v40 =	vld.idx.msk [tilespmem:v38+s16+$0x0], $0xffff  }
0x7c8: {  	v42 =	vld.idx.msk [tilespmem:v38+s15+$0x0], $0xffff;
	v5 =	vsub.f32 v28, v29;
	v0 =	vadd.f32 v1, v0;
	v1 =	vmul.f32 v2, v37  }
0x7c9: {  	v43 =	vld.idx.msk [tilespmem:v38+s17+$0x0], $0xffff  }
0x7ca: {  	v55 =	vld [tilespmem:$0x1F870];
	v4 =	vsub.f32 v32, v33;
	v0 =	vadd.f32 v1, v0;
	v1 =	vmul.f32 v5, v41  }
0x7cb: {  	v46 =	vld.idx.msk [tilespmem:v45+s14+$0x0], $0xffff  }
0x7cc: {  	v48 =	vld.idx.msk [tilespmem:v45+s16+$0x0], $0xffff;
	v3 =	vsub.f32 v35, v36;
	v0 =	vadd.f32 v1, v0;
	v1 =	vmul.f32 v4, v44  }
0x7cd: {  	v50 =	vld.idx.msk [tilespmem:v45+s15+$0x0], $0xffff  }
0x7ce: {  	v51 =	vld.idx.msk [tilespmem:v45+s17+$0x0], $0xffff;
	v2 =	vsub.f32 v39, v40;
	v0 =	vadd.f32 v1, v0;
	v1 =	vmul.f32 v3, v49  }
0x7cf: {  	v58 =	vld [tilespmem:$0x1F860]  }
0x7d0: {  	v53 =	vld.idx.msk [tilespmem:v47+s14+$0x0], $0xffff;
	v5 =	vsub.f32 v42, v43;
	v0 =	vadd.f32 v1, v0;
	v1 =	vmul.f32 v2, v52  }
0x7d1: {  	v54 =	vld.idx.msk [tilespmem:v47+s16+$0x0], $0xffff  }
0x7d2: {  	v56 =	vld.idx.msk [tilespmem:v47+s15+$0x0], $0xffff;
	v4 =	vsub.f32 v46, v48;
	v0 =	vadd.f32 v1, v0;
	v1 =	vmul.f32 v5, v55  }
0x7d3: {  	v57 =	vld.idx.msk [tilespmem:v47+s17+$0x0], $0xffff  }
0x7d4: {  	v3 =	vsub.f32 v50, v51;
	v0 =	vadd.f32 v1, v0;
	v1 =	vmul.f32 v4, v58  }
0x7d5: {  	v59 =	vld.idx.msk [tilespmem:v47+s13+$0x0], $0xffff  }
0x7d6: {  	v2 =	vsub.f32 v53, v54;
	v0 =	vadd.f32 v1, v0;
	v1 =	vmul.f32 v3, v60;
	_ =	sdelay $0x1  }
0x7d7: {  	s24 =	sadd.s32 @p0 $0x10, s24;
	s22 =	sadd.s32 $0x1, s22;
	v62 =	vsub.f32 v56, v57;
	v0 =	vadd.f32 v1, v0;
	v1 =	vmul.f32 v2, v61  }
0x7d8: {  	s25 =	sadd.s32 $0x80, s23;
	s23 =	smov.u32 @p0 s24;
	p0 =	sne.s32 s22, $0x4  }
.Ltmp6:
0x7d9: {  	v63 =	vmul.f32 v62, v59;
	v0 =	vadd.f32 v1, v0;
	(pc) =	sbr.rel @p0 .LBB2_4-.Ltmp6, $4  }
.Ltmp7:
0x7da: {  	_ = 	snop;
	(pc) =	sbr.rel @!p0 .LBB2_11-.Ltmp7, $4  }
0x7db: {  	v0 =	vadd.f32 v63, v0  }
0x7dc: {  	_ = 	snop  }
0x7dd: {  	[tilespmem:s23+$0x0] =	vst v0;
	s23 =	smov.u32 s25  }
0x7de: {  	_ = 	snop  }
.LBB2_5:
0x7df: {  	[tilespmem:$0x1F600] =	vst v23  }
0x7e0: {  	[tilespmem:$0x1F610] =	vst v54  }
0x7e1: {  	[tilespmem:$0x1F620] =	vst v46  }
0x7e2: {  	[tilespmem:$0x1F630] =	vst v2  }
0x7e3: {  	[tilespmem:$0x1F640] =	vst v48  }
0x7e4: {  	[tilespmem:$0x1F650] =	vst v58  }
0x7e5: {  	[tilespmem:$0x1F660] =	vst v45  }
0x7e6: {  	[tilespmem:$0x1F670] =	vst v19  }
0x7e7: {  	[tilespmem:$0x1F690] =	vst v52  }
0x7e8: {  	[tilespmem:$0x1F6B0] =	vst v6  }
0x7e9: {  	[tilespmem:$0x1F6C0] =	vst v41  }
0x7ea: {  	[tilespmem:$0x1F6D0] =	vst v63  }
0x7eb: {  	[tilespmem:$0x1F6E0] =	vst v30  }
0x7ec: {  	[tilespmem:$0x1F6F0] =	vst v25  }
0x7ed: {  	[tilespmem:$0x1F720] =	vst v60  }
0x7ee: {  	[tilespmem:$0x1F730] =	vst v61  }
0x7ef: {  	[tilespmem:$0x1F740] =	vst v56  }
0x7f0: {  	[tilespmem:$0x1F750] =	vst v14  }
0x7f1: {  	[tilespmem:$0x1F760] =	vst v57  }
0x7f2: {  	[tilespmem:$0x1F770] =	vst v36  }
0x7f3: {  	[tilespmem:$0x1F780] =	vst v62  }
0x7f4: {  	v36 =	vld [tilespmem:$0x1FF30];
	[tilespmem:$0x1F790] =	vst v34  }
0x7f5: {  	[tilespmem:$0x1F7A0] =	vst v28;
	v56 =	vld [tilespmem:$0x1FCD0]  }
0x7f6: {  	[tilespmem:$0x1F7B0] =	vst v32;
	v54 =	vld [tilespmem:$0x1FC70]  }
0x7f7: {  	[tilespmem:$0x1F7C0] =	vst v22;
	v46 =	vld [tilespmem:$0x1FC40]  }
0x7f8: {  	[tilespmem:$0x1F7D0] =	vst v24;
	v58 =	vld [tilespmem:$0x1FC10]  }
0x7f9: {  	[tilespmem:$0x1F7E0] =	vst v21;
	v52 =	vld [tilespmem:$0x1FBB0]  }
0x7fa: {  	[tilespmem:$0x1F7F0] =	vst v31;
	v61 =	vld [tilespmem:$0x1FAC0]  }
0x7fb: {  	[tilespmem:$0x1F800] =	vst v43;
	v41 =	vld [tilespmem:$0x1FA90]  }
0x7fc: {  	[tilespmem:$0x1F810] =	vst v38;
	v45 =	vld [tilespmem:$0x1FA60]  }
.Ltmp8:
0x7fd: {  	[tilespmem:$0x1F820] =	vst v29;
	v28 =	vld [tilespmem:$0x1F9D0];
	(pc) =	sbr.rel .LBB2_10-.Ltmp8, $4  }
0x7fe: {  	v32 =	vld [tilespmem:$0x1F9A0];
	[tilespmem:$0x1F710] =	vst v39  }
0x7ff: {  	v39 =	vld [tilespmem:$0x1FAF0];
	[tilespmem:$0x1F700] =	vst v35  }
0x800: {  	v35 =	vld [tilespmem:$0x1FA30];
	[tilespmem:$0x1F680] =	vst v26  }
0x801: {  	v30 =	vmov v33;
	v14 =	vmov v18;
	s24 =	smov.u32 s23;
	v26 =	vmov v27;
	[tilespmem:$0x1F6A0] =	vst v53;
	v53 =	vld [tilespmem:$0x1FB80]  }
.LBB2_7:
0x802: {  	[tilespmem:$0x1F600] =	vst v33  }
0x803: {  	[tilespmem:$0x1F610] =	vst v45  }
0x804: {  	[tilespmem:$0x1F620] =	vst v32  }
0x805: {  	[tilespmem:$0x1F630] =	vst v6  }
0x806: {  	[tilespmem:$0x1F640] =	vst v48  }
0x807: {  	[tilespmem:$0x1F650] =	vst v27  }
0x808: {  	[tilespmem:$0x1F660] =	vst v56  }
0x809: {  	[tilespmem:$0x1F670] =	vst v39  }
0x80a: {  	[tilespmem:$0x1F690] =	vst v2  }
0x80b: {  	[tilespmem:$0x1F6B0] =	vst v22  }
0x80c: {  	[tilespmem:$0x1F6C0] =	vst v62  }
0x80d: {  	[tilespmem:$0x1F6D0] =	vst v63  }
0x80e: {  	[tilespmem:$0x1F6E0] =	vst v30  }
0x80f: {  	[tilespmem:$0x1F6F0] =	vst v18  }
0x810: {  	[tilespmem:$0x1F720] =	vst v60  }
0x811: {  	[tilespmem:$0x1F730] =	vst v36  }
0x812: {  	[tilespmem:$0x1F740] =	vst v14  }
0x813: {  	[tilespmem:$0x1F750] =	vst v12  }
0x814: {  	[tilespmem:$0x1FFD0] =	vst v54  }
0x815: {  	[tilespmem:$0x1F760] =	vst v57  }
0x816: {  	[tilespmem:$0x1F770] =	vst v37  }
0x817: {  	[tilespmem:$0x1F780] =	vst v46  }
0x818: {  	v36 =	vld [tilespmem:$0x1FF30];
	[tilespmem:$0x1F790] =	vst v58  }
0x819: {  	[tilespmem:$0x1F7A0] =	vst v28;
	v30 =	vld [tilespmem:$0x1F5F0]  }
0x81a: {  	[tilespmem:$0x1F7B0] =	vst v52;
	v14 =	vld [tilespmem:$0x1F5D0]  }
0x81b: {  	[tilespmem:$0x1F7C0] =	vst v53;
	v37 =	vld [tilespmem:$0x1F5C0]  }
0x81c: {  	v56 =	vld [tilespmem:$0x1FCD0];
	[tilespmem:$0x1F8D0] =	vst v43  }
0x81d: {  	v54 =	vld [tilespmem:$0x1FC70];
	[tilespmem:$0x1F8B0] =	vst v38  }
0x81e: {  	v46 =	vld [tilespmem:$0x1FC40];
	[tilespmem:$0x1F8C0] =	vst v34  }
0x81f: {  	v58 =	vld [tilespmem:$0x1FC10];
	[tilespmem:$0x1F8A0] =	vst v31  }
0x820: {  	v52 =	vld [tilespmem:$0x1FBB0];
	[tilespmem:$0x1F880] =	vst v29  }
0x821: {  	v53 =	vld [tilespmem:$0x1FB80];
	[tilespmem:$0x1F890] =	vst v25  }
0x822: {  	v39 =	vld [tilespmem:$0x1FAF0];
	[tilespmem:$0x1F870] =	vst v24  }
0x823: {  	v45 =	vld [tilespmem:$0x1FA60];
	[tilespmem:$0x1F850] =	vst v23  }
0x824: {  	v28 =	vld [tilespmem:$0x1F9D0];
	[tilespmem:$0x1F860] =	vst v21  }
.Ltmp9:
0x825: {  	v32 =	vld [tilespmem:$0x1F9A0];
	[tilespmem:$0x1F840] =	vst v19;
	(pc) =	sbr.rel .LBB2_10-.Ltmp9, $4  }
0x826: {  	[tilespmem:$0x1F710] =	vst v41;
	v41 =	vld [tilespmem:$0x1FA90]  }
0x827: {  	[tilespmem:$0x1F700] =	vst v35;
	v35 =	vld [tilespmem:$0x1FA30]  }
0x828: {  	[tilespmem:$0x1F680] =	vst v26;
	v26 =	vld [tilespmem:$0x1F5E0]  }
0x829: {  	s24 =	smov.u32 s23;
	[tilespmem:$0x1F6A0] =	vst v61;
	v61 =	vld [tilespmem:$0x1FAC0]  }
.LBB2_12:
0x82a: {  	_ =	sfence.sel $0x180000  }
0x82b: {  	[bflag:$0x0] =	sbarrier.arrive $0xFFFF  }
0x82c: {  	p0 =	sne.s32 s1, $0x0;
	_ =	strace $0x90000047  }
0x82d: {  	s0 =	sadd.s32 @!p0 $0x100000, s0;
	[bflag:$0x2] =	sbarrier.arrive $0xFFFF  }
0x82e: {  	[sflag:s0] =	ssyncadd.tile.s32 @!p0 $0x1;
	_ =	shalt  }
.Lfunc_end2:
_tile_overlayer_lowered:
.L_overlay_start_2:
0x82f: {  	(tag) =	ssettag $0x2  }
0x830: {  	s0 =	rddreg [dreg:$0x0];
	s2 =	stileid.u32  }
0x831: {  	s1 =	rddreg [dreg:$0x1];
	p0 =	sne.s32 s2, $0x0  }
0x832: {  	s3 =	rddreg [dreg:$0x2];
	[bflag:$0x3] =	sbarrier.arrive $0xFFFF;
	s2 =	simm.s32 @!p0 $0x1C02  }
0x833: {  	[timem:s3], [sflag:s2] =	dma.local @!p0 [hbm:s0], s1  }
0x834: {  	s0 =	simm.s32 @!p0 $0x2  }
0x835: {  	_ =	swait.ge @!p0 [sflag:s0], s1  }
0x836: {  	s1 =	ssub.s32 @!p0 $0x0, s1;
	[sflag:s0] =	ssyncset.done @!p0 $0x0  }
0x837: {  	[sflag:s0] =	ssyncadd.s32 @!p0 s1  }
0x838: {  	[bflag:$0x3] =	sbarrier.arrive $0xFFFF  }
0x839: {  	_ =	shalt  }

</sc_bundles>
